<compile_context>
chip_gen: v7x
topology: tpu7x:2x2x1
jax: 0.10.2.dev20260603
libtpu: 0.0.44.dev20260713+nightly
codegen_flags: <defaults>
</compile_context>

<pallas_src>
import functools

import jax
import jax.numpy as jnp
from jax import lax
from jax.experimental import pallas as pl
from jax.experimental.pallas import tpu as pltpu
from jax.experimental.pallas import tpu_sc as plsc

_B = 8
_NSAMP = 32
_BN_EPS = 1e-5
_NC, _NSUB, _L = 2, 16, 16
_NW = _NC * _NSUB


def _sc_mesh():
    return plsc.VectorSubcoreMesh(
        core_axis_name="c", subcore_axis_name="s", num_cores=_NC, num_subcores=_NSUB
    )




def _make_ball_query(N, S, radius):
    Q = _B * S
    qpw = Q // _NW
    nchunk = N // _L
    r2 = radius * radius

    @functools.partial(
        pl.kernel,
        out_type=(
            jax.ShapeDtypeStruct((Q * _NSAMP * 3,), jnp.float32),
            jax.ShapeDtypeStruct((Q * _NSAMP,), jnp.int32),
        ),
        mesh=_sc_mesh(),
        scratch_types=[
            pltpu.VMEM((N,), jnp.float32),
            pltpu.VMEM((N,), jnp.float32),
            pltpu.VMEM((N,), jnp.float32),
            pltpu.VMEM((N,), jnp.float32),
            pltpu.VMEM((N,), jnp.float32),
            pltpu.VMEM((N,), jnp.float32),
            pltpu.VMEM((N,), jnp.float32),
            pltpu.VMEM((_NSAMP + 5 * _L,), jnp.int32),
            pltpu.VMEM((qpw * _NSAMP * 3,), jnp.float32),
            pltpu.VMEM((qpw * _NSAMP,), jnp.int32),
        ],
        compiler_params=pltpu.CompilerParams(needs_layout_passes=False),
    )
    def kern(xyz_hbm, oxyz_hbm, oidx_hbm, px, py, pz, pp, pxr, pyr, pzr, ibuf, obuf, gibuf):
        wid = lax.axis_index("s") * _NC + lax.axis_index("c")
        q0 = wid * qpw
        b = q0 // S
        s0 = q0 - b * S
        pltpu.sync_copy(xyz_hbm.at[pl.ds((b * 3 + 0) * N, N)], px)
        pltpu.sync_copy(xyz_hbm.at[pl.ds((b * 3 + 1) * N, N)], py)
        pltpu.sync_copy(xyz_hbm.at[pl.ds((b * 3 + 2) * N, N)], pz)

        def _bf16_round(v):
            u = plsc.bitcast(v, jnp.uint32)
            r = (u + jnp.uint32(0x7FFF) + ((u >> jnp.uint32(16)) & jnp.uint32(1))) & jnp.uint32(
                0xFFFF0000
            )
            return plsc.bitcast(r, jnp.float32)

        def norm_body(i, carry):
            sl = pl.ds(i * _L, _L)
            x = px[sl]
            y = py[sl]
            z = pz[sl]
            pp[sl] = x * x + y * y + z * z
            pxr[sl] = _bf16_round(x)
            pyr[sl] = _bf16_round(y)
            pzr[sl] = _bf16_round(z)
            return carry

        lax.fori_loop(0, nchunk, norm_body, 0)
        lane = lax.iota(jnp.int32, _L)

        def q_body(j, carry):
            s = s0 + j
            sv = jnp.broadcast_to(s, (_L,))
            qx = plsc.load_gather(px, [sv])
            qy = plsc.load_gather(py, [sv])
            qz = plsc.load_gather(pz, [sv])
            qq = plsc.load_gather(pp, [sv])
            qxr = plsc.load_gather(pxr, [sv])
            qyr = plsc.load_gather(pyr, [sv])
            qzr = plsc.load_gather(pzr, [sv])

            def cond(c):
                i, cnt = c
                return jnp.logical_and(i < nchunk, cnt < _NSAMP)

            def body(c):
                i, cnt = c
                for u in range(4):
                    sl = pl.ds((i + u) * _L, _L)
                    d2 = qq + pp[sl] - 2.0 * (qxr * pxr[sl] + qyr * pyr[sl] + qzr * pzr[sl])
                    m = d2 < r2
                    plsc.store_compressed(ibuf.at[pl.ds(cnt, _L)], (i + u) * _L + lane, mask=m)
                    cnt = cnt + jnp.sum(m.astype(jnp.int32))
                return i + 4, cnt

            _, cnt = lax.while_loop(cond, body, (jnp.int32(0), jnp.int32(0)))
            first = ibuf[pl.ds(0, _L)][0]
            for v in range(_NSAMP // _L):
                iv = ibuf[pl.ds(v * _L, _L)]
                iv = jnp.where(lane + (v * _L) < cnt, iv, first)
                gx = plsc.load_gather(px, [iv]) - qx
                gy = plsc.load_gather(py, [iv]) - qy
                gz = plsc.load_gather(pz, [iv]) - qz
                pos = (j * _NSAMP + v * _L + lane) * 3
                plsc.store_scatter(obuf, [pos], gx)
                plsc.store_scatter(obuf, [pos + 1], gy)
                plsc.store_scatter(obuf, [pos + 2], gz)
                gibuf[pl.ds(j * _NSAMP + v * _L, _L)] = iv + b * N
            return carry

        lax.fori_loop(0, qpw, q_body, 0)
        pltpu.sync_copy(obuf, oxyz_hbm.at[pl.ds(q0 * _NSAMP * 3, qpw * _NSAMP * 3)])
        pltpu.sync_copy(gibuf, oidx_hbm.at[pl.ds(q0 * _NSAMP, qpw * _NSAMP)])

    return kern


def _make_feat_gather(BN, C, QN):
    R = QN // _NW
    CH = 128
    nch = R // CH

    @functools.partial(
        pl.kernel,
        out_type=jax.ShapeDtypeStruct((QN, C), jnp.float32),
        mesh=_sc_mesh(),
        scratch_types=[
            pltpu.VMEM((R,), jnp.int32),
            pltpu.VMEM((CH, C), jnp.float32),
            pltpu.VMEM((CH, C), jnp.float32),
            pltpu.SemaphoreType.DMA,
            pltpu.SemaphoreType.DMA,
        ],
        compiler_params=pltpu.CompilerParams(needs_layout_passes=False),
    )
    def kern(tab_hbm, rows_hbm, out_hbm, idxv, buf0, buf1, sem0, sem1):
        wid = lax.axis_index("s") * _NC + lax.axis_index("c")
        r0 = wid * R
        pltpu.sync_copy(rows_hbm.at[pl.ds(r0, R)], idxv)
        bufs = (buf0, buf1)
        sems = (sem0, sem1)
        descs = [None, None]
        descs[0] = pltpu.async_copy(
            tab_hbm.at[idxv.at[pl.ds(0, CH)]], buf0, sem0
        )
        for i in range(nch):
            cur = i % 2
            nxt = i + 1
            if nxt < nch:
                descs[nxt % 2] = pltpu.async_copy(
                    tab_hbm.at[idxv.at[pl.ds(nxt * CH, CH)]], bufs[nxt % 2], sems[nxt % 2]
                )
            descs[cur].wait()
            pltpu.sync_copy(bufs[cur], out_hbm.at[pl.ds(r0 + i * CH, CH)])

    return kern




def _stats_update(st_ref, y, is_first):
    @pl.when(is_first)
    def _():
        st_ref[...] = jnp.zeros_like(st_ref)

    st_ref[0:1, :] += jnp.sum(y, axis=0, keepdims=True)
    st_ref[1:2, :] += jnp.sum(y * y, axis=0, keepdims=True)


def _bn_coeffs(st, g, bt, pf):
    mean = st[0:1, :] * (1.0 / pf)
    var = st[1:2, :] * (1.0 / pf) - mean * mean
    rinv = lax.rsqrt(var + _BN_EPS)
    scale = rinv * g
    shift = bt - mean * scale
    return scale, shift


def _mm_entry_xyz(xxyz, w, b, Pt=2048):
    P, _ = xxyz.shape
    Cout = w.shape[1]
    grid = P // Pt

    def body(x_ref, w_ref, b_ref, y_ref, st_ref):
        y = jnp.dot(x_ref[...], w_ref[...], preferred_element_type=jnp.float32)
        y = y + b_ref[...]
        y_ref[...] = y
        _stats_update(st_ref, y, pl.program_id(0) == 0)

    return pl.pallas_call(
        body,
        grid=(grid,),
        in_specs=[
            pl.BlockSpec((Pt, 3), lambda i: (i, 0)),
            pl.BlockSpec((3, Cout), lambda i: (0, 0)),
            pl.BlockSpec((1, Cout), lambda i: (0, 0)),
        ],
        out_specs=[
            pl.BlockSpec((Pt, Cout), lambda i: (i, 0)),
            pl.BlockSpec((8, Cout), lambda i: (0, 0)),
        ],
        out_shape=[
            jax.ShapeDtypeStruct((P, Cout), jnp.float32),
            jax.ShapeDtypeStruct((8, Cout), jnp.float32),
        ],
    )(xxyz, w, b)


def _mm_entry_concat(xxyz, xfeat, stp, gp, btp, pfp, wx, wf, b, Pt=2048):
    P, _ = xxyz.shape
    Cin = xfeat.shape[1]
    Cout = wx.shape[1]
    grid = P // Pt

    def body(x_ref, f_ref, stp_ref, gp_ref, btp_ref, wx_ref, wf_ref, b_ref, y_ref, st_ref):
        scale, shift = _bn_coeffs(stp_ref[...], gp_ref[...], btp_ref[...], pfp)
        f = jnp.maximum(f_ref[...] * scale + shift, 0.0)
        y = jnp.dot(f, wf_ref[...], preferred_element_type=jnp.float32)
        y = y + jnp.dot(x_ref[...], wx_ref[...], preferred_element_type=jnp.float32)
        y = y + b_ref[...]
        y_ref[...] = y
        _stats_update(st_ref, y, pl.program_id(0) == 0)

    return pl.pallas_call(
        body,
        grid=(grid,),
        in_specs=[
            pl.BlockSpec((Pt, 3), lambda i: (i, 0)),
            pl.BlockSpec((Pt, Cin), lambda i: (i, 0)),
            pl.BlockSpec((8, Cin), lambda i: (0, 0)),
            pl.BlockSpec((1, Cin), lambda i: (0, 0)),
            pl.BlockSpec((1, Cin), lambda i: (0, 0)),
            pl.BlockSpec((3, Cout), lambda i: (0, 0)),
            pl.BlockSpec((Cin, Cout), lambda i: (0, 0)),
            pl.BlockSpec((1, Cout), lambda i: (0, 0)),
        ],
        out_specs=[
            pl.BlockSpec((Pt, Cout), lambda i: (i, 0)),
            pl.BlockSpec((8, Cout), lambda i: (0, 0)),
        ],
        out_shape=[
            jax.ShapeDtypeStruct((P, Cout), jnp.float32),
            jax.ShapeDtypeStruct((8, Cout), jnp.float32),
        ],
    )(xxyz, xfeat, stp, gp, btp, wx, wf, b)


def _mm_mid(yprev, st, g, bt, w, b, Pt=2048):
    P, Cin = yprev.shape
    Cout = w.shape[1]
    grid = P // Pt
    pf = float(P)

    def body(yp_ref, st_in_ref, g_ref, bt_ref, w_ref, b_ref, y_ref, st_ref):
        scale, shift = _bn_coeffs(st_in_ref[...], g_ref[...], bt_ref[...], pf)
        x = jnp.maximum(yp_ref[...] * scale + shift, 0.0)
        y = jnp.dot(x, w_ref[...], preferred_element_type=jnp.float32) + b_ref[...]
        y_ref[...] = y
        _stats_update(st_ref, y, pl.program_id(0) == 0)

    return pl.pallas_call(
        body,
        grid=(grid,),
        in_specs=[
            pl.BlockSpec((Pt, Cin), lambda i: (i, 0)),
            pl.BlockSpec((8, Cin), lambda i: (0, 0)),
            pl.BlockSpec((1, Cin), lambda i: (0, 0)),
            pl.BlockSpec((1, Cin), lambda i: (0, 0)),
            pl.BlockSpec((Cin, Cout), lambda i: (0, 0)),
            pl.BlockSpec((1, Cout), lambda i: (0, 0)),
        ],
        out_specs=[
            pl.BlockSpec((Pt, Cout), lambda i: (i, 0)),
            pl.BlockSpec((8, Cout), lambda i: (0, 0)),
        ],
        out_shape=[
            jax.ShapeDtypeStruct((P, Cout), jnp.float32),
            jax.ShapeDtypeStruct((8, Cout), jnp.float32),
        ],
    )(yprev, st, g, bt, w, b)


def _mm_last_pool(yprev, st, g, bt, w, b, Pt=2048):
    P, Cin = yprev.shape
    Cout = w.shape[1]
    grid = P // Pt
    pf = float(P)

    def body(yp_ref, st_in_ref, g_ref, bt_ref, w_ref, b_ref, ym_ref, st_ref):
        scale, shift = _bn_coeffs(st_in_ref[...], g_ref[...], bt_ref[...], pf)
        x = jnp.maximum(yp_ref[...] * scale + shift, 0.0)
        y = jnp.dot(x, w_ref[...], preferred_element_type=jnp.float32) + b_ref[...]
        _stats_update(st_ref, y, pl.program_id(0) == 0)
        ym_ref[...] = jnp.max(y.reshape(Pt // _NSAMP, _NSAMP, Cout), axis=1)

    return pl.pallas_call(
        body,
        grid=(grid,),
        in_specs=[
            pl.BlockSpec((Pt, Cin), lambda i: (i, 0)),
            pl.BlockSpec((8, Cin), lambda i: (0, 0)),
            pl.BlockSpec((1, Cin), lambda i: (0, 0)),
            pl.BlockSpec((1, Cin), lambda i: (0, 0)),
            pl.BlockSpec((Cin, Cout), lambda i: (0, 0)),
            pl.BlockSpec((1, Cout), lambda i: (0, 0)),
        ],
        out_specs=[
            pl.BlockSpec((Pt // _NSAMP, Cout), lambda i: (i, 0)),
            pl.BlockSpec((8, Cout), lambda i: (0, 0)),
        ],
        out_shape=[
            jax.ShapeDtypeStruct((P // _NSAMP, Cout), jnp.float32),
            jax.ShapeDtypeStruct((8, Cout), jnp.float32),
        ],
    )(yprev, st, g, bt, w, b)


def _bn_relu_flat(ym, st, g, bt, pf):
    BS, C = ym.shape

    def body(y_ref, st_ref, g_ref, bt_ref, o_ref):
        scale, shift = _bn_coeffs(st_ref[...], g_ref[...], bt_ref[...], pf)
        o_ref[...] = jnp.maximum(y_ref[...] * scale + shift, 0.0)

    return pl.pallas_call(
        body,
        out_shape=jax.ShapeDtypeStruct((BS, C), jnp.float32),
    )(ym, st, g, bt)




def _prep_layers(layers):
    out = []
    for (W, b, g, bt) in layers:
        out.append((W.T, b[None, :], g[None, :], bt[None, :]))
    return out


def _stage(xyz_soa, feat_state, N, S, radius, layers):
    gxyz_flat, grows = _make_ball_query(N, S, radius)(xyz_soa.reshape(-1))
    P = _B * S * _NSAMP
    xxyz = gxyz_flat.reshape(P, 3)
    lyr = _prep_layers(layers)
    (w1, b1, g1, t1) = lyr[0]
    if feat_state is None:
        y, st = _mm_entry_xyz(xxyz, w1, b1)
    else:
        tab, stp, gp, btp, pfp = feat_state
        C0 = tab.shape[1]
        gfeat = _make_feat_gather(tab.shape[0], C0, P)(tab, grows)
        y, st = _mm_entry_concat(xxyz, gfeat, stp, gp, btp, pfp, w1[:3], w1[3:], b1)
    for (w, b, g, bt) in lyr[1:-1]:
        y, st2 = _mm_mid(y, st, g1, t1, w, b)
        st, (g1, t1) = st2, (g, bt)
    (w, b, g, bt) = lyr[-1]
    ym, st = _mm_last_pool(y, st, g1, t1, w, b)
    return (ym, st, g, bt, float(P))


def kernel(pointcloud, numpoints, params):
    xyz = pointcloud[..., 0:3]
    xyz_soa = jnp.transpose(xyz, (0, 2, 1))
    N0 = xyz.shape[1]
    npts = jnp.asarray(numpoints).astype(jnp.int32)

    s1 = _stage(xyz_soa, None, N0, 1024, 0.3, params[0])
    s2 = _stage(xyz_soa[:, :, :1024], s1, 1024, 256, 0.5, params[1])
    s3 = _stage(xyz_soa[:, :, :256], s2, 256, 64, 0.7, params[2])
    f3 = _bn_relu_flat(*s3)

    new_xyz3 = xyz[:, :64, :]
    feats3 = jnp.transpose(f3.reshape(_B, 64, -1), (0, 2, 1))
    base = jnp.minimum(jnp.arange(1024, dtype=jnp.int32), npts[0] - 1)
    idx0 = jnp.broadcast_to(base[None, :], (_B, 1024))
    return (new_xyz3, feats3, idx0)

# --- scband reference (transcript-rebuilt; emitter-appended) ---
"""Pipeline reference for scband-pointnet-backbone-5755256177430 (READ-ONLY COPY).

The authoritative reference and input builder live on the scoring server;
editing this copy changes nothing except your own understanding.
"""

import jax, jax.numpy as jnp
import numpy as np

NPOINTS = (1024, 256, 64)
RADII = (0.3, 0.5, 0.7)
NSAMPLE = 32
# mlp_spec[0] already includes +3 for use_xyz=True, as done in PointnetSAModuleMSG.__init__
MLPS = ((3, 64, 64, 128), (131, 128, 128, 256), (259, 256, 256, 256))
BN_EPS = 1e-5


def _make_params():
    rng = np.random.default_rng(42)
    params = []
    for spec in MLPS:
        layers = []
        for cin, cout in zip(spec[:-1], spec[1:]):
            W = (rng.standard_normal((cout, cin)) * np.sqrt(2.0 / cin)).astype(np.float32)
            b = np.zeros((cout,), np.float32)
            g = np.ones((cout,), np.float32)
            bt = np.zeros((cout,), np.float32)
            layers.append((jnp.asarray(W), jnp.asarray(b), jnp.asarray(g), jnp.asarray(bt)))
        params.append(tuple(layers))
    return tuple(params)


def _ball_group(xyz, new_xyz, features, radius, nsample):
    # xyz: [B,N,3], new_xyz: [B,S,3], features: [B,C,N] or None
    B, N, _ = xyz.shape
    d2 = (jnp.sum(new_xyz * new_xyz, axis=-1)[:, :, None]
          + jnp.sum(xyz * xyz, axis=-1)[:, None, :]
          - 2.0 * jnp.einsum('bsd,bnd->bsn', new_xyz, xyz))  # [B,S,N]
    # ball_query semantics: first `nsample` indices with d2 < r^2, pad with first found index
    idx_all = jnp.where(d2 < radius * radius, jnp.arange(N, dtype=jnp.int32)[None, None, :], N)
    idx_sorted = jnp.sort(idx_all, axis=-1)[:, :, :nsample]  # [B,S,nsample]
    first = idx_sorted[:, :, :1]
    idx = jnp.where(idx_sorted == N, jnp.broadcast_to(first, idx_sorted.shape), idx_sorted)
    idx = jnp.minimum(idx, N - 1)  # fallback for empty balls
    # grouping_operation on xyz -> [B,S,ns,3], then recenter
    grouped_xyz = jax.vmap(lambda pts, ii: pts[ii])(xyz, idx)
    grouped_xyz = grouped_xyz - new_xyz[:, :, None, :]
    grouped_xyz = jnp.transpose(grouped_xyz, (0, 3, 1, 2))  # [B,3,S,ns]
    if features is not None:
        grouped_feat = jax.vmap(lambda f, ii: jnp.take(f, ii, axis=1))(features, idx)  # [B,C,S,ns]
        return jnp.concatenate([grouped_xyz, grouped_feat], axis=1)
    return grouped_xyz


def _shared_mlp(x, layers):
    # x: [B,C,S,ns]; Conv2d 1x1 + BatchNorm2d (train-mode batch stats) + ReLU per layer
    for (W, b, g, bt) in layers:
        x = jnp.einsum('oc,bcsn->bosn', W, x) + b[None, :, None, None]
        mean = jnp.mean(x, axis=(0, 2, 3), keepdims=True)
        var = jnp.mean(jnp.square(x - mean), axis=(0, 2, 3), keepdims=True)
        x = (x - mean) / jnp.sqrt(var + BN_EPS)
        x = x * g[None, :, None, None] + bt[None, :, None, None]
        x = jnp.maximum(x, 0.0)
    return x


def _sa_module(xyz, features, npoint, npoint_traced, radius, layers):
    B = xyz.shape[0]
    # use_fps=False -> sample_idxs = arange(npoint) per batch; clamp by traced count
    # (identity, since arange(npoint) < npoint == npoint_traced always)
    base = jnp.arange(npoint, dtype=jnp.int32)
    base = jnp.minimum(base, npoint_traced.astype(jnp.int32) - 1)
    sample_idxs = jnp.broadcast_to(base[None, :], (B, npoint))
    new_xyz = jax.vmap(lambda pts, ii: pts[ii])(xyz, sample_idxs)  # gather_operation
    nf = _ball_group(xyz, new_xyz, features, radius, NSAMPLE)
    nf = _shared_mlp(nf, layers)
    nf = jnp.max(nf, axis=3)  # max_pool2d over nsample, then squeeze
    return new_xyz, nf, sample_idxs


def setup_inputs(seed: int = 0) -> dict:
    key = jax.random.key(seed)
    pointcloud = jax.random.uniform(key, (8, 4096, 3), dtype=jnp.float32)
    numpoints = np.asarray(NPOINTS, dtype=np.int64)
    return {"pointcloud": pointcloud, "numpoints": numpoints, "params": _make_params()}


def reference(pointcloud, numpoints, params):
    xyz = pointcloud[..., 0:3]
    features = None if pointcloud.shape[-1] == 3 else jnp.transpose(pointcloud[..., 3:], (0, 2, 1))
    l_xyz, l_feat, l_idx = [xyz], [features], []
    for i in range(3):
        nx, nf, si = _sa_module(l_xyz[i], l_feat[i], NPOINTS[i], numpoints[i], RADII[i], params[i])
        l_xyz.append(nx)
        l_feat.append(nf)
        l_idx.append(si)
    return (l_xyz[-1], l_feat[-1], l_idx[0])

if __name__ == "__main__":
    import jax
    _d = setup_inputs()
    print(jax.jit(kernel)(*tuple(_d.values())))

</pallas_src>

<mosaic_0001>
#map = affine_map<(d0, d1) -> (0)>
module attributes {stable_mosaic.version = 14 : i64} {
  func.func @kern(%arg0: i32, %arg1: i32, %arg2: memref<24576xf32, #tpu.memory_space<hbm>>, %arg3: memref<196608xf32, #tpu.memory_space<hbm>>, %arg4: memref<65536xi32, #tpu.memory_space<hbm>>, %arg5: memref<1024xf32, #tpu.memory_space<vmem>>, %arg6: memref<1024xf32, #tpu.memory_space<vmem>>, %arg7: memref<1024xf32, #tpu.memory_space<vmem>>, %arg8: memref<1024xf32, #tpu.memory_space<vmem>>, %arg9: memref<1024xf32, #tpu.memory_space<vmem>>, %arg10: memref<1024xf32, #tpu.memory_space<vmem>>, %arg11: memref<1024xf32, #tpu.memory_space<vmem>>, %arg12: memref<112xi32, #tpu.memory_space<vmem>>, %arg13: memref<6144xf32, #tpu.memory_space<vmem>>, %arg14: memref<2048xi32, #tpu.memory_space<vmem>>) attributes {dimension_semantics = [#tpu.dimension_semantics<core_parallel>, #tpu.dimension_semantics<subcore_parallel>], iteration_bounds = array<i64: 2, 16>, scalar_prefetch = 0 : i64, scratch_operands = 10 : i64, tpu.core_type = #tpu.core_type<sc_vector_subcore>, window_params = [{transform_indices = #map}, {transform_indices = #map}, {transform_indices = #map}]} {
    %mul3A = arith.constant 2 : i32
    %mul3A_0 = arith.muli %arg1, %mul3A : i32
    %add3A = arith.addi %mul3A_0, %arg0 : i32
    %mul3A_1 = arith.constant 64 : i32
    %mul3A_2 = arith.muli %add3A, %mul3A_1 : i32
    %jit3A = arith.constant 256 : i32
    %div3A = arith.divsi %mul3A_2, %jit3A : i32
    %sign3A = arith.constant 0 : i32
    %sign3A_3 = arith.cmpi sgt, %mul3A_2, %sign3A : i32
    %sign3A_4 = arith.extui %sign3A_3 : i1 to i32
    %sign3A_5 = arith.constant 0 : i32
    %sign3A_6 = arith.cmpi slt, %mul3A_2, %sign3A_5 : i32
    %sign3A_7 = arith.extui %sign3A_6 : i1 to i32
    %sign3A_8 = arith.subi %sign3A_4, %sign3A_7 : i32
    %sign3A_9 = arith.constant 0 : i32
    %sign3A_10 = arith.cmpi sgt, %jit3A, %sign3A_9 : i32
    %sign3A_11 = arith.extui %sign3A_10 : i1 to i32
    %sign3A_12 = arith.constant 0 : i32
    %sign3A_13 = arith.cmpi slt, %jit3A, %sign3A_12 : i32
    %sign3A_14 = arith.extui %sign3A_13 : i1 to i32
    %sign3A_15 = arith.subi %sign3A_11, %sign3A_14 : i32
    %ne3A = arith.cmpi ne, %sign3A_8, %sign3A_15 : i32
    %rem3A = arith.remsi %mul3A_2, %jit3A : i32
    %ne3A_16 = arith.constant 0 : i32
    %ne3A_17 = arith.cmpi ne, %rem3A, %ne3A_16 : i32
    %and3A = arith.andi %ne3A, %ne3A_17 : i1
    %sub3A = arith.constant 1 : i32
    %sub3A_18 = arith.subi %div3A, %sub3A : i32
    %select_n3A = arith.select %and3A, %sub3A_18, %div3A : i32
    %mul3A_19 = arith.constant 256 : i32
    %mul3A_20 = arith.muli %select_n3A, %mul3A_19 : i32
    %sub3A_21 = arith.subi %mul3A_2, %mul3A_20 : i32
    %mul3A_22 = arith.constant 3 : i32
    %mul3A_23 = arith.muli %select_n3A, %mul3A_22 : i32
    %add3A_24 = arith.constant 0 : i32
    %add3A_25 = arith.addi %mul3A_23, %add3A_24 : i32
    %mul3A_26 = arith.constant 1024 : i32
    %mul3A_27 = arith.muli %add3A_25, %mul3A_26 : i32
    "tpu.region"() ({
      %run_scoped3A = tpu.sem_alloc : memref<!tpu.dma_semaphore, #tpu.memory_space<semaphore_mem>>
      %dma_start3A = tpu.memref_slice %arg2[%mul3A_27] : memref<24576xf32, #tpu.memory_space<hbm>> -> memref<1024xf32, #tpu.memory_space<hbm>>
      %dma_start3A_57 = tpu.memref_slice %arg2[%mul3A_27] : memref<24576xf32, #tpu.memory_space<hbm>> -> memref<1024xf32, #tpu.memory_space<hbm>>
      tpu.enqueue_dma source(%dma_start3A_57 : memref<1024xf32, #tpu.memory_space<hbm>>) target(%arg5 : memref<1024xf32, #tpu.memory_space<vmem>>) target_semaphore(%run_scoped3A : memref<!tpu.dma_semaphore, #tpu.memory_space<semaphore_mem>>)
      %dma_wait3A = tpu.memref_slice %arg2[%mul3A_27] : memref<24576xf32, #tpu.memory_space<hbm>> -> memref<1024xf32, #tpu.memory_space<hbm>>
      %dma_wait3A_58 = tpu.memref_slice %arg2[%mul3A_27] : memref<24576xf32, #tpu.memory_space<hbm>> -> memref<1024xf32, #tpu.memory_space<hbm>>
      tpu.wait_dma2 semaphore(%run_scoped3A : memref<!tpu.dma_semaphore, #tpu.memory_space<semaphore_mem>>) src(%dma_wait3A_58 : memref<1024xf32, #tpu.memory_space<hbm>>) dst(%arg5 : memref<1024xf32, #tpu.memory_space<vmem>>)
      tpu.yield
    }) : () -> ()
    %mul3A_28 = arith.constant 3 : i32
    %mul3A_29 = arith.muli %select_n3A, %mul3A_28 : i32
    %add3A_30 = arith.constant 1 : i32
    %add3A_31 = arith.addi %mul3A_29, %add3A_30 : i32
    %mul3A_32 = arith.constant 1024 : i32
    %mul3A_33 = arith.muli %add3A_31, %mul3A_32 : i32
    "tpu.region"() ({
      %run_scoped3A = tpu.sem_alloc : memref<!tpu.dma_semaphore, #tpu.memory_space<semaphore_mem>>
      %dma_start3A = tpu.memref_slice %arg2[%mul3A_33] : memref<24576xf32, #tpu.memory_space<hbm>> -> memref<1024xf32, #tpu.memory_space<hbm>>
      %dma_start3A_57 = tpu.memref_slice %arg2[%mul3A_33] : memref<24576xf32, #tpu.memory_space<hbm>> -> memref<1024xf32, #tpu.memory_space<hbm>>
      tpu.enqueue_dma source(%dma_start3A_57 : memref<1024xf32, #tpu.memory_space<hbm>>) target(%arg6 : memref<1024xf32, #tpu.memory_space<vmem>>) target_semaphore(%run_scoped3A : memref<!tpu.dma_semaphore, #tpu.memory_space<semaphore_mem>>)
      %dma_wait3A = tpu.memref_slice %arg2[%mul3A_33] : memref<24576xf32, #tpu.memory_space<hbm>> -> memref<1024xf32, #tpu.memory_space<hbm>>
      %dma_wait3A_58 = tpu.memref_slice %arg2[%mul3A_33] : memref<24576xf32, #tpu.memory_space<hbm>> -> memref<1024xf32, #tpu.memory_space<hbm>>
      tpu.wait_dma2 semaphore(%run_scoped3A : memref<!tpu.dma_semaphore, #tpu.memory_space<semaphore_mem>>) src(%dma_wait3A_58 : memref<1024xf32, #tpu.memory_space<hbm>>) dst(%arg6 : memref<1024xf32, #tpu.memory_space<vmem>>)
      tpu.yield
    }) : () -> ()
    %mul3A_34 = arith.constant 3 : i32
    %mul3A_35 = arith.muli %select_n3A, %mul3A_34 : i32
    %add3A_36 = arith.constant 2 : i32
    %add3A_37 = arith.addi %mul3A_35, %add3A_36 : i32
    %mul3A_38 = arith.constant 1024 : i32
    %mul3A_39 = arith.muli %add3A_37, %mul3A_38 : i32
    "tpu.region"() ({
      %run_scoped3A = tpu.sem_alloc : memref<!tpu.dma_semaphore, #tpu.memory_space<semaphore_mem>>
      %dma_start3A = tpu.memref_slice %arg2[%mul3A_39] : memref<24576xf32, #tpu.memory_space<hbm>> -> memref<1024xf32, #tpu.memory_space<hbm>>
      %dma_start3A_57 = tpu.memref_slice %arg2[%mul3A_39] : memref<24576xf32, #tpu.memory_space<hbm>> -> memref<1024xf32, #tpu.memory_space<hbm>>
      tpu.enqueue_dma source(%dma_start3A_57 : memref<1024xf32, #tpu.memory_space<hbm>>) target(%arg7 : memref<1024xf32, #tpu.memory_space<vmem>>) target_semaphore(%run_scoped3A : memref<!tpu.dma_semaphore, #tpu.memory_space<semaphore_mem>>)
      %dma_wait3A = tpu.memref_slice %arg2[%mul3A_39] : memref<24576xf32, #tpu.memory_space<hbm>> -> memref<1024xf32, #tpu.memory_space<hbm>>
      %dma_wait3A_58 = tpu.memref_slice %arg2[%mul3A_39] : memref<24576xf32, #tpu.memory_space<hbm>> -> memref<1024xf32, #tpu.memory_space<hbm>>
      tpu.wait_dma2 semaphore(%run_scoped3A : memref<!tpu.dma_semaphore, #tpu.memory_space<semaphore_mem>>) src(%dma_wait3A_58 : memref<1024xf32, #tpu.memory_space<hbm>>) dst(%arg7 : memref<1024xf32, #tpu.memory_space<vmem>>)
      tpu.yield
    }) : () -> ()
    %scan3A = arith.constant 0 : i32
    %scan3A_40 = arith.constant 0 : i32
    %scan3A_41 = arith.constant 64 : i32
    %scan3A_42 = arith.addi %scan3A_40, %scan3A_41 : i32
    %scan3A_43 = arith.constant 1 : i32
    scf.for %scan3A_57 = %scan3A_40 to %scan3A_42 step %scan3A_43  : i32 {
      %mul3A_58 = arith.constant 16 : i32
      %mul3A_59 = arith.muli %scan3A_57, %mul3A_58 : i32
      %get3A = arith.index_cast %mul3A_59 : i32 to index
      %get3A_60 = tpu.vector_load %arg5[%get3A] {strides = array<i32>} : memref<1024xf32, #tpu.memory_space<vmem>>, vector<16xf32>,
      %get3A_61 = arith.index_cast %mul3A_59 : i32 to index
      %get3A_62 = tpu.vector_load %arg6[%get3A_61] {strides = array<i32>} : memref<1024xf32, #tpu.memory_space<vmem>>, vector<16xf32>,
      %get3A_63 = arith.index_cast %mul3A_59 : i32 to index
      %get3A_64 = tpu.vector_load %arg7[%get3A_63] {strides = array<i32>} : memref<1024xf32, #tpu.memory_space<vmem>>, vector<16xf32>,
      %mul3A_65 = arith.mulf %get3A_60, %get3A_60 : vector<16xf32>
      %mul3A_66 = arith.mulf %get3A_62, %get3A_62 : vector<16xf32>
      %add3A_67 = arith.addf %mul3A_65, %mul3A_66 : vector<16xf32>
      %mul3A_68 = arith.mulf %get3A_64, %get3A_64 : vector<16xf32>
      %add3A_69 = arith.addf %add3A_67, %mul3A_68 : vector<16xf32>
      %swap3A = arith.index_cast %mul3A_59 : i32 to index
      %swap3A_70 = tpu.vector_load %arg8[%swap3A] {strides = array<i32>} : memref<1024xf32, #tpu.memory_space<vmem>>, vector<16xf32>,
      tpu.vector_store %arg8[%swap3A], %add3A_69 {strides = array<i32>} : memref<1024xf32, #tpu.memory_space<vmem>>, vector<16xf32>,
      %bitcast3A = vector.bitcast %get3A_60 : vector<16xf32> to vector<16xi32>
      %add3A_71 = arith.constant 32767 : i32
      %add3A_72 = vector.broadcast %add3A_71 : i32 to vector<16xi32>
      %add3A_73 = arith.addi %bitcast3A, %add3A_72 : vector<16xi32>
      %shift_right_logical3A = arith.constant 16 : i32
      %shift_right_logical3A_74 = vector.broadcast %shift_right_logical3A : i32 to vector<16xi32>
      %shift_right_logical3A_75 = arith.shrui %bitcast3A, %shift_right_logical3A_74 : vector<16xi32>
      %and3A_76 = arith.constant 1 : i32
      %and3A_77 = vector.broadcast %and3A_76 : i32 to vector<16xi32>
      %and3A_78 = arith.andi %shift_right_logical3A_75, %and3A_77 : vector<16xi32>
      %add3A_79 = arith.addi %add3A_73, %and3A_78 : vector<16xi32>
      %and3A_80 = arith.constant -65536 : i32
      %and3A_81 = vector.broadcast %and3A_80 : i32 to vector<16xi32>
      %and3A_82 = arith.andi %add3A_79, %and3A_81 : vector<16xi32>
      %bitcast3A_83 = vector.bitcast %and3A_82 : vector<16xi32> to vector<16xf32>
      %swap3A_84 = arith.index_cast %mul3A_59 : i32 to index
      %swap3A_85 = tpu.vector_load %arg9[%swap3A_84] {strides = array<i32>} : memref<1024xf32, #tpu.memory_space<vmem>>, vector<16xf32>,
      tpu.vector_store %arg9[%swap3A_84], %bitcast3A_83 {strides = array<i32>} : memref<1024xf32, #tpu.memory_space<vmem>>, vector<16xf32>,
      %bitcast3A_86 = vector.bitcast %get3A_62 : vector<16xf32> to vector<16xi32>
      %add3A_87 = arith.constant 32767 : i32
      %add3A_88 = vector.broadcast %add3A_87 : i32 to vector<16xi32>
      %add3A_89 = arith.addi %bitcast3A_86, %add3A_88 : vector<16xi32>
      %shift_right_logical3A_90 = arith.constant 16 : i32
      %shift_right_logical3A_91 = vector.broadcast %shift_right_logical3A_90 : i32 to vector<16xi32>
      %shift_right_logical3A_92 = arith.shrui %bitcast3A_86, %shift_right_logical3A_91 : vector<16xi32>
      %and3A_93 = arith.constant 1 : i32
      %and3A_94 = vector.broadcast %and3A_93 : i32 to vector<16xi32>
      %and3A_95 = arith.andi %shift_right_logical3A_92, %and3A_94 : vector<16xi32>
      %add3A_96 = arith.addi %add3A_89, %and3A_95 : vector<16xi32>
      %and3A_97 = arith.constant -65536 : i32
      %and3A_98 = vector.broadcast %and3A_97 : i32 to vector<16xi32>
      %and3A_99 = arith.andi %add3A_96, %and3A_98 : vector<16xi32>
      %bitcast3A_100 = vector.bitcast %and3A_99 : vector<16xi32> to vector<16xf32>
      %swap3A_101 = arith.index_cast %mul3A_59 : i32 to index
      %swap3A_102 = tpu.vector_load %arg10[%swap3A_101] {strides = array<i32>} : memref<1024xf32, #tpu.memory_space<vmem>>, vector<16xf32>,
      tpu.vector_store %arg10[%swap3A_101], %bitcast3A_100 {strides = array<i32>} : memref<1024xf32, #tpu.memory_space<vmem>>, vector<16xf32>,
      %bitcast3A_103 = vector.bitcast %get3A_64 : vector<16xf32> to vector<16xi32>
      %add3A_104 = arith.constant 32767 : i32
      %add3A_105 = vector.broadcast %add3A_104 : i32 to vector<16xi32>
      %add3A_106 = arith.addi %bitcast3A_103, %add3A_105 : vector<16xi32>
      %shift_right_logical3A_107 = arith.constant 16 : i32
      %shift_right_logical3A_108 = vector.broadcast %shift_right_logical3A_107 : i32 to vector<16xi32>
      %shift_right_logical3A_109 = arith.shrui %bitcast3A_103, %shift_right_logical3A_108 : vector<16xi32>
      %and3A_110 = arith.constant 1 : i32
      %and3A_111 = vector.broadcast %and3A_110 : i32 to vector<16xi32>
      %and3A_112 = arith.andi %shift_right_logical3A_109, %and3A_111 : vector<16xi32>
      %add3A_113 = arith.addi %add3A_106, %and3A_112 : vector<16xi32>
      %and3A_114 = arith.constant -65536 : i32
      %and3A_115 = vector.broadcast %and3A_114 : i32 to vector<16xi32>
      %and3A_116 = arith.andi %add3A_113, %and3A_115 : vector<16xi32>
      %bitcast3A_117 = vector.bitcast %and3A_116 : vector<16xi32> to vector<16xf32>
      %swap3A_118 = arith.index_cast %mul3A_59 : i32 to index
      %swap3A_119 = tpu.vector_load %arg11[%swap3A_118] {strides = array<i32>} : memref<1024xf32, #tpu.memory_space<vmem>>, vector<16xf32>,
      tpu.vector_store %arg11[%swap3A_118], %bitcast3A_117 {strides = array<i32>} : memref<1024xf32, #tpu.memory_space<vmem>>, vector<16xf32>,
    }
    %scan3A_44 = arith.constant 64 : i32
    %iota3A = tpu.iota {dimensions = array<i32: 0>} : vector<16xi32>
    %scan3A_45 = arith.constant 0 : i32
    %scan3A_46 = arith.constant 0 : i32
    %scan3A_47 = arith.constant 64 : i32
    %scan3A_48 = arith.addi %scan3A_46, %scan3A_47 : i32
    %scan3A_49 = arith.constant 1 : i32
    scf.for %scan3A_57 = %scan3A_46 to %scan3A_48 step %scan3A_49  : i32 {
      %add3A_58 = arith.addi %sub3A_21, %scan3A_57 : i32
      %broadcast_in_dim3A = vector.broadcast %add3A_58 : i32 to vector<16xi32>
      %gather3A = tpu.vector_load_idx %arg5[%broadcast_in_dim3A] : memref<1024xf32, #tpu.memory_space<vmem>>[vector<16xi32>], vector<16xf32>,
      %gather3A_59 = tpu.vector_load_idx %arg6[%broadcast_in_dim3A] : memref<1024xf32, #tpu.memory_space<vmem>>[vector<16xi32>], vector<16xf32>,
      %gather3A_60 = tpu.vector_load_idx %arg7[%broadcast_in_dim3A] : memref<1024xf32, #tpu.memory_space<vmem>>[vector<16xi32>], vector<16xf32>,
      %gather3A_61 = tpu.vector_load_idx %arg8[%broadcast_in_dim3A] : memref<1024xf32, #tpu.memory_space<vmem>>[vector<16xi32>], vector<16xf32>,
      %gather3A_62 = tpu.vector_load_idx %arg9[%broadcast_in_dim3A] : memref<1024xf32, #tpu.memory_space<vmem>>[vector<16xi32>], vector<16xf32>,
      %gather3A_63 = tpu.vector_load_idx %arg10[%broadcast_in_dim3A] : memref<1024xf32, #tpu.memory_space<vmem>>[vector<16xi32>], vector<16xf32>,
      %gather3A_64 = tpu.vector_load_idx %arg11[%broadcast_in_dim3A] : memref<1024xf32, #tpu.memory_space<vmem>>[vector<16xi32>], vector<16xf32>,
      %while3A = arith.constant 0 : i32
      %while3A_65 = arith.constant 0 : i32
      %while3A_66:2 = scf.while (%while3A_146 = %while3A, %while3A_147 = %while3A_65) : (i32, i32) -> (i32, i32) {
        %lt3A_148 = arith.constant 64 : i32
        %lt3A_149 = arith.cmpi slt, %while3A_146, %lt3A_148 : i32
        %lt3A_150 = arith.constant 32 : i32
        %lt3A_151 = arith.cmpi slt, %while3A_147, %lt3A_150 : i32
        %and3A_152 = arith.andi %lt3A_149, %lt3A_151 : i1
        scf.condition(%and3A_152) %while3A_146, %while3A_147 : i32, i32
      } do {
      ^bb0(%while3A_146: i32, %while3A_147: i32):
        %add3A_148 = arith.constant 0 : i32
        %add3A_149 = arith.addi %while3A_146, %add3A_148 : i32
        %mul3A_150 = arith.constant 16 : i32
        %mul3A_151 = arith.muli %add3A_149, %mul3A_150 : i32
        %get3A_152 = arith.index_cast %mul3A_151 : i32 to index
        %get3A_153 = tpu.vector_load %arg8[%get3A_152] {strides = array<i32>} : memref<1024xf32, #tpu.memory_space<vmem>>, vector<16xf32>,
        %add3A_154 = arith.addf %gather3A_61, %get3A_153 : vector<16xf32>
        %get3A_155 = arith.index_cast %mul3A_151 : i32 to index
        %get3A_156 = tpu.vector_load %arg9[%get3A_155] {strides = array<i32>} : memref<1024xf32, #tpu.memory_space<vmem>>, vector<16xf32>,
        %mul3A_157 = arith.mulf %gather3A_62, %get3A_156 : vector<16xf32>
        %get3A_158 = arith.index_cast %mul3A_151 : i32 to index
        %get3A_159 = tpu.vector_load %arg10[%get3A_158] {strides = array<i32>} : memref<1024xf32, #tpu.memory_space<vmem>>, vector<16xf32>,
        %mul3A_160 = arith.mulf %gather3A_63, %get3A_159 : vector<16xf32>
        %add3A_161 = arith.addf %mul3A_157, %mul3A_160 : vector<16xf32>
        %get3A_162 = arith.index_cast %mul3A_151 : i32 to index
        %get3A_163 = tpu.vector_load %arg11[%get3A_162] {strides = array<i32>} : memref<1024xf32, #tpu.memory_space<vmem>>, vector<16xf32>,
        %mul3A_164 = arith.mulf %gather3A_64, %get3A_163 : vector<16xf32>
        %add3A_165 = arith.addf %add3A_161, %mul3A_164 : vector<16xf32>
        %mul3A_166 = arith.constant 2.000000e+00 : f32
        %mul3A_167 = vector.broadcast %mul3A_166 : f32 to vector<16xf32>
        %mul3A_168 = arith.mulf %mul3A_167, %add3A_165 : vector<16xf32>
        %sub3A_169 = arith.subf %add3A_154, %mul3A_168 : vector<16xf32>
        %lt3A_170 = arith.constant 2.500000e-01 : f32
        %lt3A_171 = vector.broadcast %lt3A_170 : f32 to vector<16xf32>
        %lt3A_172 = arith.cmpf olt, %sub3A_169, %lt3A_171 : vector<16xf32>
        %add3A_173 = arith.constant 0 : i32
        %add3A_174 = arith.addi %while3A_146, %add3A_173 : i32
        %mul3A_175 = arith.constant 16 : i32
        %mul3A_176 = arith.muli %add3A_174, %mul3A_175 : i32
        %add3A_177 = vector.broadcast %mul3A_176 : i32 to vector<16xi32>
        %add3A_178 = arith.addi %add3A_177, %iota3A : vector<16xi32>
        %swap3A_179 = arith.index_cast %while3A_147 : i32 to index
        %swap3A_180 = tpu.vector_load %arg12[%swap3A_179] masked %lt3A_172 {strides = array<i32>} : memref<112xi32, #tpu.memory_space<vmem>>, vector<16xi32>, vector<16xi1>
        tpu.vector_store %arg12[%swap3A_179], %add3A_178 masked %lt3A_172 {strides = array<i32>} : memref<112xi32, #tpu.memory_space<vmem>>, vector<16xi32>, vector<16xi1>
        %convert_element_type3A = arith.extui %lt3A_172 : vector<16xi1> to vector<16xi32>
        %reduce_sum3A = arith.constant true
        %reduce_sum3A_181 = vector.broadcast %reduce_sum3A : i1 to vector<16xi1>
        %reduce_sum3A_182 = tpu.scan <sum>, %convert_element_type3A masked %reduce_sum3A_181 : vector<16xi32>, vector<16xi1> -> vector<16xi32>
        %reduce_sum3A_183 = vector.extract %reduce_sum3A_182[15] : i32 from vector<16xi32>
        %add3A_184 = arith.addi %while3A_147, %reduce_sum3A_183 : i32
        %add3A_185 = arith.constant 1 : i32
        %add3A_186 = arith.addi %while3A_146, %add3A_185 : i32
        %mul3A_187 = arith.constant 16 : i32
        %mul3A_188 = arith.muli %add3A_186, %mul3A_187 : i32
        %get3A_189 = arith.index_cast %mul3A_188 : i32 to index
        %get3A_190 = tpu.vector_load %arg8[%get3A_189] {strides = array<i32>} : memref<1024xf32, #tpu.memory_space<vmem>>, vector<16xf32>,
        %add3A_191 = arith.addf %gather3A_61, %get3A_190 : vector<16xf32>
        %get3A_192 = arith.index_cast %mul3A_188 : i32 to index
        %get3A_193 = tpu.vector_load %arg9[%get3A_192] {strides = array<i32>} : memref<1024xf32, #tpu.memory_space<vmem>>, vector<16xf32>,
        %mul3A_194 = arith.mulf %gather3A_62, %get3A_193 : vector<16xf32>
        %get3A_195 = arith.index_cast %mul3A_188 : i32 to index
        %get3A_196 = tpu.vector_load %arg10[%get3A_195] {strides = array<i32>} : memref<1024xf32, #tpu.memory_space<vmem>>, vector<16xf32>,
        %mul3A_197 = arith.mulf %gather3A_63, %get3A_196 : vector<16xf32>
        %add3A_198 = arith.addf %mul3A_194, %mul3A_197 : vector<16xf32>
        %get3A_199 = arith.index_cast %mul3A_188 : i32 to index
        %get3A_200 = tpu.vector_load %arg11[%get3A_199] {strides = array<i32>} : memref<1024xf32, #tpu.memory_space<vmem>>, vector<16xf32>,
        %mul3A_201 = arith.mulf %gather3A_64, %get3A_200 : vector<16xf32>
        %add3A_202 = arith.addf %add3A_198, %mul3A_201 : vector<16xf32>
        %mul3A_203 = arith.constant 2.000000e+00 : f32
        %mul3A_204 = vector.broadcast %mul3A_203 : f32 to vector<16xf32>
        %mul3A_205 = arith.mulf %mul3A_204, %add3A_202 : vector<16xf32>
        %sub3A_206 = arith.subf %add3A_191, %mul3A_205 : vector<16xf32>
        %lt3A_207 = arith.constant 2.500000e-01 : f32
        %lt3A_208 = vector.broadcast %lt3A_207 : f32 to vector<16xf32>
        %lt3A_209 = arith.cmpf olt, %sub3A_206, %lt3A_208 : vector<16xf32>
        %add3A_210 = arith.constant 1 : i32
        %add3A_211 = arith.addi %while3A_146, %add3A_210 : i32
        %mul3A_212 = arith.constant 16 : i32
        %mul3A_213 = arith.muli %add3A_211, %mul3A_212 : i32
        %add3A_214 = vector.broadcast %mul3A_213 : i32 to vector<16xi32>
        %add3A_215 = arith.addi %add3A_214, %iota3A : vector<16xi32>
        %swap3A_216 = arith.index_cast %add3A_184 : i32 to index
        %swap3A_217 = tpu.vector_load %arg12[%swap3A_216] masked %lt3A_209 {strides = array<i32>} : memref<112xi32, #tpu.memory_space<vmem>>, vector<16xi32>, vector<16xi1>
        tpu.vector_store %arg12[%swap3A_216], %add3A_215 masked %lt3A_209 {strides = array<i32>} : memref<112xi32, #tpu.memory_space<vmem>>, vector<16xi32>, vector<16xi1>
        %convert_element_type3A_218 = arith.extui %lt3A_209 : vector<16xi1> to vector<16xi32>
        %reduce_sum3A_219 = arith.constant true
        %reduce_sum3A_220 = vector.broadcast %reduce_sum3A_219 : i1 to vector<16xi1>
        %reduce_sum3A_221 = tpu.scan <sum>, %convert_element_type3A_218 masked %reduce_sum3A_220 : vector<16xi32>, vector<16xi1> -> vector<16xi32>
        %reduce_sum3A_222 = vector.extract %reduce_sum3A_221[15] : i32 from vector<16xi32>
        %add3A_223 = arith.addi %add3A_184, %reduce_sum3A_222 : i32
        %add3A_224 = arith.constant 2 : i32
        %add3A_225 = arith.addi %while3A_146, %add3A_224 : i32
        %mul3A_226 = arith.constant 16 : i32
        %mul3A_227 = arith.muli %add3A_225, %mul3A_226 : i32
        %get3A_228 = arith.index_cast %mul3A_227 : i32 to index
        %get3A_229 = tpu.vector_load %arg8[%get3A_228] {strides = array<i32>} : memref<1024xf32, #tpu.memory_space<vmem>>, vector<16xf32>,
        %add3A_230 = arith.addf %gather3A_61, %get3A_229 : vector<16xf32>
        %get3A_231 = arith.index_cast %mul3A_227 : i32 to index
        %get3A_232 = tpu.vector_load %arg9[%get3A_231] {strides = array<i32>} : memref<1024xf32, #tpu.memory_space<vmem>>, vector<16xf32>,
        %mul3A_233 = arith.mulf %gather3A_62, %get3A_232 : vector<16xf32>
        %get3A_234 = arith.index_cast %mul3A_227 : i32 to index
        %get3A_235 = tpu.vector_load %arg10[%get3A_234] {strides = array<i32>} : memref<1024xf32, #tpu.memory_space<vmem>>, vector<16xf32>,
        %mul3A_236 = arith.mulf %gather3A_63, %get3A_235 : vector<16xf32>
        %add3A_237 = arith.addf %mul3A_233, %mul3A_236 : vector<16xf32>
        %get3A_238 = arith.index_cast %mul3A_227 : i32 to index
        %get3A_239 = tpu.vector_load %arg11[%get3A_238] {strides = array<i32>} : memref<1024xf32, #tpu.memory_space<vmem>>, vector<16xf32>,
        %mul3A_240 = arith.mulf %gather3A_64, %get3A_239 : vector<16xf32>
        %add3A_241 = arith.addf %add3A_237, %mul3A_240 : vector<16xf32>
        %mul3A_242 = arith.constant 2.000000e+00 : f32
        %mul3A_243 = vector.broadcast %mul3A_242 : f32 to vector<16xf32>
        %mul3A_244 = arith.mulf %mul3A_243, %add3A_241 : vector<16xf32>
        %sub3A_245 = arith.subf %add3A_230, %mul3A_244 : vector<16xf32>
        %lt3A_246 = arith.constant 2.500000e-01 : f32
        %lt3A_247 = vector.broadcast %lt3A_246 : f32 to vector<16xf32>
        %lt3A_248 = arith.cmpf olt, %sub3A_245, %lt3A_247 : vector<16xf32>
        %add3A_249 = arith.constant 2 : i32
        %add3A_250 = arith.addi %while3A_146, %add3A_249 : i32
        %mul3A_251 = arith.constant 16 : i32
        %mul3A_252 = arith.muli %add3A_250, %mul3A_251 : i32
        %add3A_253 = vector.broadcast %mul3A_252 : i32 to vector<16xi32>
        %add3A_254 = arith.addi %add3A_253, %iota3A : vector<16xi32>
        %swap3A_255 = arith.index_cast %add3A_223 : i32 to index
        %swap3A_256 = tpu.vector_load %arg12[%swap3A_255] masked %lt3A_248 {strides = array<i32>} : memref<112xi32, #tpu.memory_space<vmem>>, vector<16xi32>, vector<16xi1>
        tpu.vector_store %arg12[%swap3A_255], %add3A_254 masked %lt3A_248 {strides = array<i32>} : memref<112xi32, #tpu.memory_space<vmem>>, vector<16xi32>, vector<16xi1>
        %convert_element_type3A_257 = arith.extui %lt3A_248 : vector<16xi1> to vector<16xi32>
        %reduce_sum3A_258 = arith.constant true
        %reduce_sum3A_259 = vector.broadcast %reduce_sum3A_258 : i1 to vector<16xi1>
        %reduce_sum3A_260 = tpu.scan <sum>, %convert_element_type3A_257 masked %reduce_sum3A_259 : vector<16xi32>, vector<16xi1> -> vector<16xi32>
        %reduce_sum3A_261 = vector.extract %reduce_sum3A_260[15] : i32 from vector<16xi32>
        %add3A_262 = arith.addi %add3A_223, %reduce_sum3A_261 : i32
        %add3A_263 = arith.constant 3 : i32
        %add3A_264 = arith.addi %while3A_146, %add3A_263 : i32
        %mul3A_265 = arith.constant 16 : i32
        %mul3A_266 = arith.muli %add3A_264, %mul3A_265 : i32
        %get3A_267 = arith.index_cast %mul3A_266 : i32 to index
        %get3A_268 = tpu.vector_load %arg8[%get3A_267] {strides = array<i32>} : memref<1024xf32, #tpu.memory_space<vmem>>, vector<16xf32>,
        %add3A_269 = arith.addf %gather3A_61, %get3A_268 : vector<16xf32>
        %get3A_270 = arith.index_cast %mul3A_266 : i32 to index
        %get3A_271 = tpu.vector_load %arg9[%get3A_270] {strides = array<i32>} : memref<1024xf32, #tpu.memory_space<vmem>>, vector<16xf32>,
        %mul3A_272 = arith.mulf %gather3A_62, %get3A_271 : vector<16xf32>
        %get3A_273 = arith.index_cast %mul3A_266 : i32 to index
        %get3A_274 = tpu.vector_load %arg10[%get3A_273] {strides = array<i32>} : memref<1024xf32, #tpu.memory_space<vmem>>, vector<16xf32>,
        %mul3A_275 = arith.mulf %gather3A_63, %get3A_274 : vector<16xf32>
        %add3A_276 = arith.addf %mul3A_272, %mul3A_275 : vector<16xf32>
        %get3A_277 = arith.index_cast %mul3A_266 : i32 to index
        %get3A_278 = tpu.vector_load %arg11[%get3A_277] {strides = array<i32>} : memref<1024xf32, #tpu.memory_space<vmem>>, vector<16xf32>,
        %mul3A_279 = arith.mulf %gather3A_64, %get3A_278 : vector<16xf32>
        %add3A_280 = arith.addf %add3A_276, %mul3A_279 : vector<16xf32>
        %mul3A_281 = arith.constant 2.000000e+00 : f32
        %mul3A_282 = vector.broadcast %mul3A_281 : f32 to vector<16xf32>
        %mul3A_283 = arith.mulf %mul3A_282, %add3A_280 : vector<16xf32>
        %sub3A_284 = arith.subf %add3A_269, %mul3A_283 : vector<16xf32>
        %lt3A_285 = arith.constant 2.500000e-01 : f32
        %lt3A_286 = vector.broadcast %lt3A_285 : f32 to vector<16xf32>
        %lt3A_287 = arith.cmpf olt, %sub3A_284, %lt3A_286 : vector<16xf32>
        %add3A_288 = arith.constant 3 : i32
        %add3A_289 = arith.addi %while3A_146, %add3A_288 : i32
        %mul3A_290 = arith.constant 16 : i32
        %mul3A_291 = arith.muli %add3A_289, %mul3A_290 : i32
        %add3A_292 = vector.broadcast %mul3A_291 : i32 to vector<16xi32>
        %add3A_293 = arith.addi %add3A_292, %iota3A : vector<16xi32>
        %swap3A_294 = arith.index_cast %add3A_262 : i32 to index
        %swap3A_295 = tpu.vector_load %arg12[%swap3A_294] masked %lt3A_287 {strides = array<i32>} : memref<112xi32, #tpu.memory_space<vmem>>, vector<16xi32>, vector<16xi1>
        tpu.vector_store %arg12[%swap3A_294], %add3A_293 masked %lt3A_287 {strides = array<i32>} : memref<112xi32, #tpu.memory_space<vmem>>, vector<16xi32>, vector<16xi1>
        %convert_element_type3A_296 = arith.extui %lt3A_287 : vector<16xi1> to vector<16xi32>
        %reduce_sum3A_297 = arith.constant true
        %reduce_sum3A_298 = vector.broadcast %reduce_sum3A_297 : i1 to vector<16xi1>
        %reduce_sum3A_299 = tpu.scan <sum>, %convert_element_type3A_296 masked %reduce_sum3A_298 : vector<16xi32>, vector<16xi1> -> vector<16xi32>
        %reduce_sum3A_300 = vector.extract %reduce_sum3A_299[15] : i32 from vector<16xi32>
        %add3A_301 = arith.addi %add3A_262, %reduce_sum3A_300 : i32
        %add3A_302 = arith.constant 4 : i32
        %add3A_303 = arith.addi %while3A_146, %add3A_302 : i32
        scf.yield %add3A_303, %add3A_301 : i32, i32
      }
      %get3A = arith.constant 0 : index
      %get3A_67 = tpu.vector_load %arg12[%get3A] {strides = array<i32>} : memref<112xi32, #tpu.memory_space<vmem>>, vector<16xi32>,
      %slice3A = vector.extract_strided_slice %get3A_67 {offsets = [0], sizes = [1], strides = [1]} : vector<16xi32> to vector<1xi32>
      %squeeze3A = vector.extract %slice3A[0] : i32 from vector<1xi32>
      %get3A_68 = arith.constant 0 : index
      %get3A_69 = tpu.vector_load %arg12[%get3A_68] {strides = array<i32>} : memref<112xi32, #tpu.memory_space<vmem>>, vector<16xi32>,
      %add3A_70 = arith.constant 0 : i32
      %add3A_71 = vector.broadcast %add3A_70 : i32 to vector<16xi32>
      %add3A_72 = arith.addi %iota3A, %add3A_71 : vector<16xi32>
      %lt3A = vector.broadcast %while3A_66#1 : i32 to vector<16xi32>
      %lt3A_73 = arith.cmpi slt, %add3A_72, %lt3A : vector<16xi32>
      %broadcast_in_dim3A_74 = vector.broadcast %squeeze3A : i32 to vector<16xi32>
      %select_n3A_75 = arith.select %lt3A_73, %get3A_69, %broadcast_in_dim3A_74 : vector<16xi1>, vector<16xi32>
      %gather3A_76 = tpu.vector_load_idx %arg5[%select_n3A_75] : memref<1024xf32, #tpu.memory_space<vmem>>[vector<16xi32>], vector<16xf32>,
      %sub3A_77 = arith.subf %gather3A_76, %gather3A : vector<16xf32>
      %gather3A_78 = tpu.vector_load_idx %arg6[%select_n3A_75] : memref<1024xf32, #tpu.memory_space<vmem>>[vector<16xi32>], vector<16xf32>,
      %sub3A_79 = arith.subf %gather3A_78, %gather3A_59 : vector<16xf32>
      %gather3A_80 = tpu.vector_load_idx %arg7[%select_n3A_75] : memref<1024xf32, #tpu.memory_space<vmem>>[vector<16xi32>], vector<16xf32>,
      %sub3A_81 = arith.subf %gather3A_80, %gather3A_60 : vector<16xf32>
      %mul3A_82 = arith.constant 32 : i32
      %mul3A_83 = arith.muli %scan3A_57, %mul3A_82 : i32
      %add3A_84 = arith.constant 0 : i32
      %add3A_85 = arith.addi %mul3A_83, %add3A_84 : i32
      %add3A_86 = vector.broadcast %add3A_85 : i32 to vector<16xi32>
      %add3A_87 = arith.addi %add3A_86, %iota3A : vector<16xi32>
      %mul3A_88 = arith.constant 3 : i32
      %mul3A_89 = vector.broadcast %mul3A_88 : i32 to vector<16xi32>
      %mul3A_90 = arith.muli %add3A_87, %mul3A_89 : vector<16xi32>
      tpu.vector_store_idx %arg13[%mul3A_90], %sub3A_77 : memref<6144xf32, #tpu.memory_space<vmem>>[vector<16xi32>], vector<16xf32>,
      %add3A_91 = arith.constant 1 : i32
      %add3A_92 = vector.broadcast %add3A_91 : i32 to vector<16xi32>
      %add3A_93 = arith.addi %mul3A_90, %add3A_92 : vector<16xi32>
      tpu.vector_store_idx %arg13[%add3A_93], %sub3A_79 : memref<6144xf32, #tpu.memory_space<vmem>>[vector<16xi32>], vector<16xf32>,
      %add3A_94 = arith.constant 2 : i32
      %add3A_95 = vector.broadcast %add3A_94 : i32 to vector<16xi32>
      %add3A_96 = arith.addi %mul3A_90, %add3A_95 : vector<16xi32>
      tpu.vector_store_idx %arg13[%add3A_96], %sub3A_81 : memref<6144xf32, #tpu.memory_space<vmem>>[vector<16xi32>], vector<16xf32>,
      %mul3A_97 = arith.constant 1024 : i32
      %mul3A_98 = arith.muli %select_n3A, %mul3A_97 : i32
      %add3A_99 = vector.broadcast %mul3A_98 : i32 to vector<16xi32>
      %add3A_100 = arith.addi %select_n3A_75, %add3A_99 : vector<16xi32>
      %mul3A_101 = arith.constant 32 : i32
      %mul3A_102 = arith.muli %scan3A_57, %mul3A_101 : i32
      %add3A_103 = arith.constant 0 : i32
      %add3A_104 = arith.addi %mul3A_102, %add3A_103 : i32
      %swap3A = arith.index_cast %add3A_104 : i32 to index
      %swap3A_105 = tpu.vector_load %arg14[%swap3A] {strides = array<i32>} : memref<2048xi32, #tpu.memory_space<vmem>>, vector<16xi32>,
      tpu.vector_store %arg14[%swap3A], %add3A_100 {strides = array<i32>} : memref<2048xi32, #tpu.memory_space<vmem>>, vector<16xi32>,
      %get3A_106 = arith.constant 16 : index
      %get3A_107 = tpu.vector_load %arg12[%get3A_106] {strides = array<i32>} : memref<112xi32, #tpu.memory_space<vmem>>, vector<16xi32>,
      %add3A_108 = arith.constant 16 : i32
      %add3A_109 = vector.broadcast %add3A_108 : i32 to vector<16xi32>
      %add3A_110 = arith.addi %iota3A, %add3A_109 : vector<16xi32>
      %lt3A_111 = vector.broadcast %while3A_66#1 : i32 to vector<16xi32>
      %lt3A_112 = arith.cmpi slt, %add3A_110, %lt3A_111 : vector<16xi32>
      %broadcast_in_dim3A_113 = vector.broadcast %squeeze3A : i32 to vector<16xi32>
      %select_n3A_114 = arith.select %lt3A_112, %get3A_107, %broadcast_in_dim3A_113 : vector<16xi1>, vector<16xi32>
      %gather3A_115 = tpu.vector_load_idx %arg5[%select_n3A_114] : memref<1024xf32, #tpu.memory_space<vmem>>[vector<16xi32>], vector<16xf32>,
      %sub3A_116 = arith.subf %gather3A_115, %gather3A : vector<16xf32>
      %gather3A_117 = tpu.vector_load_idx %arg6[%select_n3A_114] : memref<1024xf32, #tpu.memory_space<vmem>>[vector<16xi32>], vector<16xf32>,
      %sub3A_118 = arith.subf %gather3A_117, %gather3A_59 : vector<16xf32>
      %gather3A_119 = tpu.vector_load_idx %arg7[%select_n3A_114] : memref<1024xf32, #tpu.memory_space<vmem>>[vector<16xi32>], vector<16xf32>,
      %sub3A_120 = arith.subf %gather3A_119, %gather3A_60 : vector<16xf32>
      %mul3A_121 = arith.constant 32 : i32
      %mul3A_122 = arith.muli %scan3A_57, %mul3A_121 : i32
      %add3A_123 = arith.constant 16 : i32
      %add3A_124 = arith.addi %mul3A_122, %add3A_123 : i32
      %add3A_125 = vector.broadcast %add3A_124 : i32 to vector<16xi32>
      %add3A_126 = arith.addi %add3A_125, %iota3A : vector<16xi32>
      %mul3A_127 = arith.constant 3 : i32
      %mul3A_128 = vector.broadcast %mul3A_127 : i32 to vector<16xi32>
      %mul3A_129 = arith.muli %add3A_126, %mul3A_128 : vector<16xi32>
      tpu.vector_store_idx %arg13[%mul3A_129], %sub3A_116 : memref<6144xf32, #tpu.memory_space<vmem>>[vector<16xi32>], vector<16xf32>,
      %add3A_130 = arith.constant 1 : i32
      %add3A_131 = vector.broadcast %add3A_130 : i32 to vector<16xi32>
      %add3A_132 = arith.addi %mul3A_129, %add3A_131 : vector<16xi32>
      tpu.vector_store_idx %arg13[%add3A_132], %sub3A_118 : memref<6144xf32, #tpu.memory_space<vmem>>[vector<16xi32>], vector<16xf32>,
      %add3A_133 = arith.constant 2 : i32
      %add3A_134 = vector.broadcast %add3A_133 : i32 to vector<16xi32>
      %add3A_135 = arith.addi %mul3A_129, %add3A_134 : vector<16xi32>
      tpu.vector_store_idx %arg13[%add3A_135], %sub3A_120 : memref<6144xf32, #tpu.memory_space<vmem>>[vector<16xi32>], vector<16xf32>,
      %mul3A_136 = arith.constant 1024 : i32
      %mul3A_137 = arith.muli %select_n3A, %mul3A_136 : i32
      %add3A_138 = vector.broadcast %mul3A_137 : i32 to vector<16xi32>
      %add3A_139 = arith.addi %select_n3A_114, %add3A_138 : vector<16xi32>
      %mul3A_140 = arith.constant 32 : i32
      %mul3A_141 = arith.muli %scan3A_57, %mul3A_140 : i32
      %add3A_142 = arith.constant 16 : i32
      %add3A_143 = arith.addi %mul3A_141, %add3A_142 : i32
      %swap3A_144 = arith.index_cast %add3A_143 : i32 to index
      %swap3A_145 = tpu.vector_load %arg14[%swap3A_144] {strides = array<i32>} : memref<2048xi32, #tpu.memory_space<vmem>>, vector<16xi32>,
      tpu.vector_store %arg14[%swap3A_144], %add3A_139 {strides = array<i32>} : memref<2048xi32, #tpu.memory_space<vmem>>, vector<16xi32>,
    }
    %scan3A_50 = arith.constant 64 : i32
    %mul3A_51 = arith.constant 32 : i32
    %mul3A_52 = arith.muli %mul3A_2, %mul3A_51 : i32
    %mul3A_53 = arith.constant 3 : i32
    %mul3A_54 = arith.muli %mul3A_52, %mul3A_53 : i32
    "tpu.region"() ({
      %run_scoped3A = tpu.sem_alloc : memref<!tpu.dma_semaphore, #tpu.memory_space<semaphore_mem>>
      %dma_start3A = tpu.memref_slice %arg3[%mul3A_54] : memref<196608xf32, #tpu.memory_space<hbm>> -> memref<6144xf32, #tpu.memory_space<hbm>>
      %dma_start3A_57 = tpu.memref_slice %arg3[%mul3A_54] : memref<196608xf32, #tpu.memory_space<hbm>> -> memref<6144xf32, #tpu.memory_space<hbm>>
      tpu.enqueue_dma source(%arg13 : memref<6144xf32, #tpu.memory_space<vmem>>) target(%dma_start3A_57 : memref<6144xf32, #tpu.memory_space<hbm>>) target_semaphore(%run_scoped3A : memref<!tpu.dma_semaphore, #tpu.memory_space<semaphore_mem>>)
      %dma_wait3A = tpu.memref_slice %arg3[%mul3A_54] : memref<196608xf32, #tpu.memory_space<hbm>> -> memref<6144xf32, #tpu.memory_space<hbm>>
      %dma_wait3A_58 = tpu.memref_slice %arg3[%mul3A_54] : memref<196608xf32, #tpu.memory_space<hbm>> -> memref<6144xf32, #tpu.memory_space<hbm>>
      tpu.wait_dma2 semaphore(%run_scoped3A : memref<!tpu.dma_semaphore, #tpu.memory_space<semaphore_mem>>) src(%arg13 : memref<6144xf32, #tpu.memory_space<vmem>>) dst(%dma_wait3A_58 : memref<6144xf32, #tpu.memory_space<hbm>>)
      tpu.yield
    }) : () -> ()
    %mul3A_55 = arith.constant 32 : i32
    %mul3A_56 = arith.muli %mul3A_2, %mul3A_55 : i32
    "tpu.region"() ({
      %run_scoped3A = tpu.sem_alloc : memref<!tpu.dma_semaphore, #tpu.memory_space<semaphore_mem>>
      %dma_start3A = tpu.memref_slice %arg4[%mul3A_56] : memref<65536xi32, #tpu.memory_space<hbm>> -> memref<2048xi32, #tpu.memory_space<hbm>>
      %dma_start3A_57 = tpu.memref_slice %arg4[%mul3A_56] : memref<65536xi32, #tpu.memory_space<hbm>> -> memref<2048xi32, #tpu.memory_space<hbm>>
      tpu.enqueue_dma source(%arg14 : memref<2048xi32, #tpu.memory_space<vmem>>) target(%dma_start3A_57 : memref<2048xi32, #tpu.memory_space<hbm>>) target_semaphore(%run_scoped3A : memref<!tpu.dma_semaphore, #tpu.memory_space<semaphore_mem>>)
      %dma_wait3A = tpu.memref_slice %arg4[%mul3A_56] : memref<65536xi32, #tpu.memory_space<hbm>> -> memref<2048xi32, #tpu.memory_space<hbm>>
      %dma_wait3A_58 = tpu.memref_slice %arg4[%mul3A_56] : memref<65536xi32, #tpu.memory_space<hbm>> -> memref<2048xi32, #tpu.memory_space<hbm>>
      tpu.wait_dma2 semaphore(%run_scoped3A : memref<!tpu.dma_semaphore, #tpu.memory_space<semaphore_mem>>) src(%arg14 : memref<2048xi32, #tpu.memory_space<vmem>>) dst(%dma_wait3A_58 : memref<2048xi32, #tpu.memory_space<hbm>>)
      tpu.yield
    }) : () -> ()
    return
  }
}

#map = affine_map<(d0, d1) -> (0)>
module attributes {stable_mosaic.version = 14 : i64} {
  func.func @kern(%arg0: i32, %arg1: i32, %arg2: memref<98304xf32, #tpu.memory_space<hbm>>, %arg3: memref<786432xf32, #tpu.memory_space<hbm>>, %arg4: memref<262144xi32, #tpu.memory_space<hbm>>, %arg5: memref<4096xf32, #tpu.memory_space<vmem>>, %arg6: memref<4096xf32, #tpu.memory_space<vmem>>, %arg7: memref<4096xf32, #tpu.memory_space<vmem>>, %arg8: memref<4096xf32, #tpu.memory_space<vmem>>, %arg9: memref<4096xf32, #tpu.memory_space<vmem>>, %arg10: memref<4096xf32, #tpu.memory_space<vmem>>, %arg11: memref<4096xf32, #tpu.memory_space<vmem>>, %arg12: memref<112xi32, #tpu.memory_space<vmem>>, %arg13: memref<24576xf32, #tpu.memory_space<vmem>>, %arg14: memref<8192xi32, #tpu.memory_space<vmem>>) attributes {dimension_semantics = [#tpu.dimension_semantics<core_parallel>, #tpu.dimension_semantics<subcore_parallel>], iteration_bounds = array<i64: 2, 16>, scalar_prefetch = 0 : i64, scratch_operands = 10 : i64, tpu.core_type = #tpu.core_type<sc_vector_subcore>, window_params = [{transform_indices = #map}, {transform_indices = #map}, {transform_indices = #map}]} {
    %mul3A = arith.constant 2 : i32
    %mul3A_0 = arith.muli %arg1, %mul3A : i32
    %add3A = arith.addi %mul3A_0, %arg0 : i32
    %mul3A_1 = arith.constant 256 : i32
    %mul3A_2 = arith.muli %add3A, %mul3A_1 : i32
    %jit3A = arith.constant 1024 : i32
    %div3A = arith.divsi %mul3A_2, %jit3A : i32
    %sign3A = arith.constant 0 : i32
    %sign3A_3 = arith.cmpi sgt, %mul3A_2, %sign3A : i32
    %sign3A_4 = arith.extui %sign3A_3 : i1 to i32
    %sign3A_5 = arith.constant 0 : i32
    %sign3A_6 = arith.cmpi slt, %mul3A_2, %sign3A_5 : i32
    %sign3A_7 = arith.extui %sign3A_6 : i1 to i32
    %sign3A_8 = arith.subi %sign3A_4, %sign3A_7 : i32
    %sign3A_9 = arith.constant 0 : i32
    %sign3A_10 = arith.cmpi sgt, %jit3A, %sign3A_9 : i32
    %sign3A_11 = arith.extui %sign3A_10 : i1 to i32
    %sign3A_12 = arith.constant 0 : i32
    %sign3A_13 = arith.cmpi slt, %jit3A, %sign3A_12 : i32
    %sign3A_14 = arith.extui %sign3A_13 : i1 to i32
    %sign3A_15 = arith.subi %sign3A_11, %sign3A_14 : i32
    %ne3A = arith.cmpi ne, %sign3A_8, %sign3A_15 : i32
    %rem3A = arith.remsi %mul3A_2, %jit3A : i32
    %ne3A_16 = arith.constant 0 : i32
    %ne3A_17 = arith.cmpi ne, %rem3A, %ne3A_16 : i32
    %and3A = arith.andi %ne3A, %ne3A_17 : i1
    %sub3A = arith.constant 1 : i32
    %sub3A_18 = arith.subi %div3A, %sub3A : i32
    %select_n3A = arith.select %and3A, %sub3A_18, %div3A : i32
    %mul3A_19 = arith.constant 1024 : i32
    %mul3A_20 = arith.muli %select_n3A, %mul3A_19 : i32
    %sub3A_21 = arith.subi %mul3A_2, %mul3A_20 : i32
    %mul3A_22 = arith.constant 3 : i32
    %mul3A_23 = arith.muli %select_n3A, %mul3A_22 : i32
    %add3A_24 = arith.constant 0 : i32
    %add3A_25 = arith.addi %mul3A_23, %add3A_24 : i32
    %mul3A_26 = arith.constant 4096 : i32
    %mul3A_27 = arith.muli %add3A_25, %mul3A_26 : i32
    "tpu.region"() ({
      %run_scoped3A = tpu.sem_alloc : memref<!tpu.dma_semaphore, #tpu.memory_space<semaphore_mem>>
      %dma_start3A = tpu.memref_slice %arg2[%mul3A_27] : memref<98304xf32, #tpu.memory_space<hbm>> -> memref<4096xf32, #tpu.memory_space<hbm>>
      %dma_start3A_57 = tpu.memref_slice %arg2[%mul3A_27] : memref<98304xf32, #tpu.memory_space<hbm>> -> memref<4096xf32, #tpu.memory_space<hbm>>
      tpu.enqueue_dma source(%dma_start3A_57 : memref<4096xf32, #tpu.memory_space<hbm>>) target(%arg5 : memref<4096xf32, #tpu.memory_space<vmem>>) target_semaphore(%run_scoped3A : memref<!tpu.dma_semaphore, #tpu.memory_space<semaphore_mem>>)
      %dma_wait3A = tpu.memref_slice %arg2[%mul3A_27] : memref<98304xf32, #tpu.memory_space<hbm>> -> memref<4096xf32, #tpu.memory_space<hbm>>
      %dma_wait3A_58 = tpu.memref_slice %arg2[%mul3A_27] : memref<98304xf32, #tpu.memory_space<hbm>> -> memref<4096xf32, #tpu.memory_space<hbm>>
      tpu.wait_dma2 semaphore(%run_scoped3A : memref<!tpu.dma_semaphore, #tpu.memory_space<semaphore_mem>>) src(%dma_wait3A_58 : memref<4096xf32, #tpu.memory_space<hbm>>) dst(%arg5 : memref<4096xf32, #tpu.memory_space<vmem>>)
      tpu.yield
    }) : () -> ()
    %mul3A_28 = arith.constant 3 : i32
    %mul3A_29 = arith.muli %select_n3A, %mul3A_28 : i32
    %add3A_30 = arith.constant 1 : i32
    %add3A_31 = arith.addi %mul3A_29, %add3A_30 : i32
    %mul3A_32 = arith.constant 4096 : i32
    %mul3A_33 = arith.muli %add3A_31, %mul3A_32 : i32
    "tpu.region"() ({
      %run_scoped3A = tpu.sem_alloc : memref<!tpu.dma_semaphore, #tpu.memory_space<semaphore_mem>>
      %dma_start3A = tpu.memref_slice %arg2[%mul3A_33] : memref<98304xf32, #tpu.memory_space<hbm>> -> memref<4096xf32, #tpu.memory_space<hbm>>
      %dma_start3A_57 = tpu.memref_slice %arg2[%mul3A_33] : memref<98304xf32, #tpu.memory_space<hbm>> -> memref<4096xf32, #tpu.memory_space<hbm>>
      tpu.enqueue_dma source(%dma_start3A_57 : memref<4096xf32, #tpu.memory_space<hbm>>) target(%arg6 : memref<4096xf32, #tpu.memory_space<vmem>>) target_semaphore(%run_scoped3A : memref<!tpu.dma_semaphore, #tpu.memory_space<semaphore_mem>>)
      %dma_wait3A = tpu.memref_slice %arg2[%mul3A_33] : memref<98304xf32, #tpu.memory_space<hbm>> -> memref<4096xf32, #tpu.memory_space<hbm>>
      %dma_wait3A_58 = tpu.memref_slice %arg2[%mul3A_33] : memref<98304xf32, #tpu.memory_space<hbm>> -> memref<4096xf32, #tpu.memory_space<hbm>>
      tpu.wait_dma2 semaphore(%run_scoped3A : memref<!tpu.dma_semaphore, #tpu.memory_space<semaphore_mem>>) src(%dma_wait3A_58 : memref<4096xf32, #tpu.memory_space<hbm>>) dst(%arg6 : memref<4096xf32, #tpu.memory_space<vmem>>)
      tpu.yield
    }) : () -> ()
    %mul3A_34 = arith.constant 3 : i32
    %mul3A_35 = arith.muli %select_n3A, %mul3A_34 : i32
    %add3A_36 = arith.constant 2 : i32
    %add3A_37 = arith.addi %mul3A_35, %add3A_36 : i32
    %mul3A_38 = arith.constant 4096 : i32
    %mul3A_39 = arith.muli %add3A_37, %mul3A_38 : i32
    "tpu.region"() ({
      %run_scoped3A = tpu.sem_alloc : memref<!tpu.dma_semaphore, #tpu.memory_space<semaphore_mem>>
      %dma_start3A = tpu.memref_slice %arg2[%mul3A_39] : memref<98304xf32, #tpu.memory_space<hbm>> -> memref<4096xf32, #tpu.memory_space<hbm>>
      %dma_start3A_57 = tpu.memref_slice %arg2[%mul3A_39] : memref<98304xf32, #tpu.memory_space<hbm>> -> memref<4096xf32, #tpu.memory_space<hbm>>
      tpu.enqueue_dma source(%dma_start3A_57 : memref<4096xf32, #tpu.memory_space<hbm>>) target(%arg7 : memref<4096xf32, #tpu.memory_space<vmem>>) target_semaphore(%run_scoped3A : memref<!tpu.dma_semaphore, #tpu.memory_space<semaphore_mem>>)
      %dma_wait3A = tpu.memref_slice %arg2[%mul3A_39] : memref<98304xf32, #tpu.memory_space<hbm>> -> memref<4096xf32, #tpu.memory_space<hbm>>
      %dma_wait3A_58 = tpu.memref_slice %arg2[%mul3A_39] : memref<98304xf32, #tpu.memory_space<hbm>> -> memref<4096xf32, #tpu.memory_space<hbm>>
      tpu.wait_dma2 semaphore(%run_scoped3A : memref<!tpu.dma_semaphore, #tpu.memory_space<semaphore_mem>>) src(%dma_wait3A_58 : memref<4096xf32, #tpu.memory_space<hbm>>) dst(%arg7 : memref<4096xf32, #tpu.memory_space<vmem>>)
      tpu.yield
    }) : () -> ()
    %scan3A = arith.constant 0 : i32
    %scan3A_40 = arith.constant 0 : i32
    %scan3A_41 = arith.constant 256 : i32
    %scan3A_42 = arith.addi %scan3A_40, %scan3A_41 : i32
    %scan3A_43 = arith.constant 1 : i32
    scf.for %scan3A_57 = %scan3A_40 to %scan3A_42 step %scan3A_43  : i32 {
      %mul3A_58 = arith.constant 16 : i32
      %mul3A_59 = arith.muli %scan3A_57, %mul3A_58 : i32
      %get3A = arith.index_cast %mul3A_59 : i32 to index
      %get3A_60 = tpu.vector_load %arg5[%get3A] {strides = array<i32>} : memref<4096xf32, #tpu.memory_space<vmem>>, vector<16xf32>,
      %get3A_61 = arith.index_cast %mul3A_59 : i32 to index
      %get3A_62 = tpu.vector_load %arg6[%get3A_61] {strides = array<i32>} : memref<4096xf32, #tpu.memory_space<vmem>>, vector<16xf32>,
      %get3A_63 = arith.index_cast %mul3A_59 : i32 to index
      %get3A_64 = tpu.vector_load %arg7[%get3A_63] {strides = array<i32>} : memref<4096xf32, #tpu.memory_space<vmem>>, vector<16xf32>,
      %mul3A_65 = arith.mulf %get3A_60, %get3A_60 : vector<16xf32>
      %mul3A_66 = arith.mulf %get3A_62, %get3A_62 : vector<16xf32>
      %add3A_67 = arith.addf %mul3A_65, %mul3A_66 : vector<16xf32>
      %mul3A_68 = arith.mulf %get3A_64, %get3A_64 : vector<16xf32>
      %add3A_69 = arith.addf %add3A_67, %mul3A_68 : vector<16xf32>
      %swap3A = arith.index_cast %mul3A_59 : i32 to index
      %swap3A_70 = tpu.vector_load %arg8[%swap3A] {strides = array<i32>} : memref<4096xf32, #tpu.memory_space<vmem>>, vector<16xf32>,
      tpu.vector_store %arg8[%swap3A], %add3A_69 {strides = array<i32>} : memref<4096xf32, #tpu.memory_space<vmem>>, vector<16xf32>,
      %bitcast3A = vector.bitcast %get3A_60 : vector<16xf32> to vector<16xi32>
      %add3A_71 = arith.constant 32767 : i32
      %add3A_72 = vector.broadcast %add3A_71 : i32 to vector<16xi32>
      %add3A_73 = arith.addi %bitcast3A, %add3A_72 : vector<16xi32>
      %shift_right_logical3A = arith.constant 16 : i32
      %shift_right_logical3A_74 = vector.broadcast %shift_right_logical3A : i32 to vector<16xi32>
      %shift_right_logical3A_75 = arith.shrui %bitcast3A, %shift_right_logical3A_74 : vector<16xi32>
      %and3A_76 = arith.constant 1 : i32
      %and3A_77 = vector.broadcast %and3A_76 : i32 to vector<16xi32>
      %and3A_78 = arith.andi %shift_right_logical3A_75, %and3A_77 : vector<16xi32>
      %add3A_79 = arith.addi %add3A_73, %and3A_78 : vector<16xi32>
      %and3A_80 = arith.constant -65536 : i32
      %and3A_81 = vector.broadcast %and3A_80 : i32 to vector<16xi32>
      %and3A_82 = arith.andi %add3A_79, %and3A_81 : vector<16xi32>
      %bitcast3A_83 = vector.bitcast %and3A_82 : vector<16xi32> to vector<16xf32>
      %swap3A_84 = arith.index_cast %mul3A_59 : i32 to index
      %swap3A_85 = tpu.vector_load %arg9[%swap3A_84] {strides = array<i32>} : memref<4096xf32, #tpu.memory_space<vmem>>, vector<16xf32>,
      tpu.vector_store %arg9[%swap3A_84], %bitcast3A_83 {strides = array<i32>} : memref<4096xf32, #tpu.memory_space<vmem>>, vector<16xf32>,
      %bitcast3A_86 = vector.bitcast %get3A_62 : vector<16xf32> to vector<16xi32>
      %add3A_87 = arith.constant 32767 : i32
      %add3A_88 = vector.broadcast %add3A_87 : i32 to vector<16xi32>
      %add3A_89 = arith.addi %bitcast3A_86, %add3A_88 : vector<16xi32>
      %shift_right_logical3A_90 = arith.constant 16 : i32
      %shift_right_logical3A_91 = vector.broadcast %shift_right_logical3A_90 : i32 to vector<16xi32>
      %shift_right_logical3A_92 = arith.shrui %bitcast3A_86, %shift_right_logical3A_91 : vector<16xi32>
      %and3A_93 = arith.constant 1 : i32
      %and3A_94 = vector.broadcast %and3A_93 : i32 to vector<16xi32>
      %and3A_95 = arith.andi %shift_right_logical3A_92, %and3A_94 : vector<16xi32>
      %add3A_96 = arith.addi %add3A_89, %and3A_95 : vector<16xi32>
      %and3A_97 = arith.constant -65536 : i32
      %and3A_98 = vector.broadcast %and3A_97 : i32 to vector<16xi32>
      %and3A_99 = arith.andi %add3A_96, %and3A_98 : vector<16xi32>
      %bitcast3A_100 = vector.bitcast %and3A_99 : vector<16xi32> to vector<16xf32>
      %swap3A_101 = arith.index_cast %mul3A_59 : i32 to index
      %swap3A_102 = tpu.vector_load %arg10[%swap3A_101] {strides = array<i32>} : memref<4096xf32, #tpu.memory_space<vmem>>, vector<16xf32>,
      tpu.vector_store %arg10[%swap3A_101], %bitcast3A_100 {strides = array<i32>} : memref<4096xf32, #tpu.memory_space<vmem>>, vector<16xf32>,
      %bitcast3A_103 = vector.bitcast %get3A_64 : vector<16xf32> to vector<16xi32>
      %add3A_104 = arith.constant 32767 : i32
      %add3A_105 = vector.broadcast %add3A_104 : i32 to vector<16xi32>
      %add3A_106 = arith.addi %bitcast3A_103, %add3A_105 : vector<16xi32>
      %shift_right_logical3A_107 = arith.constant 16 : i32
      %shift_right_logical3A_108 = vector.broadcast %shift_right_logical3A_107 : i32 to vector<16xi32>
      %shift_right_logical3A_109 = arith.shrui %bitcast3A_103, %shift_right_logical3A_108 : vector<16xi32>
      %and3A_110 = arith.constant 1 : i32
      %and3A_111 = vector.broadcast %and3A_110 : i32 to vector<16xi32>
      %and3A_112 = arith.andi %shift_right_logical3A_109, %and3A_111 : vector<16xi32>
      %add3A_113 = arith.addi %add3A_106, %and3A_112 : vector<16xi32>
      %and3A_114 = arith.constant -65536 : i32
      %and3A_115 = vector.broadcast %and3A_114 : i32 to vector<16xi32>
      %and3A_116 = arith.andi %add3A_113, %and3A_115 : vector<16xi32>
      %bitcast3A_117 = vector.bitcast %and3A_116 : vector<16xi32> to vector<16xf32>
      %swap3A_118 = arith.index_cast %mul3A_59 : i32 to index
      %swap3A_119 = tpu.vector_load %arg11[%swap3A_118] {strides = array<i32>} : memref<4096xf32, #tpu.memory_space<vmem>>, vector<16xf32>,
      tpu.vector_store %arg11[%swap3A_118], %bitcast3A_117 {strides = array<i32>} : memref<4096xf32, #tpu.memory_space<vmem>>, vector<16xf32>,
    }
    %scan3A_44 = arith.constant 256 : i32
    %iota3A = tpu.iota {dimensions = array<i32: 0>} : vector<16xi32>
    %scan3A_45 = arith.constant 0 : i32
    %scan3A_46 = arith.constant 0 : i32
    %scan3A_47 = arith.constant 256 : i32
    %scan3A_48 = arith.addi %scan3A_46, %scan3A_47 : i32
    %scan3A_49 = arith.constant 1 : i32
    scf.for %scan3A_57 = %scan3A_46 to %scan3A_48 step %scan3A_49  : i32 {
      %add3A_58 = arith.addi %sub3A_21, %scan3A_57 : i32
      %broadcast_in_dim3A = vector.broadcast %add3A_58 : i32 to vector<16xi32>
      %gather3A = tpu.vector_load_idx %arg5[%broadcast_in_dim3A] : memref<4096xf32, #tpu.memory_space<vmem>>[vector<16xi32>], vector<16xf32>,
      %gather3A_59 = tpu.vector_load_idx %arg6[%broadcast_in_dim3A] : memref<4096xf32, #tpu.memory_space<vmem>>[vector<16xi32>], vector<16xf32>,
      %gather3A_60 = tpu.vector_load_idx %arg7[%broadcast_in_dim3A] : memref<4096xf32, #tpu.memory_space<vmem>>[vector<16xi32>], vector<16xf32>,
      %gather3A_61 = tpu.vector_load_idx %arg8[%broadcast_in_dim3A] : memref<4096xf32, #tpu.memory_space<vmem>>[vector<16xi32>], vector<16xf32>,
      %gather3A_62 = tpu.vector_load_idx %arg9[%broadcast_in_dim3A] : memref<4096xf32, #tpu.memory_space<vmem>>[vector<16xi32>], vector<16xf32>,
      %gather3A_63 = tpu.vector_load_idx %arg10[%broadcast_in_dim3A] : memref<4096xf32, #tpu.memory_space<vmem>>[vector<16xi32>], vector<16xf32>,
      %gather3A_64 = tpu.vector_load_idx %arg11[%broadcast_in_dim3A] : memref<4096xf32, #tpu.memory_space<vmem>>[vector<16xi32>], vector<16xf32>,
      %while3A = arith.constant 0 : i32
      %while3A_65 = arith.constant 0 : i32
      %while3A_66:2 = scf.while (%while3A_146 = %while3A, %while3A_147 = %while3A_65) : (i32, i32) -> (i32, i32) {
        %lt3A_148 = arith.constant 256 : i32
        %lt3A_149 = arith.cmpi slt, %while3A_146, %lt3A_148 : i32
        %lt3A_150 = arith.constant 32 : i32
        %lt3A_151 = arith.cmpi slt, %while3A_147, %lt3A_150 : i32
        %and3A_152 = arith.andi %lt3A_149, %lt3A_151 : i1
        scf.condition(%and3A_152) %while3A_146, %while3A_147 : i32, i32
      } do {
      ^bb0(%while3A_146: i32, %while3A_147: i32):
        %add3A_148 = arith.constant 0 : i32
        %add3A_149 = arith.addi %while3A_146, %add3A_148 : i32
        %mul3A_150 = arith.constant 16 : i32
        %mul3A_151 = arith.muli %add3A_149, %mul3A_150 : i32
        %get3A_152 = arith.index_cast %mul3A_151 : i32 to index
        %get3A_153 = tpu.vector_load %arg8[%get3A_152] {strides = array<i32>} : memref<4096xf32, #tpu.memory_space<vmem>>, vector<16xf32>,
        %add3A_154 = arith.addf %gather3A_61, %get3A_153 : vector<16xf32>
        %get3A_155 = arith.index_cast %mul3A_151 : i32 to index
        %get3A_156 = tpu.vector_load %arg9[%get3A_155] {strides = array<i32>} : memref<4096xf32, #tpu.memory_space<vmem>>, vector<16xf32>,
        %mul3A_157 = arith.mulf %gather3A_62, %get3A_156 : vector<16xf32>
        %get3A_158 = arith.index_cast %mul3A_151 : i32 to index
        %get3A_159 = tpu.vector_load %arg10[%get3A_158] {strides = array<i32>} : memref<4096xf32, #tpu.memory_space<vmem>>, vector<16xf32>,
        %mul3A_160 = arith.mulf %gather3A_63, %get3A_159 : vector<16xf32>
        %add3A_161 = arith.addf %mul3A_157, %mul3A_160 : vector<16xf32>
        %get3A_162 = arith.index_cast %mul3A_151 : i32 to index
        %get3A_163 = tpu.vector_load %arg11[%get3A_162] {strides = array<i32>} : memref<4096xf32, #tpu.memory_space<vmem>>, vector<16xf32>,
        %mul3A_164 = arith.mulf %gather3A_64, %get3A_163 : vector<16xf32>
        %add3A_165 = arith.addf %add3A_161, %mul3A_164 : vector<16xf32>
        %mul3A_166 = arith.constant 2.000000e+00 : f32
        %mul3A_167 = vector.broadcast %mul3A_166 : f32 to vector<16xf32>
        %mul3A_168 = arith.mulf %mul3A_167, %add3A_165 : vector<16xf32>
        %sub3A_169 = arith.subf %add3A_154, %mul3A_168 : vector<16xf32>
        %lt3A_170 = arith.constant 9.000000e-02 : f32
        %lt3A_171 = vector.broadcast %lt3A_170 : f32 to vector<16xf32>
        %lt3A_172 = arith.cmpf olt, %sub3A_169, %lt3A_171 : vector<16xf32>
        %add3A_173 = arith.constant 0 : i32
        %add3A_174 = arith.addi %while3A_146, %add3A_173 : i32
        %mul3A_175 = arith.constant 16 : i32
        %mul3A_176 = arith.muli %add3A_174, %mul3A_175 : i32
        %add3A_177 = vector.broadcast %mul3A_176 : i32 to vector<16xi32>
        %add3A_178 = arith.addi %add3A_177, %iota3A : vector<16xi32>
        %swap3A_179 = arith.index_cast %while3A_147 : i32 to index
        %swap3A_180 = tpu.vector_load %arg12[%swap3A_179] masked %lt3A_172 {strides = array<i32>} : memref<112xi32, #tpu.memory_space<vmem>>, vector<16xi32>, vector<16xi1>
        tpu.vector_store %arg12[%swap3A_179], %add3A_178 masked %lt3A_172 {strides = array<i32>} : memref<112xi32, #tpu.memory_space<vmem>>, vector<16xi32>, vector<16xi1>
        %convert_element_type3A = arith.extui %lt3A_172 : vector<16xi1> to vector<16xi32>
        %reduce_sum3A = arith.constant true
        %reduce_sum3A_181 = vector.broadcast %reduce_sum3A : i1 to vector<16xi1>
        %reduce_sum3A_182 = tpu.scan <sum>, %convert_element_type3A masked %reduce_sum3A_181 : vector<16xi32>, vector<16xi1> -> vector<16xi32>
        %reduce_sum3A_183 = vector.extract %reduce_sum3A_182[15] : i32 from vector<16xi32>
        %add3A_184 = arith.addi %while3A_147, %reduce_sum3A_183 : i32
        %add3A_185 = arith.constant 1 : i32
        %add3A_186 = arith.addi %while3A_146, %add3A_185 : i32
        %mul3A_187 = arith.constant 16 : i32
        %mul3A_188 = arith.muli %add3A_186, %mul3A_187 : i32
        %get3A_189 = arith.index_cast %mul3A_188 : i32 to index
        %get3A_190 = tpu.vector_load %arg8[%get3A_189] {strides = array<i32>} : memref<4096xf32, #tpu.memory_space<vmem>>, vector<16xf32>,
        %add3A_191 = arith.addf %gather3A_61, %get3A_190 : vector<16xf32>
        %get3A_192 = arith.index_cast %mul3A_188 : i32 to index
        %get3A_193 = tpu.vector_load %arg9[%get3A_192] {strides = array<i32>} : memref<4096xf32, #tpu.memory_space<vmem>>, vector<16xf32>,
        %mul3A_194 = arith.mulf %gather3A_62, %get3A_193 : vector<16xf32>
        %get3A_195 = arith.index_cast %mul3A_188 : i32 to index
        %get3A_196 = tpu.vector_load %arg10[%get3A_195] {strides = array<i32>} : memref<4096xf32, #tpu.memory_space<vmem>>, vector<16xf32>,
        %mul3A_197 = arith.mulf %gather3A_63, %get3A_196 : vector<16xf32>
        %add3A_198 = arith.addf %mul3A_194, %mul3A_197 : vector<16xf32>
        %get3A_199 = arith.index_cast %mul3A_188 : i32 to index
        %get3A_200 = tpu.vector_load %arg11[%get3A_199] {strides = array<i32>} : memref<4096xf32, #tpu.memory_space<vmem>>, vector<16xf32>,
        %mul3A_201 = arith.mulf %gather3A_64, %get3A_200 : vector<16xf32>
        %add3A_202 = arith.addf %add3A_198, %mul3A_201 : vector<16xf32>
        %mul3A_203 = arith.constant 2.000000e+00 : f32
        %mul3A_204 = vector.broadcast %mul3A_203 : f32 to vector<16xf32>
        %mul3A_205 = arith.mulf %mul3A_204, %add3A_202 : vector<16xf32>
        %sub3A_206 = arith.subf %add3A_191, %mul3A_205 : vector<16xf32>
        %lt3A_207 = arith.constant 9.000000e-02 : f32
        %lt3A_208 = vector.broadcast %lt3A_207 : f32 to vector<16xf32>
        %lt3A_209 = arith.cmpf olt, %sub3A_206, %lt3A_208 : vector<16xf32>
        %add3A_210 = arith.constant 1 : i32
        %add3A_211 = arith.addi %while3A_146, %add3A_210 : i32
        %mul3A_212 = arith.constant 16 : i32
        %mul3A_213 = arith.muli %add3A_211, %mul3A_212 : i32
        %add3A_214 = vector.broadcast %mul3A_213 : i32 to vector<16xi32>
        %add3A_215 = arith.addi %add3A_214, %iota3A : vector<16xi32>
        %swap3A_216 = arith.index_cast %add3A_184 : i32 to index
        %swap3A_217 = tpu.vector_load %arg12[%swap3A_216] masked %lt3A_209 {strides = array<i32>} : memref<112xi32, #tpu.memory_space<vmem>>, vector<16xi32>, vector<16xi1>
        tpu.vector_store %arg12[%swap3A_216], %add3A_215 masked %lt3A_209 {strides = array<i32>} : memref<112xi32, #tpu.memory_space<vmem>>, vector<16xi32>, vector<16xi1>
        %convert_element_type3A_218 = arith.extui %lt3A_209 : vector<16xi1> to vector<16xi32>
        %reduce_sum3A_219 = arith.constant true
        %reduce_sum3A_220 = vector.broadcast %reduce_sum3A_219 : i1 to vector<16xi1>
        %reduce_sum3A_221 = tpu.scan <sum>, %convert_element_type3A_218 masked %reduce_sum3A_220 : vector<16xi32>, vector<16xi1> -> vector<16xi32>
        %reduce_sum3A_222 = vector.extract %reduce_sum3A_221[15] : i32 from vector<16xi32>
        %add3A_223 = arith.addi %add3A_184, %reduce_sum3A_222 : i32
        %add3A_224 = arith.constant 2 : i32
        %add3A_225 = arith.addi %while3A_146, %add3A_224 : i32
        %mul3A_226 = arith.constant 16 : i32
        %mul3A_227 = arith.muli %add3A_225, %mul3A_226 : i32
        %get3A_228 = arith.index_cast %mul3A_227 : i32 to index
        %get3A_229 = tpu.vector_load %arg8[%get3A_228] {strides = array<i32>} : memref<4096xf32, #tpu.memory_space<vmem>>, vector<16xf32>,
        %add3A_230 = arith.addf %gather3A_61, %get3A_229 : vector<16xf32>
        %get3A_231 = arith.index_cast %mul3A_227 : i32 to index
        %get3A_232 = tpu.vector_load %arg9[%get3A_231] {strides = array<i32>} : memref<4096xf32, #tpu.memory_space<vmem>>, vector<16xf32>,
        %mul3A_233 = arith.mulf %gather3A_62, %get3A_232 : vector<16xf32>
        %get3A_234 = arith.index_cast %mul3A_227 : i32 to index
        %get3A_235 = tpu.vector_load %arg10[%get3A_234] {strides = array<i32>} : memref<4096xf32, #tpu.memory_space<vmem>>, vector<16xf32>,
        %mul3A_236 = arith.mulf %gather3A_63, %get3A_235 : vector<16xf32>
        %add3A_237 = arith.addf %mul3A_233, %mul3A_236 : vector<16xf32>
        %get3A_238 = arith.index_cast %mul3A_227 : i32 to index
        %get3A_239 = tpu.vector_load %arg11[%get3A_238] {strides = array<i32>} : memref<4096xf32, #tpu.memory_space<vmem>>, vector<16xf32>,
        %mul3A_240 = arith.mulf %gather3A_64, %get3A_239 : vector<16xf32>
        %add3A_241 = arith.addf %add3A_237, %mul3A_240 : vector<16xf32>
        %mul3A_242 = arith.constant 2.000000e+00 : f32
        %mul3A_243 = vector.broadcast %mul3A_242 : f32 to vector<16xf32>
        %mul3A_244 = arith.mulf %mul3A_243, %add3A_241 : vector<16xf32>
        %sub3A_245 = arith.subf %add3A_230, %mul3A_244 : vector<16xf32>
        %lt3A_246 = arith.constant 9.000000e-02 : f32
        %lt3A_247 = vector.broadcast %lt3A_246 : f32 to vector<16xf32>
        %lt3A_248 = arith.cmpf olt, %sub3A_245, %lt3A_247 : vector<16xf32>
        %add3A_249 = arith.constant 2 : i32
        %add3A_250 = arith.addi %while3A_146, %add3A_249 : i32
        %mul3A_251 = arith.constant 16 : i32
        %mul3A_252 = arith.muli %add3A_250, %mul3A_251 : i32
        %add3A_253 = vector.broadcast %mul3A_252 : i32 to vector<16xi32>
        %add3A_254 = arith.addi %add3A_253, %iota3A : vector<16xi32>
        %swap3A_255 = arith.index_cast %add3A_223 : i32 to index
        %swap3A_256 = tpu.vector_load %arg12[%swap3A_255] masked %lt3A_248 {strides = array<i32>} : memref<112xi32, #tpu.memory_space<vmem>>, vector<16xi32>, vector<16xi1>
        tpu.vector_store %arg12[%swap3A_255], %add3A_254 masked %lt3A_248 {strides = array<i32>} : memref<112xi32, #tpu.memory_space<vmem>>, vector<16xi32>, vector<16xi1>
        %convert_element_type3A_257 = arith.extui %lt3A_248 : vector<16xi1> to vector<16xi32>
        %reduce_sum3A_258 = arith.constant true
        %reduce_sum3A_259 = vector.broadcast %reduce_sum3A_258 : i1 to vector<16xi1>
        %reduce_sum3A_260 = tpu.scan <sum>, %convert_element_type3A_257 masked %reduce_sum3A_259 : vector<16xi32>, vector<16xi1> -> vector<16xi32>
        %reduce_sum3A_261 = vector.extract %reduce_sum3A_260[15] : i32 from vector<16xi32>
        %add3A_262 = arith.addi %add3A_223, %reduce_sum3A_261 : i32
        %add3A_263 = arith.constant 3 : i32
        %add3A_264 = arith.addi %while3A_146, %add3A_263 : i32
        %mul3A_265 = arith.constant 16 : i32
        %mul3A_266 = arith.muli %add3A_264, %mul3A_265 : i32
        %get3A_267 = arith.index_cast %mul3A_266 : i32 to index
        %get3A_268 = tpu.vector_load %arg8[%get3A_267] {strides = array<i32>} : memref<4096xf32, #tpu.memory_space<vmem>>, vector<16xf32>,
        %add3A_269 = arith.addf %gather3A_61, %get3A_268 : vector<16xf32>
        %get3A_270 = arith.index_cast %mul3A_266 : i32 to index
        %get3A_271 = tpu.vector_load %arg9[%get3A_270] {strides = array<i32>} : memref<4096xf32, #tpu.memory_space<vmem>>, vector<16xf32>,
        %mul3A_272 = arith.mulf %gather3A_62, %get3A_271 : vector<16xf32>
        %get3A_273 = arith.index_cast %mul3A_266 : i32 to index
        %get3A_274 = tpu.vector_load %arg10[%get3A_273] {strides = array<i32>} : memref<4096xf32, #tpu.memory_space<vmem>>, vector<16xf32>,
        %mul3A_275 = arith.mulf %gather3A_63, %get3A_274 : vector<16xf32>
        %add3A_276 = arith.addf %mul3A_272, %mul3A_275 : vector<16xf32>
        %get3A_277 = arith.index_cast %mul3A_266 : i32 to index
        %get3A_278 = tpu.vector_load %arg11[%get3A_277] {strides = array<i32>} : memref<4096xf32, #tpu.memory_space<vmem>>, vector<16xf32>,
        %mul3A_279 = arith.mulf %gather3A_64, %get3A_278 : vector<16xf32>
        %add3A_280 = arith.addf %add3A_276, %mul3A_279 : vector<16xf32>
        %mul3A_281 = arith.constant 2.000000e+00 : f32
        %mul3A_282 = vector.broadcast %mul3A_281 : f32 to vector<16xf32>
        %mul3A_283 = arith.mulf %mul3A_282, %add3A_280 : vector<16xf32>
        %sub3A_284 = arith.subf %add3A_269, %mul3A_283 : vector<16xf32>
        %lt3A_285 = arith.constant 9.000000e-02 : f32
        %lt3A_286 = vector.broadcast %lt3A_285 : f32 to vector<16xf32>
        %lt3A_287 = arith.cmpf olt, %sub3A_284, %lt3A_286 : vector<16xf32>
        %add3A_288 = arith.constant 3 : i32
        %add3A_289 = arith.addi %while3A_146, %add3A_288 : i32
        %mul3A_290 = arith.constant 16 : i32
        %mul3A_291 = arith.muli %add3A_289, %mul3A_290 : i32
        %add3A_292 = vector.broadcast %mul3A_291 : i32 to vector<16xi32>
        %add3A_293 = arith.addi %add3A_292, %iota3A : vector<16xi32>
        %swap3A_294 = arith.index_cast %add3A_262 : i32 to index
        %swap3A_295 = tpu.vector_load %arg12[%swap3A_294] masked %lt3A_287 {strides = array<i32>} : memref<112xi32, #tpu.memory_space<vmem>>, vector<16xi32>, vector<16xi1>
        tpu.vector_store %arg12[%swap3A_294], %add3A_293 masked %lt3A_287 {strides = array<i32>} : memref<112xi32, #tpu.memory_space<vmem>>, vector<16xi32>, vector<16xi1>
        %convert_element_type3A_296 = arith.extui %lt3A_287 : vector<16xi1> to vector<16xi32>
        %reduce_sum3A_297 = arith.constant true
        %reduce_sum3A_298 = vector.broadcast %reduce_sum3A_297 : i1 to vector<16xi1>
        %reduce_sum3A_299 = tpu.scan <sum>, %convert_element_type3A_296 masked %reduce_sum3A_298 : vector<16xi32>, vector<16xi1> -> vector<16xi32>
        %reduce_sum3A_300 = vector.extract %reduce_sum3A_299[15] : i32 from vector<16xi32>
        %add3A_301 = arith.addi %add3A_262, %reduce_sum3A_300 : i32
        %add3A_302 = arith.constant 4 : i32
        %add3A_303 = arith.addi %while3A_146, %add3A_302 : i32
        scf.yield %add3A_303, %add3A_301 : i32, i32
      }
      %get3A = arith.constant 0 : index
      %get3A_67 = tpu.vector_load %arg12[%get3A] {strides = array<i32>} : memref<112xi32, #tpu.memory_space<vmem>>, vector<16xi32>,
      %slice3A = vector.extract_strided_slice %get3A_67 {offsets = [0], sizes = [1], strides = [1]} : vector<16xi32> to vector<1xi32>
      %squeeze3A = vector.extract %slice3A[0] : i32 from vector<1xi32>
      %get3A_68 = arith.constant 0 : index
      %get3A_69 = tpu.vector_load %arg12[%get3A_68] {strides = array<i32>} : memref<112xi32, #tpu.memory_space<vmem>>, vector<16xi32>,
      %add3A_70 = arith.constant 0 : i32
      %add3A_71 = vector.broadcast %add3A_70 : i32 to vector<16xi32>
      %add3A_72 = arith.addi %iota3A, %add3A_71 : vector<16xi32>
      %lt3A = vector.broadcast %while3A_66#1 : i32 to vector<16xi32>
      %lt3A_73 = arith.cmpi slt, %add3A_72, %lt3A : vector<16xi32>
      %broadcast_in_dim3A_74 = vector.broadcast %squeeze3A : i32 to vector<16xi32>
      %select_n3A_75 = arith.select %lt3A_73, %get3A_69, %broadcast_in_dim3A_74 : vector<16xi1>, vector<16xi32>
      %gather3A_76 = tpu.vector_load_idx %arg5[%select_n3A_75] : memref<4096xf32, #tpu.memory_space<vmem>>[vector<16xi32>], vector<16xf32>,
      %sub3A_77 = arith.subf %gather3A_76, %gather3A : vector<16xf32>
      %gather3A_78 = tpu.vector_load_idx %arg6[%select_n3A_75] : memref<4096xf32, #tpu.memory_space<vmem>>[vector<16xi32>], vector<16xf32>,
      %sub3A_79 = arith.subf %gather3A_78, %gather3A_59 : vector<16xf32>
      %gather3A_80 = tpu.vector_load_idx %arg7[%select_n3A_75] : memref<4096xf32, #tpu.memory_space<vmem>>[vector<16xi32>], vector<16xf32>,
      %sub3A_81 = arith.subf %gather3A_80, %gather3A_60 : vector<16xf32>
      %mul3A_82 = arith.constant 32 : i32
      %mul3A_83 = arith.muli %scan3A_57, %mul3A_82 : i32
      %add3A_84 = arith.constant 0 : i32
      %add3A_85 = arith.addi %mul3A_83, %add3A_84 : i32
      %add3A_86 = vector.broadcast %add3A_85 : i32 to vector<16xi32>
      %add3A_87 = arith.addi %add3A_86, %iota3A : vector<16xi32>
      %mul3A_88 = arith.constant 3 : i32
      %mul3A_89 = vector.broadcast %mul3A_88 : i32 to vector<16xi32>
      %mul3A_90 = arith.muli %add3A_87, %mul3A_89 : vector<16xi32>
      tpu.vector_store_idx %arg13[%mul3A_90], %sub3A_77 : memref<24576xf32, #tpu.memory_space<vmem>>[vector<16xi32>], vector<16xf32>,
      %add3A_91 = arith.constant 1 : i32
      %add3A_92 = vector.broadcast %add3A_91 : i32 to vector<16xi32>
      %add3A_93 = arith.addi %mul3A_90, %add3A_92 : vector<16xi32>
      tpu.vector_store_idx %arg13[%add3A_93], %sub3A_79 : memref<24576xf32, #tpu.memory_space<vmem>>[vector<16xi32>], vector<16xf32>,
      %add3A_94 = arith.constant 2 : i32
      %add3A_95 = vector.broadcast %add3A_94 : i32 to vector<16xi32>
      %add3A_96 = arith.addi %mul3A_90, %add3A_95 : vector<16xi32>
      tpu.vector_store_idx %arg13[%add3A_96], %sub3A_81 : memref<24576xf32, #tpu.memory_space<vmem>>[vector<16xi32>], vector<16xf32>,
      %mul3A_97 = arith.constant 4096 : i32
      %mul3A_98 = arith.muli %select_n3A, %mul3A_97 : i32
      %add3A_99 = vector.broadcast %mul3A_98 : i32 to vector<16xi32>
      %add3A_100 = arith.addi %select_n3A_75, %add3A_99 : vector<16xi32>
      %mul3A_101 = arith.constant 32 : i32
      %mul3A_102 = arith.muli %scan3A_57, %mul3A_101 : i32
      %add3A_103 = arith.constant 0 : i32
      %add3A_104 = arith.addi %mul3A_102, %add3A_103 : i32
      %swap3A = arith.index_cast %add3A_104 : i32 to index
      %swap3A_105 = tpu.vector_load %arg14[%swap3A] {strides = array<i32>} : memref<8192xi32, #tpu.memory_space<vmem>>, vector<16xi32>,
      tpu.vector_store %arg14[%swap3A], %add3A_100 {strides = array<i32>} : memref<8192xi32, #tpu.memory_space<vmem>>, vector<16xi32>,
      %get3A_106 = arith.constant 16 : index
      %get3A_107 = tpu.vector_load %arg12[%get3A_106] {strides = array<i32>} : memref<112xi32, #tpu.memory_space<vmem>>, vector<16xi32>,
      %add3A_108 = arith.constant 16 : i32
      %add3A_109 = vector.broadcast %add3A_108 : i32 to vector<16xi32>
      %add3A_110 = arith.addi %iota3A, %add3A_109 : vector<16xi32>
      %lt3A_111 = vector.broadcast %while3A_66#1 : i32 to vector<16xi32>
      %lt3A_112 = arith.cmpi slt, %add3A_110, %lt3A_111 : vector<16xi32>
      %broadcast_in_dim3A_113 = vector.broadcast %squeeze3A : i32 to vector<16xi32>
      %select_n3A_114 = arith.select %lt3A_112, %get3A_107, %broadcast_in_dim3A_113 : vector<16xi1>, vector<16xi32>
      %gather3A_115 = tpu.vector_load_idx %arg5[%select_n3A_114] : memref<4096xf32, #tpu.memory_space<vmem>>[vector<16xi32>], vector<16xf32>,
      %sub3A_116 = arith.subf %gather3A_115, %gather3A : vector<16xf32>
      %gather3A_117 = tpu.vector_load_idx %arg6[%select_n3A_114] : memref<4096xf32, #tpu.memory_space<vmem>>[vector<16xi32>], vector<16xf32>,
      %sub3A_118 = arith.subf %gather3A_117, %gather3A_59 : vector<16xf32>
      %gather3A_119 = tpu.vector_load_idx %arg7[%select_n3A_114] : memref<4096xf32, #tpu.memory_space<vmem>>[vector<16xi32>], vector<16xf32>,
      %sub3A_120 = arith.subf %gather3A_119, %gather3A_60 : vector<16xf32>
      %mul3A_121 = arith.constant 32 : i32
      %mul3A_122 = arith.muli %scan3A_57, %mul3A_121 : i32
      %add3A_123 = arith.constant 16 : i32
      %add3A_124 = arith.addi %mul3A_122, %add3A_123 : i32
      %add3A_125 = vector.broadcast %add3A_124 : i32 to vector<16xi32>
      %add3A_126 = arith.addi %add3A_125, %iota3A : vector<16xi32>
      %mul3A_127 = arith.constant 3 : i32
      %mul3A_128 = vector.broadcast %mul3A_127 : i32 to vector<16xi32>
      %mul3A_129 = arith.muli %add3A_126, %mul3A_128 : vector<16xi32>
      tpu.vector_store_idx %arg13[%mul3A_129], %sub3A_116 : memref<24576xf32, #tpu.memory_space<vmem>>[vector<16xi32>], vector<16xf32>,
      %add3A_130 = arith.constant 1 : i32
      %add3A_131 = vector.broadcast %add3A_130 : i32 to vector<16xi32>
      %add3A_132 = arith.addi %mul3A_129, %add3A_131 : vector<16xi32>
      tpu.vector_store_idx %arg13[%add3A_132], %sub3A_118 : memref<24576xf32, #tpu.memory_space<vmem>>[vector<16xi32>], vector<16xf32>,
      %add3A_133 = arith.constant 2 : i32
      %add3A_134 = vector.broadcast %add3A_133 : i32 to vector<16xi32>
      %add3A_135 = arith.addi %mul3A_129, %add3A_134 : vector<16xi32>
      tpu.vector_store_idx %arg13[%add3A_135], %sub3A_120 : memref<24576xf32, #tpu.memory_space<vmem>>[vector<16xi32>], vector<16xf32>,
      %mul3A_136 = arith.constant 4096 : i32
      %mul3A_137 = arith.muli %select_n3A, %mul3A_136 : i32
      %add3A_138 = vector.broadcast %mul3A_137 : i32 to vector<16xi32>
      %add3A_139 = arith.addi %select_n3A_114, %add3A_138 : vector<16xi32>
      %mul3A_140 = arith.constant 32 : i32
      %mul3A_141 = arith.muli %scan3A_57, %mul3A_140 : i32
      %add3A_142 = arith.constant 16 : i32
      %add3A_143 = arith.addi %mul3A_141, %add3A_142 : i32
      %swap3A_144 = arith.index_cast %add3A_143 : i32 to index
      %swap3A_145 = tpu.vector_load %arg14[%swap3A_144] {strides = array<i32>} : memref<8192xi32, #tpu.memory_space<vmem>>, vector<16xi32>,
      tpu.vector_store %arg14[%swap3A_144], %add3A_139 {strides = array<i32>} : memref<8192xi32, #tpu.memory_space<vmem>>, vector<16xi32>,
    }
    %scan3A_50 = arith.constant 256 : i32
    %mul3A_51 = arith.constant 32 : i32
    %mul3A_52 = arith.muli %mul3A_2, %mul3A_51 : i32
    %mul3A_53 = arith.constant 3 : i32
    %mul3A_54 = arith.muli %mul3A_52, %mul3A_53 : i32
    "tpu.region"() ({
      %run_scoped3A = tpu.sem_alloc : memref<!tpu.dma_semaphore, #tpu.memory_space<semaphore_mem>>
      %dma_start3A = tpu.memref_slice %arg3[%mul3A_54] : memref<786432xf32, #tpu.memory_space<hbm>> -> memref<24576xf32, #tpu.memory_space<hbm>>
      %dma_start3A_57 = tpu.memref_slice %arg3[%mul3A_54] : memref<786432xf32, #tpu.memory_space<hbm>> -> memref<24576xf32, #tpu.memory_space<hbm>>
      tpu.enqueue_dma source(%arg13 : memref<24576xf32, #tpu.memory_space<vmem>>) target(%dma_start3A_57 : memref<24576xf32, #tpu.memory_space<hbm>>) target_semaphore(%run_scoped3A : memref<!tpu.dma_semaphore, #tpu.memory_space<semaphore_mem>>)
      %dma_wait3A = tpu.memref_slice %arg3[%mul3A_54] : memref<786432xf32, #tpu.memory_space<hbm>> -> memref<24576xf32, #tpu.memory_space<hbm>>
      %dma_wait3A_58 = tpu.memref_slice %arg3[%mul3A_54] : memref<786432xf32, #tpu.memory_space<hbm>> -> memref<24576xf32, #tpu.memory_space<hbm>>
      tpu.wait_dma2 semaphore(%run_scoped3A : memref<!tpu.dma_semaphore, #tpu.memory_space<semaphore_mem>>) src(%arg13 : memref<24576xf32, #tpu.memory_space<vmem>>) dst(%dma_wait3A_58 : memref<24576xf32, #tpu.memory_space<hbm>>)
      tpu.yield
    }) : () -> ()
    %mul3A_55 = arith.constant 32 : i32
    %mul3A_56 = arith.muli %mul3A_2, %mul3A_55 : i32
    "tpu.region"() ({
      %run_scoped3A = tpu.sem_alloc : memref<!tpu.dma_semaphore, #tpu.memory_space<semaphore_mem>>
      %dma_start3A = tpu.memref_slice %arg4[%mul3A_56] : memref<262144xi32, #tpu.memory_space<hbm>> -> memref<8192xi32, #tpu.memory_space<hbm>>
      %dma_start3A_57 = tpu.memref_slice %arg4[%mul3A_56] : memref<262144xi32, #tpu.memory_space<hbm>> -> memref<8192xi32, #tpu.memory_space<hbm>>
      tpu.enqueue_dma source(%arg14 : memref<8192xi32, #tpu.memory_space<vmem>>) target(%dma_start3A_57 : memref<8192xi32, #tpu.memory_space<hbm>>) target_semaphore(%run_scoped3A : memref<!tpu.dma_semaphore, #tpu.memory_space<semaphore_mem>>)
      %dma_wait3A = tpu.memref_slice %arg4[%mul3A_56] : memref<262144xi32, #tpu.memory_space<hbm>> -> memref<8192xi32, #tpu.memory_space<hbm>>
      %dma_wait3A_58 = tpu.memref_slice %arg4[%mul3A_56] : memref<262144xi32, #tpu.memory_space<hbm>> -> memref<8192xi32, #tpu.memory_space<hbm>>
      tpu.wait_dma2 semaphore(%run_scoped3A : memref<!tpu.dma_semaphore, #tpu.memory_space<semaphore_mem>>) src(%arg14 : memref<8192xi32, #tpu.memory_space<vmem>>) dst(%dma_wait3A_58 : memref<8192xi32, #tpu.memory_space<hbm>>)
      tpu.yield
    }) : () -> ()
    return
  }
}

#map = affine_map<(d0, d1) -> (0, 0)>
#map1 = affine_map<(d0, d1) -> (0)>
module attributes {stable_mosaic.version = 14 : i64} {
  func.func @kern(%arg0: i32, %arg1: i32, %arg2: memref<8192x128xf32, #tpu.memory_space<hbm>>, %arg3: memref<65536xi32, #tpu.memory_space<hbm>>, %arg4: memref<65536x128xf32, #tpu.memory_space<hbm>>, %arg5: memref<2048xi32, #tpu.memory_space<vmem>>, %arg6: memref<128x128xf32, #tpu.memory_space<vmem>>, %arg7: memref<128x128xf32, #tpu.memory_space<vmem>>, %arg8: memref<!tpu.dma_semaphore, #tpu.memory_space<semaphore_mem>>, %arg9: memref<!tpu.dma_semaphore, #tpu.memory_space<semaphore_mem>>) attributes {dimension_semantics = [#tpu.dimension_semantics<core_parallel>, #tpu.dimension_semantics<subcore_parallel>], iteration_bounds = array<i64: 2, 16>, scalar_prefetch = 0 : i64, scratch_operands = 5 : i64, tpu.core_type = #tpu.core_type<sc_vector_subcore>, window_params = [{transform_indices = #map}, {transform_indices = #map1}, {transform_indices = #map}]} {
    %mul3A = arith.constant 2 : i32
    %mul3A_0 = arith.muli %arg1, %mul3A : i32
    %add3A = arith.addi %mul3A_0, %arg0 : i32
    %mul3A_1 = arith.constant 2048 : i32
    %mul3A_2 = arith.muli %add3A, %mul3A_1 : i32
    "tpu.region"() ({
      %run_scoped3A = tpu.sem_alloc : memref<!tpu.dma_semaphore, #tpu.memory_space<semaphore_mem>>
      %dma_start3A_193 = tpu.memref_slice %arg3[%mul3A_2] : memref<65536xi32, #tpu.memory_space<hbm>> -> memref<2048xi32, #tpu.memory_space<hbm>>
      %dma_start3A_194 = tpu.memref_slice %arg3[%mul3A_2] : memref<65536xi32, #tpu.memory_space<hbm>> -> memref<2048xi32, #tpu.memory_space<hbm>>
      tpu.enqueue_dma source(%dma_start3A_194 : memref<2048xi32, #tpu.memory_space<hbm>>) target(%arg5 : memref<2048xi32, #tpu.memory_space<vmem>>) target_semaphore(%run_scoped3A : memref<!tpu.dma_semaphore, #tpu.memory_space<semaphore_mem>>)
      %dma_wait3A_195 = tpu.memref_slice %arg3[%mul3A_2] : memref<65536xi32, #tpu.memory_space<hbm>> -> memref<2048xi32, #tpu.memory_space<hbm>>
      %dma_wait3A_196 = tpu.memref_slice %arg3[%mul3A_2] : memref<65536xi32, #tpu.memory_space<hbm>> -> memref<2048xi32, #tpu.memory_space<hbm>>
      tpu.wait_dma2 semaphore(%run_scoped3A : memref<!tpu.dma_semaphore, #tpu.memory_space<semaphore_mem>>) src(%dma_wait3A_196 : memref<2048xi32, #tpu.memory_space<hbm>>) dst(%arg5 : memref<2048xi32, #tpu.memory_space<vmem>>)
      tpu.yield
    }) : () -> ()
    %dma_start3A = arith.constant 0 : i32
    %dma_start3A_3 = tpu.memref_slice %arg5[%dma_start3A] : memref<2048xi32, #tpu.memory_space<vmem>> -> memref<128xi32, #tpu.memory_space<vmem>>
    %dma_start3A_4 = arith.constant 0 : i32
    %dma_start3A_5 = arith.constant 0 : i32
    %dma_start3A_6 = tpu.memref_slice %arg2[%dma_start3A_4, %dma_start3A_5] : memref<8192x128xf32, #tpu.memory_space<hbm>> -> memref<8192x128xf32, #tpu.memory_space<hbm>>
    tpu.enqueue_indirect_dma source(%dma_start3A_6 : memref<8192x128xf32, #tpu.memory_space<hbm>>) target(%arg6 : memref<128x128xf32, #tpu.memory_space<vmem>>) offsets(%dma_start3A_3 : memref<128xi32, #tpu.memory_space<vmem>>) semaphore(%arg8 : memref<!tpu.dma_semaphore, #tpu.memory_space<semaphore_mem>>)
    %dma_start3A_7 = arith.constant 128 : i32
    %dma_start3A_8 = tpu.memref_slice %arg5[%dma_start3A_7] : memref<2048xi32, #tpu.memory_space<vmem>> -> memref<128xi32, #tpu.memory_space<vmem>>
    %dma_start3A_9 = arith.constant 0 : i32
    %dma_start3A_10 = arith.constant 0 : i32
    %dma_start3A_11 = tpu.memref_slice %arg2[%dma_start3A_9, %dma_start3A_10] : memref<8192x128xf32, #tpu.memory_space<hbm>> -> memref<8192x128xf32, #tpu.memory_space<hbm>>
    tpu.enqueue_indirect_dma source(%dma_start3A_11 : memref<8192x128xf32, #tpu.memory_space<hbm>>) target(%arg7 : memref<128x128xf32, #tpu.memory_space<vmem>>) offsets(%dma_start3A_8 : memref<128xi32, #tpu.memory_space<vmem>>) semaphore(%arg9 : memref<!tpu.dma_semaphore, #tpu.memory_space<semaphore_mem>>)
    %dma_wait3A = arith.constant 0 : i32
    %dma_wait3A_12 = tpu.memref_slice %arg5[%dma_wait3A] : memref<2048xi32, #tpu.memory_space<vmem>> -> memref<128xi32, #tpu.memory_space<vmem>>
    %dma_wait3A_13 = arith.constant 0 : i32
    %dma_wait3A_14 = arith.constant 0 : i32
    %dma_wait3A_15 = tpu.memref_slice %arg2[%dma_wait3A_13, %dma_wait3A_14] : memref<8192x128xf32, #tpu.memory_space<hbm>> -> memref<8192x128xf32, #tpu.memory_space<hbm>>
    tpu.wait_indirect_dma semaphore(%arg8 : memref<!tpu.dma_semaphore, #tpu.memory_space<semaphore_mem>>) src(%dma_wait3A_15 : memref<8192x128xf32, #tpu.memory_space<hbm>>) dst(%arg6 : memref<128x128xf32, #tpu.memory_space<vmem>>)
    %add3A_16 = arith.constant 0 : i32
    %add3A_17 = arith.addi %mul3A_2, %add3A_16 : i32
    "tpu.region"() ({
      %run_scoped3A = tpu.sem_alloc : memref<!tpu.dma_semaphore, #tpu.memory_space<semaphore_mem>>
      %dma_start3A_193 = arith.constant 0 : i32
      %dma_start3A_194 = tpu.memref_slice %arg4[%add3A_17, %dma_start3A_193] : memref<65536x128xf32, #tpu.memory_space<hbm>> -> memref<128x128xf32, #tpu.memory_space<hbm>>
      %dma_start3A_195 = arith.constant 0 : i32
      %dma_start3A_196 = tpu.memref_slice %arg4[%add3A_17, %dma_start3A_195] : memref<65536x128xf32, #tpu.memory_space<hbm>> -> memref<128x128xf32, #tpu.memory_space<hbm>>
      tpu.enqueue_dma source(%arg6 : memref<128x128xf32, #tpu.memory_space<vmem>>) target(%dma_start3A_196 : memref<128x128xf32, #tpu.memory_space<hbm>>) target_semaphore(%run_scoped3A : memref<!tpu.dma_semaphore, #tpu.memory_space<semaphore_mem>>)
      %dma_wait3A_197 = arith.constant 0 : i32
      %dma_wait3A_198 = tpu.memref_slice %arg4[%add3A_17, %dma_wait3A_197] : memref<65536x128xf32, #tpu.memory_space<hbm>> -> memref<128x128xf32, #tpu.memory_space<hbm>>
      %dma_wait3A_199 = arith.constant 0 : i32
      %dma_wait3A_200 = tpu.memref_slice %arg4[%add3A_17, %dma_wait3A_199] : memref<65536x128xf32, #tpu.memory_space<hbm>> -> memref<128x128xf32, #tpu.memory_space<hbm>>
      tpu.wait_dma2 semaphore(%run_scoped3A : memref<!tpu.dma_semaphore, #tpu.memory_space<semaphore_mem>>) src(%arg6 : memref<128x128xf32, #tpu.memory_space<vmem>>) dst(%dma_wait3A_200 : memref<128x128xf32, #tpu.memory_space<hbm>>)
      tpu.yield
    }) : () -> ()
    %dma_start3A_18 = arith.constant 256 : i32
    %dma_start3A_19 = tpu.memref_slice %arg5[%dma_start3A_18] : memref<2048xi32, #tpu.memory_space<vmem>> -> memref<128xi32, #tpu.memory_space<vmem>>
    %dma_start3A_20 = arith.constant 0 : i32
    %dma_start3A_21 = arith.constant 0 : i32
    %dma_start3A_22 = tpu.memref_slice %arg2[%dma_start3A_20, %dma_start3A_21] : memref<8192x128xf32, #tpu.memory_space<hbm>> -> memref<8192x128xf32, #tpu.memory_space<hbm>>
    tpu.enqueue_indirect_dma source(%dma_start3A_22 : memref<8192x128xf32, #tpu.memory_space<hbm>>) target(%arg6 : memref<128x128xf32, #tpu.memory_space<vmem>>) offsets(%dma_start3A_19 : memref<128xi32, #tpu.memory_space<vmem>>) semaphore(%arg8 : memref<!tpu.dma_semaphore, #tpu.memory_space<semaphore_mem>>)
    %dma_wait3A_23 = arith.constant 128 : i32
    %dma_wait3A_24 = tpu.memref_slice %arg5[%dma_wait3A_23] : memref<2048xi32, #tpu.memory_space<vmem>> -> memref<128xi32, #tpu.memory_space<vmem>>
    %dma_wait3A_25 = arith.constant 0 : i32
    %dma_wait3A_26 = arith.constant 0 : i32
    %dma_wait3A_27 = tpu.memref_slice %arg2[%dma_wait3A_25, %dma_wait3A_26] : memref<8192x128xf32, #tpu.memory_space<hbm>> -> memref<8192x128xf32, #tpu.memory_space<hbm>>
    tpu.wait_indirect_dma semaphore(%arg9 : memref<!tpu.dma_semaphore, #tpu.memory_space<semaphore_mem>>) src(%dma_wait3A_27 : memref<8192x128xf32, #tpu.memory_space<hbm>>) dst(%arg7 : memref<128x128xf32, #tpu.memory_space<vmem>>)
    %add3A_28 = arith.constant 128 : i32
    %add3A_29 = arith.addi %mul3A_2, %add3A_28 : i32
    "tpu.region"() ({
      %run_scoped3A = tpu.sem_alloc : memref<!tpu.dma_semaphore, #tpu.memory_space<semaphore_mem>>
      %dma_start3A_193 = arith.constant 0 : i32
      %dma_start3A_194 = tpu.memref_slice %arg4[%add3A_29, %dma_start3A_193] : memref<65536x128xf32, #tpu.memory_space<hbm>> -> memref<128x128xf32, #tpu.memory_space<hbm>>
      %dma_start3A_195 = arith.constant 0 : i32
      %dma_start3A_196 = tpu.memref_slice %arg4[%add3A_29, %dma_start3A_195] : memref<65536x128xf32, #tpu.memory_space<hbm>> -> memref<128x128xf32, #tpu.memory_space<hbm>>
      tpu.enqueue_dma source(%arg7 : memref<128x128xf32, #tpu.memory_space<vmem>>) target(%dma_start3A_196 : memref<128x128xf32, #tpu.memory_space<hbm>>) target_semaphore(%run_scoped3A : memref<!tpu.dma_semaphore, #tpu.memory_space<semaphore_mem>>)
      %dma_wait3A_197 = arith.constant 0 : i32
      %dma_wait3A_198 = tpu.memref_slice %arg4[%add3A_29, %dma_wait3A_197] : memref<65536x128xf32, #tpu.memory_space<hbm>> -> memref<128x128xf32, #tpu.memory_space<hbm>>
      %dma_wait3A_199 = arith.constant 0 : i32
      %dma_wait3A_200 = tpu.memref_slice %arg4[%add3A_29, %dma_wait3A_199] : memref<65536x128xf32, #tpu.memory_space<hbm>> -> memref<128x128xf32, #tpu.memory_space<hbm>>
      tpu.wait_dma2 semaphore(%run_scoped3A : memref<!tpu.dma_semaphore, #tpu.memory_space<semaphore_mem>>) src(%arg7 : memref<128x128xf32, #tpu.memory_space<vmem>>) dst(%dma_wait3A_200 : memref<128x128xf32, #tpu.memory_space<hbm>>)
      tpu.yield
    }) : () -> ()
    %dma_start3A_30 = arith.constant 384 : i32
    %dma_start3A_31 = tpu.memref_slice %arg5[%dma_start3A_30] : memref<2048xi32, #tpu.memory_space<vmem>> -> memref<128xi32, #tpu.memory_space<vmem>>
    %dma_start3A_32 = arith.constant 0 : i32
    %dma_start3A_33 = arith.constant 0 : i32
    %dma_start3A_34 = tpu.memref_slice %arg2[%dma_start3A_32, %dma_start3A_33] : memref<8192x128xf32, #tpu.memory_space<hbm>> -> memref<8192x128xf32, #tpu.memory_space<hbm>>
    tpu.enqueue_indirect_dma source(%dma_start3A_34 : memref<8192x128xf32, #tpu.memory_space<hbm>>) target(%arg7 : memref<128x128xf32, #tpu.memory_space<vmem>>) offsets(%dma_start3A_31 : memref<128xi32, #tpu.memory_space<vmem>>) semaphore(%arg9 : memref<!tpu.dma_semaphore, #tpu.memory_space<semaphore_mem>>)
    %dma_wait3A_35 = arith.constant 256 : i32
    %dma_wait3A_36 = tpu.memref_slice %arg5[%dma_wait3A_35] : memref<2048xi32, #tpu.memory_space<vmem>> -> memref<128xi32, #tpu.memory_space<vmem>>
    %dma_wait3A_37 = arith.constant 0 : i32
    %dma_wait3A_38 = arith.constant 0 : i32
    %dma_wait3A_39 = tpu.memref_slice %arg2[%dma_wait3A_37, %dma_wait3A_38] : memref<8192x128xf32, #tpu.memory_space<hbm>> -> memref<8192x128xf32, #tpu.memory_space<hbm>>
    tpu.wait_indirect_dma semaphore(%arg8 : memref<!tpu.dma_semaphore, #tpu.memory_space<semaphore_mem>>) src(%dma_wait3A_39 : memref<8192x128xf32, #tpu.memory_space<hbm>>) dst(%arg6 : memref<128x128xf32, #tpu.memory_space<vmem>>)
    %add3A_40 = arith.constant 256 : i32
    %add3A_41 = arith.addi %mul3A_2, %add3A_40 : i32
    "tpu.region"() ({
      %run_scoped3A = tpu.sem_alloc : memref<!tpu.dma_semaphore, #tpu.memory_space<semaphore_mem>>
      %dma_start3A_193 = arith.constant 0 : i32
      %dma_start3A_194 = tpu.memref_slice %arg4[%add3A_41, %dma_start3A_193] : memref<65536x128xf32, #tpu.memory_space<hbm>> -> memref<128x128xf32, #tpu.memory_space<hbm>>
      %dma_start3A_195 = arith.constant 0 : i32
      %dma_start3A_196 = tpu.memref_slice %arg4[%add3A_41, %dma_start3A_195] : memref<65536x128xf32, #tpu.memory_space<hbm>> -> memref<128x128xf32, #tpu.memory_space<hbm>>
      tpu.enqueue_dma source(%arg6 : memref<128x128xf32, #tpu.memory_space<vmem>>) target(%dma_start3A_196 : memref<128x128xf32, #tpu.memory_space<hbm>>) target_semaphore(%run_scoped3A : memref<!tpu.dma_semaphore, #tpu.memory_space<semaphore_mem>>)
      %dma_wait3A_197 = arith.constant 0 : i32
      %dma_wait3A_198 = tpu.memref_slice %arg4[%add3A_41, %dma_wait3A_197] : memref<65536x128xf32, #tpu.memory_space<hbm>> -> memref<128x128xf32, #tpu.memory_space<hbm>>
      %dma_wait3A_199 = arith.constant 0 : i32
      %dma_wait3A_200 = tpu.memref_slice %arg4[%add3A_41, %dma_wait3A_199] : memref<65536x128xf32, #tpu.memory_space<hbm>> -> memref<128x128xf32, #tpu.memory_space<hbm>>
      tpu.wait_dma2 semaphore(%run_scoped3A : memref<!tpu.dma_semaphore, #tpu.memory_space<semaphore_mem>>) src(%arg6 : memref<128x128xf32, #tpu.memory_space<vmem>>) dst(%dma_wait3A_200 : memref<128x128xf32, #tpu.memory_space<hbm>>)
      tpu.yield
    }) : () -> ()
    %dma_start3A_42 = arith.constant 512 : i32
    %dma_start3A_43 = tpu.memref_slice %arg5[%dma_start3A_42] : memref<2048xi32, #tpu.memory_space<vmem>> -> memref<128xi32, #tpu.memory_space<vmem>>
    %dma_start3A_44 = arith.constant 0 : i32
    %dma_start3A_45 = arith.constant 0 : i32
    %dma_start3A_46 = tpu.memref_slice %arg2[%dma_start3A_44, %dma_start3A_45] : memref<8192x128xf32, #tpu.memory_space<hbm>> -> memref<8192x128xf32, #tpu.memory_space<hbm>>
    tpu.enqueue_indirect_dma source(%dma_start3A_46 : memref<8192x128xf32, #tpu.memory_space<hbm>>) target(%arg6 : memref<128x128xf32, #tpu.memory_space<vmem>>) offsets(%dma_start3A_43 : memref<128xi32, #tpu.memory_space<vmem>>) semaphore(%arg8 : memref<!tpu.dma_semaphore, #tpu.memory_space<semaphore_mem>>)
    %dma_wait3A_47 = arith.constant 384 : i32
    %dma_wait3A_48 = tpu.memref_slice %arg5[%dma_wait3A_47] : memref<2048xi32, #tpu.memory_space<vmem>> -> memref<128xi32, #tpu.memory_space<vmem>>
    %dma_wait3A_49 = arith.constant 0 : i32
    %dma_wait3A_50 = arith.constant 0 : i32
    %dma_wait3A_51 = tpu.memref_slice %arg2[%dma_wait3A_49, %dma_wait3A_50] : memref<8192x128xf32, #tpu.memory_space<hbm>> -> memref<8192x128xf32, #tpu.memory_space<hbm>>
    tpu.wait_indirect_dma semaphore(%arg9 : memref<!tpu.dma_semaphore, #tpu.memory_space<semaphore_mem>>) src(%dma_wait3A_51 : memref<8192x128xf32, #tpu.memory_space<hbm>>) dst(%arg7 : memref<128x128xf32, #tpu.memory_space<vmem>>)
    %add3A_52 = arith.constant 384 : i32
    %add3A_53 = arith.addi %mul3A_2, %add3A_52 : i32
    "tpu.region"() ({
      %run_scoped3A = tpu.sem_alloc : memref<!tpu.dma_semaphore, #tpu.memory_space<semaphore_mem>>
      %dma_start3A_193 = arith.constant 0 : i32
      %dma_start3A_194 = tpu.memref_slice %arg4[%add3A_53, %dma_start3A_193] : memref<65536x128xf32, #tpu.memory_space<hbm>> -> memref<128x128xf32, #tpu.memory_space<hbm>>
      %dma_start3A_195 = arith.constant 0 : i32
      %dma_start3A_196 = tpu.memref_slice %arg4[%add3A_53, %dma_start3A_195] : memref<65536x128xf32, #tpu.memory_space<hbm>> -> memref<128x128xf32, #tpu.memory_space<hbm>>
      tpu.enqueue_dma source(%arg7 : memref<128x128xf32, #tpu.memory_space<vmem>>) target(%dma_start3A_196 : memref<128x128xf32, #tpu.memory_space<hbm>>) target_semaphore(%run_scoped3A : memref<!tpu.dma_semaphore, #tpu.memory_space<semaphore_mem>>)
      %dma_wait3A_197 = arith.constant 0 : i32
      %dma_wait3A_198 = tpu.memref_slice %arg4[%add3A_53, %dma_wait3A_197] : memref<65536x128xf32, #tpu.memory_space<hbm>> -> memref<128x128xf32, #tpu.memory_space<hbm>>
      %dma_wait3A_199 = arith.constant 0 : i32
      %dma_wait3A_200 = tpu.memref_slice %arg4[%add3A_53, %dma_wait3A_199] : memref<65536x128xf32, #tpu.memory_space<hbm>> -> memref<128x128xf32, #tpu.memory_space<hbm>>
      tpu.wait_dma2 semaphore(%run_scoped3A : memref<!tpu.dma_semaphore, #tpu.memory_space<semaphore_mem>>) src(%arg7 : memref<128x128xf32, #tpu.memory_space<vmem>>) dst(%dma_wait3A_200 : memref<128x128xf32, #tpu.memory_space<hbm>>)
      tpu.yield
    }) : () -> ()
    %dma_start3A_54 = arith.constant 640 : i32
    %dma_start3A_55 = tpu.memref_slice %arg5[%dma_start3A_54] : memref<2048xi32, #tpu.memory_space<vmem>> -> memref<128xi32, #tpu.memory_space<vmem>>
    %dma_start3A_56 = arith.constant 0 : i32
    %dma_start3A_57 = arith.constant 0 : i32
    %dma_start3A_58 = tpu.memref_slice %arg2[%dma_start3A_56, %dma_start3A_57] : memref<8192x128xf32, #tpu.memory_space<hbm>> -> memref<8192x128xf32, #tpu.memory_space<hbm>>
    tpu.enqueue_indirect_dma source(%dma_start3A_58 : memref<8192x128xf32, #tpu.memory_space<hbm>>) target(%arg7 : memref<128x128xf32, #tpu.memory_space<vmem>>) offsets(%dma_start3A_55 : memref<128xi32, #tpu.memory_space<vmem>>) semaphore(%arg9 : memref<!tpu.dma_semaphore, #tpu.memory_space<semaphore_mem>>)
    %dma_wait3A_59 = arith.constant 512 : i32
    %dma_wait3A_60 = tpu.memref_slice %arg5[%dma_wait3A_59] : memref<2048xi32, #tpu.memory_space<vmem>> -> memref<128xi32, #tpu.memory_space<vmem>>
    %dma_wait3A_61 = arith.constant 0 : i32
    %dma_wait3A_62 = arith.constant 0 : i32
    %dma_wait3A_63 = tpu.memref_slice %arg2[%dma_wait3A_61, %dma_wait3A_62] : memref<8192x128xf32, #tpu.memory_space<hbm>> -> memref<8192x128xf32, #tpu.memory_space<hbm>>
    tpu.wait_indirect_dma semaphore(%arg8 : memref<!tpu.dma_semaphore, #tpu.memory_space<semaphore_mem>>) src(%dma_wait3A_63 : memref<8192x128xf32, #tpu.memory_space<hbm>>) dst(%arg6 : memref<128x128xf32, #tpu.memory_space<vmem>>)
    %add3A_64 = arith.constant 512 : i32
    %add3A_65 = arith.addi %mul3A_2, %add3A_64 : i32
    "tpu.region"() ({
      %run_scoped3A = tpu.sem_alloc : memref<!tpu.dma_semaphore, #tpu.memory_space<semaphore_mem>>
      %dma_start3A_193 = arith.constant 0 : i32
      %dma_start3A_194 = tpu.memref_slice %arg4[%add3A_65, %dma_start3A_193] : memref<65536x128xf32, #tpu.memory_space<hbm>> -> memref<128x128xf32, #tpu.memory_space<hbm>>
      %dma_start3A_195 = arith.constant 0 : i32
      %dma_start3A_196 = tpu.memref_slice %arg4[%add3A_65, %dma_start3A_195] : memref<65536x128xf32, #tpu.memory_space<hbm>> -> memref<128x128xf32, #tpu.memory_space<hbm>>
      tpu.enqueue_dma source(%arg6 : memref<128x128xf32, #tpu.memory_space<vmem>>) target(%dma_start3A_196 : memref<128x128xf32, #tpu.memory_space<hbm>>) target_semaphore(%run_scoped3A : memref<!tpu.dma_semaphore, #tpu.memory_space<semaphore_mem>>)
      %dma_wait3A_197 = arith.constant 0 : i32
      %dma_wait3A_198 = tpu.memref_slice %arg4[%add3A_65, %dma_wait3A_197] : memref<65536x128xf32, #tpu.memory_space<hbm>> -> memref<128x128xf32, #tpu.memory_space<hbm>>
      %dma_wait3A_199 = arith.constant 0 : i32
      %dma_wait3A_200 = tpu.memref_slice %arg4[%add3A_65, %dma_wait3A_199] : memref<65536x128xf32, #tpu.memory_space<hbm>> -> memref<128x128xf32, #tpu.memory_space<hbm>>
      tpu.wait_dma2 semaphore(%run_scoped3A : memref<!tpu.dma_semaphore, #tpu.memory_space<semaphore_mem>>) src(%arg6 : memref<128x128xf32, #tpu.memory_space<vmem>>) dst(%dma_wait3A_200 : memref<128x128xf32, #tpu.memory_space<hbm>>)
      tpu.yield
    }) : () -> ()
    %dma_start3A_66 = arith.constant 768 : i32
    %dma_start3A_67 = tpu.memref_slice %arg5[%dma_start3A_66] : memref<2048xi32, #tpu.memory_space<vmem>> -> memref<128xi32, #tpu.memory_space<vmem>>
    %dma_start3A_68 = arith.constant 0 : i32
    %dma_start3A_69 = arith.constant 0 : i32
    %dma_start3A_70 = tpu.memref_slice %arg2[%dma_start3A_68, %dma_start3A_69] : memref<8192x128xf32, #tpu.memory_space<hbm>> -> memref<8192x128xf32, #tpu.memory_space<hbm>>
    tpu.enqueue_indirect_dma source(%dma_start3A_70 : memref<8192x128xf32, #tpu.memory_space<hbm>>) target(%arg6 : memref<128x128xf32, #tpu.memory_space<vmem>>) offsets(%dma_start3A_67 : memref<128xi32, #tpu.memory_space<vmem>>) semaphore(%arg8 : memref<!tpu.dma_semaphore, #tpu.memory_space<semaphore_mem>>)
    %dma_wait3A_71 = arith.constant 640 : i32
    %dma_wait3A_72 = tpu.memref_slice %arg5[%dma_wait3A_71] : memref<2048xi32, #tpu.memory_space<vmem>> -> memref<128xi32, #tpu.memory_space<vmem>>
    %dma_wait3A_73 = arith.constant 0 : i32
    %dma_wait3A_74 = arith.constant 0 : i32
    %dma_wait3A_75 = tpu.memref_slice %arg2[%dma_wait3A_73, %dma_wait3A_74] : memref<8192x128xf32, #tpu.memory_space<hbm>> -> memref<8192x128xf32, #tpu.memory_space<hbm>>
    tpu.wait_indirect_dma semaphore(%arg9 : memref<!tpu.dma_semaphore, #tpu.memory_space<semaphore_mem>>) src(%dma_wait3A_75 : memref<8192x128xf32, #tpu.memory_space<hbm>>) dst(%arg7 : memref<128x128xf32, #tpu.memory_space<vmem>>)
    %add3A_76 = arith.constant 640 : i32
    %add3A_77 = arith.addi %mul3A_2, %add3A_76 : i32
    "tpu.region"() ({
      %run_scoped3A = tpu.sem_alloc : memref<!tpu.dma_semaphore, #tpu.memory_space<semaphore_mem>>
      %dma_start3A_193 = arith.constant 0 : i32
      %dma_start3A_194 = tpu.memref_slice %arg4[%add3A_77, %dma_start3A_193] : memref<65536x128xf32, #tpu.memory_space<hbm>> -> memref<128x128xf32, #tpu.memory_space<hbm>>
      %dma_start3A_195 = arith.constant 0 : i32
      %dma_start3A_196 = tpu.memref_slice %arg4[%add3A_77, %dma_start3A_195] : memref<65536x128xf32, #tpu.memory_space<hbm>> -> memref<128x128xf32, #tpu.memory_space<hbm>>
      tpu.enqueue_dma source(%arg7 : memref<128x128xf32, #tpu.memory_space<vmem>>) target(%dma_start3A_196 : memref<128x128xf32, #tpu.memory_space<hbm>>) target_semaphore(%run_scoped3A : memref<!tpu.dma_semaphore, #tpu.memory_space<semaphore_mem>>)
      %dma_wait3A_197 = arith.constant 0 : i32
      %dma_wait3A_198 = tpu.memref_slice %arg4[%add3A_77, %dma_wait3A_197] : memref<65536x128xf32, #tpu.memory_space<hbm>> -> memref<128x128xf32, #tpu.memory_space<hbm>>
      %dma_wait3A_199 = arith.constant 0 : i32
      %dma_wait3A_200 = tpu.memref_slice %arg4[%add3A_77, %dma_wait3A_199] : memref<65536x128xf32, #tpu.memory_space<hbm>> -> memref<128x128xf32, #tpu.memory_space<hbm>>
      tpu.wait_dma2 semaphore(%run_scoped3A : memref<!tpu.dma_semaphore, #tpu.memory_space<semaphore_mem>>) src(%arg7 : memref<128x128xf32, #tpu.memory_space<vmem>>) dst(%dma_wait3A_200 : memref<128x128xf32, #tpu.memory_space<hbm>>)
      tpu.yield
    }) : () -> ()
    %dma_start3A_78 = arith.constant 896 : i32
    %dma_start3A_79 = tpu.memref_slice %arg5[%dma_start3A_78] : memref<2048xi32, #tpu.memory_space<vmem>> -> memref<128xi32, #tpu.memory_space<vmem>>
    %dma_start3A_80 = arith.constant 0 : i32
    %dma_start3A_81 = arith.constant 0 : i32
    %dma_start3A_82 = tpu.memref_slice %arg2[%dma_start3A_80, %dma_start3A_81] : memref<8192x128xf32, #tpu.memory_space<hbm>> -> memref<8192x128xf32, #tpu.memory_space<hbm>>
    tpu.enqueue_indirect_dma source(%dma_start3A_82 : memref<8192x128xf32, #tpu.memory_space<hbm>>) target(%arg7 : memref<128x128xf32, #tpu.memory_space<vmem>>) offsets(%dma_start3A_79 : memref<128xi32, #tpu.memory_space<vmem>>) semaphore(%arg9 : memref<!tpu.dma_semaphore, #tpu.memory_space<semaphore_mem>>)
    %dma_wait3A_83 = arith.constant 768 : i32
    %dma_wait3A_84 = tpu.memref_slice %arg5[%dma_wait3A_83] : memref<2048xi32, #tpu.memory_space<vmem>> -> memref<128xi32, #tpu.memory_space<vmem>>
    %dma_wait3A_85 = arith.constant 0 : i32
    %dma_wait3A_86 = arith.constant 0 : i32
    %dma_wait3A_87 = tpu.memref_slice %arg2[%dma_wait3A_85, %dma_wait3A_86] : memref<8192x128xf32, #tpu.memory_space<hbm>> -> memref<8192x128xf32, #tpu.memory_space<hbm>>
    tpu.wait_indirect_dma semaphore(%arg8 : memref<!tpu.dma_semaphore, #tpu.memory_space<semaphore_mem>>) src(%dma_wait3A_87 : memref<8192x128xf32, #tpu.memory_space<hbm>>) dst(%arg6 : memref<128x128xf32, #tpu.memory_space<vmem>>)
    %add3A_88 = arith.constant 768 : i32
    %add3A_89 = arith.addi %mul3A_2, %add3A_88 : i32
    "tpu.region"() ({
      %run_scoped3A = tpu.sem_alloc : memref<!tpu.dma_semaphore, #tpu.memory_space<semaphore_mem>>
      %dma_start3A_193 = arith.constant 0 : i32
      %dma_start3A_194 = tpu.memref_slice %arg4[%add3A_89, %dma_start3A_193] : memref<65536x128xf32, #tpu.memory_space<hbm>> -> memref<128x128xf32, #tpu.memory_space<hbm>>
      %dma_start3A_195 = arith.constant 0 : i32
      %dma_start3A_196 = tpu.memref_slice %arg4[%add3A_89, %dma_start3A_195] : memref<65536x128xf32, #tpu.memory_space<hbm>> -> memref<128x128xf32, #tpu.memory_space<hbm>>
      tpu.enqueue_dma source(%arg6 : memref<128x128xf32, #tpu.memory_space<vmem>>) target(%dma_start3A_196 : memref<128x128xf32, #tpu.memory_space<hbm>>) target_semaphore(%run_scoped3A : memref<!tpu.dma_semaphore, #tpu.memory_space<semaphore_mem>>)
      %dma_wait3A_197 = arith.constant 0 : i32
      %dma_wait3A_198 = tpu.memref_slice %arg4[%add3A_89, %dma_wait3A_197] : memref<65536x128xf32, #tpu.memory_space<hbm>> -> memref<128x128xf32, #tpu.memory_space<hbm>>
      %dma_wait3A_199 = arith.constant 0 : i32
      %dma_wait3A_200 = tpu.memref_slice %arg4[%add3A_89, %dma_wait3A_199] : memref<65536x128xf32, #tpu.memory_space<hbm>> -> memref<128x128xf32, #tpu.memory_space<hbm>>
      tpu.wait_dma2 semaphore(%run_scoped3A : memref<!tpu.dma_semaphore, #tpu.memory_space<semaphore_mem>>) src(%arg6 : memref<128x128xf32, #tpu.memory_space<vmem>>) dst(%dma_wait3A_200 : memref<128x128xf32, #tpu.memory_space<hbm>>)
      tpu.yield
    }) : () -> ()
    %dma_start3A_90 = arith.constant 1024 : i32
    %dma_start3A_91 = tpu.memref_slice %arg5[%dma_start3A_90] : memref<2048xi32, #tpu.memory_space<vmem>> -> memref<128xi32, #tpu.memory_space<vmem>>
    %dma_start3A_92 = arith.constant 0 : i32
    %dma_start3A_93 = arith.constant 0 : i32
    %dma_start3A_94 = tpu.memref_slice %arg2[%dma_start3A_92, %dma_start3A_93] : memref<8192x128xf32, #tpu.memory_space<hbm>> -> memref<8192x128xf32, #tpu.memory_space<hbm>>
    tpu.enqueue_indirect_dma source(%dma_start3A_94 : memref<8192x128xf32, #tpu.memory_space<hbm>>) target(%arg6 : memref<128x128xf32, #tpu.memory_space<vmem>>) offsets(%dma_start3A_91 : memref<128xi32, #tpu.memory_space<vmem>>) semaphore(%arg8 : memref<!tpu.dma_semaphore, #tpu.memory_space<semaphore_mem>>)
    %dma_wait3A_95 = arith.constant 896 : i32
    %dma_wait3A_96 = tpu.memref_slice %arg5[%dma_wait3A_95] : memref<2048xi32, #tpu.memory_space<vmem>> -> memref<128xi32, #tpu.memory_space<vmem>>
    %dma_wait3A_97 = arith.constant 0 : i32
    %dma_wait3A_98 = arith.constant 0 : i32
    %dma_wait3A_99 = tpu.memref_slice %arg2[%dma_wait3A_97, %dma_wait3A_98] : memref<8192x128xf32, #tpu.memory_space<hbm>> -> memref<8192x128xf32, #tpu.memory_space<hbm>>
    tpu.wait_indirect_dma semaphore(%arg9 : memref<!tpu.dma_semaphore, #tpu.memory_space<semaphore_mem>>) src(%dma_wait3A_99 : memref<8192x128xf32, #tpu.memory_space<hbm>>) dst(%arg7 : memref<128x128xf32, #tpu.memory_space<vmem>>)
    %add3A_100 = arith.constant 896 : i32
    %add3A_101 = arith.addi %mul3A_2, %add3A_100 : i32
    "tpu.region"() ({
      %run_scoped3A = tpu.sem_alloc : memref<!tpu.dma_semaphore, #tpu.memory_space<semaphore_mem>>
      %dma_start3A_193 = arith.constant 0 : i32
      %dma_start3A_194 = tpu.memref_slice %arg4[%add3A_101, %dma_start3A_193] : memref<65536x128xf32, #tpu.memory_space<hbm>> -> memref<128x128xf32, #tpu.memory_space<hbm>>
      %dma_start3A_195 = arith.constant 0 : i32
      %dma_start3A_196 = tpu.memref_slice %arg4[%add3A_101, %dma_start3A_195] : memref<65536x128xf32, #tpu.memory_space<hbm>> -> memref<128x128xf32, #tpu.memory_space<hbm>>
      tpu.enqueue_dma source(%arg7 : memref<128x128xf32, #tpu.memory_space<vmem>>) target(%dma_start3A_196 : memref<128x128xf32, #tpu.memory_space<hbm>>) target_semaphore(%run_scoped3A : memref<!tpu.dma_semaphore, #tpu.memory_space<semaphore_mem>>)
      %dma_wait3A_197 = arith.constant 0 : i32
      %dma_wait3A_198 = tpu.memref_slice %arg4[%add3A_101, %dma_wait3A_197] : memref<65536x128xf32, #tpu.memory_space<hbm>> -> memref<128x128xf32, #tpu.memory_space<hbm>>
      %dma_wait3A_199 = arith.constant 0 : i32
      %dma_wait3A_200 = tpu.memref_slice %arg4[%add3A_101, %dma_wait3A_199] : memref<65536x128xf32, #tpu.memory_space<hbm>> -> memref<128x128xf32, #tpu.memory_space<hbm>>
      tpu.wait_dma2 semaphore(%run_scoped3A : memref<!tpu.dma_semaphore, #tpu.memory_space<semaphore_mem>>) src(%arg7 : memref<128x128xf32, #tpu.memory_space<vmem>>) dst(%dma_wait3A_200 : memref<128x128xf32, #tpu.memory_space<hbm>>)
      tpu.yield
    }) : () -> ()
    %dma_start3A_102 = arith.constant 1152 : i32
    %dma_start3A_103 = tpu.memref_slice %arg5[%dma_start3A_102] : memref<2048xi32, #tpu.memory_space<vmem>> -> memref<128xi32, #tpu.memory_space<vmem>>
    %dma_start3A_104 = arith.constant 0 : i32
    %dma_start3A_105 = arith.constant 0 : i32
    %dma_start3A_106 = tpu.memref_slice %arg2[%dma_start3A_104, %dma_start3A_105] : memref<8192x128xf32, #tpu.memory_space<hbm>> -> memref<8192x128xf32, #tpu.memory_space<hbm>>
    tpu.enqueue_indirect_dma source(%dma_start3A_106 : memref<8192x128xf32, #tpu.memory_space<hbm>>) target(%arg7 : memref<128x128xf32, #tpu.memory_space<vmem>>) offsets(%dma_start3A_103 : memref<128xi32, #tpu.memory_space<vmem>>) semaphore(%arg9 : memref<!tpu.dma_semaphore, #tpu.memory_space<semaphore_mem>>)
    %dma_wait3A_107 = arith.constant 1024 : i32
    %dma_wait3A_108 = tpu.memref_slice %arg5[%dma_wait3A_107] : memref<2048xi32, #tpu.memory_space<vmem>> -> memref<128xi32, #tpu.memory_space<vmem>>
    %dma_wait3A_109 = arith.constant 0 : i32
    %dma_wait3A_110 = arith.constant 0 : i32
    %dma_wait3A_111 = tpu.memref_slice %arg2[%dma_wait3A_109, %dma_wait3A_110] : memref<8192x128xf32, #tpu.memory_space<hbm>> -> memref<8192x128xf32, #tpu.memory_space<hbm>>
    tpu.wait_indirect_dma semaphore(%arg8 : memref<!tpu.dma_semaphore, #tpu.memory_space<semaphore_mem>>) src(%dma_wait3A_111 : memref<8192x128xf32, #tpu.memory_space<hbm>>) dst(%arg6 : memref<128x128xf32, #tpu.memory_space<vmem>>)
    %add3A_112 = arith.constant 1024 : i32
    %add3A_113 = arith.addi %mul3A_2, %add3A_112 : i32
    "tpu.region"() ({
      %run_scoped3A = tpu.sem_alloc : memref<!tpu.dma_semaphore, #tpu.memory_space<semaphore_mem>>
      %dma_start3A_193 = arith.constant 0 : i32
      %dma_start3A_194 = tpu.memref_slice %arg4[%add3A_113, %dma_start3A_193] : memref<65536x128xf32, #tpu.memory_space<hbm>> -> memref<128x128xf32, #tpu.memory_space<hbm>>
      %dma_start3A_195 = arith.constant 0 : i32
      %dma_start3A_196 = tpu.memref_slice %arg4[%add3A_113, %dma_start3A_195] : memref<65536x128xf32, #tpu.memory_space<hbm>> -> memref<128x128xf32, #tpu.memory_space<hbm>>
      tpu.enqueue_dma source(%arg6 : memref<128x128xf32, #tpu.memory_space<vmem>>) target(%dma_start3A_196 : memref<128x128xf32, #tpu.memory_space<hbm>>) target_semaphore(%run_scoped3A : memref<!tpu.dma_semaphore, #tpu.memory_space<semaphore_mem>>)
      %dma_wait3A_197 = arith.constant 0 : i32
      %dma_wait3A_198 = tpu.memref_slice %arg4[%add3A_113, %dma_wait3A_197] : memref<65536x128xf32, #tpu.memory_space<hbm>> -> memref<128x128xf32, #tpu.memory_space<hbm>>
      %dma_wait3A_199 = arith.constant 0 : i32
      %dma_wait3A_200 = tpu.memref_slice %arg4[%add3A_113, %dma_wait3A_199] : memref<65536x128xf32, #tpu.memory_space<hbm>> -> memref<128x128xf32, #tpu.memory_space<hbm>>
      tpu.wait_dma2 semaphore(%run_scoped3A : memref<!tpu.dma_semaphore, #tpu.memory_space<semaphore_mem>>) src(%arg6 : memref<128x128xf32, #tpu.memory_space<vmem>>) dst(%dma_wait3A_200 : memref<128x128xf32, #tpu.memory_space<hbm>>)
      tpu.yield
    }) : () -> ()
    %dma_start3A_114 = arith.constant 1280 : i32
    %dma_start3A_115 = tpu.memref_slice %arg5[%dma_start3A_114] : memref<2048xi32, #tpu.memory_space<vmem>> -> memref<128xi32, #tpu.memory_space<vmem>>
    %dma_start3A_116 = arith.constant 0 : i32
    %dma_start3A_117 = arith.constant 0 : i32
    %dma_start3A_118 = tpu.memref_slice %arg2[%dma_start3A_116, %dma_start3A_117] : memref<8192x128xf32, #tpu.memory_space<hbm>> -> memref<8192x128xf32, #tpu.memory_space<hbm>>
    tpu.enqueue_indirect_dma source(%dma_start3A_118 : memref<8192x128xf32, #tpu.memory_space<hbm>>) target(%arg6 : memref<128x128xf32, #tpu.memory_space<vmem>>) offsets(%dma_start3A_115 : memref<128xi32, #tpu.memory_space<vmem>>) semaphore(%arg8 : memref<!tpu.dma_semaphore, #tpu.memory_space<semaphore_mem>>)
    %dma_wait3A_119 = arith.constant 1152 : i32
    %dma_wait3A_120 = tpu.memref_slice %arg5[%dma_wait3A_119] : memref<2048xi32, #tpu.memory_space<vmem>> -> memref<128xi32, #tpu.memory_space<vmem>>
    %dma_wait3A_121 = arith.constant 0 : i32
    %dma_wait3A_122 = arith.constant 0 : i32
    %dma_wait3A_123 = tpu.memref_slice %arg2[%dma_wait3A_121, %dma_wait3A_122] : memref<8192x128xf32, #tpu.memory_space<hbm>> -> memref<8192x128xf32, #tpu.memory_space<hbm>>
    tpu.wait_indirect_dma semaphore(%arg9 : memref<!tpu.dma_semaphore, #tpu.memory_space<semaphore_mem>>) src(%dma_wait3A_123 : memref<8192x128xf32, #tpu.memory_space<hbm>>) dst(%arg7 : memref<128x128xf32, #tpu.memory_space<vmem>>)
    %add3A_124 = arith.constant 1152 : i32
    %add3A_125 = arith.addi %mul3A_2, %add3A_124 : i32
    "tpu.region"() ({
      %run_scoped3A = tpu.sem_alloc : memref<!tpu.dma_semaphore, #tpu.memory_space<semaphore_mem>>
      %dma_start3A_193 = arith.constant 0 : i32
      %dma_start3A_194 = tpu.memref_slice %arg4[%add3A_125, %dma_start3A_193] : memref<65536x128xf32, #tpu.memory_space<hbm>> -> memref<128x128xf32, #tpu.memory_space<hbm>>
      %dma_start3A_195 = arith.constant 0 : i32
      %dma_start3A_196 = tpu.memref_slice %arg4[%add3A_125, %dma_start3A_195] : memref<65536x128xf32, #tpu.memory_space<hbm>> -> memref<128x128xf32, #tpu.memory_space<hbm>>
      tpu.enqueue_dma source(%arg7 : memref<128x128xf32, #tpu.memory_space<vmem>>) target(%dma_start3A_196 : memref<128x128xf32, #tpu.memory_space<hbm>>) target_semaphore(%run_scoped3A : memref<!tpu.dma_semaphore, #tpu.memory_space<semaphore_mem>>)
      %dma_wait3A_197 = arith.constant 0 : i32
      %dma_wait3A_198 = tpu.memref_slice %arg4[%add3A_125, %dma_wait3A_197] : memref<65536x128xf32, #tpu.memory_space<hbm>> -> memref<128x128xf32, #tpu.memory_space<hbm>>
      %dma_wait3A_199 = arith.constant 0 : i32
      %dma_wait3A_200 = tpu.memref_slice %arg4[%add3A_125, %dma_wait3A_199] : memref<65536x128xf32, #tpu.memory_space<hbm>> -> memref<128x128xf32, #tpu.memory_space<hbm>>
      tpu.wait_dma2 semaphore(%run_scoped3A : memref<!tpu.dma_semaphore, #tpu.memory_space<semaphore_mem>>) src(%arg7 : memref<128x128xf32, #tpu.memory_space<vmem>>) dst(%dma_wait3A_200 : memref<128x128xf32, #tpu.memory_space<hbm>>)
      tpu.yield
    }) : () -> ()
    %dma_start3A_126 = arith.constant 1408 : i32
    %dma_start3A_127 = tpu.memref_slice %arg5[%dma_start3A_126] : memref<2048xi32, #tpu.memory_space<vmem>> -> memref<128xi32, #tpu.memory_space<vmem>>
    %dma_start3A_128 = arith.constant 0 : i32
    %dma_start3A_129 = arith.constant 0 : i32
    %dma_start3A_130 = tpu.memref_slice %arg2[%dma_start3A_128, %dma_start3A_129] : memref<8192x128xf32, #tpu.memory_space<hbm>> -> memref<8192x128xf32, #tpu.memory_space<hbm>>
    tpu.enqueue_indirect_dma source(%dma_start3A_130 : memref<8192x128xf32, #tpu.memory_space<hbm>>) target(%arg7 : memref<128x128xf32, #tpu.memory_space<vmem>>) offsets(%dma_start3A_127 : memref<128xi32, #tpu.memory_space<vmem>>) semaphore(%arg9 : memref<!tpu.dma_semaphore, #tpu.memory_space<semaphore_mem>>)
    %dma_wait3A_131 = arith.constant 1280 : i32
    %dma_wait3A_132 = tpu.memref_slice %arg5[%dma_wait3A_131] : memref<2048xi32, #tpu.memory_space<vmem>> -> memref<128xi32, #tpu.memory_space<vmem>>
    %dma_wait3A_133 = arith.constant 0 : i32
    %dma_wait3A_134 = arith.constant 0 : i32
    %dma_wait3A_135 = tpu.memref_slice %arg2[%dma_wait3A_133, %dma_wait3A_134] : memref<8192x128xf32, #tpu.memory_space<hbm>> -> memref<8192x128xf32, #tpu.memory_space<hbm>>
    tpu.wait_indirect_dma semaphore(%arg8 : memref<!tpu.dma_semaphore, #tpu.memory_space<semaphore_mem>>) src(%dma_wait3A_135 : memref<8192x128xf32, #tpu.memory_space<hbm>>) dst(%arg6 : memref<128x128xf32, #tpu.memory_space<vmem>>)
    %add3A_136 = arith.constant 1280 : i32
    %add3A_137 = arith.addi %mul3A_2, %add3A_136 : i32
    "tpu.region"() ({
      %run_scoped3A = tpu.sem_alloc : memref<!tpu.dma_semaphore, #tpu.memory_space<semaphore_mem>>
      %dma_start3A_193 = arith.constant 0 : i32
      %dma_start3A_194 = tpu.memref_slice %arg4[%add3A_137, %dma_start3A_193] : memref<65536x128xf32, #tpu.memory_space<hbm>> -> memref<128x128xf32, #tpu.memory_space<hbm>>
      %dma_start3A_195 = arith.constant 0 : i32
      %dma_start3A_196 = tpu.memref_slice %arg4[%add3A_137, %dma_start3A_195] : memref<65536x128xf32, #tpu.memory_space<hbm>> -> memref<128x128xf32, #tpu.memory_space<hbm>>
      tpu.enqueue_dma source(%arg6 : memref<128x128xf32, #tpu.memory_space<vmem>>) target(%dma_start3A_196 : memref<128x128xf32, #tpu.memory_space<hbm>>) target_semaphore(%run_scoped3A : memref<!tpu.dma_semaphore, #tpu.memory_space<semaphore_mem>>)
      %dma_wait3A_197 = arith.constant 0 : i32
      %dma_wait3A_198 = tpu.memref_slice %arg4[%add3A_137, %dma_wait3A_197] : memref<65536x128xf32, #tpu.memory_space<hbm>> -> memref<128x128xf32, #tpu.memory_space<hbm>>
      %dma_wait3A_199 = arith.constant 0 : i32
      %dma_wait3A_200 = tpu.memref_slice %arg4[%add3A_137, %dma_wait3A_199] : memref<65536x128xf32, #tpu.memory_space<hbm>> -> memref<128x128xf32, #tpu.memory_space<hbm>>
      tpu.wait_dma2 semaphore(%run_scoped3A : memref<!tpu.dma_semaphore, #tpu.memory_space<semaphore_mem>>) src(%arg6 : memref<128x128xf32, #tpu.memory_space<vmem>>) dst(%dma_wait3A_200 : memref<128x128xf32, #tpu.memory_space<hbm>>)
      tpu.yield
    }) : () -> ()
    %dma_start3A_138 = arith.constant 1536 : i32
    %dma_start3A_139 = tpu.memref_slice %arg5[%dma_start3A_138] : memref<2048xi32, #tpu.memory_space<vmem>> -> memref<128xi32, #tpu.memory_space<vmem>>
    %dma_start3A_140 = arith.constant 0 : i32
    %dma_start3A_141 = arith.constant 0 : i32
    %dma_start3A_142 = tpu.memref_slice %arg2[%dma_start3A_140, %dma_start3A_141] : memref<8192x128xf32, #tpu.memory_space<hbm>> -> memref<8192x128xf32, #tpu.memory_space<hbm>>
    tpu.enqueue_indirect_dma source(%dma_start3A_142 : memref<8192x128xf32, #tpu.memory_space<hbm>>) target(%arg6 : memref<128x128xf32, #tpu.memory_space<vmem>>) offsets(%dma_start3A_139 : memref<128xi32, #tpu.memory_space<vmem>>) semaphore(%arg8 : memref<!tpu.dma_semaphore, #tpu.memory_space<semaphore_mem>>)
    %dma_wait3A_143 = arith.constant 1408 : i32
    %dma_wait3A_144 = tpu.memref_slice %arg5[%dma_wait3A_143] : memref<2048xi32, #tpu.memory_space<vmem>> -> memref<128xi32, #tpu.memory_space<vmem>>
    %dma_wait3A_145 = arith.constant 0 : i32
    %dma_wait3A_146 = arith.constant 0 : i32
    %dma_wait3A_147 = tpu.memref_slice %arg2[%dma_wait3A_145, %dma_wait3A_146] : memref<8192x128xf32, #tpu.memory_space<hbm>> -> memref<8192x128xf32, #tpu.memory_space<hbm>>
    tpu.wait_indirect_dma semaphore(%arg9 : memref<!tpu.dma_semaphore, #tpu.memory_space<semaphore_mem>>) src(%dma_wait3A_147 : memref<8192x128xf32, #tpu.memory_space<hbm>>) dst(%arg7 : memref<128x128xf32, #tpu.memory_space<vmem>>)
    %add3A_148 = arith.constant 1408 : i32
    %add3A_149 = arith.addi %mul3A_2, %add3A_148 : i32
    "tpu.region"() ({
      %run_scoped3A = tpu.sem_alloc : memref<!tpu.dma_semaphore, #tpu.memory_space<semaphore_mem>>
      %dma_start3A_193 = arith.constant 0 : i32
      %dma_start3A_194 = tpu.memref_slice %arg4[%add3A_149, %dma_start3A_193] : memref<65536x128xf32, #tpu.memory_space<hbm>> -> memref<128x128xf32, #tpu.memory_space<hbm>>
      %dma_start3A_195 = arith.constant 0 : i32
      %dma_start3A_196 = tpu.memref_slice %arg4[%add3A_149, %dma_start3A_195] : memref<65536x128xf32, #tpu.memory_space<hbm>> -> memref<128x128xf32, #tpu.memory_space<hbm>>
      tpu.enqueue_dma source(%arg7 : memref<128x128xf32, #tpu.memory_space<vmem>>) target(%dma_start3A_196 : memref<128x128xf32, #tpu.memory_space<hbm>>) target_semaphore(%run_scoped3A : memref<!tpu.dma_semaphore, #tpu.memory_space<semaphore_mem>>)
      %dma_wait3A_197 = arith.constant 0 : i32
      %dma_wait3A_198 = tpu.memref_slice %arg4[%add3A_149, %dma_wait3A_197] : memref<65536x128xf32, #tpu.memory_space<hbm>> -> memref<128x128xf32, #tpu.memory_space<hbm>>
      %dma_wait3A_199 = arith.constant 0 : i32
      %dma_wait3A_200 = tpu.memref_slice %arg4[%add3A_149, %dma_wait3A_199] : memref<65536x128xf32, #tpu.memory_space<hbm>> -> memref<128x128xf32, #tpu.memory_space<hbm>>
      tpu.wait_dma2 semaphore(%run_scoped3A : memref<!tpu.dma_semaphore, #tpu.memory_space<semaphore_mem>>) src(%arg7 : memref<128x128xf32, #tpu.memory_space<vmem>>) dst(%dma_wait3A_200 : memref<128x128xf32, #tpu.memory_space<hbm>>)
      tpu.yield
    }) : () -> ()
    %dma_start3A_150 = arith.constant 1664 : i32
    %dma_start3A_151 = tpu.memref_slice %arg5[%dma_start3A_150] : memref<2048xi32, #tpu.memory_space<vmem>> -> memref<128xi32, #tpu.memory_space<vmem>>
    %dma_start3A_152 = arith.constant 0 : i32
    %dma_start3A_153 = arith.constant 0 : i32
    %dma_start3A_154 = tpu.memref_slice %arg2[%dma_start3A_152, %dma_start3A_153] : memref<8192x128xf32, #tpu.memory_space<hbm>> -> memref<8192x128xf32, #tpu.memory_space<hbm>>
    tpu.enqueue_indirect_dma source(%dma_start3A_154 : memref<8192x128xf32, #tpu.memory_space<hbm>>) target(%arg7 : memref<128x128xf32, #tpu.memory_space<vmem>>) offsets(%dma_start3A_151 : memref<128xi32, #tpu.memory_space<vmem>>) semaphore(%arg9 : memref<!tpu.dma_semaphore, #tpu.memory_space<semaphore_mem>>)
    %dma_wait3A_155 = arith.constant 1536 : i32
    %dma_wait3A_156 = tpu.memref_slice %arg5[%dma_wait3A_155] : memref<2048xi32, #tpu.memory_space<vmem>> -> memref<128xi32, #tpu.memory_space<vmem>>
    %dma_wait3A_157 = arith.constant 0 : i32
    %dma_wait3A_158 = arith.constant 0 : i32
    %dma_wait3A_159 = tpu.memref_slice %arg2[%dma_wait3A_157, %dma_wait3A_158] : memref<8192x128xf32, #tpu.memory_space<hbm>> -> memref<8192x128xf32, #tpu.memory_space<hbm>>
    tpu.wait_indirect_dma semaphore(%arg8 : memref<!tpu.dma_semaphore, #tpu.memory_space<semaphore_mem>>) src(%dma_wait3A_159 : memref<8192x128xf32, #tpu.memory_space<hbm>>) dst(%arg6 : memref<128x128xf32, #tpu.memory_space<vmem>>)
    %add3A_160 = arith.constant 1536 : i32
    %add3A_161 = arith.addi %mul3A_2, %add3A_160 : i32
    "tpu.region"() ({
      %run_scoped3A = tpu.sem_alloc : memref<!tpu.dma_semaphore, #tpu.memory_space<semaphore_mem>>
      %dma_start3A_193 = arith.constant 0 : i32
      %dma_start3A_194 = tpu.memref_slice %arg4[%add3A_161, %dma_start3A_193] : memref<65536x128xf32, #tpu.memory_space<hbm>> -> memref<128x128xf32, #tpu.memory_space<hbm>>
      %dma_start3A_195 = arith.constant 0 : i32
      %dma_start3A_196 = tpu.memref_slice %arg4[%add3A_161, %dma_start3A_195] : memref<65536x128xf32, #tpu.memory_space<hbm>> -> memref<128x128xf32, #tpu.memory_space<hbm>>
      tpu.enqueue_dma source(%arg6 : memref<128x128xf32, #tpu.memory_space<vmem>>) target(%dma_start3A_196 : memref<128x128xf32, #tpu.memory_space<hbm>>) target_semaphore(%run_scoped3A : memref<!tpu.dma_semaphore, #tpu.memory_space<semaphore_mem>>)
      %dma_wait3A_197 = arith.constant 0 : i32
      %dma_wait3A_198 = tpu.memref_slice %arg4[%add3A_161, %dma_wait3A_197] : memref<65536x128xf32, #tpu.memory_space<hbm>> -> memref<128x128xf32, #tpu.memory_space<hbm>>
      %dma_wait3A_199 = arith.constant 0 : i32
      %dma_wait3A_200 = tpu.memref_slice %arg4[%add3A_161, %dma_wait3A_199] : memref<65536x128xf32, #tpu.memory_space<hbm>> -> memref<128x128xf32, #tpu.memory_space<hbm>>
      tpu.wait_dma2 semaphore(%run_scoped3A : memref<!tpu.dma_semaphore, #tpu.memory_space<semaphore_mem>>) src(%arg6 : memref<128x128xf32, #tpu.memory_space<vmem>>) dst(%dma_wait3A_200 : memref<128x128xf32, #tpu.memory_space<hbm>>)
      tpu.yield
    }) : () -> ()
    %dma_start3A_162 = arith.constant 1792 : i32
    %dma_start3A_163 = tpu.memref_slice %arg5[%dma_start3A_162] : memref<2048xi32, #tpu.memory_space<vmem>> -> memref<128xi32, #tpu.memory_space<vmem>>
    %dma_start3A_164 = arith.constant 0 : i32
    %dma_start3A_165 = arith.constant 0 : i32
    %dma_start3A_166 = tpu.memref_slice %arg2[%dma_start3A_164, %dma_start3A_165] : memref<8192x128xf32, #tpu.memory_space<hbm>> -> memref<8192x128xf32, #tpu.memory_space<hbm>>
    tpu.enqueue_indirect_dma source(%dma_start3A_166 : memref<8192x128xf32, #tpu.memory_space<hbm>>) target(%arg6 : memref<128x128xf32, #tpu.memory_space<vmem>>) offsets(%dma_start3A_163 : memref<128xi32, #tpu.memory_space<vmem>>) semaphore(%arg8 : memref<!tpu.dma_semaphore, #tpu.memory_space<semaphore_mem>>)
    %dma_wait3A_167 = arith.constant 1664 : i32
    %dma_wait3A_168 = tpu.memref_slice %arg5[%dma_wait3A_167] : memref<2048xi32, #tpu.memory_space<vmem>> -> memref<128xi32, #tpu.memory_space<vmem>>
    %dma_wait3A_169 = arith.constant 0 : i32
    %dma_wait3A_170 = arith.constant 0 : i32
    %dma_wait3A_171 = tpu.memref_slice %arg2[%dma_wait3A_169, %dma_wait3A_170] : memref<8192x128xf32, #tpu.memory_space<hbm>> -> memref<8192x128xf32, #tpu.memory_space<hbm>>
    tpu.wait_indirect_dma semaphore(%arg9 : memref<!tpu.dma_semaphore, #tpu.memory_space<semaphore_mem>>) src(%dma_wait3A_171 : memref<8192x128xf32, #tpu.memory_space<hbm>>) dst(%arg7 : memref<128x128xf32, #tpu.memory_space<vmem>>)
    %add3A_172 = arith.constant 1664 : i32
    %add3A_173 = arith.addi %mul3A_2, %add3A_172 : i32
    "tpu.region"() ({
      %run_scoped3A = tpu.sem_alloc : memref<!tpu.dma_semaphore, #tpu.memory_space<semaphore_mem>>
      %dma_start3A_193 = arith.constant 0 : i32
      %dma_start3A_194 = tpu.memref_slice %arg4[%add3A_173, %dma_start3A_193] : memref<65536x128xf32, #tpu.memory_space<hbm>> -> memref<128x128xf32, #tpu.memory_space<hbm>>
      %dma_start3A_195 = arith.constant 0 : i32
      %dma_start3A_196 = tpu.memref_slice %arg4[%add3A_173, %dma_start3A_195] : memref<65536x128xf32, #tpu.memory_space<hbm>> -> memref<128x128xf32, #tpu.memory_space<hbm>>
      tpu.enqueue_dma source(%arg7 : memref<128x128xf32, #tpu.memory_space<vmem>>) target(%dma_start3A_196 : memref<128x128xf32, #tpu.memory_space<hbm>>) target_semaphore(%run_scoped3A : memref<!tpu.dma_semaphore, #tpu.memory_space<semaphore_mem>>)
      %dma_wait3A_197 = arith.constant 0 : i32
      %dma_wait3A_198 = tpu.memref_slice %arg4[%add3A_173, %dma_wait3A_197] : memref<65536x128xf32, #tpu.memory_space<hbm>> -> memref<128x128xf32, #tpu.memory_space<hbm>>
      %dma_wait3A_199 = arith.constant 0 : i32
      %dma_wait3A_200 = tpu.memref_slice %arg4[%add3A_173, %dma_wait3A_199] : memref<65536x128xf32, #tpu.memory_space<hbm>> -> memref<128x128xf32, #tpu.memory_space<hbm>>
      tpu.wait_dma2 semaphore(%run_scoped3A : memref<!tpu.dma_semaphore, #tpu.memory_space<semaphore_mem>>) src(%arg7 : memref<128x128xf32, #tpu.memory_space<vmem>>) dst(%dma_wait3A_200 : memref<128x128xf32, #tpu.memory_space<hbm>>)
      tpu.yield
    }) : () -> ()
    %dma_start3A_174 = arith.constant 1920 : i32
    %dma_start3A_175 = tpu.memref_slice %arg5[%dma_start3A_174] : memref<2048xi32, #tpu.memory_space<vmem>> -> memref<128xi32, #tpu.memory_space<vmem>>
    %dma_start3A_176 = arith.constant 0 : i32
    %dma_start3A_177 = arith.constant 0 : i32
    %dma_start3A_178 = tpu.memref_slice %arg2[%dma_start3A_176, %dma_start3A_177] : memref<8192x128xf32, #tpu.memory_space<hbm>> -> memref<8192x128xf32, #tpu.memory_space<hbm>>
    tpu.enqueue_indirect_dma source(%dma_start3A_178 : memref<8192x128xf32, #tpu.memory_space<hbm>>) target(%arg7 : memref<128x128xf32, #tpu.memory_space<vmem>>) offsets(%dma_start3A_175 : memref<128xi32, #tpu.memory_space<vmem>>) semaphore(%arg9 : memref<!tpu.dma_semaphore, #tpu.memory_space<semaphore_mem>>)
    %dma_wait3A_179 = arith.constant 1792 : i32
    %dma_wait3A_180 = tpu.memref_slice %arg5[%dma_wait3A_179] : memref<2048xi32, #tpu.memory_space<vmem>> -> memref<128xi32, #tpu.memory_space<vmem>>
    %dma_wait3A_181 = arith.constant 0 : i32
    %dma_wait3A_182 = arith.constant 0 : i32
    %dma_wait3A_183 = tpu.memref_slice %arg2[%dma_wait3A_181, %dma_wait3A_182] : memref<8192x128xf32, #tpu.memory_space<hbm>> -> memref<8192x128xf32, #tpu.memory_space<hbm>>
    tpu.wait_indirect_dma semaphore(%arg8 : memref<!tpu.dma_semaphore, #tpu.memory_space<semaphore_mem>>) src(%dma_wait3A_183 : memref<8192x128xf32, #tpu.memory_space<hbm>>) dst(%arg6 : memref<128x128xf32, #tpu.memory_space<vmem>>)
    %add3A_184 = arith.constant 1792 : i32
    %add3A_185 = arith.addi %mul3A_2, %add3A_184 : i32
    "tpu.region"() ({
      %run_scoped3A = tpu.sem_alloc : memref<!tpu.dma_semaphore, #tpu.memory_space<semaphore_mem>>
      %dma_start3A_193 = arith.constant 0 : i32
      %dma_start3A_194 = tpu.memref_slice %arg4[%add3A_185, %dma_start3A_193] : memref<65536x128xf32, #tpu.memory_space<hbm>> -> memref<128x128xf32, #tpu.memory_space<hbm>>
      %dma_start3A_195 = arith.constant 0 : i32
      %dma_start3A_196 = tpu.memref_slice %arg4[%add3A_185, %dma_start3A_195] : memref<65536x128xf32, #tpu.memory_space<hbm>> -> memref<128x128xf32, #tpu.memory_space<hbm>>
      tpu.enqueue_dma source(%arg6 : memref<128x128xf32, #tpu.memory_space<vmem>>) target(%dma_start3A_196 : memref<128x128xf32, #tpu.memory_space<hbm>>) target_semaphore(%run_scoped3A : memref<!tpu.dma_semaphore, #tpu.memory_space<semaphore_mem>>)
      %dma_wait3A_197 = arith.constant 0 : i32
      %dma_wait3A_198 = tpu.memref_slice %arg4[%add3A_185, %dma_wait3A_197] : memref<65536x128xf32, #tpu.memory_space<hbm>> -> memref<128x128xf32, #tpu.memory_space<hbm>>
      %dma_wait3A_199 = arith.constant 0 : i32
      %dma_wait3A_200 = tpu.memref_slice %arg4[%add3A_185, %dma_wait3A_199] : memref<65536x128xf32, #tpu.memory_space<hbm>> -> memref<128x128xf32, #tpu.memory_space<hbm>>
      tpu.wait_dma2 semaphore(%run_scoped3A : memref<!tpu.dma_semaphore, #tpu.memory_space<semaphore_mem>>) src(%arg6 : memref<128x128xf32, #tpu.memory_space<vmem>>) dst(%dma_wait3A_200 : memref<128x128xf32, #tpu.memory_space<hbm>>)
      tpu.yield
    }) : () -> ()
    %dma_wait3A_186 = arith.constant 1920 : i32
    %dma_wait3A_187 = tpu.memref_slice %arg5[%dma_wait3A_186] : memref<2048xi32, #tpu.memory_space<vmem>> -> memref<128xi32, #tpu.memory_space<vmem>>
    %dma_wait3A_188 = arith.constant 0 : i32
    %dma_wait3A_189 = arith.constant 0 : i32
    %dma_wait3A_190 = tpu.memref_slice %arg2[%dma_wait3A_188, %dma_wait3A_189] : memref<8192x128xf32, #tpu.memory_space<hbm>> -> memref<8192x128xf32, #tpu.memory_space<hbm>>
    tpu.wait_indirect_dma semaphore(%arg9 : memref<!tpu.dma_semaphore, #tpu.memory_space<semaphore_mem>>) src(%dma_wait3A_190 : memref<8192x128xf32, #tpu.memory_space<hbm>>) dst(%arg7 : memref<128x128xf32, #tpu.memory_space<vmem>>)
    %add3A_191 = arith.constant 1920 : i32
    %add3A_192 = arith.addi %mul3A_2, %add3A_191 : i32
    "tpu.region"() ({
      %run_scoped3A = tpu.sem_alloc : memref<!tpu.dma_semaphore, #tpu.memory_space<semaphore_mem>>
      %dma_start3A_193 = arith.constant 0 : i32
      %dma_start3A_194 = tpu.memref_slice %arg4[%add3A_192, %dma_start3A_193] : memref<65536x128xf32, #tpu.memory_space<hbm>> -> memref<128x128xf32, #tpu.memory_space<hbm>>
      %dma_start3A_195 = arith.constant 0 : i32
      %dma_start3A_196 = tpu.memref_slice %arg4[%add3A_192, %dma_start3A_195] : memref<65536x128xf32, #tpu.memory_space<hbm>> -> memref<128x128xf32, #tpu.memory_space<hbm>>
      tpu.enqueue_dma source(%arg7 : memref<128x128xf32, #tpu.memory_space<vmem>>) target(%dma_start3A_196 : memref<128x128xf32, #tpu.memory_space<hbm>>) target_semaphore(%run_scoped3A : memref<!tpu.dma_semaphore, #tpu.memory_space<semaphore_mem>>)
      %dma_wait3A_197 = arith.constant 0 : i32
      %dma_wait3A_198 = tpu.memref_slice %arg4[%add3A_192, %dma_wait3A_197] : memref<65536x128xf32, #tpu.memory_space<hbm>> -> memref<128x128xf32, #tpu.memory_space<hbm>>
      %dma_wait3A_199 = arith.constant 0 : i32
      %dma_wait3A_200 = tpu.memref_slice %arg4[%add3A_192, %dma_wait3A_199] : memref<65536x128xf32, #tpu.memory_space<hbm>> -> memref<128x128xf32, #tpu.memory_space<hbm>>
      tpu.wait_dma2 semaphore(%run_scoped3A : memref<!tpu.dma_semaphore, #tpu.memory_space<semaphore_mem>>) src(%arg7 : memref<128x128xf32, #tpu.memory_space<vmem>>) dst(%dma_wait3A_200 : memref<128x128xf32, #tpu.memory_space<hbm>>)
      tpu.yield
    }) : () -> ()
    return
  }
}

#map = affine_map<(d0, d1) -> (0)>
module attributes {stable_mosaic.version = 14 : i64} {
  func.func @kern(%arg0: i32, %arg1: i32, %arg2: memref<6144xf32, #tpu.memory_space<hbm>>, %arg3: memref<49152xf32, #tpu.memory_space<hbm>>, %arg4: memref<16384xi32, #tpu.memory_space<hbm>>, %arg5: memref<256xf32, #tpu.memory_space<vmem>>, %arg6: memref<256xf32, #tpu.memory_space<vmem>>, %arg7: memref<256xf32, #tpu.memory_space<vmem>>, %arg8: memref<256xf32, #tpu.memory_space<vmem>>, %arg9: memref<256xf32, #tpu.memory_space<vmem>>, %arg10: memref<256xf32, #tpu.memory_space<vmem>>, %arg11: memref<256xf32, #tpu.memory_space<vmem>>, %arg12: memref<112xi32, #tpu.memory_space<vmem>>, %arg13: memref<1536xf32, #tpu.memory_space<vmem>>, %arg14: memref<512xi32, #tpu.memory_space<vmem>>) attributes {dimension_semantics = [#tpu.dimension_semantics<core_parallel>, #tpu.dimension_semantics<subcore_parallel>], iteration_bounds = array<i64: 2, 16>, scalar_prefetch = 0 : i64, scratch_operands = 10 : i64, tpu.core_type = #tpu.core_type<sc_vector_subcore>, window_params = [{transform_indices = #map}, {transform_indices = #map}, {transform_indices = #map}]} {
    %mul3A = arith.constant 2 : i32
    %mul3A_0 = arith.muli %arg1, %mul3A : i32
    %add3A = arith.addi %mul3A_0, %arg0 : i32
    %mul3A_1 = arith.constant 16 : i32
    %mul3A_2 = arith.muli %add3A, %mul3A_1 : i32
    %jit3A = arith.constant 64 : i32
    %div3A = arith.divsi %mul3A_2, %jit3A : i32
    %sign3A = arith.constant 0 : i32
    %sign3A_3 = arith.cmpi sgt, %mul3A_2, %sign3A : i32
    %sign3A_4 = arith.extui %sign3A_3 : i1 to i32
    %sign3A_5 = arith.constant 0 : i32
    %sign3A_6 = arith.cmpi slt, %mul3A_2, %sign3A_5 : i32
    %sign3A_7 = arith.extui %sign3A_6 : i1 to i32
    %sign3A_8 = arith.subi %sign3A_4, %sign3A_7 : i32
    %sign3A_9 = arith.constant 0 : i32
    %sign3A_10 = arith.cmpi sgt, %jit3A, %sign3A_9 : i32
    %sign3A_11 = arith.extui %sign3A_10 : i1 to i32
    %sign3A_12 = arith.constant 0 : i32
    %sign3A_13 = arith.cmpi slt, %jit3A, %sign3A_12 : i32
    %sign3A_14 = arith.extui %sign3A_13 : i1 to i32
    %sign3A_15 = arith.subi %sign3A_11, %sign3A_14 : i32
    %ne3A = arith.cmpi ne, %sign3A_8, %sign3A_15 : i32
    %rem3A = arith.remsi %mul3A_2, %jit3A : i32
    %ne3A_16 = arith.constant 0 : i32
    %ne3A_17 = arith.cmpi ne, %rem3A, %ne3A_16 : i32
    %and3A = arith.andi %ne3A, %ne3A_17 : i1
    %sub3A = arith.constant 1 : i32
    %sub3A_18 = arith.subi %div3A, %sub3A : i32
    %select_n3A = arith.select %and3A, %sub3A_18, %div3A : i32
    %mul3A_19 = arith.constant 64 : i32
    %mul3A_20 = arith.muli %select_n3A, %mul3A_19 : i32
    %sub3A_21 = arith.subi %mul3A_2, %mul3A_20 : i32
    %mul3A_22 = arith.constant 3 : i32
    %mul3A_23 = arith.muli %select_n3A, %mul3A_22 : i32
    %add3A_24 = arith.constant 0 : i32
    %add3A_25 = arith.addi %mul3A_23, %add3A_24 : i32
    %mul3A_26 = arith.constant 256 : i32
    %mul3A_27 = arith.muli %add3A_25, %mul3A_26 : i32
    "tpu.region"() ({
      %run_scoped3A = tpu.sem_alloc : memref<!tpu.dma_semaphore, #tpu.memory_space<semaphore_mem>>
      %dma_start3A = tpu.memref_slice %arg2[%mul3A_27] : memref<6144xf32, #tpu.memory_space<hbm>> -> memref<256xf32, #tpu.memory_space<hbm>>
      %dma_start3A_57 = tpu.memref_slice %arg2[%mul3A_27] : memref<6144xf32, #tpu.memory_space<hbm>> -> memref<256xf32, #tpu.memory_space<hbm>>
      tpu.enqueue_dma source(%dma_start3A_57 : memref<256xf32, #tpu.memory_space<hbm>>) target(%arg5 : memref<256xf32, #tpu.memory_space<vmem>>) target_semaphore(%run_scoped3A : memref<!tpu.dma_semaphore, #tpu.memory_space<semaphore_mem>>)
      %dma_wait3A = tpu.memref_slice %arg2[%mul3A_27] : memref<6144xf32, #tpu.memory_space<hbm>> -> memref<256xf32, #tpu.memory_space<hbm>>
      %dma_wait3A_58 = tpu.memref_slice %arg2[%mul3A_27] : memref<6144xf32, #tpu.memory_space<hbm>> -> memref<256xf32, #tpu.memory_space<hbm>>
      tpu.wait_dma2 semaphore(%run_scoped3A : memref<!tpu.dma_semaphore, #tpu.memory_space<semaphore_mem>>) src(%dma_wait3A_58 : memref<256xf32, #tpu.memory_space<hbm>>) dst(%arg5 : memref<256xf32, #tpu.memory_space<vmem>>)
      tpu.yield
    }) : () -> ()
    %mul3A_28 = arith.constant 3 : i32
    %mul3A_29 = arith.muli %select_n3A, %mul3A_28 : i32
    %add3A_30 = arith.constant 1 : i32
    %add3A_31 = arith.addi %mul3A_29, %add3A_30 : i32
    %mul3A_32 = arith.constant 256 : i32
    %mul3A_33 = arith.muli %add3A_31, %mul3A_32 : i32
    "tpu.region"() ({
      %run_scoped3A = tpu.sem_alloc : memref<!tpu.dma_semaphore, #tpu.memory_space<semaphore_mem>>
      %dma_start3A = tpu.memref_slice %arg2[%mul3A_33] : memref<6144xf32, #tpu.memory_space<hbm>> -> memref<256xf32, #tpu.memory_space<hbm>>
      %dma_start3A_57 = tpu.memref_slice %arg2[%mul3A_33] : memref<6144xf32, #tpu.memory_space<hbm>> -> memref<256xf32, #tpu.memory_space<hbm>>
      tpu.enqueue_dma source(%dma_start3A_57 : memref<256xf32, #tpu.memory_space<hbm>>) target(%arg6 : memref<256xf32, #tpu.memory_space<vmem>>) target_semaphore(%run_scoped3A : memref<!tpu.dma_semaphore, #tpu.memory_space<semaphore_mem>>)
      %dma_wait3A = tpu.memref_slice %arg2[%mul3A_33] : memref<6144xf32, #tpu.memory_space<hbm>> -> memref<256xf32, #tpu.memory_space<hbm>>
      %dma_wait3A_58 = tpu.memref_slice %arg2[%mul3A_33] : memref<6144xf32, #tpu.memory_space<hbm>> -> memref<256xf32, #tpu.memory_space<hbm>>
      tpu.wait_dma2 semaphore(%run_scoped3A : memref<!tpu.dma_semaphore, #tpu.memory_space<semaphore_mem>>) src(%dma_wait3A_58 : memref<256xf32, #tpu.memory_space<hbm>>) dst(%arg6 : memref<256xf32, #tpu.memory_space<vmem>>)
      tpu.yield
    }) : () -> ()
    %mul3A_34 = arith.constant 3 : i32
    %mul3A_35 = arith.muli %select_n3A, %mul3A_34 : i32
    %add3A_36 = arith.constant 2 : i32
    %add3A_37 = arith.addi %mul3A_35, %add3A_36 : i32
    %mul3A_38 = arith.constant 256 : i32
    %mul3A_39 = arith.muli %add3A_37, %mul3A_38 : i32
    "tpu.region"() ({
      %run_scoped3A = tpu.sem_alloc : memref<!tpu.dma_semaphore, #tpu.memory_space<semaphore_mem>>
      %dma_start3A = tpu.memref_slice %arg2[%mul3A_39] : memref<6144xf32, #tpu.memory_space<hbm>> -> memref<256xf32, #tpu.memory_space<hbm>>
      %dma_start3A_57 = tpu.memref_slice %arg2[%mul3A_39] : memref<6144xf32, #tpu.memory_space<hbm>> -> memref<256xf32, #tpu.memory_space<hbm>>
      tpu.enqueue_dma source(%dma_start3A_57 : memref<256xf32, #tpu.memory_space<hbm>>) target(%arg7 : memref<256xf32, #tpu.memory_space<vmem>>) target_semaphore(%run_scoped3A : memref<!tpu.dma_semaphore, #tpu.memory_space<semaphore_mem>>)
      %dma_wait3A = tpu.memref_slice %arg2[%mul3A_39] : memref<6144xf32, #tpu.memory_space<hbm>> -> memref<256xf32, #tpu.memory_space<hbm>>
      %dma_wait3A_58 = tpu.memref_slice %arg2[%mul3A_39] : memref<6144xf32, #tpu.memory_space<hbm>> -> memref<256xf32, #tpu.memory_space<hbm>>
      tpu.wait_dma2 semaphore(%run_scoped3A : memref<!tpu.dma_semaphore, #tpu.memory_space<semaphore_mem>>) src(%dma_wait3A_58 : memref<256xf32, #tpu.memory_space<hbm>>) dst(%arg7 : memref<256xf32, #tpu.memory_space<vmem>>)
      tpu.yield
    }) : () -> ()
    %scan3A = arith.constant 0 : i32
    %scan3A_40 = arith.constant 0 : i32
    %scan3A_41 = arith.constant 16 : i32
    %scan3A_42 = arith.addi %scan3A_40, %scan3A_41 : i32
    %scan3A_43 = arith.constant 1 : i32
    scf.for %scan3A_57 = %scan3A_40 to %scan3A_42 step %scan3A_43  : i32 {
      %mul3A_58 = arith.constant 16 : i32
      %mul3A_59 = arith.muli %scan3A_57, %mul3A_58 : i32
      %get3A = arith.index_cast %mul3A_59 : i32 to index
      %get3A_60 = tpu.vector_load %arg5[%get3A] {strides = array<i32>} : memref<256xf32, #tpu.memory_space<vmem>>, vector<16xf32>,
      %get3A_61 = arith.index_cast %mul3A_59 : i32 to index
      %get3A_62 = tpu.vector_load %arg6[%get3A_61] {strides = array<i32>} : memref<256xf32, #tpu.memory_space<vmem>>, vector<16xf32>,
      %get3A_63 = arith.index_cast %mul3A_59 : i32 to index
      %get3A_64 = tpu.vector_load %arg7[%get3A_63] {strides = array<i32>} : memref<256xf32, #tpu.memory_space<vmem>>, vector<16xf32>,
      %mul3A_65 = arith.mulf %get3A_60, %get3A_60 : vector<16xf32>
      %mul3A_66 = arith.mulf %get3A_62, %get3A_62 : vector<16xf32>
      %add3A_67 = arith.addf %mul3A_65, %mul3A_66 : vector<16xf32>
      %mul3A_68 = arith.mulf %get3A_64, %get3A_64 : vector<16xf32>
      %add3A_69 = arith.addf %add3A_67, %mul3A_68 : vector<16xf32>
      %swap3A = arith.index_cast %mul3A_59 : i32 to index
      %swap3A_70 = tpu.vector_load %arg8[%swap3A] {strides = array<i32>} : memref<256xf32, #tpu.memory_space<vmem>>, vector<16xf32>,
      tpu.vector_store %arg8[%swap3A], %add3A_69 {strides = array<i32>} : memref<256xf32, #tpu.memory_space<vmem>>, vector<16xf32>,
      %bitcast3A = vector.bitcast %get3A_60 : vector<16xf32> to vector<16xi32>
      %add3A_71 = arith.constant 32767 : i32
      %add3A_72 = vector.broadcast %add3A_71 : i32 to vector<16xi32>
      %add3A_73 = arith.addi %bitcast3A, %add3A_72 : vector<16xi32>
      %shift_right_logical3A = arith.constant 16 : i32
      %shift_right_logical3A_74 = vector.broadcast %shift_right_logical3A : i32 to vector<16xi32>
      %shift_right_logical3A_75 = arith.shrui %bitcast3A, %shift_right_logical3A_74 : vector<16xi32>
      %and3A_76 = arith.constant 1 : i32
      %and3A_77 = vector.broadcast %and3A_76 : i32 to vector<16xi32>
      %and3A_78 = arith.andi %shift_right_logical3A_75, %and3A_77 : vector<16xi32>
      %add3A_79 = arith.addi %add3A_73, %and3A_78 : vector<16xi32>
      %and3A_80 = arith.constant -65536 : i32
      %and3A_81 = vector.broadcast %and3A_80 : i32 to vector<16xi32>
      %and3A_82 = arith.andi %add3A_79, %and3A_81 : vector<16xi32>
      %bitcast3A_83 = vector.bitcast %and3A_82 : vector<16xi32> to vector<16xf32>
      %swap3A_84 = arith.index_cast %mul3A_59 : i32 to index
      %swap3A_85 = tpu.vector_load %arg9[%swap3A_84] {strides = array<i32>} : memref<256xf32, #tpu.memory_space<vmem>>, vector<16xf32>,
      tpu.vector_store %arg9[%swap3A_84], %bitcast3A_83 {strides = array<i32>} : memref<256xf32, #tpu.memory_space<vmem>>, vector<16xf32>,
      %bitcast3A_86 = vector.bitcast %get3A_62 : vector<16xf32> to vector<16xi32>
      %add3A_87 = arith.constant 32767 : i32
      %add3A_88 = vector.broadcast %add3A_87 : i32 to vector<16xi32>
      %add3A_89 = arith.addi %bitcast3A_86, %add3A_88 : vector<16xi32>
      %shift_right_logical3A_90 = arith.constant 16 : i32
      %shift_right_logical3A_91 = vector.broadcast %shift_right_logical3A_90 : i32 to vector<16xi32>
      %shift_right_logical3A_92 = arith.shrui %bitcast3A_86, %shift_right_logical3A_91 : vector<16xi32>
      %and3A_93 = arith.constant 1 : i32
      %and3A_94 = vector.broadcast %and3A_93 : i32 to vector<16xi32>
      %and3A_95 = arith.andi %shift_right_logical3A_92, %and3A_94 : vector<16xi32>
      %add3A_96 = arith.addi %add3A_89, %and3A_95 : vector<16xi32>
      %and3A_97 = arith.constant -65536 : i32
      %and3A_98 = vector.broadcast %and3A_97 : i32 to vector<16xi32>
      %and3A_99 = arith.andi %add3A_96, %and3A_98 : vector<16xi32>
      %bitcast3A_100 = vector.bitcast %and3A_99 : vector<16xi32> to vector<16xf32>
      %swap3A_101 = arith.index_cast %mul3A_59 : i32 to index
      %swap3A_102 = tpu.vector_load %arg10[%swap3A_101] {strides = array<i32>} : memref<256xf32, #tpu.memory_space<vmem>>, vector<16xf32>,
      tpu.vector_store %arg10[%swap3A_101], %bitcast3A_100 {strides = array<i32>} : memref<256xf32, #tpu.memory_space<vmem>>, vector<16xf32>,
      %bitcast3A_103 = vector.bitcast %get3A_64 : vector<16xf32> to vector<16xi32>
      %add3A_104 = arith.constant 32767 : i32
      %add3A_105 = vector.broadcast %add3A_104 : i32 to vector<16xi32>
      %add3A_106 = arith.addi %bitcast3A_103, %add3A_105 : vector<16xi32>
      %shift_right_logical3A_107 = arith.constant 16 : i32
      %shift_right_logical3A_108 = vector.broadcast %shift_right_logical3A_107 : i32 to vector<16xi32>
      %shift_right_logical3A_109 = arith.shrui %bitcast3A_103, %shift_right_logical3A_108 : vector<16xi32>
      %and3A_110 = arith.constant 1 : i32
      %and3A_111 = vector.broadcast %and3A_110 : i32 to vector<16xi32>
      %and3A_112 = arith.andi %shift_right_logical3A_109, %and3A_111 : vector<16xi32>
      %add3A_113 = arith.addi %add3A_106, %and3A_112 : vector<16xi32>
      %and3A_114 = arith.constant -65536 : i32
      %and3A_115 = vector.broadcast %and3A_114 : i32 to vector<16xi32>
      %and3A_116 = arith.andi %add3A_113, %and3A_115 : vector<16xi32>
      %bitcast3A_117 = vector.bitcast %and3A_116 : vector<16xi32> to vector<16xf32>
      %swap3A_118 = arith.index_cast %mul3A_59 : i32 to index
      %swap3A_119 = tpu.vector_load %arg11[%swap3A_118] {strides = array<i32>} : memref<256xf32, #tpu.memory_space<vmem>>, vector<16xf32>,
      tpu.vector_store %arg11[%swap3A_118], %bitcast3A_117 {strides = array<i32>} : memref<256xf32, #tpu.memory_space<vmem>>, vector<16xf32>,
    }
    %scan3A_44 = arith.constant 16 : i32
    %iota3A = tpu.iota {dimensions = array<i32: 0>} : vector<16xi32>
    %scan3A_45 = arith.constant 0 : i32
    %scan3A_46 = arith.constant 0 : i32
    %scan3A_47 = arith.constant 16 : i32
    %scan3A_48 = arith.addi %scan3A_46, %scan3A_47 : i32
    %scan3A_49 = arith.constant 1 : i32
    scf.for %scan3A_57 = %scan3A_46 to %scan3A_48 step %scan3A_49  : i32 {
      %add3A_58 = arith.addi %sub3A_21, %scan3A_57 : i32
      %broadcast_in_dim3A = vector.broadcast %add3A_58 : i32 to vector<16xi32>
      %gather3A = tpu.vector_load_idx %arg5[%broadcast_in_dim3A] : memref<256xf32, #tpu.memory_space<vmem>>[vector<16xi32>], vector<16xf32>,
      %gather3A_59 = tpu.vector_load_idx %arg6[%broadcast_in_dim3A] : memref<256xf32, #tpu.memory_space<vmem>>[vector<16xi32>], vector<16xf32>,
      %gather3A_60 = tpu.vector_load_idx %arg7[%broadcast_in_dim3A] : memref<256xf32, #tpu.memory_space<vmem>>[vector<16xi32>], vector<16xf32>,
      %gather3A_61 = tpu.vector_load_idx %arg8[%broadcast_in_dim3A] : memref<256xf32, #tpu.memory_space<vmem>>[vector<16xi32>], vector<16xf32>,
      %gather3A_62 = tpu.vector_load_idx %arg9[%broadcast_in_dim3A] : memref<256xf32, #tpu.memory_space<vmem>>[vector<16xi32>], vector<16xf32>,
      %gather3A_63 = tpu.vector_load_idx %arg10[%broadcast_in_dim3A] : memref<256xf32, #tpu.memory_space<vmem>>[vector<16xi32>], vector<16xf32>,
      %gather3A_64 = tpu.vector_load_idx %arg11[%broadcast_in_dim3A] : memref<256xf32, #tpu.memory_space<vmem>>[vector<16xi32>], vector<16xf32>,
      %while3A = arith.constant 0 : i32
      %while3A_65 = arith.constant 0 : i32
      %while3A_66:2 = scf.while (%while3A_146 = %while3A, %while3A_147 = %while3A_65) : (i32, i32) -> (i32, i32) {
        %lt3A_148 = arith.constant 16 : i32
        %lt3A_149 = arith.cmpi slt, %while3A_146, %lt3A_148 : i32
        %lt3A_150 = arith.constant 32 : i32
        %lt3A_151 = arith.cmpi slt, %while3A_147, %lt3A_150 : i32
        %and3A_152 = arith.andi %lt3A_149, %lt3A_151 : i1
        scf.condition(%and3A_152) %while3A_146, %while3A_147 : i32, i32
      } do {
      ^bb0(%while3A_146: i32, %while3A_147: i32):
        %add3A_148 = arith.constant 0 : i32
        %add3A_149 = arith.addi %while3A_146, %add3A_148 : i32
        %mul3A_150 = arith.constant 16 : i32
        %mul3A_151 = arith.muli %add3A_149, %mul3A_150 : i32
        %get3A_152 = arith.index_cast %mul3A_151 : i32 to index
        %get3A_153 = tpu.vector_load %arg8[%get3A_152] {strides = array<i32>} : memref<256xf32, #tpu.memory_space<vmem>>, vector<16xf32>,
        %add3A_154 = arith.addf %gather3A_61, %get3A_153 : vector<16xf32>
        %get3A_155 = arith.index_cast %mul3A_151 : i32 to index
        %get3A_156 = tpu.vector_load %arg9[%get3A_155] {strides = array<i32>} : memref<256xf32, #tpu.memory_space<vmem>>, vector<16xf32>,
        %mul3A_157 = arith.mulf %gather3A_62, %get3A_156 : vector<16xf32>
        %get3A_158 = arith.index_cast %mul3A_151 : i32 to index
        %get3A_159 = tpu.vector_load %arg10[%get3A_158] {strides = array<i32>} : memref<256xf32, #tpu.memory_space<vmem>>, vector<16xf32>,
        %mul3A_160 = arith.mulf %gather3A_63, %get3A_159 : vector<16xf32>
        %add3A_161 = arith.addf %mul3A_157, %mul3A_160 : vector<16xf32>
        %get3A_162 = arith.index_cast %mul3A_151 : i32 to index
        %get3A_163 = tpu.vector_load %arg11[%get3A_162] {strides = array<i32>} : memref<256xf32, #tpu.memory_space<vmem>>, vector<16xf32>,
        %mul3A_164 = arith.mulf %gather3A_64, %get3A_163 : vector<16xf32>
        %add3A_165 = arith.addf %add3A_161, %mul3A_164 : vector<16xf32>
        %mul3A_166 = arith.constant 2.000000e+00 : f32
        %mul3A_167 = vector.broadcast %mul3A_166 : f32 to vector<16xf32>
        %mul3A_168 = arith.mulf %mul3A_167, %add3A_165 : vector<16xf32>
        %sub3A_169 = arith.subf %add3A_154, %mul3A_168 : vector<16xf32>
        %lt3A_170 = arith.constant 4.900000e-01 : f32
        %lt3A_171 = vector.broadcast %lt3A_170 : f32 to vector<16xf32>
        %lt3A_172 = arith.cmpf olt, %sub3A_169, %lt3A_171 : vector<16xf32>
        %add3A_173 = arith.constant 0 : i32
        %add3A_174 = arith.addi %while3A_146, %add3A_173 : i32
        %mul3A_175 = arith.constant 16 : i32
        %mul3A_176 = arith.muli %add3A_174, %mul3A_175 : i32
        %add3A_177 = vector.broadcast %mul3A_176 : i32 to vector<16xi32>
        %add3A_178 = arith.addi %add3A_177, %iota3A : vector<16xi32>
        %swap3A_179 = arith.index_cast %while3A_147 : i32 to index
        %swap3A_180 = tpu.vector_load %arg12[%swap3A_179] masked %lt3A_172 {strides = array<i32>} : memref<112xi32, #tpu.memory_space<vmem>>, vector<16xi32>, vector<16xi1>
        tpu.vector_store %arg12[%swap3A_179], %add3A_178 masked %lt3A_172 {strides = array<i32>} : memref<112xi32, #tpu.memory_space<vmem>>, vector<16xi32>, vector<16xi1>
        %convert_element_type3A = arith.extui %lt3A_172 : vector<16xi1> to vector<16xi32>
        %reduce_sum3A = arith.constant true
        %reduce_sum3A_181 = vector.broadcast %reduce_sum3A : i1 to vector<16xi1>
        %reduce_sum3A_182 = tpu.scan <sum>, %convert_element_type3A masked %reduce_sum3A_181 : vector<16xi32>, vector<16xi1> -> vector<16xi32>
        %reduce_sum3A_183 = vector.extract %reduce_sum3A_182[15] : i32 from vector<16xi32>
        %add3A_184 = arith.addi %while3A_147, %reduce_sum3A_183 : i32
        %add3A_185 = arith.constant 1 : i32
        %add3A_186 = arith.addi %while3A_146, %add3A_185 : i32
        %mul3A_187 = arith.constant 16 : i32
        %mul3A_188 = arith.muli %add3A_186, %mul3A_187 : i32
        %get3A_189 = arith.index_cast %mul3A_188 : i32 to index
        %get3A_190 = tpu.vector_load %arg8[%get3A_189] {strides = array<i32>} : memref<256xf32, #tpu.memory_space<vmem>>, vector<16xf32>,
        %add3A_191 = arith.addf %gather3A_61, %get3A_190 : vector<16xf32>
        %get3A_192 = arith.index_cast %mul3A_188 : i32 to index
        %get3A_193 = tpu.vector_load %arg9[%get3A_192] {strides = array<i32>} : memref<256xf32, #tpu.memory_space<vmem>>, vector<16xf32>,
        %mul3A_194 = arith.mulf %gather3A_62, %get3A_193 : vector<16xf32>
        %get3A_195 = arith.index_cast %mul3A_188 : i32 to index
        %get3A_196 = tpu.vector_load %arg10[%get3A_195] {strides = array<i32>} : memref<256xf32, #tpu.memory_space<vmem>>, vector<16xf32>,
        %mul3A_197 = arith.mulf %gather3A_63, %get3A_196 : vector<16xf32>
        %add3A_198 = arith.addf %mul3A_194, %mul3A_197 : vector<16xf32>
        %get3A_199 = arith.index_cast %mul3A_188 : i32 to index
        %get3A_200 = tpu.vector_load %arg11[%get3A_199] {strides = array<i32>} : memref<256xf32, #tpu.memory_space<vmem>>, vector<16xf32>,
        %mul3A_201 = arith.mulf %gather3A_64, %get3A_200 : vector<16xf32>
        %add3A_202 = arith.addf %add3A_198, %mul3A_201 : vector<16xf32>
        %mul3A_203 = arith.constant 2.000000e+00 : f32
        %mul3A_204 = vector.broadcast %mul3A_203 : f32 to vector<16xf32>
        %mul3A_205 = arith.mulf %mul3A_204, %add3A_202 : vector<16xf32>
        %sub3A_206 = arith.subf %add3A_191, %mul3A_205 : vector<16xf32>
        %lt3A_207 = arith.constant 4.900000e-01 : f32
        %lt3A_208 = vector.broadcast %lt3A_207 : f32 to vector<16xf32>
        %lt3A_209 = arith.cmpf olt, %sub3A_206, %lt3A_208 : vector<16xf32>
        %add3A_210 = arith.constant 1 : i32
        %add3A_211 = arith.addi %while3A_146, %add3A_210 : i32
        %mul3A_212 = arith.constant 16 : i32
        %mul3A_213 = arith.muli %add3A_211, %mul3A_212 : i32
        %add3A_214 = vector.broadcast %mul3A_213 : i32 to vector<16xi32>
        %add3A_215 = arith.addi %add3A_214, %iota3A : vector<16xi32>
        %swap3A_216 = arith.index_cast %add3A_184 : i32 to index
        %swap3A_217 = tpu.vector_load %arg12[%swap3A_216] masked %lt3A_209 {strides = array<i32>} : memref<112xi32, #tpu.memory_space<vmem>>, vector<16xi32>, vector<16xi1>
        tpu.vector_store %arg12[%swap3A_216], %add3A_215 masked %lt3A_209 {strides = array<i32>} : memref<112xi32, #tpu.memory_space<vmem>>, vector<16xi32>, vector<16xi1>
        %convert_element_type3A_218 = arith.extui %lt3A_209 : vector<16xi1> to vector<16xi32>
        %reduce_sum3A_219 = arith.constant true
        %reduce_sum3A_220 = vector.broadcast %reduce_sum3A_219 : i1 to vector<16xi1>
        %reduce_sum3A_221 = tpu.scan <sum>, %convert_element_type3A_218 masked %reduce_sum3A_220 : vector<16xi32>, vector<16xi1> -> vector<16xi32>
        %reduce_sum3A_222 = vector.extract %reduce_sum3A_221[15] : i32 from vector<16xi32>
        %add3A_223 = arith.addi %add3A_184, %reduce_sum3A_222 : i32
        %add3A_224 = arith.constant 2 : i32
        %add3A_225 = arith.addi %while3A_146, %add3A_224 : i32
        %mul3A_226 = arith.constant 16 : i32
        %mul3A_227 = arith.muli %add3A_225, %mul3A_226 : i32
        %get3A_228 = arith.index_cast %mul3A_227 : i32 to index
        %get3A_229 = tpu.vector_load %arg8[%get3A_228] {strides = array<i32>} : memref<256xf32, #tpu.memory_space<vmem>>, vector<16xf32>,
        %add3A_230 = arith.addf %gather3A_61, %get3A_229 : vector<16xf32>
        %get3A_231 = arith.index_cast %mul3A_227 : i32 to index
        %get3A_232 = tpu.vector_load %arg9[%get3A_231] {strides = array<i32>} : memref<256xf32, #tpu.memory_space<vmem>>, vector<16xf32>,
        %mul3A_233 = arith.mulf %gather3A_62, %get3A_232 : vector<16xf32>
        %get3A_234 = arith.index_cast %mul3A_227 : i32 to index
        %get3A_235 = tpu.vector_load %arg10[%get3A_234] {strides = array<i32>} : memref<256xf32, #tpu.memory_space<vmem>>, vector<16xf32>,
        %mul3A_236 = arith.mulf %gather3A_63, %get3A_235 : vector<16xf32>
        %add3A_237 = arith.addf %mul3A_233, %mul3A_236 : vector<16xf32>
        %get3A_238 = arith.index_cast %mul3A_227 : i32 to index
        %get3A_239 = tpu.vector_load %arg11[%get3A_238] {strides = array<i32>} : memref<256xf32, #tpu.memory_space<vmem>>, vector<16xf32>,
        %mul3A_240 = arith.mulf %gather3A_64, %get3A_239 : vector<16xf32>
        %add3A_241 = arith.addf %add3A_237, %mul3A_240 : vector<16xf32>
        %mul3A_242 = arith.constant 2.000000e+00 : f32
        %mul3A_243 = vector.broadcast %mul3A_242 : f32 to vector<16xf32>
        %mul3A_244 = arith.mulf %mul3A_243, %add3A_241 : vector<16xf32>
        %sub3A_245 = arith.subf %add3A_230, %mul3A_244 : vector<16xf32>
        %lt3A_246 = arith.constant 4.900000e-01 : f32
        %lt3A_247 = vector.broadcast %lt3A_246 : f32 to vector<16xf32>
        %lt3A_248 = arith.cmpf olt, %sub3A_245, %lt3A_247 : vector<16xf32>
        %add3A_249 = arith.constant 2 : i32
        %add3A_250 = arith.addi %while3A_146, %add3A_249 : i32
        %mul3A_251 = arith.constant 16 : i32
        %mul3A_252 = arith.muli %add3A_250, %mul3A_251 : i32
        %add3A_253 = vector.broadcast %mul3A_252 : i32 to vector<16xi32>
        %add3A_254 = arith.addi %add3A_253, %iota3A : vector<16xi32>
        %swap3A_255 = arith.index_cast %add3A_223 : i32 to index
        %swap3A_256 = tpu.vector_load %arg12[%swap3A_255] masked %lt3A_248 {strides = array<i32>} : memref<112xi32, #tpu.memory_space<vmem>>, vector<16xi32>, vector<16xi1>
        tpu.vector_store %arg12[%swap3A_255], %add3A_254 masked %lt3A_248 {strides = array<i32>} : memref<112xi32, #tpu.memory_space<vmem>>, vector<16xi32>, vector<16xi1>
        %convert_element_type3A_257 = arith.extui %lt3A_248 : vector<16xi1> to vector<16xi32>
        %reduce_sum3A_258 = arith.constant true
        %reduce_sum3A_259 = vector.broadcast %reduce_sum3A_258 : i1 to vector<16xi1>
        %reduce_sum3A_260 = tpu.scan <sum>, %convert_element_type3A_257 masked %reduce_sum3A_259 : vector<16xi32>, vector<16xi1> -> vector<16xi32>
        %reduce_sum3A_261 = vector.extract %reduce_sum3A_260[15] : i32 from vector<16xi32>
        %add3A_262 = arith.addi %add3A_223, %reduce_sum3A_261 : i32
        %add3A_263 = arith.constant 3 : i32
        %add3A_264 = arith.addi %while3A_146, %add3A_263 : i32
        %mul3A_265 = arith.constant 16 : i32
        %mul3A_266 = arith.muli %add3A_264, %mul3A_265 : i32
        %get3A_267 = arith.index_cast %mul3A_266 : i32 to index
        %get3A_268 = tpu.vector_load %arg8[%get3A_267] {strides = array<i32>} : memref<256xf32, #tpu.memory_space<vmem>>, vector<16xf32>,
        %add3A_269 = arith.addf %gather3A_61, %get3A_268 : vector<16xf32>
        %get3A_270 = arith.index_cast %mul3A_266 : i32 to index
        %get3A_271 = tpu.vector_load %arg9[%get3A_270] {strides = array<i32>} : memref<256xf32, #tpu.memory_space<vmem>>, vector<16xf32>,
        %mul3A_272 = arith.mulf %gather3A_62, %get3A_271 : vector<16xf32>
        %get3A_273 = arith.index_cast %mul3A_266 : i32 to index
        %get3A_274 = tpu.vector_load %arg10[%get3A_273] {strides = array<i32>} : memref<256xf32, #tpu.memory_space<vmem>>, vector<16xf32>,
        %mul3A_275 = arith.mulf %gather3A_63, %get3A_274 : vector<16xf32>
        %add3A_276 = arith.addf %mul3A_272, %mul3A_275 : vector<16xf32>
        %get3A_277 = arith.index_cast %mul3A_266 : i32 to index
        %get3A_278 = tpu.vector_load %arg11[%get3A_277] {strides = array<i32>} : memref<256xf32, #tpu.memory_space<vmem>>, vector<16xf32>,
        %mul3A_279 = arith.mulf %gather3A_64, %get3A_278 : vector<16xf32>
        %add3A_280 = arith.addf %add3A_276, %mul3A_279 : vector<16xf32>
        %mul3A_281 = arith.constant 2.000000e+00 : f32
        %mul3A_282 = vector.broadcast %mul3A_281 : f32 to vector<16xf32>
        %mul3A_283 = arith.mulf %mul3A_282, %add3A_280 : vector<16xf32>
        %sub3A_284 = arith.subf %add3A_269, %mul3A_283 : vector<16xf32>
        %lt3A_285 = arith.constant 4.900000e-01 : f32
        %lt3A_286 = vector.broadcast %lt3A_285 : f32 to vector<16xf32>
        %lt3A_287 = arith.cmpf olt, %sub3A_284, %lt3A_286 : vector<16xf32>
        %add3A_288 = arith.constant 3 : i32
        %add3A_289 = arith.addi %while3A_146, %add3A_288 : i32
        %mul3A_290 = arith.constant 16 : i32
        %mul3A_291 = arith.muli %add3A_289, %mul3A_290 : i32
        %add3A_292 = vector.broadcast %mul3A_291 : i32 to vector<16xi32>
        %add3A_293 = arith.addi %add3A_292, %iota3A : vector<16xi32>
        %swap3A_294 = arith.index_cast %add3A_262 : i32 to index
        %swap3A_295 = tpu.vector_load %arg12[%swap3A_294] masked %lt3A_287 {strides = array<i32>} : memref<112xi32, #tpu.memory_space<vmem>>, vector<16xi32>, vector<16xi1>
        tpu.vector_store %arg12[%swap3A_294], %add3A_293 masked %lt3A_287 {strides = array<i32>} : memref<112xi32, #tpu.memory_space<vmem>>, vector<16xi32>, vector<16xi1>
        %convert_element_type3A_296 = arith.extui %lt3A_287 : vector<16xi1> to vector<16xi32>
        %reduce_sum3A_297 = arith.constant true
        %reduce_sum3A_298 = vector.broadcast %reduce_sum3A_297 : i1 to vector<16xi1>
        %reduce_sum3A_299 = tpu.scan <sum>, %convert_element_type3A_296 masked %reduce_sum3A_298 : vector<16xi32>, vector<16xi1> -> vector<16xi32>
        %reduce_sum3A_300 = vector.extract %reduce_sum3A_299[15] : i32 from vector<16xi32>
        %add3A_301 = arith.addi %add3A_262, %reduce_sum3A_300 : i32
        %add3A_302 = arith.constant 4 : i32
        %add3A_303 = arith.addi %while3A_146, %add3A_302 : i32
        scf.yield %add3A_303, %add3A_301 : i32, i32
      }
      %get3A = arith.constant 0 : index
      %get3A_67 = tpu.vector_load %arg12[%get3A] {strides = array<i32>} : memref<112xi32, #tpu.memory_space<vmem>>, vector<16xi32>,
      %slice3A = vector.extract_strided_slice %get3A_67 {offsets = [0], sizes = [1], strides = [1]} : vector<16xi32> to vector<1xi32>
      %squeeze3A = vector.extract %slice3A[0] : i32 from vector<1xi32>
      %get3A_68 = arith.constant 0 : index
      %get3A_69 = tpu.vector_load %arg12[%get3A_68] {strides = array<i32>} : memref<112xi32, #tpu.memory_space<vmem>>, vector<16xi32>,
      %add3A_70 = arith.constant 0 : i32
      %add3A_71 = vector.broadcast %add3A_70 : i32 to vector<16xi32>
      %add3A_72 = arith.addi %iota3A, %add3A_71 : vector<16xi32>
      %lt3A = vector.broadcast %while3A_66#1 : i32 to vector<16xi32>
      %lt3A_73 = arith.cmpi slt, %add3A_72, %lt3A : vector<16xi32>
      %broadcast_in_dim3A_74 = vector.broadcast %squeeze3A : i32 to vector<16xi32>
      %select_n3A_75 = arith.select %lt3A_73, %get3A_69, %broadcast_in_dim3A_74 : vector<16xi1>, vector<16xi32>
      %gather3A_76 = tpu.vector_load_idx %arg5[%select_n3A_75] : memref<256xf32, #tpu.memory_space<vmem>>[vector<16xi32>], vector<16xf32>,
      %sub3A_77 = arith.subf %gather3A_76, %gather3A : vector<16xf32>
      %gather3A_78 = tpu.vector_load_idx %arg6[%select_n3A_75] : memref<256xf32, #tpu.memory_space<vmem>>[vector<16xi32>], vector<16xf32>,
      %sub3A_79 = arith.subf %gather3A_78, %gather3A_59 : vector<16xf32>
      %gather3A_80 = tpu.vector_load_idx %arg7[%select_n3A_75] : memref<256xf32, #tpu.memory_space<vmem>>[vector<16xi32>], vector<16xf32>,
      %sub3A_81 = arith.subf %gather3A_80, %gather3A_60 : vector<16xf32>
      %mul3A_82 = arith.constant 32 : i32
      %mul3A_83 = arith.muli %scan3A_57, %mul3A_82 : i32
      %add3A_84 = arith.constant 0 : i32
      %add3A_85 = arith.addi %mul3A_83, %add3A_84 : i32
      %add3A_86 = vector.broadcast %add3A_85 : i32 to vector<16xi32>
      %add3A_87 = arith.addi %add3A_86, %iota3A : vector<16xi32>
      %mul3A_88 = arith.constant 3 : i32
      %mul3A_89 = vector.broadcast %mul3A_88 : i32 to vector<16xi32>
      %mul3A_90 = arith.muli %add3A_87, %mul3A_89 : vector<16xi32>
      tpu.vector_store_idx %arg13[%mul3A_90], %sub3A_77 : memref<1536xf32, #tpu.memory_space<vmem>>[vector<16xi32>], vector<16xf32>,
      %add3A_91 = arith.constant 1 : i32
      %add3A_92 = vector.broadcast %add3A_91 : i32 to vector<16xi32>
      %add3A_93 = arith.addi %mul3A_90, %add3A_92 : vector<16xi32>
      tpu.vector_store_idx %arg13[%add3A_93], %sub3A_79 : memref<1536xf32, #tpu.memory_space<vmem>>[vector<16xi32>], vector<16xf32>,
      %add3A_94 = arith.constant 2 : i32
      %add3A_95 = vector.broadcast %add3A_94 : i32 to vector<16xi32>
      %add3A_96 = arith.addi %mul3A_90, %add3A_95 : vector<16xi32>
      tpu.vector_store_idx %arg13[%add3A_96], %sub3A_81 : memref<1536xf32, #tpu.memory_space<vmem>>[vector<16xi32>], vector<16xf32>,
      %mul3A_97 = arith.constant 256 : i32
      %mul3A_98 = arith.muli %select_n3A, %mul3A_97 : i32
      %add3A_99 = vector.broadcast %mul3A_98 : i32 to vector<16xi32>
      %add3A_100 = arith.addi %select_n3A_75, %add3A_99 : vector<16xi32>
      %mul3A_101 = arith.constant 32 : i32
      %mul3A_102 = arith.muli %scan3A_57, %mul3A_101 : i32
      %add3A_103 = arith.constant 0 : i32
      %add3A_104 = arith.addi %mul3A_102, %add3A_103 : i32
      %swap3A = arith.index_cast %add3A_104 : i32 to index
      %swap3A_105 = tpu.vector_load %arg14[%swap3A] {strides = array<i32>} : memref<512xi32, #tpu.memory_space<vmem>>, vector<16xi32>,
      tpu.vector_store %arg14[%swap3A], %add3A_100 {strides = array<i32>} : memref<512xi32, #tpu.memory_space<vmem>>, vector<16xi32>,
      %get3A_106 = arith.constant 16 : index
      %get3A_107 = tpu.vector_load %arg12[%get3A_106] {strides = array<i32>} : memref<112xi32, #tpu.memory_space<vmem>>, vector<16xi32>,
      %add3A_108 = arith.constant 16 : i32
      %add3A_109 = vector.broadcast %add3A_108 : i32 to vector<16xi32>
      %add3A_110 = arith.addi %iota3A, %add3A_109 : vector<16xi32>
      %lt3A_111 = vector.broadcast %while3A_66#1 : i32 to vector<16xi32>
      %lt3A_112 = arith.cmpi slt, %add3A_110, %lt3A_111 : vector<16xi32>
      %broadcast_in_dim3A_113 = vector.broadcast %squeeze3A : i32 to vector<16xi32>
      %select_n3A_114 = arith.select %lt3A_112, %get3A_107, %broadcast_in_dim3A_113 : vector<16xi1>, vector<16xi32>
      %gather3A_115 = tpu.vector_load_idx %arg5[%select_n3A_114] : memref<256xf32, #tpu.memory_space<vmem>>[vector<16xi32>], vector<16xf32>,
      %sub3A_116 = arith.subf %gather3A_115, %gather3A : vector<16xf32>
      %gather3A_117 = tpu.vector_load_idx %arg6[%select_n3A_114] : memref<256xf32, #tpu.memory_space<vmem>>[vector<16xi32>], vector<16xf32>,
      %sub3A_118 = arith.subf %gather3A_117, %gather3A_59 : vector<16xf32>
      %gather3A_119 = tpu.vector_load_idx %arg7[%select_n3A_114] : memref<256xf32, #tpu.memory_space<vmem>>[vector<16xi32>], vector<16xf32>,
      %sub3A_120 = arith.subf %gather3A_119, %gather3A_60 : vector<16xf32>
      %mul3A_121 = arith.constant 32 : i32
      %mul3A_122 = arith.muli %scan3A_57, %mul3A_121 : i32
      %add3A_123 = arith.constant 16 : i32
      %add3A_124 = arith.addi %mul3A_122, %add3A_123 : i32
      %add3A_125 = vector.broadcast %add3A_124 : i32 to vector<16xi32>
      %add3A_126 = arith.addi %add3A_125, %iota3A : vector<16xi32>
      %mul3A_127 = arith.constant 3 : i32
      %mul3A_128 = vector.broadcast %mul3A_127 : i32 to vector<16xi32>
      %mul3A_129 = arith.muli %add3A_126, %mul3A_128 : vector<16xi32>
      tpu.vector_store_idx %arg13[%mul3A_129], %sub3A_116 : memref<1536xf32, #tpu.memory_space<vmem>>[vector<16xi32>], vector<16xf32>,
      %add3A_130 = arith.constant 1 : i32
      %add3A_131 = vector.broadcast %add3A_130 : i32 to vector<16xi32>
      %add3A_132 = arith.addi %mul3A_129, %add3A_131 : vector<16xi32>
      tpu.vector_store_idx %arg13[%add3A_132], %sub3A_118 : memref<1536xf32, #tpu.memory_space<vmem>>[vector<16xi32>], vector<16xf32>,
      %add3A_133 = arith.constant 2 : i32
      %add3A_134 = vector.broadcast %add3A_133 : i32 to vector<16xi32>
      %add3A_135 = arith.addi %mul3A_129, %add3A_134 : vector<16xi32>
      tpu.vector_store_idx %arg13[%add3A_135], %sub3A_120 : memref<1536xf32, #tpu.memory_space<vmem>>[vector<16xi32>], vector<16xf32>,
      %mul3A_136 = arith.constant 256 : i32
      %mul3A_137 = arith.muli %select_n3A, %mul3A_136 : i32
      %add3A_138 = vector.broadcast %mul3A_137 : i32 to vector<16xi32>
      %add3A_139 = arith.addi %select_n3A_114, %add3A_138 : vector<16xi32>
      %mul3A_140 = arith.constant 32 : i32
      %mul3A_141 = arith.muli %scan3A_57, %mul3A_140 : i32
      %add3A_142 = arith.constant 16 : i32
      %add3A_143 = arith.addi %mul3A_141, %add3A_142 : i32
      %swap3A_144 = arith.index_cast %add3A_143 : i32 to index
      %swap3A_145 = tpu.vector_load %arg14[%swap3A_144] {strides = array<i32>} : memref<512xi32, #tpu.memory_space<vmem>>, vector<16xi32>,
      tpu.vector_store %arg14[%swap3A_144], %add3A_139 {strides = array<i32>} : memref<512xi32, #tpu.memory_space<vmem>>, vector<16xi32>,
    }
    %scan3A_50 = arith.constant 16 : i32
    %mul3A_51 = arith.constant 32 : i32
    %mul3A_52 = arith.muli %mul3A_2, %mul3A_51 : i32
    %mul3A_53 = arith.constant 3 : i32
    %mul3A_54 = arith.muli %mul3A_52, %mul3A_53 : i32
    "tpu.region"() ({
      %run_scoped3A = tpu.sem_alloc : memref<!tpu.dma_semaphore, #tpu.memory_space<semaphore_mem>>
      %dma_start3A = tpu.memref_slice %arg3[%mul3A_54] : memref<49152xf32, #tpu.memory_space<hbm>> -> memref<1536xf32, #tpu.memory_space<hbm>>
      %dma_start3A_57 = tpu.memref_slice %arg3[%mul3A_54] : memref<49152xf32, #tpu.memory_space<hbm>> -> memref<1536xf32, #tpu.memory_space<hbm>>
      tpu.enqueue_dma source(%arg13 : memref<1536xf32, #tpu.memory_space<vmem>>) target(%dma_start3A_57 : memref<1536xf32, #tpu.memory_space<hbm>>) target_semaphore(%run_scoped3A : memref<!tpu.dma_semaphore, #tpu.memory_space<semaphore_mem>>)
      %dma_wait3A = tpu.memref_slice %arg3[%mul3A_54] : memref<49152xf32, #tpu.memory_space<hbm>> -> memref<1536xf32, #tpu.memory_space<hbm>>
      %dma_wait3A_58 = tpu.memref_slice %arg3[%mul3A_54] : memref<49152xf32, #tpu.memory_space<hbm>> -> memref<1536xf32, #tpu.memory_space<hbm>>
      tpu.wait_dma2 semaphore(%run_scoped3A : memref<!tpu.dma_semaphore, #tpu.memory_space<semaphore_mem>>) src(%arg13 : memref<1536xf32, #tpu.memory_space<vmem>>) dst(%dma_wait3A_58 : memref<1536xf32, #tpu.memory_space<hbm>>)
      tpu.yield
    }) : () -> ()
    %mul3A_55 = arith.constant 32 : i32
    %mul3A_56 = arith.muli %mul3A_2, %mul3A_55 : i32
    "tpu.region"() ({
      %run_scoped3A = tpu.sem_alloc : memref<!tpu.dma_semaphore, #tpu.memory_space<semaphore_mem>>
      %dma_start3A = tpu.memref_slice %arg4[%mul3A_56] : memref<16384xi32, #tpu.memory_space<hbm>> -> memref<512xi32, #tpu.memory_space<hbm>>
      %dma_start3A_57 = tpu.memref_slice %arg4[%mul3A_56] : memref<16384xi32, #tpu.memory_space<hbm>> -> memref<512xi32, #tpu.memory_space<hbm>>
      tpu.enqueue_dma source(%arg14 : memref<512xi32, #tpu.memory_space<vmem>>) target(%dma_start3A_57 : memref<512xi32, #tpu.memory_space<hbm>>) target_semaphore(%run_scoped3A : memref<!tpu.dma_semaphore, #tpu.memory_space<semaphore_mem>>)
      %dma_wait3A = tpu.memref_slice %arg4[%mul3A_56] : memref<16384xi32, #tpu.memory_space<hbm>> -> memref<512xi32, #tpu.memory_space<hbm>>
      %dma_wait3A_58 = tpu.memref_slice %arg4[%mul3A_56] : memref<16384xi32, #tpu.memory_space<hbm>> -> memref<512xi32, #tpu.memory_space<hbm>>
      tpu.wait_dma2 semaphore(%run_scoped3A : memref<!tpu.dma_semaphore, #tpu.memory_space<semaphore_mem>>) src(%arg14 : memref<512xi32, #tpu.memory_space<vmem>>) dst(%dma_wait3A_58 : memref<512xi32, #tpu.memory_space<hbm>>)
      tpu.yield
    }) : () -> ()
    return
  }
}

#map = affine_map<(d0, d1) -> (0, 0)>
#map1 = affine_map<(d0, d1) -> (0)>
module attributes {stable_mosaic.version = 14 : i64} {
  func.func @kern(%arg0: i32, %arg1: i32, %arg2: memref<2048x256xf32, #tpu.memory_space<hbm>>, %arg3: memref<16384xi32, #tpu.memory_space<hbm>>, %arg4: memref<16384x256xf32, #tpu.memory_space<hbm>>, %arg5: memref<512xi32, #tpu.memory_space<vmem>>, %arg6: memref<128x256xf32, #tpu.memory_space<vmem>>, %arg7: memref<128x256xf32, #tpu.memory_space<vmem>>, %arg8: memref<!tpu.dma_semaphore, #tpu.memory_space<semaphore_mem>>, %arg9: memref<!tpu.dma_semaphore, #tpu.memory_space<semaphore_mem>>) attributes {dimension_semantics = [#tpu.dimension_semantics<core_parallel>, #tpu.dimension_semantics<subcore_parallel>], iteration_bounds = array<i64: 2, 16>, scalar_prefetch = 0 : i64, scratch_operands = 5 : i64, tpu.core_type = #tpu.core_type<sc_vector_subcore>, window_params = [{transform_indices = #map}, {transform_indices = #map1}, {transform_indices = #map}]} {
    %mul3A = arith.constant 2 : i32
    %mul3A_0 = arith.muli %arg1, %mul3A : i32
    %add3A = arith.addi %mul3A_0, %arg0 : i32
    %mul3A_1 = arith.constant 512 : i32
    %mul3A_2 = arith.muli %add3A, %mul3A_1 : i32
    "tpu.region"() ({
      %run_scoped3A = tpu.sem_alloc : memref<!tpu.dma_semaphore, #tpu.memory_space<semaphore_mem>>
      %dma_start3A_49 = tpu.memref_slice %arg3[%mul3A_2] : memref<16384xi32, #tpu.memory_space<hbm>> -> memref<512xi32, #tpu.memory_space<hbm>>
      %dma_start3A_50 = tpu.memref_slice %arg3[%mul3A_2] : memref<16384xi32, #tpu.memory_space<hbm>> -> memref<512xi32, #tpu.memory_space<hbm>>
      tpu.enqueue_dma source(%dma_start3A_50 : memref<512xi32, #tpu.memory_space<hbm>>) target(%arg5 : memref<512xi32, #tpu.memory_space<vmem>>) target_semaphore(%run_scoped3A : memref<!tpu.dma_semaphore, #tpu.memory_space<semaphore_mem>>)
      %dma_wait3A_51 = tpu.memref_slice %arg3[%mul3A_2] : memref<16384xi32, #tpu.memory_space<hbm>> -> memref<512xi32, #tpu.memory_space<hbm>>
      %dma_wait3A_52 = tpu.memref_slice %arg3[%mul3A_2] : memref<16384xi32, #tpu.memory_space<hbm>> -> memref<512xi32, #tpu.memory_space<hbm>>
      tpu.wait_dma2 semaphore(%run_scoped3A : memref<!tpu.dma_semaphore, #tpu.memory_space<semaphore_mem>>) src(%dma_wait3A_52 : memref<512xi32, #tpu.memory_space<hbm>>) dst(%arg5 : memref<512xi32, #tpu.memory_space<vmem>>)
      tpu.yield
    }) : () -> ()
    %dma_start3A = arith.constant 0 : i32
    %dma_start3A_3 = tpu.memref_slice %arg5[%dma_start3A] : memref<512xi32, #tpu.memory_space<vmem>> -> memref<128xi32, #tpu.memory_space<vmem>>
    %dma_start3A_4 = arith.constant 0 : i32
    %dma_start3A_5 = arith.constant 0 : i32
    %dma_start3A_6 = tpu.memref_slice %arg2[%dma_start3A_4, %dma_start3A_5] : memref<2048x256xf32, #tpu.memory_space<hbm>> -> memref<2048x256xf32, #tpu.memory_space<hbm>>
    tpu.enqueue_indirect_dma source(%dma_start3A_6 : memref<2048x256xf32, #tpu.memory_space<hbm>>) target(%arg6 : memref<128x256xf32, #tpu.memory_space<vmem>>) offsets(%dma_start3A_3 : memref<128xi32, #tpu.memory_space<vmem>>) semaphore(%arg8 : memref<!tpu.dma_semaphore, #tpu.memory_space<semaphore_mem>>)
    %dma_start3A_7 = arith.constant 128 : i32
    %dma_start3A_8 = tpu.memref_slice %arg5[%dma_start3A_7] : memref<512xi32, #tpu.memory_space<vmem>> -> memref<128xi32, #tpu.memory_space<vmem>>
    %dma_start3A_9 = arith.constant 0 : i32
    %dma_start3A_10 = arith.constant 0 : i32
    %dma_start3A_11 = tpu.memref_slice %arg2[%dma_start3A_9, %dma_start3A_10] : memref<2048x256xf32, #tpu.memory_space<hbm>> -> memref<2048x256xf32, #tpu.memory_space<hbm>>
    tpu.enqueue_indirect_dma source(%dma_start3A_11 : memref<2048x256xf32, #tpu.memory_space<hbm>>) target(%arg7 : memref<128x256xf32, #tpu.memory_space<vmem>>) offsets(%dma_start3A_8 : memref<128xi32, #tpu.memory_space<vmem>>) semaphore(%arg9 : memref<!tpu.dma_semaphore, #tpu.memory_space<semaphore_mem>>)
    %dma_wait3A = arith.constant 0 : i32
    %dma_wait3A_12 = tpu.memref_slice %arg5[%dma_wait3A] : memref<512xi32, #tpu.memory_space<vmem>> -> memref<128xi32, #tpu.memory_space<vmem>>
    %dma_wait3A_13 = arith.constant 0 : i32
    %dma_wait3A_14 = arith.constant 0 : i32
    %dma_wait3A_15 = tpu.memref_slice %arg2[%dma_wait3A_13, %dma_wait3A_14] : memref<2048x256xf32, #tpu.memory_space<hbm>> -> memref<2048x256xf32, #tpu.memory_space<hbm>>
    tpu.wait_indirect_dma semaphore(%arg8 : memref<!tpu.dma_semaphore, #tpu.memory_space<semaphore_mem>>) src(%dma_wait3A_15 : memref<2048x256xf32, #tpu.memory_space<hbm>>) dst(%arg6 : memref<128x256xf32, #tpu.memory_space<vmem>>)
    %add3A_16 = arith.constant 0 : i32
    %add3A_17 = arith.addi %mul3A_2, %add3A_16 : i32
    "tpu.region"() ({
      %run_scoped3A = tpu.sem_alloc : memref<!tpu.dma_semaphore, #tpu.memory_space<semaphore_mem>>
      %dma_start3A_49 = arith.constant 0 : i32
      %dma_start3A_50 = tpu.memref_slice %arg4[%add3A_17, %dma_start3A_49] : memref<16384x256xf32, #tpu.memory_space<hbm>> -> memref<128x256xf32, #tpu.memory_space<hbm>>
      %dma_start3A_51 = arith.constant 0 : i32
      %dma_start3A_52 = tpu.memref_slice %arg4[%add3A_17, %dma_start3A_51] : memref<16384x256xf32, #tpu.memory_space<hbm>> -> memref<128x256xf32, #tpu.memory_space<hbm>>
      tpu.enqueue_dma source(%arg6 : memref<128x256xf32, #tpu.memory_space<vmem>>) target(%dma_start3A_52 : memref<128x256xf32, #tpu.memory_space<hbm>>) target_semaphore(%run_scoped3A : memref<!tpu.dma_semaphore, #tpu.memory_space<semaphore_mem>>)
      %dma_wait3A_53 = arith.constant 0 : i32
      %dma_wait3A_54 = tpu.memref_slice %arg4[%add3A_17, %dma_wait3A_53] : memref<16384x256xf32, #tpu.memory_space<hbm>> -> memref<128x256xf32, #tpu.memory_space<hbm>>
      %dma_wait3A_55 = arith.constant 0 : i32
      %dma_wait3A_56 = tpu.memref_slice %arg4[%add3A_17, %dma_wait3A_55] : memref<16384x256xf32, #tpu.memory_space<hbm>> -> memref<128x256xf32, #tpu.memory_space<hbm>>
      tpu.wait_dma2 semaphore(%run_scoped3A : memref<!tpu.dma_semaphore, #tpu.memory_space<semaphore_mem>>) src(%arg6 : memref<128x256xf32, #tpu.memory_space<vmem>>) dst(%dma_wait3A_56 : memref<128x256xf32, #tpu.memory_space<hbm>>)
      tpu.yield
    }) : () -> ()
    %dma_start3A_18 = arith.constant 256 : i32
    %dma_start3A_19 = tpu.memref_slice %arg5[%dma_start3A_18] : memref<512xi32, #tpu.memory_space<vmem>> -> memref<128xi32, #tpu.memory_space<vmem>>
    %dma_start3A_20 = arith.constant 0 : i32
    %dma_start3A_21 = arith.constant 0 : i32
    %dma_start3A_22 = tpu.memref_slice %arg2[%dma_start3A_20, %dma_start3A_21] : memref<2048x256xf32, #tpu.memory_space<hbm>> -> memref<2048x256xf32, #tpu.memory_space<hbm>>
    tpu.enqueue_indirect_dma source(%dma_start3A_22 : memref<2048x256xf32, #tpu.memory_space<hbm>>) target(%arg6 : memref<128x256xf32, #tpu.memory_space<vmem>>) offsets(%dma_start3A_19 : memref<128xi32, #tpu.memory_space<vmem>>) semaphore(%arg8 : memref<!tpu.dma_semaphore, #tpu.memory_space<semaphore_mem>>)
    %dma_wait3A_23 = arith.constant 128 : i32
    %dma_wait3A_24 = tpu.memref_slice %arg5[%dma_wait3A_23] : memref<512xi32, #tpu.memory_space<vmem>> -> memref<128xi32, #tpu.memory_space<vmem>>
    %dma_wait3A_25 = arith.constant 0 : i32
    %dma_wait3A_26 = arith.constant 0 : i32
    %dma_wait3A_27 = tpu.memref_slice %arg2[%dma_wait3A_25, %dma_wait3A_26] : memref<2048x256xf32, #tpu.memory_space<hbm>> -> memref<2048x256xf32, #tpu.memory_space<hbm>>
    tpu.wait_indirect_dma semaphore(%arg9 : memref<!tpu.dma_semaphore, #tpu.memory_space<semaphore_mem>>) src(%dma_wait3A_27 : memref<2048x256xf32, #tpu.memory_space<hbm>>) dst(%arg7 : memref<128x256xf32, #tpu.memory_space<vmem>>)
    %add3A_28 = arith.constant 128 : i32
    %add3A_29 = arith.addi %mul3A_2, %add3A_28 : i32
    "tpu.region"() ({
      %run_scoped3A = tpu.sem_alloc : memref<!tpu.dma_semaphore, #tpu.memory_space<semaphore_mem>>
      %dma_start3A_49 = arith.constant 0 : i32
      %dma_start3A_50 = tpu.memref_slice %arg4[%add3A_29, %dma_start3A_49] : memref<16384x256xf32, #tpu.memory_space<hbm>> -> memref<128x256xf32, #tpu.memory_space<hbm>>
      %dma_start3A_51 = arith.constant 0 : i32
      %dma_start3A_52 = tpu.memref_slice %arg4[%add3A_29, %dma_start3A_51] : memref<16384x256xf32, #tpu.memory_space<hbm>> -> memref<128x256xf32, #tpu.memory_space<hbm>>
      tpu.enqueue_dma source(%arg7 : memref<128x256xf32, #tpu.memory_space<vmem>>) target(%dma_start3A_52 : memref<128x256xf32, #tpu.memory_space<hbm>>) target_semaphore(%run_scoped3A : memref<!tpu.dma_semaphore, #tpu.memory_space<semaphore_mem>>)
      %dma_wait3A_53 = arith.constant 0 : i32
      %dma_wait3A_54 = tpu.memref_slice %arg4[%add3A_29, %dma_wait3A_53] : memref<16384x256xf32, #tpu.memory_space<hbm>> -> memref<128x256xf32, #tpu.memory_space<hbm>>
      %dma_wait3A_55 = arith.constant 0 : i32
      %dma_wait3A_56 = tpu.memref_slice %arg4[%add3A_29, %dma_wait3A_55] : memref<16384x256xf32, #tpu.memory_space<hbm>> -> memref<128x256xf32, #tpu.memory_space<hbm>>
      tpu.wait_dma2 semaphore(%run_scoped3A : memref<!tpu.dma_semaphore, #tpu.memory_space<semaphore_mem>>) src(%arg7 : memref<128x256xf32, #tpu.memory_space<vmem>>) dst(%dma_wait3A_56 : memref<128x256xf32, #tpu.memory_space<hbm>>)
      tpu.yield
    }) : () -> ()
    %dma_start3A_30 = arith.constant 384 : i32
    %dma_start3A_31 = tpu.memref_slice %arg5[%dma_start3A_30] : memref<512xi32, #tpu.memory_space<vmem>> -> memref<128xi32, #tpu.memory_space<vmem>>
    %dma_start3A_32 = arith.constant 0 : i32
    %dma_start3A_33 = arith.constant 0 : i32
    %dma_start3A_34 = tpu.memref_slice %arg2[%dma_start3A_32, %dma_start3A_33] : memref<2048x256xf32, #tpu.memory_space<hbm>> -> memref<2048x256xf32, #tpu.memory_space<hbm>>
    tpu.enqueue_indirect_dma source(%dma_start3A_34 : memref<2048x256xf32, #tpu.memory_space<hbm>>) target(%arg7 : memref<128x256xf32, #tpu.memory_space<vmem>>) offsets(%dma_start3A_31 : memref<128xi32, #tpu.memory_space<vmem>>) semaphore(%arg9 : memref<!tpu.dma_semaphore, #tpu.memory_space<semaphore_mem>>)
    %dma_wait3A_35 = arith.constant 256 : i32
    %dma_wait3A_36 = tpu.memref_slice %arg5[%dma_wait3A_35] : memref<512xi32, #tpu.memory_space<vmem>> -> memref<128xi32, #tpu.memory_space<vmem>>
    %dma_wait3A_37 = arith.constant 0 : i32
    %dma_wait3A_38 = arith.constant 0 : i32
    %dma_wait3A_39 = tpu.memref_slice %arg2[%dma_wait3A_37, %dma_wait3A_38] : memref<2048x256xf32, #tpu.memory_space<hbm>> -> memref<2048x256xf32, #tpu.memory_space<hbm>>
    tpu.wait_indirect_dma semaphore(%arg8 : memref<!tpu.dma_semaphore, #tpu.memory_space<semaphore_mem>>) src(%dma_wait3A_39 : memref<2048x256xf32, #tpu.memory_space<hbm>>) dst(%arg6 : memref<128x256xf32, #tpu.memory_space<vmem>>)
    %add3A_40 = arith.constant 256 : i32
    %add3A_41 = arith.addi %mul3A_2, %add3A_40 : i32
    "tpu.region"() ({
      %run_scoped3A = tpu.sem_alloc : memref<!tpu.dma_semaphore, #tpu.memory_space<semaphore_mem>>
      %dma_start3A_49 = arith.constant 0 : i32
      %dma_start3A_50 = tpu.memref_slice %arg4[%add3A_41, %dma_start3A_49] : memref<16384x256xf32, #tpu.memory_space<hbm>> -> memref<128x256xf32, #tpu.memory_space<hbm>>
      %dma_start3A_51 = arith.constant 0 : i32
      %dma_start3A_52 = tpu.memref_slice %arg4[%add3A_41, %dma_start3A_51] : memref<16384x256xf32, #tpu.memory_space<hbm>> -> memref<128x256xf32, #tpu.memory_space<hbm>>
      tpu.enqueue_dma source(%arg6 : memref<128x256xf32, #tpu.memory_space<vmem>>) target(%dma_start3A_52 : memref<128x256xf32, #tpu.memory_space<hbm>>) target_semaphore(%run_scoped3A : memref<!tpu.dma_semaphore, #tpu.memory_space<semaphore_mem>>)
      %dma_wait3A_53 = arith.constant 0 : i32
      %dma_wait3A_54 = tpu.memref_slice %arg4[%add3A_41, %dma_wait3A_53] : memref<16384x256xf32, #tpu.memory_space<hbm>> -> memref<128x256xf32, #tpu.memory_space<hbm>>
      %dma_wait3A_55 = arith.constant 0 : i32
      %dma_wait3A_56 = tpu.memref_slice %arg4[%add3A_41, %dma_wait3A_55] : memref<16384x256xf32, #tpu.memory_space<hbm>> -> memref<128x256xf32, #tpu.memory_space<hbm>>
      tpu.wait_dma2 semaphore(%run_scoped3A : memref<!tpu.dma_semaphore, #tpu.memory_space<semaphore_mem>>) src(%arg6 : memref<128x256xf32, #tpu.memory_space<vmem>>) dst(%dma_wait3A_56 : memref<128x256xf32, #tpu.memory_space<hbm>>)
      tpu.yield
    }) : () -> ()
    %dma_wait3A_42 = arith.constant 384 : i32
    %dma_wait3A_43 = tpu.memref_slice %arg5[%dma_wait3A_42] : memref<512xi32, #tpu.memory_space<vmem>> -> memref<128xi32, #tpu.memory_space<vmem>>
    %dma_wait3A_44 = arith.constant 0 : i32
    %dma_wait3A_45 = arith.constant 0 : i32
    %dma_wait3A_46 = tpu.memref_slice %arg2[%dma_wait3A_44, %dma_wait3A_45] : memref<2048x256xf32, #tpu.memory_space<hbm>> -> memref<2048x256xf32, #tpu.memory_space<hbm>>
    tpu.wait_indirect_dma semaphore(%arg9 : memref<!tpu.dma_semaphore, #tpu.memory_space<semaphore_mem>>) src(%dma_wait3A_46 : memref<2048x256xf32, #tpu.memory_space<hbm>>) dst(%arg7 : memref<128x256xf32, #tpu.memory_space<vmem>>)
    %add3A_47 = arith.constant 384 : i32
    %add3A_48 = arith.addi %mul3A_2, %add3A_47 : i32
    "tpu.region"() ({
      %run_scoped3A = tpu.sem_alloc : memref<!tpu.dma_semaphore, #tpu.memory_space<semaphore_mem>>
      %dma_start3A_49 = arith.constant 0 : i32
      %dma_start3A_50 = tpu.memref_slice %arg4[%add3A_48, %dma_start3A_49] : memref<16384x256xf32, #tpu.memory_space<hbm>> -> memref<128x256xf32, #tpu.memory_space<hbm>>
      %dma_start3A_51 = arith.constant 0 : i32
      %dma_start3A_52 = tpu.memref_slice %arg4[%add3A_48, %dma_start3A_51] : memref<16384x256xf32, #tpu.memory_space<hbm>> -> memref<128x256xf32, #tpu.memory_space<hbm>>
      tpu.enqueue_dma source(%arg7 : memref<128x256xf32, #tpu.memory_space<vmem>>) target(%dma_start3A_52 : memref<128x256xf32, #tpu.memory_space<hbm>>) target_semaphore(%run_scoped3A : memref<!tpu.dma_semaphore, #tpu.memory_space<semaphore_mem>>)
      %dma_wait3A_53 = arith.constant 0 : i32
      %dma_wait3A_54 = tpu.memref_slice %arg4[%add3A_48, %dma_wait3A_53] : memref<16384x256xf32, #tpu.memory_space<hbm>> -> memref<128x256xf32, #tpu.memory_space<hbm>>
      %dma_wait3A_55 = arith.constant 0 : i32
      %dma_wait3A_56 = tpu.memref_slice %arg4[%add3A_48, %dma_wait3A_55] : memref<16384x256xf32, #tpu.memory_space<hbm>> -> memref<128x256xf32, #tpu.memory_space<hbm>>
      tpu.wait_dma2 semaphore(%run_scoped3A : memref<!tpu.dma_semaphore, #tpu.memory_space<semaphore_mem>>) src(%arg7 : memref<128x256xf32, #tpu.memory_space<vmem>>) dst(%dma_wait3A_56 : memref<128x256xf32, #tpu.memory_space<hbm>>)
      tpu.yield
    }) : () -> ()
    return
  }
}

module attributes {stable_mosaic.version = 14 : i64} {
  func.func @body(%arg0: i32, %arg1: memref<2048x3xf32, #tpu.memory_space<vmem>>, %arg2: memref<3x64xf32, #tpu.memory_space<vmem>>, %arg3: memref<1x64xf32, #tpu.memory_space<vmem>>, %arg4: memref<2048x64xf32, #tpu.memory_space<vmem>>, %arg5: memref<8x64xf32, #tpu.memory_space<vmem>>) attributes {dimension_semantics = [#tpu.dimension_semantics<arbitrary>], iteration_bounds = array<i64: 128>, scalar_prefetch = 0 : i64, scratch_operands = 0 : i64, tpu.core_type = #tpu.core_type<tc>, window_params = [{transform_indices = @transform_0, window_bounds = array<i64: 2048, 3>}, {pipeline_mode = #tpu.pipeline_mode<synchronous>, transform_indices = @transform_1, window_bounds = array<i64: 3, 64>}, {pipeline_mode = #tpu.pipeline_mode<synchronous>, transform_indices = @transform_2, window_bounds = array<i64: 1, 64>}, {transform_indices = @transform_3, window_bounds = array<i64: 2048, 64>}, {pipeline_mode = #tpu.pipeline_mode<synchronous>, transform_indices = @transform_4, window_bounds = array<i64: 8, 64>}]} {
    %get3A = arith.constant 0 : index
    %get3A_0 = arith.constant 0 : index
    %get3A_1 = vector.load %arg1[%get3A, %get3A_0] : memref<2048x3xf32, #tpu.memory_space<vmem>>, vector<2048x3xf32>
    %get3A_2 = arith.constant 0 : index
    %get3A_3 = arith.constant 0 : index
    %get3A_4 = vector.load %arg2[%get3A_2, %get3A_3] : memref<3x64xf32, #tpu.memory_space<vmem>>, vector<3x64xf32>
    %dot_general3A = arith.constant dense<0.000000e+00> : vector<2048x64xf32>
    %dot_general3A_5 = tpu.matmul %get3A_1, %get3A_4, %dot_general3A {dimension_numbers = #tpu.dot_dimension_numbers<[1], [0], [0], [1], [0, 0, 1, 1], [], []>, transpose_lhs_hint = false} : vector<2048x3xf32>, vector<3x64xf32>, vector<2048x64xf32> -> vector<2048x64xf32>
    %get3A_6 = arith.constant 0 : index
    %get3A_7 = arith.constant 0 : index
    %get3A_8 = vector.load %arg3[%get3A_6, %get3A_7] : memref<1x64xf32, #tpu.memory_space<vmem>>, vector<1x64xf32>
    %add3A = vector.broadcast %get3A_8 : vector<1x64xf32> to vector<2048x64xf32>
    %add3A_9 = arith.addf %dot_general3A_5, %add3A : vector<2048x64xf32>
    %swap3A = arith.constant 0 : index
    %swap3A_10 = arith.constant 0 : index
    %swap3A_11 = vector.load %arg4[%swap3A, %swap3A_10] : memref<2048x64xf32, #tpu.memory_space<vmem>>, vector<2048x64xf32>
    tpu.vector_store %arg4[%swap3A, %swap3A_10], %add3A_9 {strides = array<i32>} : memref<2048x64xf32, #tpu.memory_space<vmem>>, vector<2048x64xf32>,
    %eq3A = arith.constant 0 : i32
    %eq3A_12 = arith.cmpi eq, %arg0, %eq3A : i32
    %convert_element_type3A = arith.extui %eq3A_12 : i1 to i32
    %cond3A = arith.constant 0 : i32
    %cond3A_13 = arith.cmpi ne, %convert_element_type3A, %cond3A : i32
    scf.if %cond3A_13 {
      %broadcast_in_dim3A_32 = arith.constant 0.000000e+00 : f32
      %broadcast_in_dim3A_33 = vector.broadcast %broadcast_in_dim3A_32 : f32 to vector<8x64xf32>
      %swap3A_34 = arith.constant 0 : index
      %swap3A_35 = arith.constant 0 : index
      %swap3A_36 = vector.load %arg5[%swap3A_34, %swap3A_35] : memref<8x64xf32, #tpu.memory_space<vmem>>, vector<8x64xf32>
      tpu.vector_store %arg5[%swap3A_34, %swap3A_35], %broadcast_in_dim3A_33 {strides = array<i32>} : memref<8x64xf32, #tpu.memory_space<vmem>>, vector<8x64xf32>,
    } else {
    }
    %get3A_14 = arith.constant 0 : index
    %get3A_15 = arith.constant 0 : index
    %get3A_16 = vector.load %arg5[%get3A_14, %get3A_15] : memref<8x64xf32, #tpu.memory_space<vmem>>, vector<1x64xf32>
    %reduce_sum3A = arith.constant dense<0.000000e+00> : vector<64xf32>
    %reduce_sum3A_17 = vector.multi_reduction <add>, %add3A_9, %reduce_sum3A [0] : vector<2048x64xf32> to vector<64xf32>
    %broadcast_in_dim3A = vector.shape_cast %reduce_sum3A_17 : vector<64xf32> to vector<1x64xf32>
    %add3A_18 = arith.addf %get3A_16, %broadcast_in_dim3A : vector<1x64xf32>
    %swap3A_19 = arith.constant 0 : index
    %swap3A_20 = arith.constant 0 : index
    %swap3A_21 = vector.load %arg5[%swap3A_19, %swap3A_20] : memref<8x64xf32, #tpu.memory_space<vmem>>, vector<1x64xf32>
    tpu.vector_store %arg5[%swap3A_19, %swap3A_20], %add3A_18 {strides = array<i32>} : memref<8x64xf32, #tpu.memory_space<vmem>>, vector<1x64xf32>,
    %get3A_22 = arith.constant 1 : index
    %get3A_23 = arith.constant 0 : index
    %get3A_24 = vector.load %arg5[%get3A_22, %get3A_23] : memref<8x64xf32, #tpu.memory_space<vmem>>, vector<1x64xf32>
    %mul3A = arith.mulf %add3A_9, %add3A_9 : vector<2048x64xf32>
    %reduce_sum3A_25 = arith.constant dense<0.000000e+00> : vector<64xf32>
    %reduce_sum3A_26 = vector.multi_reduction <add>, %mul3A, %reduce_sum3A_25 [0] : vector<2048x64xf32> to vector<64xf32>
    %broadcast_in_dim3A_27 = vector.shape_cast %reduce_sum3A_26 : vector<64xf32> to vector<1x64xf32>
    %add3A_28 = arith.addf %get3A_24, %broadcast_in_dim3A_27 : vector<1x64xf32>
    %swap3A_29 = arith.constant 1 : index
    %swap3A_30 = arith.constant 0 : index
    %swap3A_31 = vector.load %arg5[%swap3A_29, %swap3A_30] : memref<8x64xf32, #tpu.memory_space<vmem>>, vector<1x64xf32>
    tpu.vector_store %arg5[%swap3A_29, %swap3A_30], %add3A_28 {strides = array<i32>} : memref<8x64xf32, #tpu.memory_space<vmem>>, vector<1x64xf32>,
    return
  }
  func.func @transform_0(%arg0: i32) -> (i32, i32) {
    %c0_i32 = arith.constant 0 : i32
    %c0_i32_0 = arith.constant 0 : i32
    return %arg0, %c0_i32 : i32, i32
  }
  func.func @transform_1(%arg0: i32) -> (i32, i32) {
    %c0_i32 = arith.constant 0 : i32
    %c0_i32_0 = arith.constant 0 : i32
    %c0_i32_1 = arith.constant 0 : i32
    return %c0_i32, %c0_i32_0 : i32, i32
  }
  func.func @transform_2(%arg0: i32) -> (i32, i32) {
    %c0_i32 = arith.constant 0 : i32
    %c0_i32_0 = arith.constant 0 : i32
    %c0_i32_1 = arith.constant 0 : i32
    return %c0_i32, %c0_i32_0 : i32, i32
  }
  func.func @transform_3(%arg0: i32) -> (i32, i32) {
    %c0_i32 = arith.constant 0 : i32
    %c0_i32_0 = arith.constant 0 : i32
    return %arg0, %c0_i32 : i32, i32
  }
  func.func @transform_4(%arg0: i32) -> (i32, i32) {
    %c0_i32 = arith.constant 0 : i32
    %c0_i32_0 = arith.constant 0 : i32
    %c0_i32_1 = arith.constant 0 : i32
    return %c0_i32, %c0_i32_0 : i32, i32
  }
}

module attributes {stable_mosaic.version = 14 : i64} {
  func.func @body(%arg0: i32, %arg1: memref<2048x64xf32, #tpu.memory_space<vmem>>, %arg2: memref<8x64xf32, #tpu.memory_space<vmem>>, %arg3: memref<1x64xf32, #tpu.memory_space<vmem>>, %arg4: memref<1x64xf32, #tpu.memory_space<vmem>>, %arg5: memref<64x64xf32, #tpu.memory_space<vmem>>, %arg6: memref<1x64xf32, #tpu.memory_space<vmem>>, %arg7: memref<2048x64xf32, #tpu.memory_space<vmem>>, %arg8: memref<8x64xf32, #tpu.memory_space<vmem>>) attributes {dimension_semantics = [#tpu.dimension_semantics<arbitrary>], iteration_bounds = array<i64: 128>, scalar_prefetch = 0 : i64, scratch_operands = 0 : i64, tpu.core_type = #tpu.core_type<tc>, window_params = [{transform_indices = @transform_0, window_bounds = array<i64: 2048, 64>}, {pipeline_mode = #tpu.pipeline_mode<synchronous>, transform_indices = @transform_1, window_bounds = array<i64: 8, 64>}, {pipeline_mode = #tpu.pipeline_mode<synchronous>, transform_indices = @transform_2, window_bounds = array<i64: 1, 64>}, {pipeline_mode = #tpu.pipeline_mode<synchronous>, transform_indices = @transform_3, window_bounds = array<i64: 1, 64>}, {pipeline_mode = #tpu.pipeline_mode<synchronous>, transform_indices = @transform_4, window_bounds = array<i64: 64, 64>}, {pipeline_mode = #tpu.pipeline_mode<synchronous>, transform_indices = @transform_5, window_bounds = array<i64: 1, 64>}, {transform_indices = @transform_6, window_bounds = array<i64: 2048, 64>}, {pipeline_mode = #tpu.pipeline_mode<synchronous>, transform_indices = @transform_7, window_bounds = array<i64: 8, 64>}]} {
    %get3A = arith.constant 0 : index
    %get3A_0 = arith.constant 0 : index
    %get3A_1 = vector.load %arg2[%get3A, %get3A_0] : memref<8x64xf32, #tpu.memory_space<vmem>>, vector<8x64xf32>
    %get3A_2 = arith.constant 0 : index
    %get3A_3 = arith.constant 0 : index
    %get3A_4 = vector.load %arg3[%get3A_2, %get3A_3] : memref<1x64xf32, #tpu.memory_space<vmem>>, vector<1x64xf32>
    %get3A_5 = arith.constant 0 : index
    %get3A_6 = arith.constant 0 : index
    %get3A_7 = vector.load %arg4[%get3A_5, %get3A_6] : memref<1x64xf32, #tpu.memory_space<vmem>>, vector<1x64xf32>
    %slice3A = vector.extract_strided_slice %get3A_1 {offsets = [0, 0], sizes = [1, 64], strides = [1, 1]} : vector<8x64xf32> to vector<1x64xf32>
    %mul3A = arith.constant 3.81469727E-6 : f32
    %mul3A_8 = vector.broadcast %mul3A : f32 to vector<1x64xf32>
    %mul3A_9 = arith.mulf %slice3A, %mul3A_8 : vector<1x64xf32>
    %slice3A_10 = vector.extract_strided_slice %get3A_1 {offsets = [1, 0], sizes = [1, 64], strides = [1, 1]} : vector<8x64xf32> to vector<1x64xf32>
    %mul3A_11 = arith.constant 3.81469727E-6 : f32
    %mul3A_12 = vector.broadcast %mul3A_11 : f32 to vector<1x64xf32>
    %mul3A_13 = arith.mulf %slice3A_10, %mul3A_12 : vector<1x64xf32>
    %mul3A_14 = arith.mulf %mul3A_9, %mul3A_9 : vector<1x64xf32>
    %sub3A = arith.subf %mul3A_13, %mul3A_14 : vector<1x64xf32>
    %add3A = arith.constant 9.99999974E-6 : f32
    %add3A_15 = vector.broadcast %add3A : f32 to vector<1x64xf32>
    %add3A_16 = arith.addf %sub3A, %add3A_15 : vector<1x64xf32>
    %rsqrt3A = math.rsqrt %add3A_16 : vector<1x64xf32>
    %mul3A_17 = arith.mulf %rsqrt3A, %get3A_4 : vector<1x64xf32>
    %mul3A_18 = arith.mulf %mul3A_9, %mul3A_17 : vector<1x64xf32>
    %sub3A_19 = arith.subf %get3A_7, %mul3A_18 : vector<1x64xf32>
    %get3A_20 = arith.constant 0 : index
    %get3A_21 = arith.constant 0 : index
    %get3A_22 = vector.load %arg1[%get3A_20, %get3A_21] : memref<2048x64xf32, #tpu.memory_space<vmem>>, vector<2048x64xf32>
    %mul3A_23 = vector.broadcast %mul3A_17 : vector<1x64xf32> to vector<2048x64xf32>
    %mul3A_24 = arith.mulf %get3A_22, %mul3A_23 : vector<2048x64xf32>
    %add3A_25 = vector.broadcast %sub3A_19 : vector<1x64xf32> to vector<2048x64xf32>
    %add3A_26 = arith.addf %mul3A_24, %add3A_25 : vector<2048x64xf32>
    %max3A = arith.constant 0.000000e+00 : f32
    %max3A_27 = vector.broadcast %max3A : f32 to vector<2048x64xf32>
    %max3A_28 = arith.maximumf %add3A_26, %max3A_27 : vector<2048x64xf32>
    %get3A_29 = arith.constant 0 : index
    %get3A_30 = arith.constant 0 : index
    %get3A_31 = vector.load %arg5[%get3A_29, %get3A_30] : memref<64x64xf32, #tpu.memory_space<vmem>>, vector<64x64xf32>
    %dot_general3A = arith.constant dense<0.000000e+00> : vector<2048x64xf32>
    %dot_general3A_32 = tpu.matmul %max3A_28, %get3A_31, %dot_general3A {dimension_numbers = #tpu.dot_dimension_numbers<[1], [0], [0], [1], [0, 0, 1, 1], [], []>, transpose_lhs_hint = false} : vector<2048x64xf32>, vector<64x64xf32>, vector<2048x64xf32> -> vector<2048x64xf32>
    %get3A_33 = arith.constant 0 : index
    %get3A_34 = arith.constant 0 : index
    %get3A_35 = vector.load %arg6[%get3A_33, %get3A_34] : memref<1x64xf32, #tpu.memory_space<vmem>>, vector<1x64xf32>
    %add3A_36 = vector.broadcast %get3A_35 : vector<1x64xf32> to vector<2048x64xf32>
    %add3A_37 = arith.addf %dot_general3A_32, %add3A_36 : vector<2048x64xf32>
    %swap3A = arith.constant 0 : index
    %swap3A_38 = arith.constant 0 : index
    %swap3A_39 = vector.load %arg7[%swap3A, %swap3A_38] : memref<2048x64xf32, #tpu.memory_space<vmem>>, vector<2048x64xf32>
    tpu.vector_store %arg7[%swap3A, %swap3A_38], %add3A_37 {strides = array<i32>} : memref<2048x64xf32, #tpu.memory_space<vmem>>, vector<2048x64xf32>,
    %eq3A = arith.constant 0 : i32
    %eq3A_40 = arith.cmpi eq, %arg0, %eq3A : i32
    %convert_element_type3A = arith.extui %eq3A_40 : i1 to i32
    %cond3A = arith.constant 0 : i32
    %cond3A_41 = arith.cmpi ne, %convert_element_type3A, %cond3A : i32
    scf.if %cond3A_41 {
      %broadcast_in_dim3A_61 = arith.constant 0.000000e+00 : f32
      %broadcast_in_dim3A_62 = vector.broadcast %broadcast_in_dim3A_61 : f32 to vector<8x64xf32>
      %swap3A_63 = arith.constant 0 : index
      %swap3A_64 = arith.constant 0 : index
      %swap3A_65 = vector.load %arg8[%swap3A_63, %swap3A_64] : memref<8x64xf32, #tpu.memory_space<vmem>>, vector<8x64xf32>
      tpu.vector_store %arg8[%swap3A_63, %swap3A_64], %broadcast_in_dim3A_62 {strides = array<i32>} : memref<8x64xf32, #tpu.memory_space<vmem>>, vector<8x64xf32>,
    } else {
    }
    %get3A_42 = arith.constant 0 : index
    %get3A_43 = arith.constant 0 : index
    %get3A_44 = vector.load %arg8[%get3A_42, %get3A_43] : memref<8x64xf32, #tpu.memory_space<vmem>>, vector<1x64xf32>
    %reduce_sum3A = arith.constant dense<0.000000e+00> : vector<64xf32>
    %reduce_sum3A_45 = vector.multi_reduction <add>, %add3A_37, %reduce_sum3A [0] : vector<2048x64xf32> to vector<64xf32>
    %broadcast_in_dim3A = vector.shape_cast %reduce_sum3A_45 : vector<64xf32> to vector<1x64xf32>
    %add3A_46 = arith.addf %get3A_44, %broadcast_in_dim3A : vector<1x64xf32>
    %swap3A_47 = arith.constant 0 : index
    %swap3A_48 = arith.constant 0 : index
    %swap3A_49 = vector.load %arg8[%swap3A_47, %swap3A_48] : memref<8x64xf32, #tpu.memory_space<vmem>>, vector<1x64xf32>
    tpu.vector_store %arg8[%swap3A_47, %swap3A_48], %add3A_46 {strides = array<i32>} : memref<8x64xf32, #tpu.memory_space<vmem>>, vector<1x64xf32>,
    %get3A_50 = arith.constant 1 : index
    %get3A_51 = arith.constant 0 : index
    %get3A_52 = vector.load %arg8[%get3A_50, %get3A_51] : memref<8x64xf32, #tpu.memory_space<vmem>>, vector<1x64xf32>
    %mul3A_53 = arith.mulf %add3A_37, %add3A_37 : vector<2048x64xf32>
    %reduce_sum3A_54 = arith.constant dense<0.000000e+00> : vector<64xf32>
    %reduce_sum3A_55 = vector.multi_reduction <add>, %mul3A_53, %reduce_sum3A_54 [0] : vector<2048x64xf32> to vector<64xf32>
    %broadcast_in_dim3A_56 = vector.shape_cast %reduce_sum3A_55 : vector<64xf32> to vector<1x64xf32>
    %add3A_57 = arith.addf %get3A_52, %broadcast_in_dim3A_56 : vector<1x64xf32>
    %swap3A_58 = arith.constant 1 : index
    %swap3A_59 = arith.constant 0 : index
    %swap3A_60 = vector.load %arg8[%swap3A_58, %swap3A_59] : memref<8x64xf32, #tpu.memory_space<vmem>>, vector<1x64xf32>
    tpu.vector_store %arg8[%swap3A_58, %swap3A_59], %add3A_57 {strides = array<i32>} : memref<8x64xf32, #tpu.memory_space<vmem>>, vector<1x64xf32>,
    return
  }
  func.func @transform_0(%arg0: i32) -> (i32, i32) {
    %c0_i32 = arith.constant 0 : i32
    %c0_i32_0 = arith.constant 0 : i32
    return %arg0, %c0_i32 : i32, i32
  }
  func.func @transform_1(%arg0: i32) -> (i32, i32) {
    %c0_i32 = arith.constant 0 : i32
    %c0_i32_0 = arith.constant 0 : i32
    %c0_i32_1 = arith.constant 0 : i32
    return %c0_i32, %c0_i32_0 : i32, i32
  }
  func.func @transform_2(%arg0: i32) -> (i32, i32) {
    %c0_i32 = arith.constant 0 : i32
    %c0_i32_0 = arith.constant 0 : i32
    %c0_i32_1 = arith.constant 0 : i32
    return %c0_i32, %c0_i32_0 : i32, i32
  }
  func.func @transform_3(%arg0: i32) -> (i32, i32) {
    %c0_i32 = arith.constant 0 : i32
    %c0_i32_0 = arith.constant 0 : i32
    %c0_i32_1 = arith.constant 0 : i32
    return %c0_i32, %c0_i32_0 : i32, i32
  }
  func.func @transform_4(%arg0: i32) -> (i32, i32) {
    %c0_i32 = arith.constant 0 : i32
    %c0_i32_0 = arith.constant 0 : i32
    %c0_i32_1 = arith.constant 0 : i32
    return %c0_i32, %c0_i32_0 : i32, i32
  }
  func.func @transform_5(%arg0: i32) -> (i32, i32) {
    %c0_i32 = arith.constant 0 : i32
    %c0_i32_0 = arith.constant 0 : i32
    %c0_i32_1 = arith.constant 0 : i32
    return %c0_i32, %c0_i32_0 : i32, i32
  }
  func.func @transform_6(%arg0: i32) -> (i32, i32) {
    %c0_i32 = arith.constant 0 : i32
    %c0_i32_0 = arith.constant 0 : i32
    return %arg0, %c0_i32 : i32, i32
  }
  func.func @transform_7(%arg0: i32) -> (i32, i32) {
    %c0_i32 = arith.constant 0 : i32
    %c0_i32_0 = arith.constant 0 : i32
    %c0_i32_1 = arith.constant 0 : i32
    return %c0_i32, %c0_i32_0 : i32, i32
  }
}

module attributes {stable_mosaic.version = 14 : i64} {
  func.func @body(%arg0: i32, %arg1: memref<2048x64xf32, #tpu.memory_space<vmem>>, %arg2: memref<8x64xf32, #tpu.memory_space<vmem>>, %arg3: memref<1x64xf32, #tpu.memory_space<vmem>>, %arg4: memref<1x64xf32, #tpu.memory_space<vmem>>, %arg5: memref<64x128xf32, #tpu.memory_space<vmem>>, %arg6: memref<1x128xf32, #tpu.memory_space<vmem>>, %arg7: memref<64x128xf32, #tpu.memory_space<vmem>>, %arg8: memref<8x128xf32, #tpu.memory_space<vmem>>) attributes {dimension_semantics = [#tpu.dimension_semantics<arbitrary>], iteration_bounds = array<i64: 128>, scalar_prefetch = 0 : i64, scratch_operands = 0 : i64, tpu.core_type = #tpu.core_type<tc>, window_params = [{transform_indices = @transform_0, window_bounds = array<i64: 2048, 64>}, {pipeline_mode = #tpu.pipeline_mode<synchronous>, transform_indices = @transform_1, window_bounds = array<i64: 8, 64>}, {pipeline_mode = #tpu.pipeline_mode<synchronous>, transform_indices = @transform_2, window_bounds = array<i64: 1, 64>}, {pipeline_mode = #tpu.pipeline_mode<synchronous>, transform_indices = @transform_3, window_bounds = array<i64: 1, 64>}, {pipeline_mode = #tpu.pipeline_mode<synchronous>, transform_indices = @transform_4, window_bounds = array<i64: 64, 128>}, {pipeline_mode = #tpu.pipeline_mode<synchronous>, transform_indices = @transform_5, window_bounds = array<i64: 1, 128>}, {transform_indices = @transform_6, window_bounds = array<i64: 64, 128>}, {pipeline_mode = #tpu.pipeline_mode<synchronous>, transform_indices = @transform_7, window_bounds = array<i64: 8, 128>}]} {
    %get3A = arith.constant 0 : index
    %get3A_0 = arith.constant 0 : index
    %get3A_1 = vector.load %arg2[%get3A, %get3A_0] : memref<8x64xf32, #tpu.memory_space<vmem>>, vector<8x64xf32>
    %get3A_2 = arith.constant 0 : index
    %get3A_3 = arith.constant 0 : index
    %get3A_4 = vector.load %arg3[%get3A_2, %get3A_3] : memref<1x64xf32, #tpu.memory_space<vmem>>, vector<1x64xf32>
    %get3A_5 = arith.constant 0 : index
    %get3A_6 = arith.constant 0 : index
    %get3A_7 = vector.load %arg4[%get3A_5, %get3A_6] : memref<1x64xf32, #tpu.memory_space<vmem>>, vector<1x64xf32>
    %slice3A = vector.extract_strided_slice %get3A_1 {offsets = [0, 0], sizes = [1, 64], strides = [1, 1]} : vector<8x64xf32> to vector<1x64xf32>
    %mul3A = arith.constant 3.81469727E-6 : f32
    %mul3A_8 = vector.broadcast %mul3A : f32 to vector<1x64xf32>
    %mul3A_9 = arith.mulf %slice3A, %mul3A_8 : vector<1x64xf32>
    %slice3A_10 = vector.extract_strided_slice %get3A_1 {offsets = [1, 0], sizes = [1, 64], strides = [1, 1]} : vector<8x64xf32> to vector<1x64xf32>
    %mul3A_11 = arith.constant 3.81469727E-6 : f32
    %mul3A_12 = vector.broadcast %mul3A_11 : f32 to vector<1x64xf32>
    %mul3A_13 = arith.mulf %slice3A_10, %mul3A_12 : vector<1x64xf32>
    %mul3A_14 = arith.mulf %mul3A_9, %mul3A_9 : vector<1x64xf32>
    %sub3A = arith.subf %mul3A_13, %mul3A_14 : vector<1x64xf32>
    %add3A = arith.constant 9.99999974E-6 : f32
    %add3A_15 = vector.broadcast %add3A : f32 to vector<1x64xf32>
    %add3A_16 = arith.addf %sub3A, %add3A_15 : vector<1x64xf32>
    %rsqrt3A = math.rsqrt %add3A_16 : vector<1x64xf32>
    %mul3A_17 = arith.mulf %rsqrt3A, %get3A_4 : vector<1x64xf32>
    %mul3A_18 = arith.mulf %mul3A_9, %mul3A_17 : vector<1x64xf32>
    %sub3A_19 = arith.subf %get3A_7, %mul3A_18 : vector<1x64xf32>
    %get3A_20 = arith.constant 0 : index
    %get3A_21 = arith.constant 0 : index
    %get3A_22 = vector.load %arg1[%get3A_20, %get3A_21] : memref<2048x64xf32, #tpu.memory_space<vmem>>, vector<2048x64xf32>
    %mul3A_23 = vector.broadcast %mul3A_17 : vector<1x64xf32> to vector<2048x64xf32>
    %mul3A_24 = arith.mulf %get3A_22, %mul3A_23 : vector<2048x64xf32>
    %add3A_25 = vector.broadcast %sub3A_19 : vector<1x64xf32> to vector<2048x64xf32>
    %add3A_26 = arith.addf %mul3A_24, %add3A_25 : vector<2048x64xf32>
    %max3A = arith.constant 0.000000e+00 : f32
    %max3A_27 = vector.broadcast %max3A : f32 to vector<2048x64xf32>
    %max3A_28 = arith.maximumf %add3A_26, %max3A_27 : vector<2048x64xf32>
    %get3A_29 = arith.constant 0 : index
    %get3A_30 = arith.constant 0 : index
    %get3A_31 = vector.load %arg5[%get3A_29, %get3A_30] : memref<64x128xf32, #tpu.memory_space<vmem>>, vector<64x128xf32>
    %dot_general3A = arith.constant dense<0.000000e+00> : vector<2048x128xf32>
    %dot_general3A_32 = tpu.matmul %max3A_28, %get3A_31, %dot_general3A {dimension_numbers = #tpu.dot_dimension_numbers<[1], [0], [0], [1], [0, 0, 1, 1], [], []>, transpose_lhs_hint = false} : vector<2048x64xf32>, vector<64x128xf32>, vector<2048x128xf32> -> vector<2048x128xf32>
    %get3A_33 = arith.constant 0 : index
    %get3A_34 = arith.constant 0 : index
    %get3A_35 = vector.load %arg6[%get3A_33, %get3A_34] : memref<1x128xf32, #tpu.memory_space<vmem>>, vector<1x128xf32>
    %add3A_36 = vector.broadcast %get3A_35 : vector<1x128xf32> to vector<2048x128xf32>
    %add3A_37 = arith.addf %dot_general3A_32, %add3A_36 : vector<2048x128xf32>
    %eq3A = arith.constant 0 : i32
    %eq3A_38 = arith.cmpi eq, %arg0, %eq3A : i32
    %convert_element_type3A = arith.extui %eq3A_38 : i1 to i32
    %cond3A = arith.constant 0 : i32
    %cond3A_39 = arith.cmpi ne, %convert_element_type3A, %cond3A : i32
    scf.if %cond3A_39 {
      %broadcast_in_dim3A_62 = arith.constant 0.000000e+00 : f32
      %broadcast_in_dim3A_63 = vector.broadcast %broadcast_in_dim3A_62 : f32 to vector<8x128xf32>
      %swap3A_64 = arith.constant 0 : index
      %swap3A_65 = arith.constant 0 : index
      %swap3A_66 = vector.load %arg8[%swap3A_64, %swap3A_65] : memref<8x128xf32, #tpu.memory_space<vmem>>, vector<8x128xf32>
      tpu.vector_store %arg8[%swap3A_64, %swap3A_65], %broadcast_in_dim3A_63 {strides = array<i32>} : memref<8x128xf32, #tpu.memory_space<vmem>>, vector<8x128xf32>,
    } else {
    }
    %get3A_40 = arith.constant 0 : index
    %get3A_41 = arith.constant 0 : index
    %get3A_42 = vector.load %arg8[%get3A_40, %get3A_41] : memref<8x128xf32, #tpu.memory_space<vmem>>, vector<1x128xf32>
    %reduce_sum3A = arith.constant dense<0.000000e+00> : vector<128xf32>
    %reduce_sum3A_43 = vector.multi_reduction <add>, %add3A_37, %reduce_sum3A [0] : vector<2048x128xf32> to vector<128xf32>
    %broadcast_in_dim3A = vector.shape_cast %reduce_sum3A_43 : vector<128xf32> to vector<1x128xf32>
    %add3A_44 = arith.addf %get3A_42, %broadcast_in_dim3A : vector<1x128xf32>
    %swap3A = arith.constant 0 : index
    %swap3A_45 = arith.constant 0 : index
    %swap3A_46 = vector.load %arg8[%swap3A, %swap3A_45] : memref<8x128xf32, #tpu.memory_space<vmem>>, vector<1x128xf32>
    tpu.vector_store %arg8[%swap3A, %swap3A_45], %add3A_44 {strides = array<i32>} : memref<8x128xf32, #tpu.memory_space<vmem>>, vector<1x128xf32>,
    %get3A_47 = arith.constant 1 : index
    %get3A_48 = arith.constant 0 : index
    %get3A_49 = vector.load %arg8[%get3A_47, %get3A_48] : memref<8x128xf32, #tpu.memory_space<vmem>>, vector<1x128xf32>
    %mul3A_50 = arith.mulf %add3A_37, %add3A_37 : vector<2048x128xf32>
    %reduce_sum3A_51 = arith.constant dense<0.000000e+00> : vector<128xf32>
    %reduce_sum3A_52 = vector.multi_reduction <add>, %mul3A_50, %reduce_sum3A_51 [0] : vector<2048x128xf32> to vector<128xf32>
    %broadcast_in_dim3A_53 = vector.shape_cast %reduce_sum3A_52 : vector<128xf32> to vector<1x128xf32>
    %add3A_54 = arith.addf %get3A_49, %broadcast_in_dim3A_53 : vector<1x128xf32>
    %swap3A_55 = arith.constant 1 : index
    %swap3A_56 = arith.constant 0 : index
    %swap3A_57 = vector.load %arg8[%swap3A_55, %swap3A_56] : memref<8x128xf32, #tpu.memory_space<vmem>>, vector<1x128xf32>
    tpu.vector_store %arg8[%swap3A_55, %swap3A_56], %add3A_54 {strides = array<i32>} : memref<8x128xf32, #tpu.memory_space<vmem>>, vector<1x128xf32>,
    %reshape3A = vector.shape_cast %add3A_37 : vector<2048x128xf32> to vector<64x32x128xf32>
    %reduce_max3A = arith.constant dense<0xFF800000> : vector<64x128xf32>
    %reduce_max3A_58 = vector.multi_reduction <maximumf>, %reshape3A, %reduce_max3A [1] : vector<64x32x128xf32> to vector<64x128xf32>
    %swap3A_59 = arith.constant 0 : index
    %swap3A_60 = arith.constant 0 : index
    %swap3A_61 = vector.load %arg7[%swap3A_59, %swap3A_60] : memref<64x128xf32, #tpu.memory_space<vmem>>, vector<64x128xf32>
    tpu.vector_store %arg7[%swap3A_59, %swap3A_60], %reduce_max3A_58 {strides = array<i32>} : memref<64x128xf32, #tpu.memory_space<vmem>>, vector<64x128xf32>,
    return
  }
  func.func @transform_0(%arg0: i32) -> (i32, i32) {
    %c0_i32 = arith.constant 0 : i32
    %c0_i32_0 = arith.constant 0 : i32
    return %arg0, %c0_i32 : i32, i32
  }
  func.func @transform_1(%arg0: i32) -> (i32, i32) {
    %c0_i32 = arith.constant 0 : i32
    %c0_i32_0 = arith.constant 0 : i32
    %c0_i32_1 = arith.constant 0 : i32
    return %c0_i32, %c0_i32_0 : i32, i32
  }
  func.func @transform_2(%arg0: i32) -> (i32, i32) {
    %c0_i32 = arith.constant 0 : i32
    %c0_i32_0 = arith.constant 0 : i32
    %c0_i32_1 = arith.constant 0 : i32
    return %c0_i32, %c0_i32_0 : i32, i32
  }
  func.func @transform_3(%arg0: i32) -> (i32, i32) {
    %c0_i32 = arith.constant 0 : i32
    %c0_i32_0 = arith.constant 0 : i32
    %c0_i32_1 = arith.constant 0 : i32
    return %c0_i32, %c0_i32_0 : i32, i32
  }
  func.func @transform_4(%arg0: i32) -> (i32, i32) {
    %c0_i32 = arith.constant 0 : i32
    %c0_i32_0 = arith.constant 0 : i32
    %c0_i32_1 = arith.constant 0 : i32
    return %c0_i32, %c0_i32_0 : i32, i32
  }
  func.func @transform_5(%arg0: i32) -> (i32, i32) {
    %c0_i32 = arith.constant 0 : i32
    %c0_i32_0 = arith.constant 0 : i32
    %c0_i32_1 = arith.constant 0 : i32
    return %c0_i32, %c0_i32_0 : i32, i32
  }
  func.func @transform_6(%arg0: i32) -> (i32, i32) {
    %c0_i32 = arith.constant 0 : i32
    %c0_i32_0 = arith.constant 0 : i32
    return %arg0, %c0_i32 : i32, i32
  }
  func.func @transform_7(%arg0: i32) -> (i32, i32) {
    %c0_i32 = arith.constant 0 : i32
    %c0_i32_0 = arith.constant 0 : i32
    %c0_i32_1 = arith.constant 0 : i32
    return %c0_i32, %c0_i32_0 : i32, i32
  }
}

module attributes {stable_mosaic.version = 14 : i64} {
  func.func @body(%arg0: i32, %arg1: memref<2048x3xf32, #tpu.memory_space<vmem>>, %arg2: memref<2048x128xf32, #tpu.memory_space<vmem>>, %arg3: memref<8x128xf32, #tpu.memory_space<vmem>>, %arg4: memref<1x128xf32, #tpu.memory_space<vmem>>, %arg5: memref<1x128xf32, #tpu.memory_space<vmem>>, %arg6: memref<3x128xf32, #tpu.memory_space<vmem>>, %arg7: memref<128x128xf32, #tpu.memory_space<vmem>>, %arg8: memref<1x128xf32, #tpu.memory_space<vmem>>, %arg9: memref<2048x128xf32, #tpu.memory_space<vmem>>, %arg10: memref<8x128xf32, #tpu.memory_space<vmem>>) attributes {dimension_semantics = [#tpu.dimension_semantics<arbitrary>], iteration_bounds = array<i64: 32>, scalar_prefetch = 0 : i64, scratch_operands = 0 : i64, tpu.core_type = #tpu.core_type<tc>, window_params = [{transform_indices = @transform_0, window_bounds = array<i64: 2048, 3>}, {transform_indices = @transform_1, window_bounds = array<i64: 2048, 128>}, {pipeline_mode = #tpu.pipeline_mode<synchronous>, transform_indices = @transform_2, window_bounds = array<i64: 8, 128>}, {pipeline_mode = #tpu.pipeline_mode<synchronous>, transform_indices = @transform_3, window_bounds = array<i64: 1, 128>}, {pipeline_mode = #tpu.pipeline_mode<synchronous>, transform_indices = @transform_4, window_bounds = array<i64: 1, 128>}, {pipeline_mode = #tpu.pipeline_mode<synchronous>, transform_indices = @transform_5, window_bounds = array<i64: 3, 128>}, {pipeline_mode = #tpu.pipeline_mode<synchronous>, transform_indices = @transform_6, window_bounds = array<i64: 128, 128>}, {pipeline_mode = #tpu.pipeline_mode<synchronous>, transform_indices = @transform_7, window_bounds = array<i64: 1, 128>}, {transform_indices = @transform_8, window_bounds = array<i64: 2048, 128>}, {pipeline_mode = #tpu.pipeline_mode<synchronous>, transform_indices = @transform_9, window_bounds = array<i64: 8, 128>}]} {
    %get3A = arith.constant 0 : index
    %get3A_0 = arith.constant 0 : index
    %get3A_1 = vector.load %arg3[%get3A, %get3A_0] : memref<8x128xf32, #tpu.memory_space<vmem>>, vector<8x128xf32>
    %get3A_2 = arith.constant 0 : index
    %get3A_3 = arith.constant 0 : index
    %get3A_4 = vector.load %arg4[%get3A_2, %get3A_3] : memref<1x128xf32, #tpu.memory_space<vmem>>, vector<1x128xf32>
    %get3A_5 = arith.constant 0 : index
    %get3A_6 = arith.constant 0 : index
    %get3A_7 = vector.load %arg5[%get3A_5, %get3A_6] : memref<1x128xf32, #tpu.memory_space<vmem>>, vector<1x128xf32>
    %slice3A = vector.extract_strided_slice %get3A_1 {offsets = [0, 0], sizes = [1, 128], strides = [1, 1]} : vector<8x128xf32> to vector<1x128xf32>
    %mul3A = arith.constant 3.81469727E-6 : f32
    %mul3A_8 = vector.broadcast %mul3A : f32 to vector<1x128xf32>
    %mul3A_9 = arith.mulf %slice3A, %mul3A_8 : vector<1x128xf32>
    %slice3A_10 = vector.extract_strided_slice %get3A_1 {offsets = [1, 0], sizes = [1, 128], strides = [1, 1]} : vector<8x128xf32> to vector<1x128xf32>
    %mul3A_11 = arith.constant 3.81469727E-6 : f32
    %mul3A_12 = vector.broadcast %mul3A_11 : f32 to vector<1x128xf32>
    %mul3A_13 = arith.mulf %slice3A_10, %mul3A_12 : vector<1x128xf32>
    %mul3A_14 = arith.mulf %mul3A_9, %mul3A_9 : vector<1x128xf32>
    %sub3A = arith.subf %mul3A_13, %mul3A_14 : vector<1x128xf32>
    %add3A = arith.constant 9.99999974E-6 : f32
    %add3A_15 = vector.broadcast %add3A : f32 to vector<1x128xf32>
    %add3A_16 = arith.addf %sub3A, %add3A_15 : vector<1x128xf32>
    %rsqrt3A = math.rsqrt %add3A_16 : vector<1x128xf32>
    %mul3A_17 = arith.mulf %rsqrt3A, %get3A_4 : vector<1x128xf32>
    %mul3A_18 = arith.mulf %mul3A_9, %mul3A_17 : vector<1x128xf32>
    %sub3A_19 = arith.subf %get3A_7, %mul3A_18 : vector<1x128xf32>
    %get3A_20 = arith.constant 0 : index
    %get3A_21 = arith.constant 0 : index
    %get3A_22 = vector.load %arg2[%get3A_20, %get3A_21] : memref<2048x128xf32, #tpu.memory_space<vmem>>, vector<2048x128xf32>
    %mul3A_23 = vector.broadcast %mul3A_17 : vector<1x128xf32> to vector<2048x128xf32>
    %mul3A_24 = arith.mulf %get3A_22, %mul3A_23 : vector<2048x128xf32>
    %add3A_25 = vector.broadcast %sub3A_19 : vector<1x128xf32> to vector<2048x128xf32>
    %add3A_26 = arith.addf %mul3A_24, %add3A_25 : vector<2048x128xf32>
    %max3A = arith.constant 0.000000e+00 : f32
    %max3A_27 = vector.broadcast %max3A : f32 to vector<2048x128xf32>
    %max3A_28 = arith.maximumf %add3A_26, %max3A_27 : vector<2048x128xf32>
    %get3A_29 = arith.constant 0 : index
    %get3A_30 = arith.constant 0 : index
    %get3A_31 = vector.load %arg7[%get3A_29, %get3A_30] : memref<128x128xf32, #tpu.memory_space<vmem>>, vector<128x128xf32>
    %dot_general3A = arith.constant dense<0.000000e+00> : vector<2048x128xf32>
    %dot_general3A_32 = tpu.matmul %max3A_28, %get3A_31, %dot_general3A {dimension_numbers = #tpu.dot_dimension_numbers<[1], [0], [0], [1], [0, 0, 1, 1], [], []>, transpose_lhs_hint = false} : vector<2048x128xf32>, vector<128x128xf32>, vector<2048x128xf32> -> vector<2048x128xf32>
    %get3A_33 = arith.constant 0 : index
    %get3A_34 = arith.constant 0 : index
    %get3A_35 = vector.load %arg1[%get3A_33, %get3A_34] : memref<2048x3xf32, #tpu.memory_space<vmem>>, vector<2048x3xf32>
    %get3A_36 = arith.constant 0 : index
    %get3A_37 = arith.constant 0 : index
    %get3A_38 = vector.load %arg6[%get3A_36, %get3A_37] : memref<3x128xf32, #tpu.memory_space<vmem>>, vector<3x128xf32>
    %dot_general3A_39 = arith.constant dense<0.000000e+00> : vector<2048x128xf32>
    %dot_general3A_40 = tpu.matmul %get3A_35, %get3A_38, %dot_general3A_39 {dimension_numbers = #tpu.dot_dimension_numbers<[1], [0], [0], [1], [0, 0, 1, 1], [], []>, transpose_lhs_hint = false} : vector<2048x3xf32>, vector<3x128xf32>, vector<2048x128xf32> -> vector<2048x128xf32>
    %add3A_41 = arith.addf %dot_general3A_32, %dot_general3A_40 : vector<2048x128xf32>
    %get3A_42 = arith.constant 0 : index
    %get3A_43 = arith.constant 0 : index
    %get3A_44 = vector.load %arg8[%get3A_42, %get3A_43] : memref<1x128xf32, #tpu.memory_space<vmem>>, vector<1x128xf32>
    %add3A_45 = vector.broadcast %get3A_44 : vector<1x128xf32> to vector<2048x128xf32>
    %add3A_46 = arith.addf %add3A_41, %add3A_45 : vector<2048x128xf32>
    %swap3A = arith.constant 0 : index
    %swap3A_47 = arith.constant 0 : index
    %swap3A_48 = vector.load %arg9[%swap3A, %swap3A_47] : memref<2048x128xf32, #tpu.memory_space<vmem>>, vector<2048x128xf32>
    tpu.vector_store %arg9[%swap3A, %swap3A_47], %add3A_46 {strides = array<i32>} : memref<2048x128xf32, #tpu.memory_space<vmem>>, vector<2048x128xf32>,
    %eq3A = arith.constant 0 : i32
    %eq3A_49 = arith.cmpi eq, %arg0, %eq3A : i32
    %convert_element_type3A = arith.extui %eq3A_49 : i1 to i32
    %cond3A = arith.constant 0 : i32
    %cond3A_50 = arith.cmpi ne, %convert_element_type3A, %cond3A : i32
    scf.if %cond3A_50 {
      %broadcast_in_dim3A_70 = arith.constant 0.000000e+00 : f32
      %broadcast_in_dim3A_71 = vector.broadcast %broadcast_in_dim3A_70 : f32 to vector<8x128xf32>
      %swap3A_72 = arith.constant 0 : index
      %swap3A_73 = arith.constant 0 : index
      %swap3A_74 = vector.load %arg10[%swap3A_72, %swap3A_73] : memref<8x128xf32, #tpu.memory_space<vmem>>, vector<8x128xf32>
      tpu.vector_store %arg10[%swap3A_72, %swap3A_73], %broadcast_in_dim3A_71 {strides = array<i32>} : memref<8x128xf32, #tpu.memory_space<vmem>>, vector<8x128xf32>,
    } else {
    }
    %get3A_51 = arith.constant 0 : index
    %get3A_52 = arith.constant 0 : index
    %get3A_53 = vector.load %arg10[%get3A_51, %get3A_52] : memref<8x128xf32, #tpu.memory_space<vmem>>, vector<1x128xf32>
    %reduce_sum3A = arith.constant dense<0.000000e+00> : vector<128xf32>
    %reduce_sum3A_54 = vector.multi_reduction <add>, %add3A_46, %reduce_sum3A [0] : vector<2048x128xf32> to vector<128xf32>
    %broadcast_in_dim3A = vector.shape_cast %reduce_sum3A_54 : vector<128xf32> to vector<1x128xf32>
    %add3A_55 = arith.addf %get3A_53, %broadcast_in_dim3A : vector<1x128xf32>
    %swap3A_56 = arith.constant 0 : index
    %swap3A_57 = arith.constant 0 : index
    %swap3A_58 = vector.load %arg10[%swap3A_56, %swap3A_57] : memref<8x128xf32, #tpu.memory_space<vmem>>, vector<1x128xf32>
    tpu.vector_store %arg10[%swap3A_56, %swap3A_57], %add3A_55 {strides = array<i32>} : memref<8x128xf32, #tpu.memory_space<vmem>>, vector<1x128xf32>,
    %get3A_59 = arith.constant 1 : index
    %get3A_60 = arith.constant 0 : index
    %get3A_61 = vector.load %arg10[%get3A_59, %get3A_60] : memref<8x128xf32, #tpu.memory_space<vmem>>, vector<1x128xf32>
    %mul3A_62 = arith.mulf %add3A_46, %add3A_46 : vector<2048x128xf32>
    %reduce_sum3A_63 = arith.constant dense<0.000000e+00> : vector<128xf32>
    %reduce_sum3A_64 = vector.multi_reduction <add>, %mul3A_62, %reduce_sum3A_63 [0] : vector<2048x128xf32> to vector<128xf32>
    %broadcast_in_dim3A_65 = vector.shape_cast %reduce_sum3A_64 : vector<128xf32> to vector<1x128xf32>
    %add3A_66 = arith.addf %get3A_61, %broadcast_in_dim3A_65 : vector<1x128xf32>
    %swap3A_67 = arith.constant 1 : index
    %swap3A_68 = arith.constant 0 : index
    %swap3A_69 = vector.load %arg10[%swap3A_67, %swap3A_68] : memref<8x128xf32, #tpu.memory_space<vmem>>, vector<1x128xf32>
    tpu.vector_store %arg10[%swap3A_67, %swap3A_68], %add3A_66 {strides = array<i32>} : memref<8x128xf32, #tpu.memory_space<vmem>>, vector<1x128xf32>,
    return
  }
  func.func @transform_0(%arg0: i32) -> (i32, i32) {
    %c0_i32 = arith.constant 0 : i32
    %c0_i32_0 = arith.constant 0 : i32
    return %arg0, %c0_i32 : i32, i32
  }
  func.func @transform_1(%arg0: i32) -> (i32, i32) {
    %c0_i32 = arith.constant 0 : i32
    %c0_i32_0 = arith.constant 0 : i32
    return %arg0, %c0_i32 : i32, i32
  }
  func.func @transform_2(%arg0: i32) -> (i32, i32) {
    %c0_i32 = arith.constant 0 : i32
    %c0_i32_0 = arith.constant 0 : i32
    %c0_i32_1 = arith.constant 0 : i32
    return %c0_i32, %c0_i32_0 : i32, i32
  }
  func.func @transform_3(%arg0: i32) -> (i32, i32) {
    %c0_i32 = arith.constant 0 : i32
    %c0_i32_0 = arith.constant 0 : i32
    %c0_i32_1 = arith.constant 0 : i32
    return %c0_i32, %c0_i32_0 : i32, i32
  }
  func.func @transform_4(%arg0: i32) -> (i32, i32) {
    %c0_i32 = arith.constant 0 : i32
    %c0_i32_0 = arith.constant 0 : i32
    %c0_i32_1 = arith.constant 0 : i32
    return %c0_i32, %c0_i32_0 : i32, i32
  }
  func.func @transform_5(%arg0: i32) -> (i32, i32) {
    %c0_i32 = arith.constant 0 : i32
    %c0_i32_0 = arith.constant 0 : i32
    %c0_i32_1 = arith.constant 0 : i32
    return %c0_i32, %c0_i32_0 : i32, i32
  }
  func.func @transform_6(%arg0: i32) -> (i32, i32) {
    %c0_i32 = arith.constant 0 : i32
    %c0_i32_0 = arith.constant 0 : i32
    %c0_i32_1 = arith.constant 0 : i32
    return %c0_i32, %c0_i32_0 : i32, i32
  }
  func.func @transform_7(%arg0: i32) -> (i32, i32) {
    %c0_i32 = arith.constant 0 : i32
    %c0_i32_0 = arith.constant 0 : i32
    %c0_i32_1 = arith.constant 0 : i32
    return %c0_i32, %c0_i32_0 : i32, i32
  }
  func.func @transform_8(%arg0: i32) -> (i32, i32) {
    %c0_i32 = arith.constant 0 : i32
    %c0_i32_0 = arith.constant 0 : i32
    return %arg0, %c0_i32 : i32, i32
  }
  func.func @transform_9(%arg0: i32) -> (i32, i32) {
    %c0_i32 = arith.constant 0 : i32
    %c0_i32_0 = arith.constant 0 : i32
    %c0_i32_1 = arith.constant 0 : i32
    return %c0_i32, %c0_i32_0 : i32, i32
  }
}

module attributes {stable_mosaic.version = 14 : i64} {
  func.func @body(%arg0: i32, %arg1: memref<2048x128xf32, #tpu.memory_space<vmem>>, %arg2: memref<8x128xf32, #tpu.memory_space<vmem>>, %arg3: memref<1x128xf32, #tpu.memory_space<vmem>>, %arg4: memref<1x128xf32, #tpu.memory_space<vmem>>, %arg5: memref<128x128xf32, #tpu.memory_space<vmem>>, %arg6: memref<1x128xf32, #tpu.memory_space<vmem>>, %arg7: memref<2048x128xf32, #tpu.memory_space<vmem>>, %arg8: memref<8x128xf32, #tpu.memory_space<vmem>>) attributes {dimension_semantics = [#tpu.dimension_semantics<arbitrary>], iteration_bounds = array<i64: 32>, scalar_prefetch = 0 : i64, scratch_operands = 0 : i64, tpu.core_type = #tpu.core_type<tc>, window_params = [{transform_indices = @transform_0, window_bounds = array<i64: 2048, 128>}, {pipeline_mode = #tpu.pipeline_mode<synchronous>, transform_indices = @transform_1, window_bounds = array<i64: 8, 128>}, {pipeline_mode = #tpu.pipeline_mode<synchronous>, transform_indices = @transform_2, window_bounds = array<i64: 1, 128>}, {pipeline_mode = #tpu.pipeline_mode<synchronous>, transform_indices = @transform_3, window_bounds = array<i64: 1, 128>}, {pipeline_mode = #tpu.pipeline_mode<synchronous>, transform_indices = @transform_4, window_bounds = array<i64: 128, 128>}, {pipeline_mode = #tpu.pipeline_mode<synchronous>, transform_indices = @transform_5, window_bounds = array<i64: 1, 128>}, {transform_indices = @transform_6, window_bounds = array<i64: 2048, 128>}, {pipeline_mode = #tpu.pipeline_mode<synchronous>, transform_indices = @transform_7, window_bounds = array<i64: 8, 128>}]} {
    %get3A = arith.constant 0 : index
    %get3A_0 = arith.constant 0 : index
    %get3A_1 = vector.load %arg2[%get3A, %get3A_0] : memref<8x128xf32, #tpu.memory_space<vmem>>, vector<8x128xf32>
    %get3A_2 = arith.constant 0 : index
    %get3A_3 = arith.constant 0 : index
    %get3A_4 = vector.load %arg3[%get3A_2, %get3A_3] : memref<1x128xf32, #tpu.memory_space<vmem>>, vector<1x128xf32>
    %get3A_5 = arith.constant 0 : index
    %get3A_6 = arith.constant 0 : index
    %get3A_7 = vector.load %arg4[%get3A_5, %get3A_6] : memref<1x128xf32, #tpu.memory_space<vmem>>, vector<1x128xf32>
    %slice3A = vector.extract_strided_slice %get3A_1 {offsets = [0, 0], sizes = [1, 128], strides = [1, 1]} : vector<8x128xf32> to vector<1x128xf32>
    %mul3A = arith.constant 1.52587891E-5 : f32
    %mul3A_8 = vector.broadcast %mul3A : f32 to vector<1x128xf32>
    %mul3A_9 = arith.mulf %slice3A, %mul3A_8 : vector<1x128xf32>
    %slice3A_10 = vector.extract_strided_slice %get3A_1 {offsets = [1, 0], sizes = [1, 128], strides = [1, 1]} : vector<8x128xf32> to vector<1x128xf32>
    %mul3A_11 = arith.constant 1.52587891E-5 : f32
    %mul3A_12 = vector.broadcast %mul3A_11 : f32 to vector<1x128xf32>
    %mul3A_13 = arith.mulf %slice3A_10, %mul3A_12 : vector<1x128xf32>
    %mul3A_14 = arith.mulf %mul3A_9, %mul3A_9 : vector<1x128xf32>
    %sub3A = arith.subf %mul3A_13, %mul3A_14 : vector<1x128xf32>
    %add3A = arith.constant 9.99999974E-6 : f32
    %add3A_15 = vector.broadcast %add3A : f32 to vector<1x128xf32>
    %add3A_16 = arith.addf %sub3A, %add3A_15 : vector<1x128xf32>
    %rsqrt3A = math.rsqrt %add3A_16 : vector<1x128xf32>
    %mul3A_17 = arith.mulf %rsqrt3A, %get3A_4 : vector<1x128xf32>
    %mul3A_18 = arith.mulf %mul3A_9, %mul3A_17 : vector<1x128xf32>
    %sub3A_19 = arith.subf %get3A_7, %mul3A_18 : vector<1x128xf32>
    %get3A_20 = arith.constant 0 : index
    %get3A_21 = arith.constant 0 : index
    %get3A_22 = vector.load %arg1[%get3A_20, %get3A_21] : memref<2048x128xf32, #tpu.memory_space<vmem>>, vector<2048x128xf32>
    %mul3A_23 = vector.broadcast %mul3A_17 : vector<1x128xf32> to vector<2048x128xf32>
    %mul3A_24 = arith.mulf %get3A_22, %mul3A_23 : vector<2048x128xf32>
    %add3A_25 = vector.broadcast %sub3A_19 : vector<1x128xf32> to vector<2048x128xf32>
    %add3A_26 = arith.addf %mul3A_24, %add3A_25 : vector<2048x128xf32>
    %max3A = arith.constant 0.000000e+00 : f32
    %max3A_27 = vector.broadcast %max3A : f32 to vector<2048x128xf32>
    %max3A_28 = arith.maximumf %add3A_26, %max3A_27 : vector<2048x128xf32>
    %get3A_29 = arith.constant 0 : index
    %get3A_30 = arith.constant 0 : index
    %get3A_31 = vector.load %arg5[%get3A_29, %get3A_30] : memref<128x128xf32, #tpu.memory_space<vmem>>, vector<128x128xf32>
    %dot_general3A = arith.constant dense<0.000000e+00> : vector<2048x128xf32>
    %dot_general3A_32 = tpu.matmul %max3A_28, %get3A_31, %dot_general3A {dimension_numbers = #tpu.dot_dimension_numbers<[1], [0], [0], [1], [0, 0, 1, 1], [], []>, transpose_lhs_hint = false} : vector<2048x128xf32>, vector<128x128xf32>, vector<2048x128xf32> -> vector<2048x128xf32>
    %get3A_33 = arith.constant 0 : index
    %get3A_34 = arith.constant 0 : index
    %get3A_35 = vector.load %arg6[%get3A_33, %get3A_34] : memref<1x128xf32, #tpu.memory_space<vmem>>, vector<1x128xf32>
    %add3A_36 = vector.broadcast %get3A_35 : vector<1x128xf32> to vector<2048x128xf32>
    %add3A_37 = arith.addf %dot_general3A_32, %add3A_36 : vector<2048x128xf32>
    %swap3A = arith.constant 0 : index
    %swap3A_38 = arith.constant 0 : index
    %swap3A_39 = vector.load %arg7[%swap3A, %swap3A_38] : memref<2048x128xf32, #tpu.memory_space<vmem>>, vector<2048x128xf32>
    tpu.vector_store %arg7[%swap3A, %swap3A_38], %add3A_37 {strides = array<i32>} : memref<2048x128xf32, #tpu.memory_space<vmem>>, vector<2048x128xf32>,
    %eq3A = arith.constant 0 : i32
    %eq3A_40 = arith.cmpi eq, %arg0, %eq3A : i32
    %convert_element_type3A = arith.extui %eq3A_40 : i1 to i32
    %cond3A = arith.constant 0 : i32
    %cond3A_41 = arith.cmpi ne, %convert_element_type3A, %cond3A : i32
    scf.if %cond3A_41 {
      %broadcast_in_dim3A_61 = arith.constant 0.000000e+00 : f32
      %broadcast_in_dim3A_62 = vector.broadcast %broadcast_in_dim3A_61 : f32 to vector<8x128xf32>
      %swap3A_63 = arith.constant 0 : index
      %swap3A_64 = arith.constant 0 : index
      %swap3A_65 = vector.load %arg8[%swap3A_63, %swap3A_64] : memref<8x128xf32, #tpu.memory_space<vmem>>, vector<8x128xf32>
      tpu.vector_store %arg8[%swap3A_63, %swap3A_64], %broadcast_in_dim3A_62 {strides = array<i32>} : memref<8x128xf32, #tpu.memory_space<vmem>>, vector<8x128xf32>,
    } else {
    }
    %get3A_42 = arith.constant 0 : index
    %get3A_43 = arith.constant 0 : index
    %get3A_44 = vector.load %arg8[%get3A_42, %get3A_43] : memref<8x128xf32, #tpu.memory_space<vmem>>, vector<1x128xf32>
    %reduce_sum3A = arith.constant dense<0.000000e+00> : vector<128xf32>
    %reduce_sum3A_45 = vector.multi_reduction <add>, %add3A_37, %reduce_sum3A [0] : vector<2048x128xf32> to vector<128xf32>
    %broadcast_in_dim3A = vector.shape_cast %reduce_sum3A_45 : vector<128xf32> to vector<1x128xf32>
    %add3A_46 = arith.addf %get3A_44, %broadcast_in_dim3A : vector<1x128xf32>
    %swap3A_47 = arith.constant 0 : index
    %swap3A_48 = arith.constant 0 : index
    %swap3A_49 = vector.load %arg8[%swap3A_47, %swap3A_48] : memref<8x128xf32, #tpu.memory_space<vmem>>, vector<1x128xf32>
    tpu.vector_store %arg8[%swap3A_47, %swap3A_48], %add3A_46 {strides = array<i32>} : memref<8x128xf32, #tpu.memory_space<vmem>>, vector<1x128xf32>,
    %get3A_50 = arith.constant 1 : index
    %get3A_51 = arith.constant 0 : index
    %get3A_52 = vector.load %arg8[%get3A_50, %get3A_51] : memref<8x128xf32, #tpu.memory_space<vmem>>, vector<1x128xf32>
    %mul3A_53 = arith.mulf %add3A_37, %add3A_37 : vector<2048x128xf32>
    %reduce_sum3A_54 = arith.constant dense<0.000000e+00> : vector<128xf32>
    %reduce_sum3A_55 = vector.multi_reduction <add>, %mul3A_53, %reduce_sum3A_54 [0] : vector<2048x128xf32> to vector<128xf32>
    %broadcast_in_dim3A_56 = vector.shape_cast %reduce_sum3A_55 : vector<128xf32> to vector<1x128xf32>
    %add3A_57 = arith.addf %get3A_52, %broadcast_in_dim3A_56 : vector<1x128xf32>
    %swap3A_58 = arith.constant 1 : index
    %swap3A_59 = arith.constant 0 : index
    %swap3A_60 = vector.load %arg8[%swap3A_58, %swap3A_59] : memref<8x128xf32, #tpu.memory_space<vmem>>, vector<1x128xf32>
    tpu.vector_store %arg8[%swap3A_58, %swap3A_59], %add3A_57 {strides = array<i32>} : memref<8x128xf32, #tpu.memory_space<vmem>>, vector<1x128xf32>,
    return
  }
  func.func @transform_0(%arg0: i32) -> (i32, i32) {
    %c0_i32 = arith.constant 0 : i32
    %c0_i32_0 = arith.constant 0 : i32
    return %arg0, %c0_i32 : i32, i32
  }
  func.func @transform_1(%arg0: i32) -> (i32, i32) {
    %c0_i32 = arith.constant 0 : i32
    %c0_i32_0 = arith.constant 0 : i32
    %c0_i32_1 = arith.constant 0 : i32
    return %c0_i32, %c0_i32_0 : i32, i32
  }
  func.func @transform_2(%arg0: i32) -> (i32, i32) {
    %c0_i32 = arith.constant 0 : i32
    %c0_i32_0 = arith.constant 0 : i32
    %c0_i32_1 = arith.constant 0 : i32
    return %c0_i32, %c0_i32_0 : i32, i32
  }
  func.func @transform_3(%arg0: i32) -> (i32, i32) {
    %c0_i32 = arith.constant 0 : i32
    %c0_i32_0 = arith.constant 0 : i32
    %c0_i32_1 = arith.constant 0 : i32
    return %c0_i32, %c0_i32_0 : i32, i32
  }
  func.func @transform_4(%arg0: i32) -> (i32, i32) {
    %c0_i32 = arith.constant 0 : i32
    %c0_i32_0 = arith.constant 0 : i32
    %c0_i32_1 = arith.constant 0 : i32
    return %c0_i32, %c0_i32_0 : i32, i32
  }
  func.func @transform_5(%arg0: i32) -> (i32, i32) {
    %c0_i32 = arith.constant 0 : i32
    %c0_i32_0 = arith.constant 0 : i32
    %c0_i32_1 = arith.constant 0 : i32
    return %c0_i32, %c0_i32_0 : i32, i32
  }
  func.func @transform_6(%arg0: i32) -> (i32, i32) {
    %c0_i32 = arith.constant 0 : i32
    %c0_i32_0 = arith.constant 0 : i32
    return %arg0, %c0_i32 : i32, i32
  }
  func.func @transform_7(%arg0: i32) -> (i32, i32) {
    %c0_i32 = arith.constant 0 : i32
    %c0_i32_0 = arith.constant 0 : i32
    %c0_i32_1 = arith.constant 0 : i32
    return %c0_i32, %c0_i32_0 : i32, i32
  }
}

module attributes {stable_mosaic.version = 14 : i64} {
  func.func @body(%arg0: i32, %arg1: memref<2048x128xf32, #tpu.memory_space<vmem>>, %arg2: memref<8x128xf32, #tpu.memory_space<vmem>>, %arg3: memref<1x128xf32, #tpu.memory_space<vmem>>, %arg4: memref<1x128xf32, #tpu.memory_space<vmem>>, %arg5: memref<128x256xf32, #tpu.memory_space<vmem>>, %arg6: memref<1x256xf32, #tpu.memory_space<vmem>>, %arg7: memref<64x256xf32, #tpu.memory_space<vmem>>, %arg8: memref<8x256xf32, #tpu.memory_space<vmem>>) attributes {dimension_semantics = [#tpu.dimension_semantics<arbitrary>], iteration_bounds = array<i64: 32>, scalar_prefetch = 0 : i64, scratch_operands = 0 : i64, tpu.core_type = #tpu.core_type<tc>, window_params = [{transform_indices = @transform_0, window_bounds = array<i64: 2048, 128>}, {pipeline_mode = #tpu.pipeline_mode<synchronous>, transform_indices = @transform_1, window_bounds = array<i64: 8, 128>}, {pipeline_mode = #tpu.pipeline_mode<synchronous>, transform_indices = @transform_2, window_bounds = array<i64: 1, 128>}, {pipeline_mode = #tpu.pipeline_mode<synchronous>, transform_indices = @transform_3, window_bounds = array<i64: 1, 128>}, {pipeline_mode = #tpu.pipeline_mode<synchronous>, transform_indices = @transform_4, window_bounds = array<i64: 128, 256>}, {pipeline_mode = #tpu.pipeline_mode<synchronous>, transform_indices = @transform_5, window_bounds = array<i64: 1, 256>}, {transform_indices = @transform_6, window_bounds = array<i64: 64, 256>}, {pipeline_mode = #tpu.pipeline_mode<synchronous>, transform_indices = @transform_7, window_bounds = array<i64: 8, 256>}]} {
    %get3A = arith.constant 0 : index
    %get3A_0 = arith.constant 0 : index
    %get3A_1 = vector.load %arg2[%get3A, %get3A_0] : memref<8x128xf32, #tpu.memory_space<vmem>>, vector<8x128xf32>
    %get3A_2 = arith.constant 0 : index
    %get3A_3 = arith.constant 0 : index
    %get3A_4 = vector.load %arg3[%get3A_2, %get3A_3] : memref<1x128xf32, #tpu.memory_space<vmem>>, vector<1x128xf32>
    %get3A_5 = arith.constant 0 : index
    %get3A_6 = arith.constant 0 : index
    %get3A_7 = vector.load %arg4[%get3A_5, %get3A_6] : memref<1x128xf32, #tpu.memory_space<vmem>>, vector<1x128xf32>
    %slice3A = vector.extract_strided_slice %get3A_1 {offsets = [0, 0], sizes = [1, 128], strides = [1, 1]} : vector<8x128xf32> to vector<1x128xf32>
    %mul3A = arith.constant 1.52587891E-5 : f32
    %mul3A_8 = vector.broadcast %mul3A : f32 to vector<1x128xf32>
    %mul3A_9 = arith.mulf %slice3A, %mul3A_8 : vector<1x128xf32>
    %slice3A_10 = vector.extract_strided_slice %get3A_1 {offsets = [1, 0], sizes = [1, 128], strides = [1, 1]} : vector<8x128xf32> to vector<1x128xf32>
    %mul3A_11 = arith.constant 1.52587891E-5 : f32
    %mul3A_12 = vector.broadcast %mul3A_11 : f32 to vector<1x128xf32>
    %mul3A_13 = arith.mulf %slice3A_10, %mul3A_12 : vector<1x128xf32>
    %mul3A_14 = arith.mulf %mul3A_9, %mul3A_9 : vector<1x128xf32>
    %sub3A = arith.subf %mul3A_13, %mul3A_14 : vector<1x128xf32>
    %add3A = arith.constant 9.99999974E-6 : f32
    %add3A_15 = vector.broadcast %add3A : f32 to vector<1x128xf32>
    %add3A_16 = arith.addf %sub3A, %add3A_15 : vector<1x128xf32>
    %rsqrt3A = math.rsqrt %add3A_16 : vector<1x128xf32>
    %mul3A_17 = arith.mulf %rsqrt3A, %get3A_4 : vector<1x128xf32>
    %mul3A_18 = arith.mulf %mul3A_9, %mul3A_17 : vector<1x128xf32>
    %sub3A_19 = arith.subf %get3A_7, %mul3A_18 : vector<1x128xf32>
    %get3A_20 = arith.constant 0 : index
    %get3A_21 = arith.constant 0 : index
    %get3A_22 = vector.load %arg1[%get3A_20, %get3A_21] : memref<2048x128xf32, #tpu.memory_space<vmem>>, vector<2048x128xf32>
    %mul3A_23 = vector.broadcast %mul3A_17 : vector<1x128xf32> to vector<2048x128xf32>
    %mul3A_24 = arith.mulf %get3A_22, %mul3A_23 : vector<2048x128xf32>
    %add3A_25 = vector.broadcast %sub3A_19 : vector<1x128xf32> to vector<2048x128xf32>
    %add3A_26 = arith.addf %mul3A_24, %add3A_25 : vector<2048x128xf32>
    %max3A = arith.constant 0.000000e+00 : f32
    %max3A_27 = vector.broadcast %max3A : f32 to vector<2048x128xf32>
    %max3A_28 = arith.maximumf %add3A_26, %max3A_27 : vector<2048x128xf32>
    %get3A_29 = arith.constant 0 : index
    %get3A_30 = arith.constant 0 : index
    %get3A_31 = vector.load %arg5[%get3A_29, %get3A_30] : memref<128x256xf32, #tpu.memory_space<vmem>>, vector<128x256xf32>
    %dot_general3A = arith.constant dense<0.000000e+00> : vector<2048x256xf32>
    %dot_general3A_32 = tpu.matmul %max3A_28, %get3A_31, %dot_general3A {dimension_numbers = #tpu.dot_dimension_numbers<[1], [0], [0], [1], [0, 0, 1, 1], [], []>, transpose_lhs_hint = false} : vector<2048x128xf32>, vector<128x256xf32>, vector<2048x256xf32> -> vector<2048x256xf32>
    %get3A_33 = arith.constant 0 : index
    %get3A_34 = arith.constant 0 : index
    %get3A_35 = vector.load %arg6[%get3A_33, %get3A_34] : memref<1x256xf32, #tpu.memory_space<vmem>>, vector<1x256xf32>
    %add3A_36 = vector.broadcast %get3A_35 : vector<1x256xf32> to vector<2048x256xf32>
    %add3A_37 = arith.addf %dot_general3A_32, %add3A_36 : vector<2048x256xf32>
    %eq3A = arith.constant 0 : i32
    %eq3A_38 = arith.cmpi eq, %arg0, %eq3A : i32
    %convert_element_type3A = arith.extui %eq3A_38 : i1 to i32
    %cond3A = arith.constant 0 : i32
    %cond3A_39 = arith.cmpi ne, %convert_element_type3A, %cond3A : i32
    scf.if %cond3A_39 {
      %broadcast_in_dim3A_62 = arith.constant 0.000000e+00 : f32
      %broadcast_in_dim3A_63 = vector.broadcast %broadcast_in_dim3A_62 : f32 to vector<8x256xf32>
      %swap3A_64 = arith.constant 0 : index
      %swap3A_65 = arith.constant 0 : index
      %swap3A_66 = vector.load %arg8[%swap3A_64, %swap3A_65] : memref<8x256xf32, #tpu.memory_space<vmem>>, vector<8x256xf32>
      tpu.vector_store %arg8[%swap3A_64, %swap3A_65], %broadcast_in_dim3A_63 {strides = array<i32>} : memref<8x256xf32, #tpu.memory_space<vmem>>, vector<8x256xf32>,
    } else {
    }
    %get3A_40 = arith.constant 0 : index
    %get3A_41 = arith.constant 0 : index
    %get3A_42 = vector.load %arg8[%get3A_40, %get3A_41] : memref<8x256xf32, #tpu.memory_space<vmem>>, vector<1x256xf32>
    %reduce_sum3A = arith.constant dense<0.000000e+00> : vector<256xf32>
    %reduce_sum3A_43 = vector.multi_reduction <add>, %add3A_37, %reduce_sum3A [0] : vector<2048x256xf32> to vector<256xf32>
    %broadcast_in_dim3A = vector.shape_cast %reduce_sum3A_43 : vector<256xf32> to vector<1x256xf32>
    %add3A_44 = arith.addf %get3A_42, %broadcast_in_dim3A : vector<1x256xf32>
    %swap3A = arith.constant 0 : index
    %swap3A_45 = arith.constant 0 : index
    %swap3A_46 = vector.load %arg8[%swap3A, %swap3A_45] : memref<8x256xf32, #tpu.memory_space<vmem>>, vector<1x256xf32>
    tpu.vector_store %arg8[%swap3A, %swap3A_45], %add3A_44 {strides = array<i32>} : memref<8x256xf32, #tpu.memory_space<vmem>>, vector<1x256xf32>,
    %get3A_47 = arith.constant 1 : index
    %get3A_48 = arith.constant 0 : index
    %get3A_49 = vector.load %arg8[%get3A_47, %get3A_48] : memref<8x256xf32, #tpu.memory_space<vmem>>, vector<1x256xf32>
    %mul3A_50 = arith.mulf %add3A_37, %add3A_37 : vector<2048x256xf32>
    %reduce_sum3A_51 = arith.constant dense<0.000000e+00> : vector<256xf32>
    %reduce_sum3A_52 = vector.multi_reduction <add>, %mul3A_50, %reduce_sum3A_51 [0] : vector<2048x256xf32> to vector<256xf32>
    %broadcast_in_dim3A_53 = vector.shape_cast %reduce_sum3A_52 : vector<256xf32> to vector<1x256xf32>
    %add3A_54 = arith.addf %get3A_49, %broadcast_in_dim3A_53 : vector<1x256xf32>
    %swap3A_55 = arith.constant 1 : index
    %swap3A_56 = arith.constant 0 : index
    %swap3A_57 = vector.load %arg8[%swap3A_55, %swap3A_56] : memref<8x256xf32, #tpu.memory_space<vmem>>, vector<1x256xf32>
    tpu.vector_store %arg8[%swap3A_55, %swap3A_56], %add3A_54 {strides = array<i32>} : memref<8x256xf32, #tpu.memory_space<vmem>>, vector<1x256xf32>,
    %reshape3A = vector.shape_cast %add3A_37 : vector<2048x256xf32> to vector<64x32x256xf32>
    %reduce_max3A = arith.constant dense<0xFF800000> : vector<64x256xf32>
    %reduce_max3A_58 = vector.multi_reduction <maximumf>, %reshape3A, %reduce_max3A [1] : vector<64x32x256xf32> to vector<64x256xf32>
    %swap3A_59 = arith.constant 0 : index
    %swap3A_60 = arith.constant 0 : index
    %swap3A_61 = vector.load %arg7[%swap3A_59, %swap3A_60] : memref<64x256xf32, #tpu.memory_space<vmem>>, vector<64x256xf32>
    tpu.vector_store %arg7[%swap3A_59, %swap3A_60], %reduce_max3A_58 {strides = array<i32>} : memref<64x256xf32, #tpu.memory_space<vmem>>, vector<64x256xf32>,
    return
  }
  func.func @transform_0(%arg0: i32) -> (i32, i32) {
    %c0_i32 = arith.constant 0 : i32
    %c0_i32_0 = arith.constant 0 : i32
    return %arg0, %c0_i32 : i32, i32
  }
  func.func @transform_1(%arg0: i32) -> (i32, i32) {
    %c0_i32 = arith.constant 0 : i32
    %c0_i32_0 = arith.constant 0 : i32
    %c0_i32_1 = arith.constant 0 : i32
    return %c0_i32, %c0_i32_0 : i32, i32
  }
  func.func @transform_2(%arg0: i32) -> (i32, i32) {
    %c0_i32 = arith.constant 0 : i32
    %c0_i32_0 = arith.constant 0 : i32
    %c0_i32_1 = arith.constant 0 : i32
    return %c0_i32, %c0_i32_0 : i32, i32
  }
  func.func @transform_3(%arg0: i32) -> (i32, i32) {
    %c0_i32 = arith.constant 0 : i32
    %c0_i32_0 = arith.constant 0 : i32
    %c0_i32_1 = arith.constant 0 : i32
    return %c0_i32, %c0_i32_0 : i32, i32
  }
  func.func @transform_4(%arg0: i32) -> (i32, i32) {
    %c0_i32 = arith.constant 0 : i32
    %c0_i32_0 = arith.constant 0 : i32
    %c0_i32_1 = arith.constant 0 : i32
    return %c0_i32, %c0_i32_0 : i32, i32
  }
  func.func @transform_5(%arg0: i32) -> (i32, i32) {
    %c0_i32 = arith.constant 0 : i32
    %c0_i32_0 = arith.constant 0 : i32
    %c0_i32_1 = arith.constant 0 : i32
    return %c0_i32, %c0_i32_0 : i32, i32
  }
  func.func @transform_6(%arg0: i32) -> (i32, i32) {
    %c0_i32 = arith.constant 0 : i32
    %c0_i32_0 = arith.constant 0 : i32
    return %arg0, %c0_i32 : i32, i32
  }
  func.func @transform_7(%arg0: i32) -> (i32, i32) {
    %c0_i32 = arith.constant 0 : i32
    %c0_i32_0 = arith.constant 0 : i32
    %c0_i32_1 = arith.constant 0 : i32
    return %c0_i32, %c0_i32_0 : i32, i32
  }
}

module attributes {stable_mosaic.version = 14 : i64} {
  func.func @body(%arg0: i32, %arg1: memref<2048x3xf32, #tpu.memory_space<vmem>>, %arg2: memref<2048x256xf32, #tpu.memory_space<vmem>>, %arg3: memref<8x256xf32, #tpu.memory_space<vmem>>, %arg4: memref<1x256xf32, #tpu.memory_space<vmem>>, %arg5: memref<1x256xf32, #tpu.memory_space<vmem>>, %arg6: memref<3x256xf32, #tpu.memory_space<vmem>>, %arg7: memref<256x256xf32, #tpu.memory_space<vmem>>, %arg8: memref<1x256xf32, #tpu.memory_space<vmem>>, %arg9: memref<2048x256xf32, #tpu.memory_space<vmem>>, %arg10: memref<8x256xf32, #tpu.memory_space<vmem>>) attributes {dimension_semantics = [#tpu.dimension_semantics<arbitrary>], iteration_bounds = array<i64: 8>, scalar_prefetch = 0 : i64, scratch_operands = 0 : i64, tpu.core_type = #tpu.core_type<tc>, window_params = [{transform_indices = @transform_0, window_bounds = array<i64: 2048, 3>}, {transform_indices = @transform_1, window_bounds = array<i64: 2048, 256>}, {pipeline_mode = #tpu.pipeline_mode<synchronous>, transform_indices = @transform_2, window_bounds = array<i64: 8, 256>}, {pipeline_mode = #tpu.pipeline_mode<synchronous>, transform_indices = @transform_3, window_bounds = array<i64: 1, 256>}, {pipeline_mode = #tpu.pipeline_mode<synchronous>, transform_indices = @transform_4, window_bounds = array<i64: 1, 256>}, {pipeline_mode = #tpu.pipeline_mode<synchronous>, transform_indices = @transform_5, window_bounds = array<i64: 3, 256>}, {pipeline_mode = #tpu.pipeline_mode<synchronous>, transform_indices = @transform_6, window_bounds = array<i64: 256, 256>}, {pipeline_mode = #tpu.pipeline_mode<synchronous>, transform_indices = @transform_7, window_bounds = array<i64: 1, 256>}, {transform_indices = @transform_8, window_bounds = array<i64: 2048, 256>}, {pipeline_mode = #tpu.pipeline_mode<synchronous>, transform_indices = @transform_9, window_bounds = array<i64: 8, 256>}]} {
    %get3A = arith.constant 0 : index
    %get3A_0 = arith.constant 0 : index
    %get3A_1 = vector.load %arg3[%get3A, %get3A_0] : memref<8x256xf32, #tpu.memory_space<vmem>>, vector<8x256xf32>
    %get3A_2 = arith.constant 0 : index
    %get3A_3 = arith.constant 0 : index
    %get3A_4 = vector.load %arg4[%get3A_2, %get3A_3] : memref<1x256xf32, #tpu.memory_space<vmem>>, vector<1x256xf32>
    %get3A_5 = arith.constant 0 : index
    %get3A_6 = arith.constant 0 : index
    %get3A_7 = vector.load %arg5[%get3A_5, %get3A_6] : memref<1x256xf32, #tpu.memory_space<vmem>>, vector<1x256xf32>
    %slice3A = vector.extract_strided_slice %get3A_1 {offsets = [0, 0], sizes = [1, 256], strides = [1, 1]} : vector<8x256xf32> to vector<1x256xf32>
    %mul3A = arith.constant 1.52587891E-5 : f32
    %mul3A_8 = vector.broadcast %mul3A : f32 to vector<1x256xf32>
    %mul3A_9 = arith.mulf %slice3A, %mul3A_8 : vector<1x256xf32>
    %slice3A_10 = vector.extract_strided_slice %get3A_1 {offsets = [1, 0], sizes = [1, 256], strides = [1, 1]} : vector<8x256xf32> to vector<1x256xf32>
    %mul3A_11 = arith.constant 1.52587891E-5 : f32
    %mul3A_12 = vector.broadcast %mul3A_11 : f32 to vector<1x256xf32>
    %mul3A_13 = arith.mulf %slice3A_10, %mul3A_12 : vector<1x256xf32>
    %mul3A_14 = arith.mulf %mul3A_9, %mul3A_9 : vector<1x256xf32>
    %sub3A = arith.subf %mul3A_13, %mul3A_14 : vector<1x256xf32>
    %add3A = arith.constant 9.99999974E-6 : f32
    %add3A_15 = vector.broadcast %add3A : f32 to vector<1x256xf32>
    %add3A_16 = arith.addf %sub3A, %add3A_15 : vector<1x256xf32>
    %rsqrt3A = math.rsqrt %add3A_16 : vector<1x256xf32>
    %mul3A_17 = arith.mulf %rsqrt3A, %get3A_4 : vector<1x256xf32>
    %mul3A_18 = arith.mulf %mul3A_9, %mul3A_17 : vector<1x256xf32>
    %sub3A_19 = arith.subf %get3A_7, %mul3A_18 : vector<1x256xf32>
    %get3A_20 = arith.constant 0 : index
    %get3A_21 = arith.constant 0 : index
    %get3A_22 = vector.load %arg2[%get3A_20, %get3A_21] : memref<2048x256xf32, #tpu.memory_space<vmem>>, vector<2048x256xf32>
    %mul3A_23 = vector.broadcast %mul3A_17 : vector<1x256xf32> to vector<2048x256xf32>
    %mul3A_24 = arith.mulf %get3A_22, %mul3A_23 : vector<2048x256xf32>
    %add3A_25 = vector.broadcast %sub3A_19 : vector<1x256xf32> to vector<2048x256xf32>
    %add3A_26 = arith.addf %mul3A_24, %add3A_25 : vector<2048x256xf32>
    %max3A = arith.constant 0.000000e+00 : f32
    %max3A_27 = vector.broadcast %max3A : f32 to vector<2048x256xf32>
    %max3A_28 = arith.maximumf %add3A_26, %max3A_27 : vector<2048x256xf32>
    %get3A_29 = arith.constant 0 : index
    %get3A_30 = arith.constant 0 : index
    %get3A_31 = vector.load %arg7[%get3A_29, %get3A_30] : memref<256x256xf32, #tpu.memory_space<vmem>>, vector<256x256xf32>
    %dot_general3A = arith.constant dense<0.000000e+00> : vector<2048x256xf32>
    %dot_general3A_32 = tpu.matmul %max3A_28, %get3A_31, %dot_general3A {dimension_numbers = #tpu.dot_dimension_numbers<[1], [0], [0], [1], [0, 0, 1, 1], [], []>, transpose_lhs_hint = false} : vector<2048x256xf32>, vector<256x256xf32>, vector<2048x256xf32> -> vector<2048x256xf32>
    %get3A_33 = arith.constant 0 : index
    %get3A_34 = arith.constant 0 : index
    %get3A_35 = vector.load %arg1[%get3A_33, %get3A_34] : memref<2048x3xf32, #tpu.memory_space<vmem>>, vector<2048x3xf32>
    %get3A_36 = arith.constant 0 : index
    %get3A_37 = arith.constant 0 : index
    %get3A_38 = vector.load %arg6[%get3A_36, %get3A_37] : memref<3x256xf32, #tpu.memory_space<vmem>>, vector<3x256xf32>
    %dot_general3A_39 = arith.constant dense<0.000000e+00> : vector<2048x256xf32>
    %dot_general3A_40 = tpu.matmul %get3A_35, %get3A_38, %dot_general3A_39 {dimension_numbers = #tpu.dot_dimension_numbers<[1], [0], [0], [1], [0, 0, 1, 1], [], []>, transpose_lhs_hint = false} : vector<2048x3xf32>, vector<3x256xf32>, vector<2048x256xf32> -> vector<2048x256xf32>
    %add3A_41 = arith.addf %dot_general3A_32, %dot_general3A_40 : vector<2048x256xf32>
    %get3A_42 = arith.constant 0 : index
    %get3A_43 = arith.constant 0 : index
    %get3A_44 = vector.load %arg8[%get3A_42, %get3A_43] : memref<1x256xf32, #tpu.memory_space<vmem>>, vector<1x256xf32>
    %add3A_45 = vector.broadcast %get3A_44 : vector<1x256xf32> to vector<2048x256xf32>
    %add3A_46 = arith.addf %add3A_41, %add3A_45 : vector<2048x256xf32>
    %swap3A = arith.constant 0 : index
    %swap3A_47 = arith.constant 0 : index
    %swap3A_48 = vector.load %arg9[%swap3A, %swap3A_47] : memref<2048x256xf32, #tpu.memory_space<vmem>>, vector<2048x256xf32>
    tpu.vector_store %arg9[%swap3A, %swap3A_47], %add3A_46 {strides = array<i32>} : memref<2048x256xf32, #tpu.memory_space<vmem>>, vector<2048x256xf32>,
    %eq3A = arith.constant 0 : i32
    %eq3A_49 = arith.cmpi eq, %arg0, %eq3A : i32
    %convert_element_type3A = arith.extui %eq3A_49 : i1 to i32
    %cond3A = arith.constant 0 : i32
    %cond3A_50 = arith.cmpi ne, %convert_element_type3A, %cond3A : i32
    scf.if %cond3A_50 {
      %broadcast_in_dim3A_70 = arith.constant 0.000000e+00 : f32
      %broadcast_in_dim3A_71 = vector.broadcast %broadcast_in_dim3A_70 : f32 to vector<8x256xf32>
      %swap3A_72 = arith.constant 0 : index
      %swap3A_73 = arith.constant 0 : index
      %swap3A_74 = vector.load %arg10[%swap3A_72, %swap3A_73] : memref<8x256xf32, #tpu.memory_space<vmem>>, vector<8x256xf32>
      tpu.vector_store %arg10[%swap3A_72, %swap3A_73], %broadcast_in_dim3A_71 {strides = array<i32>} : memref<8x256xf32, #tpu.memory_space<vmem>>, vector<8x256xf32>,
    } else {
    }
    %get3A_51 = arith.constant 0 : index
    %get3A_52 = arith.constant 0 : index
    %get3A_53 = vector.load %arg10[%get3A_51, %get3A_52] : memref<8x256xf32, #tpu.memory_space<vmem>>, vector<1x256xf32>
    %reduce_sum3A = arith.constant dense<0.000000e+00> : vector<256xf32>
    %reduce_sum3A_54 = vector.multi_reduction <add>, %add3A_46, %reduce_sum3A [0] : vector<2048x256xf32> to vector<256xf32>
    %broadcast_in_dim3A = vector.shape_cast %reduce_sum3A_54 : vector<256xf32> to vector<1x256xf32>
    %add3A_55 = arith.addf %get3A_53, %broadcast_in_dim3A : vector<1x256xf32>
    %swap3A_56 = arith.constant 0 : index
    %swap3A_57 = arith.constant 0 : index
    %swap3A_58 = vector.load %arg10[%swap3A_56, %swap3A_57] : memref<8x256xf32, #tpu.memory_space<vmem>>, vector<1x256xf32>
    tpu.vector_store %arg10[%swap3A_56, %swap3A_57], %add3A_55 {strides = array<i32>} : memref<8x256xf32, #tpu.memory_space<vmem>>, vector<1x256xf32>,
    %get3A_59 = arith.constant 1 : index
    %get3A_60 = arith.constant 0 : index
    %get3A_61 = vector.load %arg10[%get3A_59, %get3A_60] : memref<8x256xf32, #tpu.memory_space<vmem>>, vector<1x256xf32>
    %mul3A_62 = arith.mulf %add3A_46, %add3A_46 : vector<2048x256xf32>
    %reduce_sum3A_63 = arith.constant dense<0.000000e+00> : vector<256xf32>
    %reduce_sum3A_64 = vector.multi_reduction <add>, %mul3A_62, %reduce_sum3A_63 [0] : vector<2048x256xf32> to vector<256xf32>
    %broadcast_in_dim3A_65 = vector.shape_cast %reduce_sum3A_64 : vector<256xf32> to vector<1x256xf32>
    %add3A_66 = arith.addf %get3A_61, %broadcast_in_dim3A_65 : vector<1x256xf32>
    %swap3A_67 = arith.constant 1 : index
    %swap3A_68 = arith.constant 0 : index
    %swap3A_69 = vector.load %arg10[%swap3A_67, %swap3A_68] : memref<8x256xf32, #tpu.memory_space<vmem>>, vector<1x256xf32>
    tpu.vector_store %arg10[%swap3A_67, %swap3A_68], %add3A_66 {strides = array<i32>} : memref<8x256xf32, #tpu.memory_space<vmem>>, vector<1x256xf32>,
    return
  }
  func.func @transform_0(%arg0: i32) -> (i32, i32) {
    %c0_i32 = arith.constant 0 : i32
    %c0_i32_0 = arith.constant 0 : i32
    return %arg0, %c0_i32 : i32, i32
  }
  func.func @transform_1(%arg0: i32) -> (i32, i32) {
    %c0_i32 = arith.constant 0 : i32
    %c0_i32_0 = arith.constant 0 : i32
    return %arg0, %c0_i32 : i32, i32
  }
  func.func @transform_2(%arg0: i32) -> (i32, i32) {
    %c0_i32 = arith.constant 0 : i32
    %c0_i32_0 = arith.constant 0 : i32
    %c0_i32_1 = arith.constant 0 : i32
    return %c0_i32, %c0_i32_0 : i32, i32
  }
  func.func @transform_3(%arg0: i32) -> (i32, i32) {
    %c0_i32 = arith.constant 0 : i32
    %c0_i32_0 = arith.constant 0 : i32
    %c0_i32_1 = arith.constant 0 : i32
    return %c0_i32, %c0_i32_0 : i32, i32
  }
  func.func @transform_4(%arg0: i32) -> (i32, i32) {
    %c0_i32 = arith.constant 0 : i32
    %c0_i32_0 = arith.constant 0 : i32
    %c0_i32_1 = arith.constant 0 : i32
    return %c0_i32, %c0_i32_0 : i32, i32
  }
  func.func @transform_5(%arg0: i32) -> (i32, i32) {
    %c0_i32 = arith.constant 0 : i32
    %c0_i32_0 = arith.constant 0 : i32
    %c0_i32_1 = arith.constant 0 : i32
    return %c0_i32, %c0_i32_0 : i32, i32
  }
  func.func @transform_6(%arg0: i32) -> (i32, i32) {
    %c0_i32 = arith.constant 0 : i32
    %c0_i32_0 = arith.constant 0 : i32
    %c0_i32_1 = arith.constant 0 : i32
    return %c0_i32, %c0_i32_0 : i32, i32
  }
  func.func @transform_7(%arg0: i32) -> (i32, i32) {
    %c0_i32 = arith.constant 0 : i32
    %c0_i32_0 = arith.constant 0 : i32
    %c0_i32_1 = arith.constant 0 : i32
    return %c0_i32, %c0_i32_0 : i32, i32
  }
  func.func @transform_8(%arg0: i32) -> (i32, i32) {
    %c0_i32 = arith.constant 0 : i32
    %c0_i32_0 = arith.constant 0 : i32
    return %arg0, %c0_i32 : i32, i32
  }
  func.func @transform_9(%arg0: i32) -> (i32, i32) {
    %c0_i32 = arith.constant 0 : i32
    %c0_i32_0 = arith.constant 0 : i32
    %c0_i32_1 = arith.constant 0 : i32
    return %c0_i32, %c0_i32_0 : i32, i32
  }
}

module attributes {stable_mosaic.version = 14 : i64} {
  func.func @body(%arg0: i32, %arg1: memref<2048x256xf32, #tpu.memory_space<vmem>>, %arg2: memref<8x256xf32, #tpu.memory_space<vmem>>, %arg3: memref<1x256xf32, #tpu.memory_space<vmem>>, %arg4: memref<1x256xf32, #tpu.memory_space<vmem>>, %arg5: memref<256x256xf32, #tpu.memory_space<vmem>>, %arg6: memref<1x256xf32, #tpu.memory_space<vmem>>, %arg7: memref<2048x256xf32, #tpu.memory_space<vmem>>, %arg8: memref<8x256xf32, #tpu.memory_space<vmem>>) attributes {dimension_semantics = [#tpu.dimension_semantics<arbitrary>], iteration_bounds = array<i64: 8>, scalar_prefetch = 0 : i64, scratch_operands = 0 : i64, tpu.core_type = #tpu.core_type<tc>, window_params = [{transform_indices = @transform_0, window_bounds = array<i64: 2048, 256>}, {pipeline_mode = #tpu.pipeline_mode<synchronous>, transform_indices = @transform_1, window_bounds = array<i64: 8, 256>}, {pipeline_mode = #tpu.pipeline_mode<synchronous>, transform_indices = @transform_2, window_bounds = array<i64: 1, 256>}, {pipeline_mode = #tpu.pipeline_mode<synchronous>, transform_indices = @transform_3, window_bounds = array<i64: 1, 256>}, {pipeline_mode = #tpu.pipeline_mode<synchronous>, transform_indices = @transform_4, window_bounds = array<i64: 256, 256>}, {pipeline_mode = #tpu.pipeline_mode<synchronous>, transform_indices = @transform_5, window_bounds = array<i64: 1, 256>}, {transform_indices = @transform_6, window_bounds = array<i64: 2048, 256>}, {pipeline_mode = #tpu.pipeline_mode<synchronous>, transform_indices = @transform_7, window_bounds = array<i64: 8, 256>}]} {
    %get3A = arith.constant 0 : index
    %get3A_0 = arith.constant 0 : index
    %get3A_1 = vector.load %arg2[%get3A, %get3A_0] : memref<8x256xf32, #tpu.memory_space<vmem>>, vector<8x256xf32>
    %get3A_2 = arith.constant 0 : index
    %get3A_3 = arith.constant 0 : index
    %get3A_4 = vector.load %arg3[%get3A_2, %get3A_3] : memref<1x256xf32, #tpu.memory_space<vmem>>, vector<1x256xf32>
    %get3A_5 = arith.constant 0 : index
    %get3A_6 = arith.constant 0 : index
    %get3A_7 = vector.load %arg4[%get3A_5, %get3A_6] : memref<1x256xf32, #tpu.memory_space<vmem>>, vector<1x256xf32>
    %slice3A = vector.extract_strided_slice %get3A_1 {offsets = [0, 0], sizes = [1, 256], strides = [1, 1]} : vector<8x256xf32> to vector<1x256xf32>
    %mul3A = arith.constant 6.10351563E-5 : f32
    %mul3A_8 = vector.broadcast %mul3A : f32 to vector<1x256xf32>
    %mul3A_9 = arith.mulf %slice3A, %mul3A_8 : vector<1x256xf32>
    %slice3A_10 = vector.extract_strided_slice %get3A_1 {offsets = [1, 0], sizes = [1, 256], strides = [1, 1]} : vector<8x256xf32> to vector<1x256xf32>
    %mul3A_11 = arith.constant 6.10351563E-5 : f32
    %mul3A_12 = vector.broadcast %mul3A_11 : f32 to vector<1x256xf32>
    %mul3A_13 = arith.mulf %slice3A_10, %mul3A_12 : vector<1x256xf32>
    %mul3A_14 = arith.mulf %mul3A_9, %mul3A_9 : vector<1x256xf32>
    %sub3A = arith.subf %mul3A_13, %mul3A_14 : vector<1x256xf32>
    %add3A = arith.constant 9.99999974E-6 : f32
    %add3A_15 = vector.broadcast %add3A : f32 to vector<1x256xf32>
    %add3A_16 = arith.addf %sub3A, %add3A_15 : vector<1x256xf32>
    %rsqrt3A = math.rsqrt %add3A_16 : vector<1x256xf32>
    %mul3A_17 = arith.mulf %rsqrt3A, %get3A_4 : vector<1x256xf32>
    %mul3A_18 = arith.mulf %mul3A_9, %mul3A_17 : vector<1x256xf32>
    %sub3A_19 = arith.subf %get3A_7, %mul3A_18 : vector<1x256xf32>
    %get3A_20 = arith.constant 0 : index
    %get3A_21 = arith.constant 0 : index
    %get3A_22 = vector.load %arg1[%get3A_20, %get3A_21] : memref<2048x256xf32, #tpu.memory_space<vmem>>, vector<2048x256xf32>
    %mul3A_23 = vector.broadcast %mul3A_17 : vector<1x256xf32> to vector<2048x256xf32>
    %mul3A_24 = arith.mulf %get3A_22, %mul3A_23 : vector<2048x256xf32>
    %add3A_25 = vector.broadcast %sub3A_19 : vector<1x256xf32> to vector<2048x256xf32>
    %add3A_26 = arith.addf %mul3A_24, %add3A_25 : vector<2048x256xf32>
    %max3A = arith.constant 0.000000e+00 : f32
    %max3A_27 = vector.broadcast %max3A : f32 to vector<2048x256xf32>
    %max3A_28 = arith.maximumf %add3A_26, %max3A_27 : vector<2048x256xf32>
    %get3A_29 = arith.constant 0 : index
    %get3A_30 = arith.constant 0 : index
    %get3A_31 = vector.load %arg5[%get3A_29, %get3A_30] : memref<256x256xf32, #tpu.memory_space<vmem>>, vector<256x256xf32>
    %dot_general3A = arith.constant dense<0.000000e+00> : vector<2048x256xf32>
    %dot_general3A_32 = tpu.matmul %max3A_28, %get3A_31, %dot_general3A {dimension_numbers = #tpu.dot_dimension_numbers<[1], [0], [0], [1], [0, 0, 1, 1], [], []>, transpose_lhs_hint = false} : vector<2048x256xf32>, vector<256x256xf32>, vector<2048x256xf32> -> vector<2048x256xf32>
    %get3A_33 = arith.constant 0 : index
    %get3A_34 = arith.constant 0 : index
    %get3A_35 = vector.load %arg6[%get3A_33, %get3A_34] : memref<1x256xf32, #tpu.memory_space<vmem>>, vector<1x256xf32>
    %add3A_36 = vector.broadcast %get3A_35 : vector<1x256xf32> to vector<2048x256xf32>
    %add3A_37 = arith.addf %dot_general3A_32, %add3A_36 : vector<2048x256xf32>
    %swap3A = arith.constant 0 : index
    %swap3A_38 = arith.constant 0 : index
    %swap3A_39 = vector.load %arg7[%swap3A, %swap3A_38] : memref<2048x256xf32, #tpu.memory_space<vmem>>, vector<2048x256xf32>
    tpu.vector_store %arg7[%swap3A, %swap3A_38], %add3A_37 {strides = array<i32>} : memref<2048x256xf32, #tpu.memory_space<vmem>>, vector<2048x256xf32>,
    %eq3A = arith.constant 0 : i32
    %eq3A_40 = arith.cmpi eq, %arg0, %eq3A : i32
    %convert_element_type3A = arith.extui %eq3A_40 : i1 to i32
    %cond3A = arith.constant 0 : i32
    %cond3A_41 = arith.cmpi ne, %convert_element_type3A, %cond3A : i32
    scf.if %cond3A_41 {
      %broadcast_in_dim3A_61 = arith.constant 0.000000e+00 : f32
      %broadcast_in_dim3A_62 = vector.broadcast %broadcast_in_dim3A_61 : f32 to vector<8x256xf32>
      %swap3A_63 = arith.constant 0 : index
      %swap3A_64 = arith.constant 0 : index
      %swap3A_65 = vector.load %arg8[%swap3A_63, %swap3A_64] : memref<8x256xf32, #tpu.memory_space<vmem>>, vector<8x256xf32>
      tpu.vector_store %arg8[%swap3A_63, %swap3A_64], %broadcast_in_dim3A_62 {strides = array<i32>} : memref<8x256xf32, #tpu.memory_space<vmem>>, vector<8x256xf32>,
    } else {
    }
    %get3A_42 = arith.constant 0 : index
    %get3A_43 = arith.constant 0 : index
    %get3A_44 = vector.load %arg8[%get3A_42, %get3A_43] : memref<8x256xf32, #tpu.memory_space<vmem>>, vector<1x256xf32>
    %reduce_sum3A = arith.constant dense<0.000000e+00> : vector<256xf32>
    %reduce_sum3A_45 = vector.multi_reduction <add>, %add3A_37, %reduce_sum3A [0] : vector<2048x256xf32> to vector<256xf32>
    %broadcast_in_dim3A = vector.shape_cast %reduce_sum3A_45 : vector<256xf32> to vector<1x256xf32>
    %add3A_46 = arith.addf %get3A_44, %broadcast_in_dim3A : vector<1x256xf32>
    %swap3A_47 = arith.constant 0 : index
    %swap3A_48 = arith.constant 0 : index
    %swap3A_49 = vector.load %arg8[%swap3A_47, %swap3A_48] : memref<8x256xf32, #tpu.memory_space<vmem>>, vector<1x256xf32>
    tpu.vector_store %arg8[%swap3A_47, %swap3A_48], %add3A_46 {strides = array<i32>} : memref<8x256xf32, #tpu.memory_space<vmem>>, vector<1x256xf32>,
    %get3A_50 = arith.constant 1 : index
    %get3A_51 = arith.constant 0 : index
    %get3A_52 = vector.load %arg8[%get3A_50, %get3A_51] : memref<8x256xf32, #tpu.memory_space<vmem>>, vector<1x256xf32>
    %mul3A_53 = arith.mulf %add3A_37, %add3A_37 : vector<2048x256xf32>
    %reduce_sum3A_54 = arith.constant dense<0.000000e+00> : vector<256xf32>
    %reduce_sum3A_55 = vector.multi_reduction <add>, %mul3A_53, %reduce_sum3A_54 [0] : vector<2048x256xf32> to vector<256xf32>
    %broadcast_in_dim3A_56 = vector.shape_cast %reduce_sum3A_55 : vector<256xf32> to vector<1x256xf32>
    %add3A_57 = arith.addf %get3A_52, %broadcast_in_dim3A_56 : vector<1x256xf32>
    %swap3A_58 = arith.constant 1 : index
    %swap3A_59 = arith.constant 0 : index
    %swap3A_60 = vector.load %arg8[%swap3A_58, %swap3A_59] : memref<8x256xf32, #tpu.memory_space<vmem>>, vector<1x256xf32>
    tpu.vector_store %arg8[%swap3A_58, %swap3A_59], %add3A_57 {strides = array<i32>} : memref<8x256xf32, #tpu.memory_space<vmem>>, vector<1x256xf32>,
    return
  }
  func.func @transform_0(%arg0: i32) -> (i32, i32) {
    %c0_i32 = arith.constant 0 : i32
    %c0_i32_0 = arith.constant 0 : i32
    return %arg0, %c0_i32 : i32, i32
  }
  func.func @transform_1(%arg0: i32) -> (i32, i32) {
    %c0_i32 = arith.constant 0 : i32
    %c0_i32_0 = arith.constant 0 : i32
    %c0_i32_1 = arith.constant 0 : i32
    return %c0_i32, %c0_i32_0 : i32, i32
  }
  func.func @transform_2(%arg0: i32) -> (i32, i32) {
    %c0_i32 = arith.constant 0 : i32
    %c0_i32_0 = arith.constant 0 : i32
    %c0_i32_1 = arith.constant 0 : i32
    return %c0_i32, %c0_i32_0 : i32, i32
  }
  func.func @transform_3(%arg0: i32) -> (i32, i32) {
    %c0_i32 = arith.constant 0 : i32
    %c0_i32_0 = arith.constant 0 : i32
    %c0_i32_1 = arith.constant 0 : i32
    return %c0_i32, %c0_i32_0 : i32, i32
  }
  func.func @transform_4(%arg0: i32) -> (i32, i32) {
    %c0_i32 = arith.constant 0 : i32
    %c0_i32_0 = arith.constant 0 : i32
    %c0_i32_1 = arith.constant 0 : i32
    return %c0_i32, %c0_i32_0 : i32, i32
  }
  func.func @transform_5(%arg0: i32) -> (i32, i32) {
    %c0_i32 = arith.constant 0 : i32
    %c0_i32_0 = arith.constant 0 : i32
    %c0_i32_1 = arith.constant 0 : i32
    return %c0_i32, %c0_i32_0 : i32, i32
  }
  func.func @transform_6(%arg0: i32) -> (i32, i32) {
    %c0_i32 = arith.constant 0 : i32
    %c0_i32_0 = arith.constant 0 : i32
    return %arg0, %c0_i32 : i32, i32
  }
  func.func @transform_7(%arg0: i32) -> (i32, i32) {
    %c0_i32 = arith.constant 0 : i32
    %c0_i32_0 = arith.constant 0 : i32
    %c0_i32_1 = arith.constant 0 : i32
    return %c0_i32, %c0_i32_0 : i32, i32
  }
}

module attributes {stable_mosaic.version = 14 : i64} {
  func.func @body(%arg0: i32, %arg1: memref<2048x256xf32, #tpu.memory_space<vmem>>, %arg2: memref<8x256xf32, #tpu.memory_space<vmem>>, %arg3: memref<1x256xf32, #tpu.memory_space<vmem>>, %arg4: memref<1x256xf32, #tpu.memory_space<vmem>>, %arg5: memref<256x256xf32, #tpu.memory_space<vmem>>, %arg6: memref<1x256xf32, #tpu.memory_space<vmem>>, %arg7: memref<64x256xf32, #tpu.memory_space<vmem>>, %arg8: memref<8x256xf32, #tpu.memory_space<vmem>>) attributes {dimension_semantics = [#tpu.dimension_semantics<arbitrary>], iteration_bounds = array<i64: 8>, scalar_prefetch = 0 : i64, scratch_operands = 0 : i64, tpu.core_type = #tpu.core_type<tc>, window_params = [{transform_indices = @transform_0, window_bounds = array<i64: 2048, 256>}, {pipeline_mode = #tpu.pipeline_mode<synchronous>, transform_indices = @transform_1, window_bounds = array<i64: 8, 256>}, {pipeline_mode = #tpu.pipeline_mode<synchronous>, transform_indices = @transform_2, window_bounds = array<i64: 1, 256>}, {pipeline_mode = #tpu.pipeline_mode<synchronous>, transform_indices = @transform_3, window_bounds = array<i64: 1, 256>}, {pipeline_mode = #tpu.pipeline_mode<synchronous>, transform_indices = @transform_4, window_bounds = array<i64: 256, 256>}, {pipeline_mode = #tpu.pipeline_mode<synchronous>, transform_indices = @transform_5, window_bounds = array<i64: 1, 256>}, {transform_indices = @transform_6, window_bounds = array<i64: 64, 256>}, {pipeline_mode = #tpu.pipeline_mode<synchronous>, transform_indices = @transform_7, window_bounds = array<i64: 8, 256>}]} {
    %get3A = arith.constant 0 : index
    %get3A_0 = arith.constant 0 : index
    %get3A_1 = vector.load %arg2[%get3A, %get3A_0] : memref<8x256xf32, #tpu.memory_space<vmem>>, vector<8x256xf32>
    %get3A_2 = arith.constant 0 : index
    %get3A_3 = arith.constant 0 : index
    %get3A_4 = vector.load %arg3[%get3A_2, %get3A_3] : memref<1x256xf32, #tpu.memory_space<vmem>>, vector<1x256xf32>
    %get3A_5 = arith.constant 0 : index
    %get3A_6 = arith.constant 0 : index
    %get3A_7 = vector.load %arg4[%get3A_5, %get3A_6] : memref<1x256xf32, #tpu.memory_space<vmem>>, vector<1x256xf32>
    %slice3A = vector.extract_strided_slice %get3A_1 {offsets = [0, 0], sizes = [1, 256], strides = [1, 1]} : vector<8x256xf32> to vector<1x256xf32>
    %mul3A = arith.constant 6.10351563E-5 : f32
    %mul3A_8 = vector.broadcast %mul3A : f32 to vector<1x256xf32>
    %mul3A_9 = arith.mulf %slice3A, %mul3A_8 : vector<1x256xf32>
    %slice3A_10 = vector.extract_strided_slice %get3A_1 {offsets = [1, 0], sizes = [1, 256], strides = [1, 1]} : vector<8x256xf32> to vector<1x256xf32>
    %mul3A_11 = arith.constant 6.10351563E-5 : f32
    %mul3A_12 = vector.broadcast %mul3A_11 : f32 to vector<1x256xf32>
    %mul3A_13 = arith.mulf %slice3A_10, %mul3A_12 : vector<1x256xf32>
    %mul3A_14 = arith.mulf %mul3A_9, %mul3A_9 : vector<1x256xf32>
    %sub3A = arith.subf %mul3A_13, %mul3A_14 : vector<1x256xf32>
    %add3A = arith.constant 9.99999974E-6 : f32
    %add3A_15 = vector.broadcast %add3A : f32 to vector<1x256xf32>
    %add3A_16 = arith.addf %sub3A, %add3A_15 : vector<1x256xf32>
    %rsqrt3A = math.rsqrt %add3A_16 : vector<1x256xf32>
    %mul3A_17 = arith.mulf %rsqrt3A, %get3A_4 : vector<1x256xf32>
    %mul3A_18 = arith.mulf %mul3A_9, %mul3A_17 : vector<1x256xf32>
    %sub3A_19 = arith.subf %get3A_7, %mul3A_18 : vector<1x256xf32>
    %get3A_20 = arith.constant 0 : index
    %get3A_21 = arith.constant 0 : index
    %get3A_22 = vector.load %arg1[%get3A_20, %get3A_21] : memref<2048x256xf32, #tpu.memory_space<vmem>>, vector<2048x256xf32>
    %mul3A_23 = vector.broadcast %mul3A_17 : vector<1x256xf32> to vector<2048x256xf32>
    %mul3A_24 = arith.mulf %get3A_22, %mul3A_23 : vector<2048x256xf32>
    %add3A_25 = vector.broadcast %sub3A_19 : vector<1x256xf32> to vector<2048x256xf32>
    %add3A_26 = arith.addf %mul3A_24, %add3A_25 : vector<2048x256xf32>
    %max3A = arith.constant 0.000000e+00 : f32
    %max3A_27 = vector.broadcast %max3A : f32 to vector<2048x256xf32>
    %max3A_28 = arith.maximumf %add3A_26, %max3A_27 : vector<2048x256xf32>
    %get3A_29 = arith.constant 0 : index
    %get3A_30 = arith.constant 0 : index
    %get3A_31 = vector.load %arg5[%get3A_29, %get3A_30] : memref<256x256xf32, #tpu.memory_space<vmem>>, vector<256x256xf32>
    %dot_general3A = arith.constant dense<0.000000e+00> : vector<2048x256xf32>
    %dot_general3A_32 = tpu.matmul %max3A_28, %get3A_31, %dot_general3A {dimension_numbers = #tpu.dot_dimension_numbers<[1], [0], [0], [1], [0, 0, 1, 1], [], []>, transpose_lhs_hint = false} : vector<2048x256xf32>, vector<256x256xf32>, vector<2048x256xf32> -> vector<2048x256xf32>
    %get3A_33 = arith.constant 0 : index
    %get3A_34 = arith.constant 0 : index
    %get3A_35 = vector.load %arg6[%get3A_33, %get3A_34] : memref<1x256xf32, #tpu.memory_space<vmem>>, vector<1x256xf32>
    %add3A_36 = vector.broadcast %get3A_35 : vector<1x256xf32> to vector<2048x256xf32>
    %add3A_37 = arith.addf %dot_general3A_32, %add3A_36 : vector<2048x256xf32>
    %eq3A = arith.constant 0 : i32
    %eq3A_38 = arith.cmpi eq, %arg0, %eq3A : i32
    %convert_element_type3A = arith.extui %eq3A_38 : i1 to i32
    %cond3A = arith.constant 0 : i32
    %cond3A_39 = arith.cmpi ne, %convert_element_type3A, %cond3A : i32
    scf.if %cond3A_39 {
      %broadcast_in_dim3A_62 = arith.constant 0.000000e+00 : f32
      %broadcast_in_dim3A_63 = vector.broadcast %broadcast_in_dim3A_62 : f32 to vector<8x256xf32>
      %swap3A_64 = arith.constant 0 : index
      %swap3A_65 = arith.constant 0 : index
      %swap3A_66 = vector.load %arg8[%swap3A_64, %swap3A_65] : memref<8x256xf32, #tpu.memory_space<vmem>>, vector<8x256xf32>
      tpu.vector_store %arg8[%swap3A_64, %swap3A_65], %broadcast_in_dim3A_63 {strides = array<i32>} : memref<8x256xf32, #tpu.memory_space<vmem>>, vector<8x256xf32>,
    } else {
    }
    %get3A_40 = arith.constant 0 : index
    %get3A_41 = arith.constant 0 : index
    %get3A_42 = vector.load %arg8[%get3A_40, %get3A_41] : memref<8x256xf32, #tpu.memory_space<vmem>>, vector<1x256xf32>
    %reduce_sum3A = arith.constant dense<0.000000e+00> : vector<256xf32>
    %reduce_sum3A_43 = vector.multi_reduction <add>, %add3A_37, %reduce_sum3A [0] : vector<2048x256xf32> to vector<256xf32>
    %broadcast_in_dim3A = vector.shape_cast %reduce_sum3A_43 : vector<256xf32> to vector<1x256xf32>
    %add3A_44 = arith.addf %get3A_42, %broadcast_in_dim3A : vector<1x256xf32>
    %swap3A = arith.constant 0 : index
    %swap3A_45 = arith.constant 0 : index
    %swap3A_46 = vector.load %arg8[%swap3A, %swap3A_45] : memref<8x256xf32, #tpu.memory_space<vmem>>, vector<1x256xf32>
    tpu.vector_store %arg8[%swap3A, %swap3A_45], %add3A_44 {strides = array<i32>} : memref<8x256xf32, #tpu.memory_space<vmem>>, vector<1x256xf32>,
    %get3A_47 = arith.constant 1 : index
    %get3A_48 = arith.constant 0 : index
    %get3A_49 = vector.load %arg8[%get3A_47, %get3A_48] : memref<8x256xf32, #tpu.memory_space<vmem>>, vector<1x256xf32>
    %mul3A_50 = arith.mulf %add3A_37, %add3A_37 : vector<2048x256xf32>
    %reduce_sum3A_51 = arith.constant dense<0.000000e+00> : vector<256xf32>
    %reduce_sum3A_52 = vector.multi_reduction <add>, %mul3A_50, %reduce_sum3A_51 [0] : vector<2048x256xf32> to vector<256xf32>
    %broadcast_in_dim3A_53 = vector.shape_cast %reduce_sum3A_52 : vector<256xf32> to vector<1x256xf32>
    %add3A_54 = arith.addf %get3A_49, %broadcast_in_dim3A_53 : vector<1x256xf32>
    %swap3A_55 = arith.constant 1 : index
    %swap3A_56 = arith.constant 0 : index
    %swap3A_57 = vector.load %arg8[%swap3A_55, %swap3A_56] : memref<8x256xf32, #tpu.memory_space<vmem>>, vector<1x256xf32>
    tpu.vector_store %arg8[%swap3A_55, %swap3A_56], %add3A_54 {strides = array<i32>} : memref<8x256xf32, #tpu.memory_space<vmem>>, vector<1x256xf32>,
    %reshape3A = vector.shape_cast %add3A_37 : vector<2048x256xf32> to vector<64x32x256xf32>
    %reduce_max3A = arith.constant dense<0xFF800000> : vector<64x256xf32>
    %reduce_max3A_58 = vector.multi_reduction <maximumf>, %reshape3A, %reduce_max3A [1] : vector<64x32x256xf32> to vector<64x256xf32>
    %swap3A_59 = arith.constant 0 : index
    %swap3A_60 = arith.constant 0 : index
    %swap3A_61 = vector.load %arg7[%swap3A_59, %swap3A_60] : memref<64x256xf32, #tpu.memory_space<vmem>>, vector<64x256xf32>
    tpu.vector_store %arg7[%swap3A_59, %swap3A_60], %reduce_max3A_58 {strides = array<i32>} : memref<64x256xf32, #tpu.memory_space<vmem>>, vector<64x256xf32>,
    return
  }
  func.func @transform_0(%arg0: i32) -> (i32, i32) {
    %c0_i32 = arith.constant 0 : i32
    %c0_i32_0 = arith.constant 0 : i32
    return %arg0, %c0_i32 : i32, i32
  }
  func.func @transform_1(%arg0: i32) -> (i32, i32) {
    %c0_i32 = arith.constant 0 : i32
    %c0_i32_0 = arith.constant 0 : i32
    %c0_i32_1 = arith.constant 0 : i32
    return %c0_i32, %c0_i32_0 : i32, i32
  }
  func.func @transform_2(%arg0: i32) -> (i32, i32) {
    %c0_i32 = arith.constant 0 : i32
    %c0_i32_0 = arith.constant 0 : i32
    %c0_i32_1 = arith.constant 0 : i32
    return %c0_i32, %c0_i32_0 : i32, i32
  }
  func.func @transform_3(%arg0: i32) -> (i32, i32) {
    %c0_i32 = arith.constant 0 : i32
    %c0_i32_0 = arith.constant 0 : i32
    %c0_i32_1 = arith.constant 0 : i32
    return %c0_i32, %c0_i32_0 : i32, i32
  }
  func.func @transform_4(%arg0: i32) -> (i32, i32) {
    %c0_i32 = arith.constant 0 : i32
    %c0_i32_0 = arith.constant 0 : i32
    %c0_i32_1 = arith.constant 0 : i32
    return %c0_i32, %c0_i32_0 : i32, i32
  }
  func.func @transform_5(%arg0: i32) -> (i32, i32) {
    %c0_i32 = arith.constant 0 : i32
    %c0_i32_0 = arith.constant 0 : i32
    %c0_i32_1 = arith.constant 0 : i32
    return %c0_i32, %c0_i32_0 : i32, i32
  }
  func.func @transform_6(%arg0: i32) -> (i32, i32) {
    %c0_i32 = arith.constant 0 : i32
    %c0_i32_0 = arith.constant 0 : i32
    return %arg0, %c0_i32 : i32, i32
  }
  func.func @transform_7(%arg0: i32) -> (i32, i32) {
    %c0_i32 = arith.constant 0 : i32
    %c0_i32_0 = arith.constant 0 : i32
    %c0_i32_1 = arith.constant 0 : i32
    return %c0_i32, %c0_i32_0 : i32, i32
  }
}

module attributes {stable_mosaic.version = 14 : i64} {
  func.func @body(%arg0: memref<512x256xf32, #tpu.memory_space<vmem>>, %arg1: memref<8x256xf32, #tpu.memory_space<vmem>>, %arg2: memref<1x256xf32, #tpu.memory_space<vmem>>, %arg3: memref<1x256xf32, #tpu.memory_space<vmem>>, %arg4: memref<512x256xf32, #tpu.memory_space<vmem>>) attributes {dimension_semantics = [], scalar_prefetch = 0 : i64, scratch_operands = 0 : i64, tpu.core_type = #tpu.core_type<tc>} {
    %get3A = arith.constant 0 : index
    %get3A_0 = arith.constant 0 : index
    %get3A_1 = vector.load %arg1[%get3A, %get3A_0] : memref<8x256xf32, #tpu.memory_space<vmem>>, vector<8x256xf32>
    %get3A_2 = arith.constant 0 : index
    %get3A_3 = arith.constant 0 : index
    %get3A_4 = vector.load %arg2[%get3A_2, %get3A_3] : memref<1x256xf32, #tpu.memory_space<vmem>>, vector<1x256xf32>
    %get3A_5 = arith.constant 0 : index
    %get3A_6 = arith.constant 0 : index
    %get3A_7 = vector.load %arg3[%get3A_5, %get3A_6] : memref<1x256xf32, #tpu.memory_space<vmem>>, vector<1x256xf32>
    %slice3A = vector.extract_strided_slice %get3A_1 {offsets = [0, 0], sizes = [1, 256], strides = [1, 1]} : vector<8x256xf32> to vector<1x256xf32>
    %mul3A = arith.constant 6.10351563E-5 : f32
    %mul3A_8 = vector.broadcast %mul3A : f32 to vector<1x256xf32>
    %mul3A_9 = arith.mulf %slice3A, %mul3A_8 : vector<1x256xf32>
    %slice3A_10 = vector.extract_strided_slice %get3A_1 {offsets = [1, 0], sizes = [1, 256], strides = [1, 1]} : vector<8x256xf32> to vector<1x256xf32>
    %mul3A_11 = arith.constant 6.10351563E-5 : f32
    %mul3A_12 = vector.broadcast %mul3A_11 : f32 to vector<1x256xf32>
    %mul3A_13 = arith.mulf %slice3A_10, %mul3A_12 : vector<1x256xf32>
    %mul3A_14 = arith.mulf %mul3A_9, %mul3A_9 : vector<1x256xf32>
    %sub3A = arith.subf %mul3A_13, %mul3A_14 : vector<1x256xf32>
    %add3A = arith.constant 9.99999974E-6 : f32
    %add3A_15 = vector.broadcast %add3A : f32 to vector<1x256xf32>
    %add3A_16 = arith.addf %sub3A, %add3A_15 : vector<1x256xf32>
    %rsqrt3A = math.rsqrt %add3A_16 : vector<1x256xf32>
    %mul3A_17 = arith.mulf %rsqrt3A, %get3A_4 : vector<1x256xf32>
    %mul3A_18 = arith.mulf %mul3A_9, %mul3A_17 : vector<1x256xf32>
    %sub3A_19 = arith.subf %get3A_7, %mul3A_18 : vector<1x256xf32>
    %get3A_20 = arith.constant 0 : index
    %get3A_21 = arith.constant 0 : index
    %get3A_22 = vector.load %arg0[%get3A_20, %get3A_21] : memref<512x256xf32, #tpu.memory_space<vmem>>, vector<512x256xf32>
    %mul3A_23 = vector.broadcast %mul3A_17 : vector<1x256xf32> to vector<512x256xf32>
    %mul3A_24 = arith.mulf %get3A_22, %mul3A_23 : vector<512x256xf32>
    %add3A_25 = vector.broadcast %sub3A_19 : vector<1x256xf32> to vector<512x256xf32>
    %add3A_26 = arith.addf %mul3A_24, %add3A_25 : vector<512x256xf32>
    %max3A = arith.constant 0.000000e+00 : f32
    %max3A_27 = vector.broadcast %max3A : f32 to vector<512x256xf32>
    %max3A_28 = arith.maximumf %add3A_26, %max3A_27 : vector<512x256xf32>
    %swap3A = arith.constant 0 : index
    %swap3A_29 = arith.constant 0 : index
    %swap3A_30 = vector.load %arg4[%swap3A, %swap3A_29] : memref<512x256xf32, #tpu.memory_space<vmem>>, vector<512x256xf32>
    tpu.vector_store %arg4[%swap3A, %swap3A_29], %max3A_28 {strides = array<i32>} : memref<512x256xf32, #tpu.memory_space<vmem>>, vector<512x256xf32>,
    return
  }
}

</mosaic_0001>

<sc_bundles>
// kernel: kernel.17.cloned.1.call-start
scs
__scs_entry_jumppad:
0x0: {  	(pc) =	sbr.rel $0x88, $3  }
0x1: {  	(tag) =	ssettag $0x0;
	lr =	simm.s32 $0x1  }
0x2: {  	[smem:$0x3F7B] =	sst lr;
	_ =	strace $0xD0000000  }
0x3: {  	_ = 	snop  }
0x4: {  	_ = 	snop  }
0x5: {  	_ = 	snop  }
0x6: {  	_ = 	snop  }
0x7: {  	_ = 	snop  }
__scs_overlays_trampoline_lowered:
0x8: {  	[smem:$0x3F8A] =	sst s0  }
0x9: {  	[smem:$0x3F8B] =	sst s1  }
0xa: {  	[smem:$0x3F8C] =	sst s2  }
0xb: {  	[smem:$0x3F8D] =	sst s3  }
0xc: {  	[smem:$0x3F8E] =	sst s4  }
0xd: {  	[smem:$0x3F8F] =	sst s5  }
0xe: {  	[smem:$0x3F90] =	sst s6  }
0xf: {  	[smem:$0x3F91] =	sst s7  }
0x10: {  	[smem:$0x3F92] =	sst s8  }
0x11: {  	[smem:$0x3F93] =	sst s9;
	s0 =	simm.s32 @!p0 $0x0  }
0x12: {  	s1 =	sld [smem:$0x3F79];
	s0 =	simm.s32 @p0 $0x1  }
0x13: {  	[smem:$0x3F94] =	sst s0;
	s0 =	simm.s32 @!p1 $0x0  }
0x14: {  	s2 =	sld [smem:$0x3F78];
	s0 =	simm.s32 @p1 $0x1  }
0x15: {  	[smem:$0x3F95] =	sst s0;
	s0 =	simm.s32 @!p2 $0x0  }
0x16: {  	s3 =	sld [smem:$0x3FDB];
	s0 =	simm.s32 @p2 $0x1  }
0x17: {  	s4 =	simm.s32 $0x1BF5;
	[smem:$0x3F97] =	sst s0  }
0x18: {  	s0 =	sld [smem:$0x3F7A];
	_ =	swait.ge [sflag:s4], $0x0  }
0x19: {  	s7 =	sld [smem:$0x3F7B]  }
0x1a: {  	s8 =	sadd.s32 $0xFFFFE003, lr  }
0x1b: {  	s9 =	sadd.s32 $0xFFFFFEF7, lr;
	s5 =	simm.s32 $0xFFFFFFFF;
	p2 =	slt.u32 s8, $0xFFFFF086  }
0x1c: {  	p1 =	slt.u32 s9, $0xF7A;
	s5 =	simm.s32 @!p2 $0x0  }
0x1d: {  	s5 =	simm.s32 @p1 $0x1;
	p0 =	seq.s32 s7, s2  }
0x1e: {  	s7 =	smul.u32 @!p0 $0xF7A, s2;
	p2 =	seq.s32 @!p0 s5, $0x0  }
0x1f: {  	s9 =	smul.u32 $0xF7A, s1;
	s8 =	simm.s32 @!p0 $0x1BF5;
	p2 =	por !p2, p0  }
0x20: {  	[sflag:s8] =	ssyncset.s32 @!p0 $0xFFFFF086;
	s6 =	sadd.s32 @!p0 s3, s7;
	s7 =	simm.s32 @!p0 $0x108  }
0x21: {  	s3 =	sadd.s32 s3, s9;
	s6 =	sadd.s32 @!p0 $0x88, s6;
	s7 =	simm.s32 @p2 $0x1082  }
0x22: {  	[simem:s7], [sflag:s8] =	dma.local @!p0 [hbm:s6], $0xF7A  }
0x23: {  	s9 =	sor.u32 $0xD0000000, s2;
	s6 =	simm.s32 $0x108;
	_ =	swait.ge @!p0 [sflag:s8], $0x0  }
0x24: {  	s3 =	sadd.s32 $0x88, s3;
	s6 =	simm.s32 @!p1 $0x1082;
	[sflag:s4] =	ssyncset.s32 $0xFFFFF086  }
0x25: {  	[simem:s6], [sflag:s4] =	dma.local [hbm:s3], $0xF7A  }
0x26: {  	[smem:$0x3F7B] =	sst s1;
	(tag) =	ssettag s2;
	_ =	strace s9  }
0x27: {  	s1 =	sld [smem:$0x3F8B]  }
0x28: {  	s2 =	sld [smem:$0x3F8C]  }
0x29: {  	s4 =	sld [smem:$0x3F8E]  }
0x2a: {  	p0 =	seq.s32 s5, $0x0;
	s5 =	sld [smem:$0x3F8F]  }
0x2b: {  	s6 =	sld [smem:$0x3F90]  }
0x2c: {  	s7 =	sld [smem:$0x3F91]  }
0x2d: {  	s3 =	simm.s32 $0x108;
	s8 =	sld [smem:$0x3F92]  }
0x2e: {  	s3 =	simm.s32 @!p0 $0x1082;
	s9 =	sld [smem:$0x3F93]  }
0x2f: {  	lr =	sadd.s32 s0, s3;
	s0 =	sld [smem:$0x3F8A]  }
0x30: {  	s3 =	sld [smem:$0x3F8D]  }
0x31: {  	[smem:$0x3F96] =	sst s10  }
0x32: {  	s10 =	sld [smem:$0x3F94];
	_ =	sdelay $0x3  }
0x33: {  	p0 =	seq.s32 s10, $0x1;
	s10 =	sld [smem:$0x3F96];
	_ =	sdelay $0x3  }
0x34: {  	[smem:$0x3F96] =	sst s10  }
0x35: {  	s10 =	sld [smem:$0x3F95];
	_ =	sdelay $0x3  }
0x36: {  	p1 =	seq.s32 s10, $0x1;
	s10 =	sld [smem:$0x3F96];
	_ =	sdelay $0x3  }
0x37: {  	[smem:$0x3F96] =	sst s10  }
0x38: {  	s10 =	sld [smem:$0x3F97]  }
0x39: {  	_ = 	snop;
	(pc) =	sbr.ind lr, $3  }
0x3a: {  	_ = 	snop  }
0x3b: {  	_ = 	snop  }
0x3c: {  	p2 =	seq.s32 s10, $0x1;
	s10 =	sld [smem:$0x3F96]  }
0x3d: {  	_ =	shalt  }
0x3e: {  	_ =	shalt  }
0x3f: {  	_ =	shalt  }
0x40: {  	_ =	shalt  }
0x41: {  	_ =	shalt  }
0x42: {  	_ =	shalt  }
0x43: {  	_ =	shalt  }
0x44: {  	_ =	shalt  }
0x45: {  	_ =	shalt  }
0x46: {  	_ =	shalt  }
0x47: {  	_ =	shalt  }
0x48: {  	_ =	shalt  }
0x49: {  	_ =	shalt  }
0x4a: {  	_ =	shalt  }
0x4b: {  	_ =	shalt  }
0x4c: {  	_ =	shalt  }
0x4d: {  	_ =	shalt  }
0x4e: {  	_ =	shalt  }
0x4f: {  	_ =	shalt  }
0x50: {  	_ =	shalt  }
0x51: {  	_ =	shalt  }
0x52: {  	_ =	shalt  }
0x53: {  	_ =	shalt  }
0x54: {  	_ =	shalt  }
0x55: {  	_ =	shalt  }
0x56: {  	_ =	shalt  }
0x57: {  	_ =	shalt  }
0x58: {  	_ =	shalt  }
0x59: {  	_ =	shalt  }
0x5a: {  	_ =	shalt  }
0x5b: {  	_ =	shalt  }
0x5c: {  	_ =	shalt  }
0x5d: {  	_ =	shalt  }
0x5e: {  	_ =	shalt  }
0x5f: {  	_ =	shalt  }
0x60: {  	_ =	shalt  }
0x61: {  	_ =	shalt  }
0x62: {  	_ =	shalt  }
0x63: {  	_ =	shalt  }
0x64: {  	_ =	shalt  }
0x65: {  	_ =	shalt  }
0x66: {  	_ =	shalt  }
0x67: {  	_ =	shalt  }
0x68: {  	_ =	shalt  }
0x69: {  	_ =	shalt  }
0x6a: {  	_ =	shalt  }
0x6b: {  	_ =	shalt  }
0x6c: {  	_ =	shalt  }
0x6d: {  	_ =	shalt  }
0x6e: {  	_ =	shalt  }
0x6f: {  	_ =	shalt  }
0x70: {  	_ =	shalt  }
0x71: {  	_ =	shalt  }
0x72: {  	_ =	shalt  }
0x73: {  	_ =	shalt  }
0x74: {  	_ =	shalt  }
0x75: {  	_ =	shalt  }
0x76: {  	_ =	shalt  }
0x77: {  	_ =	shalt  }
0x78: {  	_ =	shalt  }
0x79: {  	_ =	shalt  }
0x7a: {  	_ =	shalt  }
0x7b: {  	_ =	shalt  }
0x7c: {  	_ =	shalt  }
0x7d: {  	_ =	shalt  }
0x7e: {  	_ =	shalt  }
0x7f: {  	_ =	shalt  }
0x80: {  	_ =	shalt  }
0x81: {  	_ =	shalt  }
0x82: {  	_ =	shalt  }
0x83: {  	_ =	shalt  }
0x84: {  	_ =	shalt  }
0x85: {  	_ =	shalt  }
0x86: {  	_ =	shalt  }
0x87: {  	_ =	shalt  }
.Lfunc_end0:
.L_simem_size_0:
called_computation_lowered:
.L_overlay_start_0:
0x88: {  	s2 =	sld [smem:$0x3FD9]  }
0x89: {  	s3 =	sld [smem:$0x3FFE];
	_ =	sdelay $0x1  }
0x8a: {  	s1 =	srdreg.scid  }
0x8b: {  	s0 =	sand.u32 $0x1, s1  }
0x8c: {  	s14 =	sshll.u32 s0, $0xA;
	s2 =	sadd.s32 s3, s2  }
0x8d: {  	s2 =	sadd.s32 s2, s14  }
0x8e: {  	[smem:$0x3FA2] =	sst s2  }
0x8f: {  	_ = 	snop  }
0x90: {  	s2 =	sld [smem:$0x3FD0];
	_ =	sdelay $0x2  }
0x91: {  	s15 =	simm.s32 $0xB;
	s4 =	simm.s32 $0x10  }
0x92: {  	[smem:s4], [sflag:s15] =	dma.local [hbm:s2], $0x1  }
0x93: {  	_ =	swait.eq [sflag:s15], $0x1  }
0x94: {  	[sflag:s15] =	ssyncset.done $0x0  }
0x95: {  	[sflag:s15] =	ssyncadd.s32 $0xFFFFFFFF  }
0x96: {  	s16 =	sld [smem:$0x11];
	(tm) =	ssettm $0x1  }
0x97: {  	s17 =	sld [smem:$0x3FFB];
	_ =	sdelay $0x3  }
0x98: {  	_ =	strace s17  }
0x99: {  	s3 =	sld [smem:$0x3FFC];
	_ =	sdelay $0x3  }
0x9a: {  	_ =	strace s3  }
0x9b: {  	s3 =	sld [smem:$0x3FFD];
	_ =	sdelay $0x3  }
0x9c: {  	_ =	strace s3  }
0x9d: {  	_ =	strace $0x8FFFFFFF  }
0x9e: {  	s18 =	sld [smem:$0x3FDB];
	_ =	sdelay $0x1  }
0x9f: {  	s19 =	simm.s32 $_scs_section_size  }
0xa0: {  	s5 =	simm.s32 $_size__tile_overlayer_lowered;
	s6 =	simm.s32 $_tile_overlayer_lowered  }
0xa1: {  	s22 =	simm.s32 $0x1BFF;
	s21 =	sshll.u32 s6, $0x1;
	s3 =	sadd.s32 s19, s18  }
0xa2: {  	s7 =	simm.s32 $0x0;
	s20 =	sshll.u32 s5, $0x1;
	s5 =	sadd.s32 s21, s3  }
0xa3: {  	[timem:s7], [sflag:s22] =	dma.local [hbm:s5], s20  }
0xa4: {  	_ =	swait.ge [sflag:s22], s20  }
0xa5: {  	s4 =	ssub.s32 $0x0, s20;
	[sflag:s22] =	ssyncset.done $0x0  }
0xa6: {  	[sflag:s22] =	ssyncadd.s32 s4;
	_ =	sdelay $0x1  }
0xa7: {  	s23 =	simm.s32 $0x1B8B  }
0xa8: {  	_ =	swait.ge [sflag:s23], $0x1  }
0xa9: {  	[sflag:s23] =	ssyncset.done $0x0  }
0xaa: {  	s25 =	simm.s32 $0x1B8E;
	s24 =	sld [smem:$0x3FFE];
	[sflag:s23] =	ssyncadd.s32 $0xFFFFFFFF  }
0xab: {  	s26 =	simm.s32 $execute0_lowered;
	[smem:$0x3FD2] =	sst s25  }
0xac: {  	s5 =	sshll.u32 s26, $0x1;
	_ =	strace $0x80000046;
	[dreg:$0x1] =	wrdreg $0xFFFFFFFF  }
0xad: {  	s28 =	simm.s32 $_size_execute0_lowered;
	s3 =	sadd.s32 s3, s5;
	[dreg:$0x0] =	wrdreg $0x0  }
0xae: {  	s5 =	sshll.u32 s28, $0x1;
	[dreg:$0x2] =	wrdreg s3  }
0xaf: {  	[dreg:$0x3] =	wrdreg s5  }
0xb0: {  	[dreg:$0x4] =	wrdreg $0xC0  }
0xb1: {  	_ =	task [dreg:s7], $0x5FFFF  }
0xb2: {  	[dreg:$0x1] =	wrdreg $0xFFFFFFFF  }
0xb3: {  	[dreg:$0x0] =	wrdreg $0x60  }
0xb4: {  	[dreg:$0x2] =	wrdreg s16  }
0xb5: {  	[dreg:$0x3] =	wrdreg s24  }
0xb6: {  	[dreg:$0x4] =	wrdreg $0x9  }
0xb7: {  	_ =	task.clear_ibuf [dreg:s7], $0x5FFFF;
	_ =	strace $0x90000046  }
0xb8: {  	s29 =	simm.s32 $0x9;
	_ =	strace $0x80000048  }
0xb9: {  	_ =	swait.ge [sflag:s29], $0x1  }
0xba: {  	[sflag:s29] =	ssyncadd.s32 $0xFFFFFFFF  }
0xbb: {  	_ =	strace $0x90000048  }
0xbc: {  	_ =	sfence  }
0xbd: {  	s30 =	sld [smem:$0x0];
	_ =	sdelay $0x2  }
0xbe: {  	s31 =	sshll.u32 s1, $0xD;
	s1 =	sshrl.u32 s1, $0x2  }
0xbf: {  	s3 =	sand.u32 $0x4000, s31;
	s1 =	sadd.s32 s1, s30  }
0xc0: {  	s0 =	sor.u32 s3, s0;
	s1 =	sshll.u32 s1, $0x11  }
0xc1: {  	s0 =	sor.u32 s1, s0  }
0xc2: {  	s0 =	sadd.s32 $0x8F2B, s0  }
0xc3: {  	[sflag:s0] =	ssyncadd.remote.s32 $0x1  }
0xc4: {  	_ =	sfence.sel $0xFFFF  }
0xc5: {  	[dreg:$0x0] =	wrdreg $0xFFFFFFFF;
	(pc) =	sbr.abs _section_cstart, $3  }
0xc6: {  	[dreg:$0x1] =	wrdreg $0xFFFFFFFF  }
0xc7: {  	_ =	task.clear_ibuf [dreg:s7], $0x2FFFF;
	_ =	strace $0x9FFFFFFF  }
0xc8: {  	(tm) =	ssettm $0x7FFFFFFF  }
0xc9: {  	_ =	shalt  }
tec
execute0_lowered:
.L_overlay_start_1:
0x0: {  	(tag) =	ssettag $0x1  }
0x1: {  	s4 =	rddreg [dreg:$0x0]  }
0x2: {  	s3 =	rddreg [dreg:$0x1]  }
0x3: {  	s0 =	rddreg [dreg:$0x2];
	s5 =	srdreg.scid  }
0x4: {  	s1 =	stileid.u32;
	s2 =	simm.s32 $0x0;
	s13 =	simm.s32 $0x3000  }
0x5: {  	s15 =	simm.s32 $0x5000;
	s16 =	simm.s32 $0x6000;
	s17 =	simm.s32 $0x7080  }
0x6: {  	s18 =	simm.s32 $0xD080;
	s19 =	simm.s32 $0x0;
	s5 =	sand.u32 $0x1, s5  }
0x7: {  	s6 =	sshll.u32 s1, $0x1;
	[smem:$0x7FF] =	sst s2;
	s8 =	sshrl.u32 s1, $0x1  }
0x8: {  	s6 =	sor.u32 s5, s6;
	_ =	strace $0x80000047;
	s10 =	smul.u32 $0x3000, s8  }
0x9: {  	s5 =	ssub.s32 $0x2, s5;
	s29 =	smul.u32 $0x600, s8;
	s31 =	sshll.u32 s8, $0xA  }
0xa: {  	s14 =	sshll.u32 s8, $0xC;
	s7 =	smul.u32 $0xC00, s6;
	s9 =	sshll.u32 s6, $0xA  }
0xb: {  	s28 =	sshrl.u32 s5, $0x1;
	s6 =	sshll.u32 s6, $0x8;
	v2 =	vmov s14;
	s14 =	simm.s32 $0x4000  }
0xc: {  	s9 =	sadd.s32 s9, s3;
	s11 =	ssub.s32 s5, s28;
	s30 =	sshrl.u32 s10, $0x3  }
0xd: {  	v0 =	vlaneseq.u32;
	s10 =	simm.s32 $0x1;
	s7 =	sadd.s32 s7, s3;
	s12 =	sadd.s32 s4, s30  }
0xe: {  	v1 =	vmul.u32 $0x3, v0;
	s3 =	ssub.s32 s6, s31;
	s4 =	sadd.s32 s4, s29;
	s8 =	sadd.s32 $0x8600, s9  }
0xf: {  	v3 =	vimm.s32 $0x0;
	s9 =	smax.u32 s11, $0x1;
	s11 =	simm.s32 $0x1000;
	s5 =	sadd.s32 $0x200, s12  }
0x10: {  	v6 =	vor.u32 $0x10, v0;
	v4 =	vadd.s32 $0x1, v1;
	v5 =	vadd.s32 $0x2, v1;
	s6 =	sadd.s32 $0x400, s12;
	s7 =	sadd.s32 $0x10600, s7;
	s12 =	simm.s32 $0x2000  }
.LBB2_1:
0x11: {  	[tilespmem:s2], [sflag:$0x1] =	stream.linear.gather [hbm4b:s4+s2], $0x1000, $0x38;
	[tilespmem:$0xF080] =	vst v63  }
0x12: {  	_ =	swait.ge [sflag:s10], $0x1000  }
0x13: {  	[sflag:s10] =	ssyncset.done $0x0  }
0x14: {  	[sflag:s10] =	ssyncadd.s32 $0xFFFFF000  }
0x15: {  	[tilespmem:s11], [sflag:$0x1] =	stream.linear.gather [hbm4b:s5+s2], $0x1000, $0x38;
	[tilespmem:$0xF080] =	vst v63  }
0x16: {  	_ =	swait.ge [sflag:s10], $0x1000  }
0x17: {  	[sflag:s10] =	ssyncset.done $0x0  }
0x18: {  	[sflag:s10] =	ssyncadd.s32 $0xFFFFF000  }
0x19: {  	[tilespmem:s12], [sflag:$0x1] =	stream.linear.gather [hbm4b:s6+s2], $0x1000, $0x38;
	[tilespmem:$0xF080] =	vst v63  }
0x1a: {  	_ =	swait.ge [sflag:s10], $0x1000  }
0x1b: {  	[sflag:s10] =	ssyncset.done $0x0  }
0x1c: {  	s21 =	simm.s32 $0x0;
	[sflag:s10] =	ssyncadd.s32 $0xFFFFF000  }
0x1d: {  	v7 =	vld [tilespmem:s21+$0x0]  }
0x1e: {  	v8 =	vld [tilespmem:s21+$0x1000]  }
0x1f: {  	v11 =	vld [tilespmem:s21+$0x2000];
	_ =	sdelay $0x3  }
0x20: {  	s20 =	simm.s32 $0x10;
	v10 =	vmul.f32 v7, v7;
	v12 =	vmul.f32 v8, v8;
	v13 =	vshrl.u32 v7, $0x10  }
0x21: {  	v9 =	vld [tilespmem:s20+$0x0];
	v14 =	vshrl.u32 v8, $0x10;
	v15 =	vmul.f32 v11, v11;
	v16 =	vshrl.u32 v11, $0x10  }
0x22: {  	v13 =	vand.u32 $0x1, v13;
	v14 =	vand.u32 $0x1, v14;
	v12 =	vadd.f32 v12, v10;
	v10 =	vld [tilespmem:s20+$0x1000]  }
0x23: {  	v13 =	vadd.s32 v13, v7;
	v8 =	vadd.s32 v14, v8;
	v14 =	vand.u32 $0x1, v16  }
0x24: {  	v7 =	vld [tilespmem:s20+$0x2000];
	v13 =	vadd.s32 $0x7FFF, v13;
	v11 =	vadd.s32 v14, v11  }
0x25: {  	v8 =	vadd.s32 $0x7FFF, v8;
	v12 =	vadd.f32 v15, v12;
	v13 =	vand.u32 $0xFFFF0000, v13  }
0x26: {  	v14 =	vshrl.u32 v9, $0x10;
	v11 =	vadd.s32 $0x7FFF, v11;
	v16 =	vand.u32 $0xFFFF0000, v8;
	[tilespmem:s21+$0x4000] =	vst v13  }
0x27: {  	s22 =	simm.s32 $0x20;
	[tilespmem:s21+$0x3000] =	vst v12;
	v12 =	vmul.f32 v9, v9;
	v13 =	vshrl.u32 v10, $0x10;
	v15 =	vmul.f32 v10, v10  }
0x28: {  	s23 =	simm.s32 $0xC0;
	v14 =	vand.u32 $0x1, v14;
	v11 =	vand.u32 $0xFFFF0000, v11;
	v8 =	vld [tilespmem:s22+$0x0];
	[tilespmem:s21+$0x5000] =	vst v16;
	v13 =	vand.u32 $0x1, v13  }
.LBB2_2:
0x29: {  	p0 =	sne.s32 s23, $0x3FC0;
	v16 =	vld [tilespmem:s22+$0x1000];
	v12 =	vadd.f32 v15, v12;
	v15 =	vmul.f32 v7, v7;
	v17 =	vshrl.u32 v7, $0x10;
	[tilespmem:s21+$0x6000] =	vst v11;
	s21 =	smov.u32 s20;
	s20 =	smov.u32 s22  }
0x2a: {  	v9 =	vadd.s32 v14, v9;
	v10 =	vadd.s32 v13, v10;
	v11 =	vand.u32 $0x1, v17  }
.Ltmp0:
0x2b: {  	v18 =	vadd.s32 $0x7FFF, v9;
	v12 =	vadd.f32 v15, v12;
	v11 =	vadd.s32 v11, v7;
	v7 =	vld [tilespmem:s20+$0x2000];
	(pc) =	sbr.rel @p0 .LBB2_2-.Ltmp0, $4  }
0x2c: {  	v13 =	vand.u32 $0xFFFF0000, v18;
	v15 =	vadd.s32 $0x7FFF, v10;
	v19 =	vadd.s32 $0x7FFF, v11  }
0x2d: {  	v17 =	vand.u32 $0xFFFF0000, v15;
	v14 =	vshrl.u32 v8, $0x10;
	[tilespmem:s21+$0x3000] =	vst v12;
	v11 =	vand.u32 $0xFFFF0000, v19;
	v9 =	vmovc v8  }
0x2e: {  	s22 =	sshra.s32 s23, $0x2;
	v12 =	vmul.f32 v8, v9;
	v15 =	vmul.f32 v16, v16;
	v18 =	vshrl.u32 v16, $0x10;
	[tilespmem:s21+$0x4000] =	vst v13;
	v10 =	vmovc v16  }
0x2f: {  	s23 =	sadd.s32 $0x40, s23;
	v14 =	vand.u32 $0x1, v14;
	v8 =	vld [tilespmem:s22+$0x0];
	v13 =	vand.u32 $0x1, v18;
	[tilespmem:s21+$0x5000] =	vst v17  }
0x30: {  	v16 =	vld [tilespmem:s22+$0x1000];
	v12 =	vadd.f32 v15, v12;
	[tilespmem:s21+$0x6000] =	vst v11;
	v51 =	vmul.f32 v7, v7  }
0x31: {  	v52 =	vshrl.u32 v7, $0x10;
	v9 =	vadd.s32 v14, v9;
	v10 =	vadd.s32 v13, v10;
	v53 =	vld [tilespmem:s22+$0x2000]  }
0x32: {  	v54 =	vand.u32 $0x1, v52;
	v9 =	vadd.s32 $0x7FFF, v9;
	v10 =	vadd.s32 $0x7FFF, v10  }
0x33: {  	v11 =	vadd.f32 v51, v12;
	v7 =	vadd.s32 v54, v7;
	v9 =	vand.u32 $0xFFFF0000, v9  }
0x34: {  	v10 =	vand.u32 $0xFFFF0000, v10;
	v7 =	vadd.s32 $0x7FFF, v7;
	v55 =	vmul.f32 v8, v8  }
0x35: {  	v57 =	vshrl.u32 v8, $0x10;
	v7 =	vand.u32 $0xFFFF0000, v7;
	v56 =	vmul.f32 v16, v16  }
0x36: {  	[tilespmem:s20+$0x4000] =	vst v9;
	v58 =	vshrl.u32 v16, $0x10;
	v60 =	vand.u32 $0x1, v57;
	v59 =	vmul.f32 v53, v53  }
0x37: {  	[tilespmem:s20+$0x3000] =	vst v11;
	v11 =	vand.u32 $0x1, v58;
	v61 =	vshrl.u32 v53, $0x10;
	v8 =	vadd.s32 v60, v8  }
0x38: {  	[tilespmem:s20+$0x6000] =	vst v7;
	v12 =	vadd.f32 v56, v55;
	v7 =	vadd.s32 v11, v16;
	v8 =	vadd.s32 $0x7FFF, v8  }
0x39: {  	[tilespmem:s20+$0x5000] =	vst v10;
	v10 =	vand.u32 $0x1, v61;
	v8 =	vand.u32 $0xFFFF0000, v8;
	v7 =	vadd.s32 $0x7FFF, v7  }
0x3a: {  	v10 =	vadd.s32 v10, v53;
	v62 =	vadd.f32 v59, v12;
	v7 =	vand.u32 $0xFFFF0000, v7;
	[tilespmem:s22+$0x4000] =	vst v8  }
0x3b: {  	v63 =	vadd.s32 $0x7FFF, v10;
	[tilespmem:s22+$0x5000] =	vst v7  }
0x3c: {  	v8 =	vand.u32 $0xFFFF0000, v63;
	[tilespmem:s22+$0x3000] =	vst v62  }
0x3d: {  	s21 =	simm.s32 $0x0;
	s20 =	simm.s32 $0x0;
	[tilespmem:s22+$0x6000] =	vst v8  }
.LBB2_4:
0x3e: {  	s22 =	sadd.s32 s3, s21  }
0x3f: {  	v13 =	vmov s22;
	_ =	sdelay $0x4  }
0x40: {  	v7 =	vld.idx.msk [tilespmem:v13+s20+$0x0], $0xffff  }
0x41: {  	v8 =	vld.idx.msk [tilespmem:v13+s11+$0x0], $0xffff  }
0x42: {  	v9 =	vld.idx.msk [tilespmem:v13+s12+$0x0], $0xffff  }
0x43: {  	v10 =	vld.idx.msk [tilespmem:v13+s13+$0x0], $0xffff  }
0x44: {  	s23 =	simm.s32 $0x3020;
	v11 =	vld.idx.msk [tilespmem:v13+s14+$0x0], $0xffff  }
0x45: {  	s24 =	simm.s32 $0x4020;
	s25 =	simm.s32 $0x5020;
	s26 =	simm.s32 $0x0;
	v12 =	vld.idx.msk [tilespmem:v13+s15+$0x0], $0xffff  }
0x46: {  	s29 =	simm.s32 $0x0;
	s28 =	simm.s32 $0x0;
	s22 =	simm.s32 $0x6020;
	v13 =	vld.idx.msk [tilespmem:v13+s16+$0x0], $0xffff  }
.LBB2_5:
0x47: {  	v14 =	vld [tilespmem:s24+$0xFFFFFFE0]  }
0x48: {  	v15 =	vld [tilespmem:s25+$0xFFFFFFE0];
	_ =	sdelay $0x1  }
0x49: {  	v16 =	vld [tilespmem:s22+$0xFFFFFFE0];
	_ =	sdelay $0x2  }
0x4a: {  	v14 =	vmul.f32 v14, v11;
	v15 =	vmul.f32 v15, v12  }
0x4b: {  	v17 =	vld [tilespmem:s23+$0xFFFFFFE0]  }
0x4c: {  	v14 =	vadd.f32 v15, v14;
	v15 =	vmul.f32 v16, v13;
	_ =	sdelay $0x1  }
0x4d: {  	v14 =	vadd.f32 v15, v14;
	_ =	sdelay $0x1  }
0x4e: {  	v15 =	vadd.f32 v17, v10;
	v14 =	vadd.f32 v14, v14;
	_ =	sdelay $0x1  }
0x4f: {  	v14 =	vsub.f32 v15, v14;
	_ =	sdelay $0x1  }
0x50: {  	vm0 =	vlt.f32 v14, $9.000000350e-02;
	v14 =	vor.u32 s26, v0  }
0x51: {  	[tilespmem:s29+$0x7000] =	vst.msk vm0, v14;
	v14 =	vsel vm0, $0x1, v3  }
0x52: {  	(xrf0) =	vadd.scan.msk.s32 $0xffff, v14;
	v14 =	vld [tilespmem:s24+$0xFFFFFFF0]  }
0x53: {  	v15 =	vld [tilespmem:s25+$0xFFFFFFF0];
	_ =	sdelay $0x1  }
0x54: {  	v57 =	vld [tilespmem:s22+$0xFFFFFFF0];
	_ =	sdelay $0x2  }
0x55: {  	v14 =	vmul.f32 v14, v11;
	v15 =	vmul.f32 v15, v12;
	v58, _, _ =	vpop (xrf0)  }
0x56: {  	v59 =	vld [tilespmem:s23+$0xFFFFFFF0];
	(v2sf) =	vpush v58, $0xF  }
0x57: {  	v14 =	vadd.f32 v15, v14;
	v15 =	vmul.f32 v57, v13;
	_ =	sdelay $0x1  }
0x58: {  	v14 =	vadd.f32 v15, v14;
	_ =	sdelay $0x1  }
0x59: {  	v15 =	vadd.f32 v59, v10;
	v14 =	vadd.f32 v14, v14;
	_ =	sdelay $0x1  }
0x5a: {  	v14 =	vsub.f32 v15, v14;
	_ =	sdelay $0x1  }
0x5b: {  	vm13 =	vlt.f32 v14, $9.000000350e-02  }
0x5c: {  	v14 =	vsel vm13, $0x1, v3  }
0x5d: {  	(xrf0) =	vadd.scan.msk.s32 $0xffff, v14;
	_ =	sdelay $0x1  }
0x5e: {  	s31 =	sadd.s32 $0x10, s26  }
0x5f: {  	v14 =	vor.u32 s31, v0  }
0x60: {  	s30 =	spop (v2sf)  }
0x61: {  	s29 =	sadd.s32 s29, s30  }
0x62: {  	[tilespmem:s29+$0x7000] =	vst.msk vm13, v14;
	v14, _, _ =	vpop (xrf0)  }
0x63: {  	(v2sf) =	vpush v14, $0xF;
	v14 =	vld [tilespmem:s24+$0x0]  }
0x64: {  	v15 =	vld [tilespmem:s25+$0x0];
	_ =	sdelay $0x1  }
0x65: {  	v60 =	vld [tilespmem:s22+$0x0];
	_ =	sdelay $0x2  }
0x66: {  	v14 =	vmul.f32 v14, v11;
	v15 =	vmul.f32 v15, v12  }
0x67: {  	v61 =	vld [tilespmem:s23+$0x0]  }
0x68: {  	v14 =	vadd.f32 v15, v14;
	v15 =	vmul.f32 v60, v13;
	_ =	sdelay $0x1  }
0x69: {  	v14 =	vadd.f32 v15, v14;
	_ =	sdelay $0x1  }
0x6a: {  	v15 =	vadd.f32 v61, v10;
	v14 =	vadd.f32 v14, v14;
	_ =	sdelay $0x1  }
0x6b: {  	v14 =	vsub.f32 v15, v14  }
0x6c: {  	s31 =	sadd.s32 $0x20, s26;
	s30 =	spop (v2sf)  }
0x6d: {  	vm14 =	vlt.f32 v14, $9.000000350e-02;
	v14 =	vor.u32 s31, v0;
	s29 =	sadd.s32 s29, s30  }
0x6e: {  	[tilespmem:s29+$0x7000] =	vst.msk vm14, v14  }
0x6f: {  	v14 =	vld [tilespmem:s24+$0x10]  }
0x70: {  	v15 =	vld [tilespmem:s25+$0x10];
	_ =	sdelay $0x1  }
0x71: {  	v62 =	vld [tilespmem:s22+$0x10];
	_ =	sdelay $0x2  }
0x72: {  	v14 =	vmul.f32 v14, v11;
	v15 =	vmul.f32 v15, v12  }
0x73: {  	v63 =	vld [tilespmem:s23+$0x10]  }
0x74: {  	v14 =	vadd.f32 v15, v14;
	v15 =	vmul.f32 v62, v13;
	_ =	sdelay $0x1  }
0x75: {  	v14 =	vadd.f32 v15, v14;
	_ =	sdelay $0x1  }
0x76: {  	v15 =	vadd.f32 v63, v10;
	v14 =	vadd.f32 v14, v14;
	_ =	sdelay $0x1  }
0x77: {  	v14 =	vsub.f32 v15, v14;
	_ =	sdelay $0x1  }
0x78: {  	v15 =	vsel vm14, $0x1, v3;
	vm15 =	vlt.f32 v14, $9.000000350e-02  }
0x79: {  	(xrf0) =	vadd.scan.msk.s32 $0xffff, v15;
	v14 =	vsel vm15, $0x1, v3  }
0x7a: {  	(xrf0) =	vadd.scan.msk.s32 $0xffff, v14;
	_ =	sdelay $0x4  }
0x7b: {  	v14, _, _ =	vpop (xrf0)  }
0x7c: {  	(v2sf) =	vpush v14, $0xF;
	v14, _, _ =	vpop (xrf0)  }
0x7d: {  	(v2sf) =	vpush v14, $0xF;
	_ =	sdelay $0xd  }
0x7e: {  	s31 =	spop (v2sf)  }
0x7f: {  	s30 =	sadd.s32 s29, s31;
	s29 =	spop (v2sf)  }
0x80: {  	p0 =	sgt.u32 s28, $0xFB;
	s29 =	sadd.s32 s30, s29  }
0x81: {  	p1 =	slt.s32 @!p0 s29, $0x20  }
0x82: {  	p0 =	por p0, !p1  }
.Ltmp1:
0x83: {  	_ = 	snop;
	(pc) =	sbr.rel @!p0 .LBB2_5-.Ltmp1, $4  }
0x84: {  	_ = 	snop  }
0x85: {  	s31 =	sadd.s32 $0x30, s26  }
0x86: {  	s28 =	sadd.s32 $0x4, s28;
	s22 =	sadd.s32 $0x40, s22;
	s23 =	sadd.s32 $0x40, s23;
	v14 =	vor.u32 s31, v0  }
0x87: {  	s24 =	sadd.s32 $0x40, s24;
	s25 =	sadd.s32 $0x40, s25;
	s26 =	sadd.s32 $0x40, s26;
	[tilespmem:s30+$0x7000] =	vst.msk vm15, v14  }
0x88: {  	v10 =	vld [tilespmem:$0x7000];
	_ =	sdelay $0x4  }
0x89: {  	v11 =	vmov s29;
	v12 =	vbroadcast v10, $0x0  }
0x8a: {  	vm0 =	vgt.s32 v11, v0  }
0x8b: {  	v10 =	vsel vm0, v10, v12  }
0x8c: {  	s22 =	sshll.u32 s21, $0x5  }
0x8d: {  	v13 =	vmov s22  }
0x8e: {  	v13 =	vmul.u32 $0x3, v13;
	_ =	sdelay $0x1  }
0x8f: {  	v13 =	vbroadcast v13, $0x0;
	v14 =	vld.idx.msk [tilespmem:v10+s2+$0x0], $0xffff  }
0x90: {  	v15 =	vld.idx.msk [tilespmem:v10+s11+$0x0], $0xffff  }
0x91: {  	v17 =	vadd.s32 v1, v13;
	v16 =	vld.idx.msk [tilespmem:v10+s12+$0x0], $0xffff  }
0x92: {  	v18 =	vadd.s32 v4, v13  }
0x93: {  	v13 =	vadd.s32 v5, v13  }
0x94: {  	v14 =	vsub.f32 v14, v7  }
0x95: {  	v15 =	vsub.f32 v15, v8  }
0x96: {  	v59 =	vsub.f32 v16, v9;
	[tilespmem:v17+s17+$0x0] =	vst.idx.msk $0xffff, v14  }
0x97: {  	[tilespmem:v18+s17+$0x0] =	vst.idx.msk $0xffff, v15  }
0x98: {  	v10 =	vadd.s32 v2, v10;
	[tilespmem:v13+s17+$0x0] =	vst.idx.msk $0xffff, v59  }
0x99: {  	[tilespmem:s22+$0xD080] =	vst v10  }
0x9a: {  	v10 =	vld [tilespmem:$0x7010];
	_ =	sdelay $0x3  }
0x9b: {  	vm15 =	vgt.s32 v11, v6  }
0x9c: {  	v10 =	vsel vm15, v10, v12  }
0x9d: {  	s23 =	sor.u32 $0x10, s22  }
0x9e: {  	v60 =	vmov s23  }
0x9f: {  	v11 =	vmul.u32 $0x3, v60;
	_ =	sdelay $0x1  }
0xa0: {  	v11 =	vbroadcast v11, $0x0;
	v12 =	vld.idx.msk [tilespmem:v10+s2+$0x0], $0xffff  }
0xa1: {  	v13 =	vld.idx.msk [tilespmem:v10+s11+$0x0], $0xffff  }
0xa2: {  	v61 =	vadd.s32 v1, v11;
	v14 =	vld.idx.msk [tilespmem:v10+s12+$0x0], $0xffff  }
0xa3: {  	v62 =	vadd.s32 v4, v11  }
0xa4: {  	s21 =	sadd.s32 $0x1, s21;
	v11 =	vadd.s32 v5, v11  }
0xa5: {  	p0 =	sne.s32 s21, $0x100;
	v7 =	vsub.f32 v12, v7  }
.Ltmp2:
0xa6: {  	v8 =	vsub.f32 v13, v8;
	(pc) =	sbr.rel @p0 .LBB2_4-.Ltmp2, $4  }
0xa7: {  	v63 =	vsub.f32 v14, v9;
	[tilespmem:v61+s17+$0x0] =	vst.idx.msk $0xffff, v7  }
0xa8: {  	[tilespmem:v62+s17+$0x0] =	vst.idx.msk $0xffff, v8  }
0xa9: {  	v7 =	vadd.s32 v2, v10;
	[tilespmem:v11+s17+$0x0] =	vst.idx.msk $0xffff, v63  }
0xaa: {  	[tilespmem:s22+$0xD090] =	vst v7  }
0xab: {  	[hbm4b:s7+s2] =	stream.linear.scatter [tilespmem:s17], [sflag:$0x1], $0x6000, $0x38;
	[tilespmem:$0xF080] =	vst v63  }
0xac: {  	s19 =	sadd.s32 $0x1, s19;
	_ =	swait.ge [sflag:s10], $0x6000  }
0xad: {  	p0 =	sne.s32 s19, s9;
	[sflag:s10] =	ssyncset.done $0x0  }
.Ltmp3:
0xae: {  	[sflag:s10] =	ssyncadd.s32 $0xFFFFA000;
	(pc) =	sbr.rel @p0 .LBB2_1-.Ltmp3, $4  }
0xaf: {  	[hbm4b:s8+s2] =	stream.linear.scatter [tilespmem:s18], [sflag:$0x1], $0x2000, $0x38;
	[tilespmem:$0xF080] =	vst v63  }
0xb0: {  	_ =	swait.ge [sflag:s10], $0x2000  }
0xb1: {  	[sflag:s10] =	ssyncset.done $0x0  }
0xb2: {  	[sflag:s10] =	ssyncadd.s32 $0xFFFFE000  }
0xb3: {  	_ =	sfence.sel $0x180000  }
0xb4: {  	[bflag:$0x0] =	sbarrier.arrive $0xFFFF  }
0xb5: {  	p0 =	sne.s32 s1, $0x0;
	_ =	strace $0x90000047  }
0xb6: {  	s0 =	sadd.s32 @!p0 $0x100000, s0;
	[bflag:$0x2] =	sbarrier.arrive $0xFFFF  }
0xb7: {  	[sflag:s0] =	ssyncadd.tile.s32 @!p0 $0x1;
	_ =	shalt  }
.Lfunc_end2:
_tile_overlayer_lowered:
.L_overlay_start_2:
0xb8: {  	(tag) =	ssettag $0x2  }
0xb9: {  	s0 =	rddreg [dreg:$0x0];
	s2 =	stileid.u32  }
0xba: {  	s1 =	rddreg [dreg:$0x1];
	p0 =	sne.s32 s2, $0x0  }
0xbb: {  	s3 =	rddreg [dreg:$0x2];
	[bflag:$0x3] =	sbarrier.arrive $0xFFFF;
	s2 =	simm.s32 @!p0 $0x1C01  }
0xbc: {  	[timem:s3], [sflag:s2] =	dma.local @!p0 [hbm:s0], s1  }
0xbd: {  	s0 =	simm.s32 @!p0 $0x1  }
0xbe: {  	_ =	swait.ge @!p0 [sflag:s0], s1  }
0xbf: {  	s1 =	ssub.s32 @!p0 $0x0, s1;
	[sflag:s0] =	ssyncset.done @!p0 $0x0  }
0xc0: {  	[sflag:s0] =	ssyncadd.s32 @!p0 s1  }
0xc1: {  	[bflag:$0x3] =	sbarrier.arrive $0xFFFF  }
0xc2: {  	_ =	shalt  }

// kernel: kernel.20.cloned.1.call-start
scs
__scs_entry_jumppad:
0x0: {  	(pc) =	sbr.rel $0x88, $3  }
0x1: {  	(tag) =	ssettag $0x0;
	lr =	simm.s32 $0x1  }
0x2: {  	[smem:$0x3F7B] =	sst lr;
	_ =	strace $0xD0000000  }
0x3: {  	_ = 	snop  }
0x4: {  	_ = 	snop  }
0x5: {  	_ = 	snop  }
0x6: {  	_ = 	snop  }
0x7: {  	_ = 	snop  }
__scs_overlays_trampoline_lowered:
0x8: {  	[smem:$0x3F8A] =	sst s0  }
0x9: {  	[smem:$0x3F8B] =	sst s1  }
0xa: {  	[smem:$0x3F8C] =	sst s2  }
0xb: {  	[smem:$0x3F8D] =	sst s3  }
0xc: {  	[smem:$0x3F8E] =	sst s4  }
0xd: {  	[smem:$0x3F8F] =	sst s5  }
0xe: {  	[smem:$0x3F90] =	sst s6  }
0xf: {  	[smem:$0x3F91] =	sst s7  }
0x10: {  	[smem:$0x3F92] =	sst s8  }
0x11: {  	[smem:$0x3F93] =	sst s9;
	s0 =	simm.s32 @!p0 $0x0  }
0x12: {  	s1 =	sld [smem:$0x3F79];
	s0 =	simm.s32 @p0 $0x1  }
0x13: {  	[smem:$0x3F94] =	sst s0;
	s0 =	simm.s32 @!p1 $0x0  }
0x14: {  	s2 =	sld [smem:$0x3F78];
	s0 =	simm.s32 @p1 $0x1  }
0x15: {  	[smem:$0x3F95] =	sst s0;
	s0 =	simm.s32 @!p2 $0x0  }
0x16: {  	s3 =	sld [smem:$0x3FDB];
	s0 =	simm.s32 @p2 $0x1  }
0x17: {  	s4 =	simm.s32 $0x1BF5;
	[smem:$0x3F97] =	sst s0  }
0x18: {  	s0 =	sld [smem:$0x3F7A];
	_ =	swait.ge [sflag:s4], $0x0  }
0x19: {  	s7 =	sld [smem:$0x3F7B]  }
0x1a: {  	s8 =	sadd.s32 $0xFFFFE003, lr  }
0x1b: {  	s9 =	sadd.s32 $0xFFFFFEF7, lr;
	s5 =	simm.s32 $0xFFFFFFFF;
	p2 =	slt.u32 s8, $0xFFFFF086  }
0x1c: {  	p1 =	slt.u32 s9, $0xF7A;
	s5 =	simm.s32 @!p2 $0x0  }
0x1d: {  	s5 =	simm.s32 @p1 $0x1;
	p0 =	seq.s32 s7, s2  }
0x1e: {  	s7 =	smul.u32 @!p0 $0xF7A, s2;
	p2 =	seq.s32 @!p0 s5, $0x0  }
0x1f: {  	s9 =	smul.u32 $0xF7A, s1;
	s8 =	simm.s32 @!p0 $0x1BF5;
	p2 =	por !p2, p0  }
0x20: {  	[sflag:s8] =	ssyncset.s32 @!p0 $0xFFFFF086;
	s6 =	sadd.s32 @!p0 s3, s7;
	s7 =	simm.s32 @!p0 $0x108  }
0x21: {  	s3 =	sadd.s32 s3, s9;
	s6 =	sadd.s32 @!p0 $0x88, s6;
	s7 =	simm.s32 @p2 $0x1082  }
0x22: {  	[simem:s7], [sflag:s8] =	dma.local @!p0 [hbm:s6], $0xF7A  }
0x23: {  	s9 =	sor.u32 $0xD0000000, s2;
	s6 =	simm.s32 $0x108;
	_ =	swait.ge @!p0 [sflag:s8], $0x0  }
0x24: {  	s3 =	sadd.s32 $0x88, s3;
	s6 =	simm.s32 @!p1 $0x1082;
	[sflag:s4] =	ssyncset.s32 $0xFFFFF086  }
0x25: {  	[simem:s6], [sflag:s4] =	dma.local [hbm:s3], $0xF7A  }
0x26: {  	[smem:$0x3F7B] =	sst s1;
	(tag) =	ssettag s2;
	_ =	strace s9  }
0x27: {  	s1 =	sld [smem:$0x3F8B]  }
0x28: {  	s2 =	sld [smem:$0x3F8C]  }
0x29: {  	s4 =	sld [smem:$0x3F8E]  }
0x2a: {  	p0 =	seq.s32 s5, $0x0;
	s5 =	sld [smem:$0x3F8F]  }
0x2b: {  	s6 =	sld [smem:$0x3F90]  }
0x2c: {  	s7 =	sld [smem:$0x3F91]  }
0x2d: {  	s3 =	simm.s32 $0x108;
	s8 =	sld [smem:$0x3F92]  }
0x2e: {  	s3 =	simm.s32 @!p0 $0x1082;
	s9 =	sld [smem:$0x3F93]  }
0x2f: {  	lr =	sadd.s32 s0, s3;
	s0 =	sld [smem:$0x3F8A]  }
0x30: {  	s3 =	sld [smem:$0x3F8D]  }
0x31: {  	[smem:$0x3F96] =	sst s10  }
0x32: {  	s10 =	sld [smem:$0x3F94];
	_ =	sdelay $0x3  }
0x33: {  	p0 =	seq.s32 s10, $0x1;
	s10 =	sld [smem:$0x3F96];
	_ =	sdelay $0x3  }
0x34: {  	[smem:$0x3F96] =	sst s10  }
0x35: {  	s10 =	sld [smem:$0x3F95];
	_ =	sdelay $0x3  }
0x36: {  	p1 =	seq.s32 s10, $0x1;
	s10 =	sld [smem:$0x3F96];
	_ =	sdelay $0x3  }
0x37: {  	[smem:$0x3F96] =	sst s10  }
0x38: {  	s10 =	sld [smem:$0x3F97]  }
0x39: {  	_ = 	snop;
	(pc) =	sbr.ind lr, $3  }
0x3a: {  	_ = 	snop  }
0x3b: {  	_ = 	snop  }
0x3c: {  	p2 =	seq.s32 s10, $0x1;
	s10 =	sld [smem:$0x3F96]  }
0x3d: {  	_ =	shalt  }
0x3e: {  	_ =	shalt  }
0x3f: {  	_ =	shalt  }
0x40: {  	_ =	shalt  }
0x41: {  	_ =	shalt  }
0x42: {  	_ =	shalt  }
0x43: {  	_ =	shalt  }
0x44: {  	_ =	shalt  }
0x45: {  	_ =	shalt  }
0x46: {  	_ =	shalt  }
0x47: {  	_ =	shalt  }
0x48: {  	_ =	shalt  }
0x49: {  	_ =	shalt  }
0x4a: {  	_ =	shalt  }
0x4b: {  	_ =	shalt  }
0x4c: {  	_ =	shalt  }
0x4d: {  	_ =	shalt  }
0x4e: {  	_ =	shalt  }
0x4f: {  	_ =	shalt  }
0x50: {  	_ =	shalt  }
0x51: {  	_ =	shalt  }
0x52: {  	_ =	shalt  }
0x53: {  	_ =	shalt  }
0x54: {  	_ =	shalt  }
0x55: {  	_ =	shalt  }
0x56: {  	_ =	shalt  }
0x57: {  	_ =	shalt  }
0x58: {  	_ =	shalt  }
0x59: {  	_ =	shalt  }
0x5a: {  	_ =	shalt  }
0x5b: {  	_ =	shalt  }
0x5c: {  	_ =	shalt  }
0x5d: {  	_ =	shalt  }
0x5e: {  	_ =	shalt  }
0x5f: {  	_ =	shalt  }
0x60: {  	_ =	shalt  }
0x61: {  	_ =	shalt  }
0x62: {  	_ =	shalt  }
0x63: {  	_ =	shalt  }
0x64: {  	_ =	shalt  }
0x65: {  	_ =	shalt  }
0x66: {  	_ =	shalt  }
0x67: {  	_ =	shalt  }
0x68: {  	_ =	shalt  }
0x69: {  	_ =	shalt  }
0x6a: {  	_ =	shalt  }
0x6b: {  	_ =	shalt  }
0x6c: {  	_ =	shalt  }
0x6d: {  	_ =	shalt  }
0x6e: {  	_ =	shalt  }
0x6f: {  	_ =	shalt  }
0x70: {  	_ =	shalt  }
0x71: {  	_ =	shalt  }
0x72: {  	_ =	shalt  }
0x73: {  	_ =	shalt  }
0x74: {  	_ =	shalt  }
0x75: {  	_ =	shalt  }
0x76: {  	_ =	shalt  }
0x77: {  	_ =	shalt  }
0x78: {  	_ =	shalt  }
0x79: {  	_ =	shalt  }
0x7a: {  	_ =	shalt  }
0x7b: {  	_ =	shalt  }
0x7c: {  	_ =	shalt  }
0x7d: {  	_ =	shalt  }
0x7e: {  	_ =	shalt  }
0x7f: {  	_ =	shalt  }
0x80: {  	_ =	shalt  }
0x81: {  	_ =	shalt  }
0x82: {  	_ =	shalt  }
0x83: {  	_ =	shalt  }
0x84: {  	_ =	shalt  }
0x85: {  	_ =	shalt  }
0x86: {  	_ =	shalt  }
0x87: {  	_ =	shalt  }
.Lfunc_end0:
.L_simem_size_0:
called_computation.1_lowered:
.L_overlay_start_0:
0x88: {  	s2 =	sld [smem:$0x3FD9]  }
0x89: {  	s3 =	sld [smem:$0x3FFE];
	_ =	sdelay $0x1  }
0x8a: {  	s1 =	srdreg.scid  }
0x8b: {  	s0 =	sand.u32 $0x1, s1  }
0x8c: {  	s17 =	sshll.u32 s0, $0xA;
	s2 =	sadd.s32 s3, s2  }
0x8d: {  	s2 =	sadd.s32 s2, s17  }
0x8e: {  	[smem:$0x3FA2] =	sst s2  }
0x8f: {  	_ = 	snop  }
0x90: {  	(tm) =	ssettm $0x1  }
0x91: {  	s18 =	sld [smem:$0x3FFB];
	_ =	sdelay $0x3  }
0x92: {  	_ =	strace s18  }
0x93: {  	s2 =	sld [smem:$0x3FFC];
	_ =	sdelay $0x3  }
0x94: {  	_ =	strace s2  }
0x95: {  	s2 =	sld [smem:$0x3FFD];
	_ =	sdelay $0x3  }
0x96: {  	_ =	strace s2  }
0x97: {  	_ =	strace $0x8FFFFFFF  }
0x98: {  	s19 =	sld [smem:$0x3FDB];
	_ =	sdelay $0x1  }
0x99: {  	s20 =	simm.s32 $_scs_section_size  }
0x9a: {  	s4 =	simm.s32 $_size__tile_overlayer_lowered;
	s5 =	simm.s32 $_tile_overlayer_lowered  }
0x9b: {  	s6 =	simm.s32 $0x1BFF;
	s21 =	sshll.u32 s5, $0x1;
	s3 =	sadd.s32 s20, s19  }
0x9c: {  	s22 =	simm.s32 $0x0;
	s4 =	sshll.u32 s4, $0x1;
	s5 =	sadd.s32 s21, s3  }
0x9d: {  	[timem:s22], [sflag:s6] =	dma.local [hbm:s5], s4  }
0x9e: {  	_ =	swait.ge [sflag:s6], s4  }
0x9f: {  	s4 =	ssub.s32 $0x0, s4;
	[sflag:s6] =	ssyncset.done $0x0  }
0xa0: {  	[sflag:s6] =	ssyncadd.s32 s4;
	_ =	sdelay $0x1  }
0xa1: {  	s23 =	simm.s32 $0x1B8B  }
0xa2: {  	_ =	swait.ge [sflag:s23], $0x1  }
0xa3: {  	[sflag:s23] =	ssyncset.done $0x0  }
0xa4: {  	[sflag:s23] =	ssyncadd.s32 $0xFFFFFFFF  }
0xa5: {  	s4 =	sld [smem:$0x0]  }
0xa6: {  	s5 =	sand.u32 $0xFFFFFFFE, s1  }
0xa7: {  	p0 =	sne.s32 s1, s5  }
0xa8: {  	s5 =	sshll.u32 @p0 s5, $0xE  }
0xa9: {  	s5 =	sadd.s32 @p0 $0x11B8D, s5;
	s6 =	sshll.u32 @p0 s4, $0x11  }
0xaa: {  	s5 =	sor.u32 @p0 s6, s5  }
0xab: {  	[sflag:s5] =	ssyncadd.remote.s32 @p0 $0x1;
	_ =	sdelay $0x1  }
0xac: {  	s5 =	simm.s32 @p0 $0x1B8D  }
0xad: {  	_ =	swait.eq @p0 [sflag:s5], $0x1  }
0xae: {  	[sflag:s5] =	ssyncadd.s32 @p0 $0xFFFFFFFF  }
0xaf: {  	s6 =	sshll.u32 @!p0 s1, $0xE  }
0xb0: {  	s6 =	sor.u32 @!p0 $0x4000, s6;
	s5 =	simm.s32 @!p0 $0x1B8D  }
0xb1: {  	s4 =	sshll.u32 @!p0 s4, $0x11;
	s6 =	sadd.s32 @!p0 $0x11B8D, s6;
	_ =	swait.eq @!p0 [sflag:s5], $0x1  }
0xb2: {  	s4 =	sor.u32 @!p0 s4, s6;
	[sflag:s5] =	ssyncadd.s32 @!p0 $0xFFFFFFFF  }
0xb3: {  	s25 =	simm.s32 $0x1B8E;
	s24 =	sld [smem:$0x3FFE];
	[sflag:s4] =	ssyncadd.remote.s32 @!p0 $0x1  }
0xb4: {  	s26 =	simm.s32 $execute0_lowered;
	[smem:$0x3FD2] =	sst s25  }
0xb5: {  	s5 =	sshll.u32 s26, $0x1;
	_ =	strace $0x80000049;
	[dreg:$0x1] =	wrdreg $0xFFFFFFFF  }
0xb6: {  	s28 =	simm.s32 $_size_execute0_lowered;
	s3 =	sadd.s32 s3, s5;
	[dreg:$0x0] =	wrdreg $0x0  }
0xb7: {  	s5 =	sshll.u32 s28, $0x1;
	[dreg:$0x2] =	wrdreg s3  }
0xb8: {  	[dreg:$0x3] =	wrdreg s5  }
0xb9: {  	[dreg:$0x4] =	wrdreg $0xC0  }
0xba: {  	_ =	task [dreg:s22], $0x5FFFF  }
0xbb: {  	[dreg:$0x1] =	wrdreg $0xFFFFFFFF  }
0xbc: {  	[dreg:$0x0] =	wrdreg $0x60  }
0xbd: {  	[dreg:$0x2] =	wrdreg s24  }
0xbe: {  	[dreg:$0x3] =	wrdreg $0xA  }
0xbf: {  	_ =	task.clear_ibuf [dreg:s22], $0x4FFFF;
	_ =	strace $0x90000049  }
0xc0: {  	s29 =	simm.s32 $0xA;
	_ =	strace $0x8000004B  }
0xc1: {  	_ =	swait.ge [sflag:s29], $0x1  }
0xc2: {  	[sflag:s29] =	ssyncadd.s32 $0xFFFFFFFF  }
0xc3: {  	_ =	strace $0x9000004B  }
0xc4: {  	_ =	sfence  }
0xc5: {  	s30 =	sld [smem:$0x0];
	_ =	sdelay $0x2  }
0xc6: {  	s31 =	sshll.u32 s1, $0xD;
	s1 =	sshrl.u32 s1, $0x2  }
0xc7: {  	s4 =	sand.u32 $0x4000, s31;
	s1 =	sadd.s32 s1, s30  }
0xc8: {  	s0 =	sor.u32 s4, s0;
	s1 =	sshll.u32 s1, $0x11  }
0xc9: {  	s0 =	sor.u32 s1, s0  }
0xca: {  	s0 =	sadd.s32 $0x8F2B, s0  }
0xcb: {  	[sflag:s0] =	ssyncadd.remote.s32 $0x1  }
0xcc: {  	_ =	sfence.sel $0xFFFF  }
0xcd: {  	[dreg:$0x0] =	wrdreg $0xFFFFFFFF;
	(pc) =	sbr.abs _section_cstart, $3  }
0xce: {  	[dreg:$0x1] =	wrdreg $0xFFFFFFFF  }
0xcf: {  	_ =	task.clear_ibuf [dreg:s22], $0x2FFFF;
	_ =	strace $0x9FFFFFFF  }
0xd0: {  	(tm) =	ssettm $0x7FFFFFFF  }
0xd1: {  	_ =	shalt  }
tec
execute0_lowered:
.L_overlay_start_1:
0x0: {  	(tag) =	ssettag $0x1  }
0x1: {  	s3 =	rddreg [dreg:$0x0]  }
0x2: {  	s0 =	rddreg [dreg:$0x1];
	s2 =	simm.s32 $0x0;
	s4 =	srdreg.scid  }
0x3: {  	s1 =	stileid.u32;
	s13 =	simm.s32 $0xC00;
	s15 =	simm.s32 $0x1400  }
0x4: {  	s16 =	simm.s32 $0x1800;
	s17 =	simm.s32 $0x1C80;
	s18 =	simm.s32 $0x3480  }
0x5: {  	s19 =	simm.s32 $0x0;
	[smem:$0x7FF] =	sst s2;
	s4 =	sand.u32 $0x1, s4  }
0x6: {  	s5 =	sshll.u32 s1, $0x1;
	s6 =	sadd.s32 $0x28600, s3;
	s8 =	sshrl.u32 s1, $0x1  }
0x7: {  	_ =	strace $0x8000004A;
	s5 =	sor.u32 s4, s5;
	s10 =	smul.u32 $0xC00, s8  }
0x8: {  	s4 =	ssub.s32 $0x2, s4;
	s29 =	smul.u32 $0x180, s8;
	s31 =	sshll.u32 s8, $0x8  }
0x9: {  	s14 =	sshll.u32 s8, $0xA;
	s7 =	smul.u32 $0x300, s5;
	s9 =	sshll.u32 s5, $0x8  }
0xa: {  	s28 =	sshrl.u32 s4, $0x1;
	s5 =	sshll.u32 s5, $0x6;
	v2 =	vmov s14;
	s14 =	simm.s32 $0x1000  }
0xb: {  	s9 =	sadd.s32 s9, s3;
	s11 =	ssub.s32 s4, s28;
	s30 =	sshrl.u32 s10, $0x3  }
0xc: {  	v0 =	vlaneseq.u32;
	s4 =	sadd.s32 s6, s29;
	s10 =	simm.s32 $0x1;
	s7 =	sadd.s32 s7, s3  }
0xd: {  	v1 =	vmul.u32 $0x3, v0;
	s12 =	sadd.s32 s6, s30;
	s3 =	ssub.s32 s5, s31;
	s8 =	sadd.s32 $0x2F200, s9  }
0xe: {  	v3 =	vimm.s32 $0x0;
	s9 =	smax.u32 s11, $0x1;
	s11 =	simm.s32 $0x400;
	s5 =	sadd.s32 $0x80, s12  }
0xf: {  	v6 =	vor.u32 $0x10, v0;
	v4 =	vadd.s32 $0x1, v1;
	v5 =	vadd.s32 $0x2, v1;
	s6 =	sadd.s32 $0x100, s12;
	s7 =	sadd.s32 $0x29200, s7;
	s12 =	simm.s32 $0x800  }
.LBB2_1:
0x10: {  	[tilespmem:s2], [sflag:$0x1] =	stream.linear.gather [hbm4b:s4+s2], $0x400, $0x38;
	[tilespmem:$0x3C80] =	vst v63  }
0x11: {  	_ =	swait.ge [sflag:s10], $0x400  }
0x12: {  	[sflag:s10] =	ssyncset.done $0x0  }
0x13: {  	[sflag:s10] =	ssyncadd.s32 $0xFFFFFC00  }
0x14: {  	[tilespmem:s11], [sflag:$0x1] =	stream.linear.gather [hbm4b:s5+s2], $0x400, $0x38;
	[tilespmem:$0x3C80] =	vst v63  }
0x15: {  	_ =	swait.ge [sflag:s10], $0x400  }
0x16: {  	[sflag:s10] =	ssyncset.done $0x0  }
0x17: {  	[sflag:s10] =	ssyncadd.s32 $0xFFFFFC00  }
0x18: {  	[tilespmem:s12], [sflag:$0x1] =	stream.linear.gather [hbm4b:s6+s2], $0x400, $0x38;
	[tilespmem:$0x3C80] =	vst v63  }
0x19: {  	_ =	swait.ge [sflag:s10], $0x400  }
0x1a: {  	[sflag:s10] =	ssyncset.done $0x0  }
0x1b: {  	s21 =	simm.s32 $0x0;
	[sflag:s10] =	ssyncadd.s32 $0xFFFFFC00  }
0x1c: {  	v7 =	vld [tilespmem:s21+$0x0]  }
0x1d: {  	v8 =	vld [tilespmem:s21+$0x400]  }
0x1e: {  	v11 =	vld [tilespmem:s21+$0x800];
	_ =	sdelay $0x3  }
0x1f: {  	s20 =	simm.s32 $0x10;
	v10 =	vmul.f32 v7, v7;
	v12 =	vmul.f32 v8, v8;
	v13 =	vshrl.u32 v7, $0x10  }
0x20: {  	v9 =	vld [tilespmem:s20+$0x0];
	v14 =	vshrl.u32 v8, $0x10;
	v15 =	vmul.f32 v11, v11;
	v16 =	vshrl.u32 v11, $0x10  }
0x21: {  	v13 =	vand.u32 $0x1, v13;
	v14 =	vand.u32 $0x1, v14;
	v12 =	vadd.f32 v12, v10;
	v10 =	vld [tilespmem:s20+$0x400]  }
0x22: {  	v13 =	vadd.s32 v13, v7;
	v8 =	vadd.s32 v14, v8;
	v14 =	vand.u32 $0x1, v16  }
0x23: {  	v7 =	vld [tilespmem:s20+$0x800];
	v13 =	vadd.s32 $0x7FFF, v13;
	v11 =	vadd.s32 v14, v11  }
0x24: {  	v8 =	vadd.s32 $0x7FFF, v8;
	v12 =	vadd.f32 v15, v12;
	v13 =	vand.u32 $0xFFFF0000, v13  }
0x25: {  	v14 =	vshrl.u32 v9, $0x10;
	v11 =	vadd.s32 $0x7FFF, v11;
	v16 =	vand.u32 $0xFFFF0000, v8;
	[tilespmem:s21+$0x1000] =	vst v13  }
0x26: {  	s22 =	simm.s32 $0x20;
	[tilespmem:s21+$0xC00] =	vst v12;
	v12 =	vmul.f32 v9, v9;
	v13 =	vshrl.u32 v10, $0x10;
	v15 =	vmul.f32 v10, v10  }
0x27: {  	s23 =	simm.s32 $0xC0;
	v14 =	vand.u32 $0x1, v14;
	v11 =	vand.u32 $0xFFFF0000, v11;
	v8 =	vld [tilespmem:s22+$0x0];
	[tilespmem:s21+$0x1400] =	vst v16;
	v13 =	vand.u32 $0x1, v13  }
.LBB2_2:
0x28: {  	p0 =	sne.s32 s23, $0xFC0;
	v16 =	vld [tilespmem:s22+$0x400];
	v12 =	vadd.f32 v15, v12;
	v15 =	vmul.f32 v7, v7;
	v17 =	vshrl.u32 v7, $0x10;
	[tilespmem:s21+$0x1800] =	vst v11;
	s21 =	smov.u32 s20;
	s20 =	smov.u32 s22  }
0x29: {  	v9 =	vadd.s32 v14, v9;
	v10 =	vadd.s32 v13, v10;
	v11 =	vand.u32 $0x1, v17  }
.Ltmp0:
0x2a: {  	v18 =	vadd.s32 $0x7FFF, v9;
	v12 =	vadd.f32 v15, v12;
	v11 =	vadd.s32 v11, v7;
	v7 =	vld [tilespmem:s20+$0x800];
	(pc) =	sbr.rel @p0 .LBB2_2-.Ltmp0, $4  }
0x2b: {  	v13 =	vand.u32 $0xFFFF0000, v18;
	v15 =	vadd.s32 $0x7FFF, v10;
	v19 =	vadd.s32 $0x7FFF, v11  }
0x2c: {  	v17 =	vand.u32 $0xFFFF0000, v15;
	v14 =	vshrl.u32 v8, $0x10;
	[tilespmem:s21+$0xC00] =	vst v12;
	v11 =	vand.u32 $0xFFFF0000, v19;
	v9 =	vmovc v8  }
0x2d: {  	s22 =	sshra.s32 s23, $0x2;
	v12 =	vmul.f32 v8, v9;
	v15 =	vmul.f32 v16, v16;
	v18 =	vshrl.u32 v16, $0x10;
	[tilespmem:s21+$0x1000] =	vst v13;
	v10 =	vmovc v16  }
0x2e: {  	s23 =	sadd.s32 $0x40, s23;
	v14 =	vand.u32 $0x1, v14;
	v8 =	vld [tilespmem:s22+$0x0];
	v13 =	vand.u32 $0x1, v18;
	[tilespmem:s21+$0x1400] =	vst v17  }
0x2f: {  	v16 =	vld [tilespmem:s22+$0x400];
	v12 =	vadd.f32 v15, v12;
	[tilespmem:s21+$0x1800] =	vst v11;
	v51 =	vmul.f32 v7, v7  }
0x30: {  	v52 =	vshrl.u32 v7, $0x10;
	v9 =	vadd.s32 v14, v9;
	v10 =	vadd.s32 v13, v10;
	v53 =	vld [tilespmem:s22+$0x800]  }
0x31: {  	v54 =	vand.u32 $0x1, v52;
	v9 =	vadd.s32 $0x7FFF, v9;
	v10 =	vadd.s32 $0x7FFF, v10  }
0x32: {  	v11 =	vadd.f32 v51, v12;
	v7 =	vadd.s32 v54, v7;
	v9 =	vand.u32 $0xFFFF0000, v9  }
0x33: {  	v10 =	vand.u32 $0xFFFF0000, v10;
	v7 =	vadd.s32 $0x7FFF, v7;
	v55 =	vmul.f32 v8, v8  }
0x34: {  	v57 =	vshrl.u32 v8, $0x10;
	v7 =	vand.u32 $0xFFFF0000, v7;
	v56 =	vmul.f32 v16, v16  }
0x35: {  	[tilespmem:s20+$0x1000] =	vst v9;
	v58 =	vshrl.u32 v16, $0x10;
	v60 =	vand.u32 $0x1, v57;
	v59 =	vmul.f32 v53, v53  }
0x36: {  	[tilespmem:s20+$0xC00] =	vst v11;
	v11 =	vand.u32 $0x1, v58;
	v61 =	vshrl.u32 v53, $0x10;
	v8 =	vadd.s32 v60, v8  }
0x37: {  	[tilespmem:s20+$0x1800] =	vst v7;
	v12 =	vadd.f32 v56, v55;
	v7 =	vadd.s32 v11, v16;
	v8 =	vadd.s32 $0x7FFF, v8  }
0x38: {  	[tilespmem:s20+$0x1400] =	vst v10;
	v10 =	vand.u32 $0x1, v61;
	v8 =	vand.u32 $0xFFFF0000, v8;
	v7 =	vadd.s32 $0x7FFF, v7  }
0x39: {  	v10 =	vadd.s32 v10, v53;
	v62 =	vadd.f32 v59, v12;
	v7 =	vand.u32 $0xFFFF0000, v7;
	[tilespmem:s22+$0x1000] =	vst v8  }
0x3a: {  	v63 =	vadd.s32 $0x7FFF, v10;
	[tilespmem:s22+$0x1400] =	vst v7  }
0x3b: {  	v8 =	vand.u32 $0xFFFF0000, v63;
	[tilespmem:s22+$0xC00] =	vst v62  }
0x3c: {  	s21 =	simm.s32 $0x0;
	s20 =	simm.s32 $0x0;
	[tilespmem:s22+$0x1800] =	vst v8  }
.LBB2_4:
0x3d: {  	s22 =	sadd.s32 s3, s21  }
0x3e: {  	v13 =	vmov s22;
	_ =	sdelay $0x4  }
0x3f: {  	v7 =	vld.idx.msk [tilespmem:v13+s20+$0x0], $0xffff  }
0x40: {  	v8 =	vld.idx.msk [tilespmem:v13+s11+$0x0], $0xffff  }
0x41: {  	v9 =	vld.idx.msk [tilespmem:v13+s12+$0x0], $0xffff  }
0x42: {  	v10 =	vld.idx.msk [tilespmem:v13+s13+$0x0], $0xffff  }
0x43: {  	s23 =	simm.s32 $0xC20;
	v11 =	vld.idx.msk [tilespmem:v13+s14+$0x0], $0xffff  }
0x44: {  	s24 =	simm.s32 $0x1020;
	s25 =	simm.s32 $0x1420;
	s26 =	simm.s32 $0x0;
	v12 =	vld.idx.msk [tilespmem:v13+s15+$0x0], $0xffff  }
0x45: {  	s29 =	simm.s32 $0x0;
	s28 =	simm.s32 $0x0;
	s22 =	simm.s32 $0x1820;
	v13 =	vld.idx.msk [tilespmem:v13+s16+$0x0], $0xffff  }
.LBB2_5:
0x46: {  	v14 =	vld [tilespmem:s24+$0xFFFFFFE0]  }
0x47: {  	v15 =	vld [tilespmem:s25+$0xFFFFFFE0];
	_ =	sdelay $0x1  }
0x48: {  	v16 =	vld [tilespmem:s22+$0xFFFFFFE0];
	_ =	sdelay $0x2  }
0x49: {  	v14 =	vmul.f32 v14, v11;
	v15 =	vmul.f32 v15, v12  }
0x4a: {  	v17 =	vld [tilespmem:s23+$0xFFFFFFE0]  }
0x4b: {  	v14 =	vadd.f32 v15, v14;
	v15 =	vmul.f32 v16, v13;
	_ =	sdelay $0x1  }
0x4c: {  	v14 =	vadd.f32 v15, v14;
	_ =	sdelay $0x1  }
0x4d: {  	v15 =	vadd.f32 v17, v10;
	v14 =	vadd.f32 v14, v14;
	_ =	sdelay $0x1  }
0x4e: {  	v14 =	vsub.f32 v15, v14;
	_ =	sdelay $0x1  }
0x4f: {  	vm0 =	vlt.f32 v14, $2.500000000e-01;
	v14 =	vor.u32 s26, v0  }
0x50: {  	[tilespmem:s29+$0x1C00] =	vst.msk vm0, v14;
	v14 =	vsel vm0, $0x1, v3  }
0x51: {  	(xrf0) =	vadd.scan.msk.s32 $0xffff, v14;
	v14 =	vld [tilespmem:s24+$0xFFFFFFF0]  }
0x52: {  	v15 =	vld [tilespmem:s25+$0xFFFFFFF0];
	_ =	sdelay $0x1  }
0x53: {  	v57 =	vld [tilespmem:s22+$0xFFFFFFF0];
	_ =	sdelay $0x2  }
0x54: {  	v14 =	vmul.f32 v14, v11;
	v15 =	vmul.f32 v15, v12;
	v58, _, _ =	vpop (xrf0)  }
0x55: {  	v59 =	vld [tilespmem:s23+$0xFFFFFFF0];
	(v2sf) =	vpush v58, $0xF  }
0x56: {  	v14 =	vadd.f32 v15, v14;
	v15 =	vmul.f32 v57, v13;
	_ =	sdelay $0x1  }
0x57: {  	v14 =	vadd.f32 v15, v14;
	_ =	sdelay $0x1  }
0x58: {  	v15 =	vadd.f32 v59, v10;
	v14 =	vadd.f32 v14, v14;
	_ =	sdelay $0x1  }
0x59: {  	v14 =	vsub.f32 v15, v14;
	_ =	sdelay $0x1  }
0x5a: {  	vm13 =	vlt.f32 v14, $2.500000000e-01  }
0x5b: {  	v14 =	vsel vm13, $0x1, v3  }
0x5c: {  	(xrf0) =	vadd.scan.msk.s32 $0xffff, v14;
	_ =	sdelay $0x1  }
0x5d: {  	s31 =	sadd.s32 $0x10, s26  }
0x5e: {  	v14 =	vor.u32 s31, v0  }
0x5f: {  	s30 =	spop (v2sf)  }
0x60: {  	s29 =	sadd.s32 s29, s30  }
0x61: {  	[tilespmem:s29+$0x1C00] =	vst.msk vm13, v14;
	v14, _, _ =	vpop (xrf0)  }
0x62: {  	(v2sf) =	vpush v14, $0xF;
	v14 =	vld [tilespmem:s24+$0x0]  }
0x63: {  	v15 =	vld [tilespmem:s25+$0x0];
	_ =	sdelay $0x1  }
0x64: {  	v60 =	vld [tilespmem:s22+$0x0];
	_ =	sdelay $0x2  }
0x65: {  	v14 =	vmul.f32 v14, v11;
	v15 =	vmul.f32 v15, v12  }
0x66: {  	v61 =	vld [tilespmem:s23+$0x0]  }
0x67: {  	v14 =	vadd.f32 v15, v14;
	v15 =	vmul.f32 v60, v13;
	_ =	sdelay $0x1  }
0x68: {  	v14 =	vadd.f32 v15, v14;
	_ =	sdelay $0x1  }
0x69: {  	v15 =	vadd.f32 v61, v10;
	v14 =	vadd.f32 v14, v14;
	_ =	sdelay $0x1  }
0x6a: {  	v14 =	vsub.f32 v15, v14  }
0x6b: {  	s31 =	sadd.s32 $0x20, s26;
	s30 =	spop (v2sf)  }
0x6c: {  	vm14 =	vlt.f32 v14, $2.500000000e-01;
	v14 =	vor.u32 s31, v0;
	s29 =	sadd.s32 s29, s30  }
0x6d: {  	[tilespmem:s29+$0x1C00] =	vst.msk vm14, v14  }
0x6e: {  	v14 =	vld [tilespmem:s24+$0x10]  }
0x6f: {  	v15 =	vld [tilespmem:s25+$0x10];
	_ =	sdelay $0x1  }
0x70: {  	v62 =	vld [tilespmem:s22+$0x10];
	_ =	sdelay $0x2  }
0x71: {  	v14 =	vmul.f32 v14, v11;
	v15 =	vmul.f32 v15, v12  }
0x72: {  	v63 =	vld [tilespmem:s23+$0x10]  }
0x73: {  	v14 =	vadd.f32 v15, v14;
	v15 =	vmul.f32 v62, v13;
	_ =	sdelay $0x1  }
0x74: {  	v14 =	vadd.f32 v15, v14;
	_ =	sdelay $0x1  }
0x75: {  	v15 =	vadd.f32 v63, v10;
	v14 =	vadd.f32 v14, v14;
	_ =	sdelay $0x1  }
0x76: {  	v14 =	vsub.f32 v15, v14;
	_ =	sdelay $0x1  }
0x77: {  	v15 =	vsel vm14, $0x1, v3;
	vm15 =	vlt.f32 v14, $2.500000000e-01  }
0x78: {  	(xrf0) =	vadd.scan.msk.s32 $0xffff, v15;
	v14 =	vsel vm15, $0x1, v3  }
0x79: {  	(xrf0) =	vadd.scan.msk.s32 $0xffff, v14;
	_ =	sdelay $0x4  }
0x7a: {  	v14, _, _ =	vpop (xrf0)  }
0x7b: {  	(v2sf) =	vpush v14, $0xF;
	v14, _, _ =	vpop (xrf0)  }
0x7c: {  	(v2sf) =	vpush v14, $0xF;
	_ =	sdelay $0xd  }
0x7d: {  	s31 =	spop (v2sf)  }
0x7e: {  	s30 =	sadd.s32 s29, s31;
	s29 =	spop (v2sf)  }
0x7f: {  	p0 =	sgt.u32 s28, $0x3B;
	s29 =	sadd.s32 s30, s29  }
0x80: {  	p1 =	slt.s32 @!p0 s29, $0x20  }
0x81: {  	p0 =	por p0, !p1  }
.Ltmp1:
0x82: {  	_ = 	snop;
	(pc) =	sbr.rel @!p0 .LBB2_5-.Ltmp1, $4  }
0x83: {  	_ = 	snop  }
0x84: {  	s31 =	sadd.s32 $0x30, s26  }
0x85: {  	s28 =	sadd.s32 $0x4, s28;
	s22 =	sadd.s32 $0x40, s22;
	s23 =	sadd.s32 $0x40, s23;
	v14 =	vor.u32 s31, v0  }
0x86: {  	s24 =	sadd.s32 $0x40, s24;
	s25 =	sadd.s32 $0x40, s25;
	s26 =	sadd.s32 $0x40, s26;
	[tilespmem:s30+$0x1C00] =	vst.msk vm15, v14  }
0x87: {  	v10 =	vld [tilespmem:$0x1C00];
	_ =	sdelay $0x4  }
0x88: {  	v11 =	vmov s29;
	v12 =	vbroadcast v10, $0x0  }
0x89: {  	vm0 =	vgt.s32 v11, v0  }
0x8a: {  	v10 =	vsel vm0, v10, v12  }
0x8b: {  	s22 =	sshll.u32 s21, $0x5  }
0x8c: {  	v13 =	vmov s22  }
0x8d: {  	v13 =	vmul.u32 $0x3, v13;
	_ =	sdelay $0x1  }
0x8e: {  	v13 =	vbroadcast v13, $0x0;
	v14 =	vld.idx.msk [tilespmem:v10+s2+$0x0], $0xffff  }
0x8f: {  	v15 =	vld.idx.msk [tilespmem:v10+s11+$0x0], $0xffff  }
0x90: {  	v17 =	vadd.s32 v1, v13;
	v16 =	vld.idx.msk [tilespmem:v10+s12+$0x0], $0xffff  }
0x91: {  	v18 =	vadd.s32 v4, v13  }
0x92: {  	v13 =	vadd.s32 v5, v13  }
0x93: {  	v14 =	vsub.f32 v14, v7  }
0x94: {  	v15 =	vsub.f32 v15, v8  }
0x95: {  	v59 =	vsub.f32 v16, v9;
	[tilespmem:v17+s17+$0x0] =	vst.idx.msk $0xffff, v14  }
0x96: {  	[tilespmem:v18+s17+$0x0] =	vst.idx.msk $0xffff, v15  }
0x97: {  	v10 =	vadd.s32 v2, v10;
	[tilespmem:v13+s17+$0x0] =	vst.idx.msk $0xffff, v59  }
0x98: {  	[tilespmem:s22+$0x3480] =	vst v10  }
0x99: {  	v10 =	vld [tilespmem:$0x1C10];
	_ =	sdelay $0x3  }
0x9a: {  	vm15 =	vgt.s32 v11, v6  }
0x9b: {  	v10 =	vsel vm15, v10, v12  }
0x9c: {  	s23 =	sor.u32 $0x10, s22  }
0x9d: {  	v60 =	vmov s23  }
0x9e: {  	v11 =	vmul.u32 $0x3, v60;
	_ =	sdelay $0x1  }
0x9f: {  	v11 =	vbroadcast v11, $0x0;
	v12 =	vld.idx.msk [tilespmem:v10+s2+$0x0], $0xffff  }
0xa0: {  	v13 =	vld.idx.msk [tilespmem:v10+s11+$0x0], $0xffff  }
0xa1: {  	v61 =	vadd.s32 v1, v11;
	v14 =	vld.idx.msk [tilespmem:v10+s12+$0x0], $0xffff  }
0xa2: {  	v62 =	vadd.s32 v4, v11  }
0xa3: {  	s21 =	sadd.s32 $0x1, s21;
	v11 =	vadd.s32 v5, v11  }
0xa4: {  	p0 =	sne.s32 s21, $0x40;
	v7 =	vsub.f32 v12, v7  }
.Ltmp2:
0xa5: {  	v8 =	vsub.f32 v13, v8;
	(pc) =	sbr.rel @p0 .LBB2_4-.Ltmp2, $4  }
0xa6: {  	v63 =	vsub.f32 v14, v9;
	[tilespmem:v61+s17+$0x0] =	vst.idx.msk $0xffff, v7  }
0xa7: {  	[tilespmem:v62+s17+$0x0] =	vst.idx.msk $0xffff, v8  }
0xa8: {  	v7 =	vadd.s32 v2, v10;
	[tilespmem:v11+s17+$0x0] =	vst.idx.msk $0xffff, v63  }
0xa9: {  	[tilespmem:s22+$0x3490] =	vst v7  }
0xaa: {  	[hbm4b:s7+s2] =	stream.linear.scatter [tilespmem:s17], [sflag:$0x1], $0x1800, $0x38;
	[tilespmem:$0x3C80] =	vst v63  }
0xab: {  	s19 =	sadd.s32 $0x1, s19;
	_ =	swait.ge [sflag:s10], $0x1800  }
0xac: {  	p0 =	sne.s32 s19, s9;
	[sflag:s10] =	ssyncset.done $0x0  }
.Ltmp3:
0xad: {  	[sflag:s10] =	ssyncadd.s32 $0xFFFFE800;
	(pc) =	sbr.rel @p0 .LBB2_1-.Ltmp3, $4  }
0xae: {  	[hbm4b:s8+s2] =	stream.linear.scatter [tilespmem:s18], [sflag:$0x1], $0x800, $0x38;
	[tilespmem:$0x3C80] =	vst v63  }
0xaf: {  	_ =	swait.ge [sflag:s10], $0x800  }
0xb0: {  	[sflag:s10] =	ssyncset.done $0x0  }
0xb1: {  	[sflag:s10] =	ssyncadd.s32 $0xFFFFF800  }
0xb2: {  	_ =	sfence.sel $0x180000  }
0xb3: {  	[bflag:$0x0] =	sbarrier.arrive $0xFFFF  }
0xb4: {  	p0 =	sne.s32 s1, $0x0;
	_ =	strace $0x9000004A  }
0xb5: {  	s0 =	sadd.s32 @!p0 $0x100000, s0;
	[bflag:$0x2] =	sbarrier.arrive $0xFFFF  }
0xb6: {  	[sflag:s0] =	ssyncadd.tile.s32 @!p0 $0x1;
	_ =	shalt  }
.Lfunc_end2:
_tile_overlayer_lowered:
.L_overlay_start_2:
0xb7: {  	(tag) =	ssettag $0x2  }
0xb8: {  	s0 =	rddreg [dreg:$0x0];
	s2 =	stileid.u32  }
0xb9: {  	s1 =	rddreg [dreg:$0x1];
	p0 =	sne.s32 s2, $0x0  }
0xba: {  	s3 =	rddreg [dreg:$0x2];
	[bflag:$0x3] =	sbarrier.arrive $0xFFFF;
	s2 =	simm.s32 @!p0 $0x1C01  }
0xbb: {  	[timem:s3], [sflag:s2] =	dma.local @!p0 [hbm:s0], s1  }
0xbc: {  	s0 =	simm.s32 @!p0 $0x1  }
0xbd: {  	_ =	swait.ge @!p0 [sflag:s0], s1  }
0xbe: {  	s1 =	ssub.s32 @!p0 $0x0, s1;
	[sflag:s0] =	ssyncset.done @!p0 $0x0  }
0xbf: {  	[sflag:s0] =	ssyncadd.s32 @!p0 s1  }
0xc0: {  	[bflag:$0x3] =	sbarrier.arrive $0xFFFF  }
0xc1: {  	_ =	shalt  }

// kernel: kernel.23.cloned.1.call-start
scs
__scs_entry_jumppad:
0x0: {  	(pc) =	sbr.rel $0x88, $3  }
0x1: {  	(tag) =	ssettag $0x0;
	lr =	simm.s32 $0x1  }
0x2: {  	[smem:$0x3F7B] =	sst lr;
	_ =	strace $0xD0000000  }
0x3: {  	_ = 	snop  }
0x4: {  	_ = 	snop  }
0x5: {  	_ = 	snop  }
0x6: {  	_ = 	snop  }
0x7: {  	_ = 	snop  }
__scs_overlays_trampoline_lowered:
0x8: {  	[smem:$0x3F8A] =	sst s0  }
0x9: {  	[smem:$0x3F8B] =	sst s1  }
0xa: {  	[smem:$0x3F8C] =	sst s2  }
0xb: {  	[smem:$0x3F8D] =	sst s3  }
0xc: {  	[smem:$0x3F8E] =	sst s4  }
0xd: {  	[smem:$0x3F8F] =	sst s5  }
0xe: {  	[smem:$0x3F90] =	sst s6  }
0xf: {  	[smem:$0x3F91] =	sst s7  }
0x10: {  	[smem:$0x3F92] =	sst s8  }
0x11: {  	[smem:$0x3F93] =	sst s9;
	s0 =	simm.s32 @!p0 $0x0  }
0x12: {  	s1 =	sld [smem:$0x3F79];
	s0 =	simm.s32 @p0 $0x1  }
0x13: {  	[smem:$0x3F94] =	sst s0;
	s0 =	simm.s32 @!p1 $0x0  }
0x14: {  	s2 =	sld [smem:$0x3F78];
	s0 =	simm.s32 @p1 $0x1  }
0x15: {  	[smem:$0x3F95] =	sst s0;
	s0 =	simm.s32 @!p2 $0x0  }
0x16: {  	s3 =	sld [smem:$0x3FDB];
	s0 =	simm.s32 @p2 $0x1  }
0x17: {  	s4 =	simm.s32 $0x1BF5;
	[smem:$0x3F97] =	sst s0  }
0x18: {  	s0 =	sld [smem:$0x3F7A];
	_ =	swait.ge [sflag:s4], $0x0  }
0x19: {  	s7 =	sld [smem:$0x3F7B]  }
0x1a: {  	s8 =	sadd.s32 $0xFFFFE003, lr  }
0x1b: {  	s9 =	sadd.s32 $0xFFFFFEF7, lr;
	s5 =	simm.s32 $0xFFFFFFFF;
	p2 =	slt.u32 s8, $0xFFFFF086  }
0x1c: {  	p1 =	slt.u32 s9, $0xF7A;
	s5 =	simm.s32 @!p2 $0x0  }
0x1d: {  	s5 =	simm.s32 @p1 $0x1;
	p0 =	seq.s32 s7, s2  }
0x1e: {  	s7 =	smul.u32 @!p0 $0xF7A, s2;
	p2 =	seq.s32 @!p0 s5, $0x0  }
0x1f: {  	s9 =	smul.u32 $0xF7A, s1;
	s8 =	simm.s32 @!p0 $0x1BF5;
	p2 =	por !p2, p0  }
0x20: {  	[sflag:s8] =	ssyncset.s32 @!p0 $0xFFFFF086;
	s6 =	sadd.s32 @!p0 s3, s7;
	s7 =	simm.s32 @!p0 $0x108  }
0x21: {  	s3 =	sadd.s32 s3, s9;
	s6 =	sadd.s32 @!p0 $0x88, s6;
	s7 =	simm.s32 @p2 $0x1082  }
0x22: {  	[simem:s7], [sflag:s8] =	dma.local @!p0 [hbm:s6], $0xF7A  }
0x23: {  	s9 =	sor.u32 $0xD0000000, s2;
	s6 =	simm.s32 $0x108;
	_ =	swait.ge @!p0 [sflag:s8], $0x0  }
0x24: {  	s3 =	sadd.s32 $0x88, s3;
	s6 =	simm.s32 @!p1 $0x1082;
	[sflag:s4] =	ssyncset.s32 $0xFFFFF086  }
0x25: {  	[simem:s6], [sflag:s4] =	dma.local [hbm:s3], $0xF7A  }
0x26: {  	[smem:$0x3F7B] =	sst s1;
	(tag) =	ssettag s2;
	_ =	strace s9  }
0x27: {  	s1 =	sld [smem:$0x3F8B]  }
0x28: {  	s2 =	sld [smem:$0x3F8C]  }
0x29: {  	s4 =	sld [smem:$0x3F8E]  }
0x2a: {  	p0 =	seq.s32 s5, $0x0;
	s5 =	sld [smem:$0x3F8F]  }
0x2b: {  	s6 =	sld [smem:$0x3F90]  }
0x2c: {  	s7 =	sld [smem:$0x3F91]  }
0x2d: {  	s3 =	simm.s32 $0x108;
	s8 =	sld [smem:$0x3F92]  }
0x2e: {  	s3 =	simm.s32 @!p0 $0x1082;
	s9 =	sld [smem:$0x3F93]  }
0x2f: {  	lr =	sadd.s32 s0, s3;
	s0 =	sld [smem:$0x3F8A]  }
0x30: {  	s3 =	sld [smem:$0x3F8D]  }
0x31: {  	[smem:$0x3F96] =	sst s10  }
0x32: {  	s10 =	sld [smem:$0x3F94];
	_ =	sdelay $0x3  }
0x33: {  	p0 =	seq.s32 s10, $0x1;
	s10 =	sld [smem:$0x3F96];
	_ =	sdelay $0x3  }
0x34: {  	[smem:$0x3F96] =	sst s10  }
0x35: {  	s10 =	sld [smem:$0x3F95];
	_ =	sdelay $0x3  }
0x36: {  	p1 =	seq.s32 s10, $0x1;
	s10 =	sld [smem:$0x3F96];
	_ =	sdelay $0x3  }
0x37: {  	[smem:$0x3F96] =	sst s10  }
0x38: {  	s10 =	sld [smem:$0x3F97]  }
0x39: {  	_ = 	snop;
	(pc) =	sbr.ind lr, $3  }
0x3a: {  	_ = 	snop  }
0x3b: {  	_ = 	snop  }
0x3c: {  	p2 =	seq.s32 s10, $0x1;
	s10 =	sld [smem:$0x3F96]  }
0x3d: {  	_ =	shalt  }
0x3e: {  	_ =	shalt  }
0x3f: {  	_ =	shalt  }
0x40: {  	_ =	shalt  }
0x41: {  	_ =	shalt  }
0x42: {  	_ =	shalt  }
0x43: {  	_ =	shalt  }
0x44: {  	_ =	shalt  }
0x45: {  	_ =	shalt  }
0x46: {  	_ =	shalt  }
0x47: {  	_ =	shalt  }
0x48: {  	_ =	shalt  }
0x49: {  	_ =	shalt  }
0x4a: {  	_ =	shalt  }
0x4b: {  	_ =	shalt  }
0x4c: {  	_ =	shalt  }
0x4d: {  	_ =	shalt  }
0x4e: {  	_ =	shalt  }
0x4f: {  	_ =	shalt  }
0x50: {  	_ =	shalt  }
0x51: {  	_ =	shalt  }
0x52: {  	_ =	shalt  }
0x53: {  	_ =	shalt  }
0x54: {  	_ =	shalt  }
0x55: {  	_ =	shalt  }
0x56: {  	_ =	shalt  }
0x57: {  	_ =	shalt  }
0x58: {  	_ =	shalt  }
0x59: {  	_ =	shalt  }
0x5a: {  	_ =	shalt  }
0x5b: {  	_ =	shalt  }
0x5c: {  	_ =	shalt  }
0x5d: {  	_ =	shalt  }
0x5e: {  	_ =	shalt  }
0x5f: {  	_ =	shalt  }
0x60: {  	_ =	shalt  }
0x61: {  	_ =	shalt  }
0x62: {  	_ =	shalt  }
0x63: {  	_ =	shalt  }
0x64: {  	_ =	shalt  }
0x65: {  	_ =	shalt  }
0x66: {  	_ =	shalt  }
0x67: {  	_ =	shalt  }
0x68: {  	_ =	shalt  }
0x69: {  	_ =	shalt  }
0x6a: {  	_ =	shalt  }
0x6b: {  	_ =	shalt  }
0x6c: {  	_ =	shalt  }
0x6d: {  	_ =	shalt  }
0x6e: {  	_ =	shalt  }
0x6f: {  	_ =	shalt  }
0x70: {  	_ =	shalt  }
0x71: {  	_ =	shalt  }
0x72: {  	_ =	shalt  }
0x73: {  	_ =	shalt  }
0x74: {  	_ =	shalt  }
0x75: {  	_ =	shalt  }
0x76: {  	_ =	shalt  }
0x77: {  	_ =	shalt  }
0x78: {  	_ =	shalt  }
0x79: {  	_ =	shalt  }
0x7a: {  	_ =	shalt  }
0x7b: {  	_ =	shalt  }
0x7c: {  	_ =	shalt  }
0x7d: {  	_ =	shalt  }
0x7e: {  	_ =	shalt  }
0x7f: {  	_ =	shalt  }
0x80: {  	_ =	shalt  }
0x81: {  	_ =	shalt  }
0x82: {  	_ =	shalt  }
0x83: {  	_ =	shalt  }
0x84: {  	_ =	shalt  }
0x85: {  	_ =	shalt  }
0x86: {  	_ =	shalt  }
0x87: {  	_ =	shalt  }
.Lfunc_end0:
.L_simem_size_0:
called_computation.2_lowered:
.L_overlay_start_0:
0x88: {  	s2 =	sld [smem:$0x3FD9]  }
0x89: {  	s3 =	sld [smem:$0x3FFE];
	_ =	sdelay $0x1  }
0x8a: {  	s1 =	srdreg.scid  }
0x8b: {  	s0 =	sand.u32 $0x1, s1  }
0x8c: {  	s16 =	sshll.u32 s0, $0xA;
	s2 =	sadd.s32 s3, s2  }
0x8d: {  	s2 =	sadd.s32 s2, s16  }
0x8e: {  	[smem:$0x3FA2] =	sst s2  }
0x8f: {  	_ = 	snop  }
0x90: {  	(tm) =	ssettm $0x1  }
0x91: {  	s17 =	sld [smem:$0x3FFB];
	_ =	sdelay $0x3  }
0x92: {  	_ =	strace s17  }
0x93: {  	s2 =	sld [smem:$0x3FFC];
	_ =	sdelay $0x3  }
0x94: {  	_ =	strace s2  }
0x95: {  	s2 =	sld [smem:$0x3FFD];
	_ =	sdelay $0x3  }
0x96: {  	_ =	strace s2  }
0x97: {  	_ =	strace $0x8FFFFFFF  }
0x98: {  	s18 =	sld [smem:$0x3FDB];
	_ =	sdelay $0x1  }
0x99: {  	s19 =	simm.s32 $_scs_section_size  }
0x9a: {  	s4 =	simm.s32 $_size__tile_overlayer_lowered;
	s5 =	simm.s32 $_tile_overlayer_lowered  }
0x9b: {  	s22 =	simm.s32 $0x1BFF;
	s21 =	sshll.u32 s5, $0x1;
	s2 =	sadd.s32 s19, s18  }
0x9c: {  	s6 =	simm.s32 $0x0;
	s20 =	sshll.u32 s4, $0x1;
	s4 =	sadd.s32 s21, s2  }
0x9d: {  	[timem:s6], [sflag:s22] =	dma.local [hbm:s4], s20  }
0x9e: {  	_ =	swait.ge [sflag:s22], s20  }
0x9f: {  	s3 =	ssub.s32 $0x0, s20;
	[sflag:s22] =	ssyncset.done $0x0  }
0xa0: {  	[sflag:s22] =	ssyncadd.s32 s3;
	_ =	sdelay $0x1  }
0xa1: {  	s23 =	simm.s32 $0x1B8B  }
0xa2: {  	_ =	swait.ge [sflag:s23], $0x1  }
0xa3: {  	[sflag:s23] =	ssyncset.done $0x0  }
0xa4: {  	s25 =	simm.s32 $0x1B8E;
	s24 =	sld [smem:$0x3FFE];
	[sflag:s23] =	ssyncadd.s32 $0xFFFFFFFF  }
0xa5: {  	s26 =	simm.s32 $execute0_lowered;
	[smem:$0x3FD2] =	sst s25  }
0xa6: {  	s4 =	sshll.u32 s26, $0x1;
	_ =	strace $0x8000004C;
	[dreg:$0x1] =	wrdreg $0xFFFFFFFF  }
0xa7: {  	s28 =	simm.s32 $_size_execute0_lowered;
	s2 =	sadd.s32 s2, s4;
	[dreg:$0x0] =	wrdreg $0x0  }
0xa8: {  	s4 =	sshll.u32 s28, $0x1;
	[dreg:$0x2] =	wrdreg s2  }
0xa9: {  	[dreg:$0x3] =	wrdreg s4  }
0xaa: {  	[dreg:$0x4] =	wrdreg $0xC0  }
0xab: {  	_ =	task [dreg:s6], $0x5FFFF  }
0xac: {  	[dreg:$0x1] =	wrdreg $0xFFFFFFFF  }
0xad: {  	[dreg:$0x0] =	wrdreg $0x60  }
0xae: {  	[dreg:$0x2] =	wrdreg s24  }
0xaf: {  	[dreg:$0x3] =	wrdreg $0x9  }
0xb0: {  	_ =	task.clear_ibuf [dreg:s6], $0x4FFFF;
	_ =	strace $0x9000004C  }
0xb1: {  	s29 =	simm.s32 $0x9;
	_ =	strace $0x8000004E  }
0xb2: {  	_ =	swait.ge [sflag:s29], $0x1  }
0xb3: {  	[sflag:s29] =	ssyncadd.s32 $0xFFFFFFFF  }
0xb4: {  	_ =	strace $0x9000004E  }
0xb5: {  	_ =	sfence  }
0xb6: {  	s30 =	sld [smem:$0x0];
	_ =	sdelay $0x2  }
0xb7: {  	s31 =	sshll.u32 s1, $0xD;
	s1 =	sshrl.u32 s1, $0x2  }
0xb8: {  	s3 =	sand.u32 $0x4000, s31;
	s1 =	sadd.s32 s1, s30  }
0xb9: {  	s0 =	sor.u32 s3, s0;
	s1 =	sshll.u32 s1, $0x11  }
0xba: {  	s0 =	sor.u32 s1, s0  }
0xbb: {  	s0 =	sadd.s32 $0x8F2B, s0  }
0xbc: {  	[sflag:s0] =	ssyncadd.remote.s32 $0x1  }
0xbd: {  	_ =	sfence.sel $0xFFFF  }
0xbe: {  	[dreg:$0x0] =	wrdreg $0xFFFFFFFF;
	(pc) =	sbr.abs _section_cstart, $3  }
0xbf: {  	[dreg:$0x1] =	wrdreg $0xFFFFFFFF  }
0xc0: {  	_ =	task.clear_ibuf [dreg:s6], $0x2FFFF;
	_ =	strace $0x9FFFFFFF  }
0xc1: {  	(tm) =	ssettm $0x7FFFFFFF  }
tec
execute0_lowered:
.L_overlay_start_1:
0x0: {  	(tag) =	ssettag $0x1  }
0x1: {  	s1 =	srdreg.scid  }
0x2: {  	s0 =	stileid.u32;
	s1 =	sand.u32 $0x1, s1  }
0x3: {  	s2 =	sshll.u32 s0, $0xC;
	s3 =	sshll.u32 s1, $0xB  }
0x4: {  	s3 =	sor.u32 s3, s2  }
0x5: {  	s4 =	rddreg [dreg:$0x0];
	s5 =	sshrl.u32 s3, $0x3  }
0x6: {  	s2 =	simm.s32 $0x0;
	s3 =	sshll.u32 s3, $0x4;
	s5 =	sadd.s32 s5, s4  }
0x7: {  	[smem:$0x7FF] =	sst s2;
	s31 =	sadd.s32 s3, s4;
	s16 =	sadd.s32 $0x2F200, s5  }
0x8: {  	_ =	strace $0x8000004D;
	s17 =	sadd.s32 $0x31200, s31;
	[dreg:$0x2] =	wrdreg s16  }
0x9: {  	s18 =	sadd.s32 $0x31A00, s31;
	[dreg:$0x3] =	wrdreg s17  }
0xa: {  	s19 =	sadd.s32 $0x32200, s31;
	[dreg:$0x4] =	wrdreg s18  }
0xb: {  	s20 =	sadd.s32 $0x32A00, s31;
	[dreg:$0x5] =	wrdreg s19  }
0xc: {  	s21 =	sadd.s32 $0x33200, s31;
	[dreg:$0x6] =	wrdreg s20  }
0xd: {  	s22 =	sadd.s32 $0x33A00, s31;
	[dreg:$0x7] =	wrdreg s21  }
0xe: {  	s23 =	sadd.s32 $0x34200, s31;
	[dreg:$0x8] =	wrdreg s22  }
0xf: {  	s24 =	sadd.s32 $0x34A00, s31;
	[dreg:$0x9] =	wrdreg s23  }
0x10: {  	s26 =	sadd.s32 $0x35200, s31;
	[dreg:$0xa] =	wrdreg s24  }
0x11: {  	[dreg:$0xb] =	wrdreg s26  }
0x12: {  	s3 =	simm.s32 $0x3;
	s25 =	rddreg [dreg:$0x2]  }
0x13: {  	[tilespmem:s2], [sflag:$0x3] =	stream.linear.gather [hbm4b:s25+s2], $0x800, $0x38;
	[tilespmem:$0x8800] =	vst v63  }
0x14: {  	_ =	swait.ge [sflag:s3], $0x800  }
0x15: {  	s6 =	simm.s32 $0x800;
	[sflag:s3] =	ssyncset.done $0x0  }
0x16: {  	s4 =	sadd.s32 $0x8600, s4;
	s5 =	simm.s32 $0x80;
	[sflag:s3] =	ssyncadd.s32 $0xFFFFF800  }
0x17: {  	[tilespmem:s6], [sflag:$0x1] =	stream.indirect.gather [hbm4b:s4+s5], $0x80, s2, s5, $0xb8;
	[tilespmem:$0x8800] =	vst v63  }
0x18: {  	s7 =	simm.s32 $0x4800;
	s8 =	simm.s32 $0x1  }
0x19: {  	[tilespmem:s7], [sflag:$0x2] =	stream.indirect.gather [hbm4b:s4+s5], $0x80, s5, s5, $0xb8;
	[tilespmem:$0x8800] =	vst v63  }
0x1a: {  	_ =	swait.ge [sflag:s8], $0x4000  }
0x1b: {  	[sflag:s8] =	ssyncset.done $0x0  }
0x1c: {  	s9 =	rddreg [dreg:$0x3];
	[sflag:s8] =	ssyncadd.s32 $0xFFFFC000  }
0x1d: {  	[hbm4b:s9+s2] =	stream.linear.scatter [tilespmem:s6], [sflag:$0x3], $0x4000, $0x38;
	[tilespmem:$0x8800] =	vst v63  }
0x1e: {  	_ =	swait.ge [sflag:s3], $0x4000  }
0x1f: {  	[sflag:s3] =	ssyncset.done $0x0  }
0x20: {  	s10 =	simm.s32 $0x2;
	s9 =	simm.s32 $0x100;
	[sflag:s3] =	ssyncadd.s32 $0xFFFFC000  }
0x21: {  	[tilespmem:s6], [sflag:$0x1] =	stream.indirect.gather [hbm4b:s4+s5], $0x80, s9, s5, $0xb8;
	[tilespmem:$0x8800] =	vst v63  }
0x22: {  	_ =	swait.ge [sflag:s10], $0x4000  }
0x23: {  	[sflag:s10] =	ssyncset.done $0x0  }
0x24: {  	s11 =	rddreg [dreg:$0x4];
	[sflag:s10] =	ssyncadd.s32 $0xFFFFC000  }
0x25: {  	[hbm4b:s11+s2] =	stream.linear.scatter [tilespmem:s7], [sflag:$0x3], $0x4000, $0x38;
	[tilespmem:$0x8800] =	vst v63  }
0x26: {  	_ =	swait.ge [sflag:s3], $0x4000  }
0x27: {  	[sflag:s3] =	ssyncset.done $0x0  }
0x28: {  	s11 =	simm.s32 $0x180;
	[sflag:s3] =	ssyncadd.s32 $0xFFFFC000  }
0x29: {  	[tilespmem:s7], [sflag:$0x2] =	stream.indirect.gather [hbm4b:s4+s5], $0x80, s11, s5, $0xb8;
	[tilespmem:$0x8800] =	vst v63  }
0x2a: {  	_ =	swait.ge [sflag:s8], $0x4000  }
0x2b: {  	[sflag:s8] =	ssyncset.done $0x0  }
0x2c: {  	s12 =	rddreg [dreg:$0x5];
	[sflag:s8] =	ssyncadd.s32 $0xFFFFC000  }
0x2d: {  	[hbm4b:s12+s2] =	stream.linear.scatter [tilespmem:s6], [sflag:$0x3], $0x4000, $0x38;
	[tilespmem:$0x8800] =	vst v63  }
0x2e: {  	_ =	swait.ge [sflag:s3], $0x4000  }
0x2f: {  	[sflag:s3] =	ssyncset.done $0x0  }
0x30: {  	s12 =	simm.s32 $0x200;
	[sflag:s3] =	ssyncadd.s32 $0xFFFFC000  }
0x31: {  	[tilespmem:s6], [sflag:$0x1] =	stream.indirect.gather [hbm4b:s4+s5], $0x80, s12, s5, $0xb8;
	[tilespmem:$0x8800] =	vst v63  }
0x32: {  	_ =	swait.ge [sflag:s10], $0x4000  }
0x33: {  	[sflag:s10] =	ssyncset.done $0x0  }
0x34: {  	s13 =	rddreg [dreg:$0x6];
	[sflag:s10] =	ssyncadd.s32 $0xFFFFC000  }
0x35: {  	[hbm4b:s13+s2] =	stream.linear.scatter [tilespmem:s7], [sflag:$0x3], $0x4000, $0x38;
	[tilespmem:$0x8800] =	vst v63  }
0x36: {  	_ =	swait.ge [sflag:s3], $0x4000  }
0x37: {  	[sflag:s3] =	ssyncset.done $0x0  }
0x38: {  	s13 =	simm.s32 $0x280;
	[sflag:s3] =	ssyncadd.s32 $0xFFFFC000  }
0x39: {  	[tilespmem:s7], [sflag:$0x2] =	stream.indirect.gather [hbm4b:s4+s5], $0x80, s13, s5, $0xb8;
	[tilespmem:$0x8800] =	vst v63  }
0x3a: {  	_ =	swait.ge [sflag:s8], $0x4000  }
0x3b: {  	[sflag:s8] =	ssyncset.done $0x0  }
0x3c: {  	s14 =	rddreg [dreg:$0x7];
	[sflag:s8] =	ssyncadd.s32 $0xFFFFC000  }
0x3d: {  	[hbm4b:s14+s2] =	stream.linear.scatter [tilespmem:s6], [sflag:$0x3], $0x4000, $0x38;
	[tilespmem:$0x8800] =	vst v63  }
0x3e: {  	_ =	swait.ge [sflag:s3], $0x4000  }
0x3f: {  	[sflag:s3] =	ssyncset.done $0x0  }
0x40: {  	s14 =	simm.s32 $0x300;
	[sflag:s3] =	ssyncadd.s32 $0xFFFFC000  }
0x41: {  	[tilespmem:s6], [sflag:$0x1] =	stream.indirect.gather [hbm4b:s4+s5], $0x80, s14, s5, $0xb8;
	[tilespmem:$0x8800] =	vst v63  }
0x42: {  	_ =	swait.ge [sflag:s10], $0x4000  }
0x43: {  	[sflag:s10] =	ssyncset.done $0x0  }
0x44: {  	s15 =	rddreg [dreg:$0x8];
	[sflag:s10] =	ssyncadd.s32 $0xFFFFC000  }
0x45: {  	[hbm4b:s15+s2] =	stream.linear.scatter [tilespmem:s7], [sflag:$0x3], $0x4000, $0x38;
	[tilespmem:$0x8800] =	vst v63  }
0x46: {  	_ =	swait.ge [sflag:s3], $0x4000  }
0x47: {  	[sflag:s3] =	ssyncset.done $0x0  }
0x48: {  	s15 =	simm.s32 $0x380;
	[sflag:s3] =	ssyncadd.s32 $0xFFFFC000  }
0x49: {  	[tilespmem:s7], [sflag:$0x2] =	stream.indirect.gather [hbm4b:s4+s5], $0x80, s15, s5, $0xb8;
	[tilespmem:$0x8800] =	vst v63  }
0x4a: {  	_ =	swait.ge [sflag:s8], $0x4000  }
0x4b: {  	[sflag:s8] =	ssyncset.done $0x0  }
0x4c: {  	s16 =	rddreg [dreg:$0x9];
	[sflag:s8] =	ssyncadd.s32 $0xFFFFC000  }
0x4d: {  	[hbm4b:s16+s2] =	stream.linear.scatter [tilespmem:s6], [sflag:$0x3], $0x4000, $0x38;
	[tilespmem:$0x8800] =	vst v63  }
0x4e: {  	_ =	swait.ge [sflag:s3], $0x4000  }
0x4f: {  	[sflag:s3] =	ssyncset.done $0x0  }
0x50: {  	s16 =	simm.s32 $0x400;
	[sflag:s3] =	ssyncadd.s32 $0xFFFFC000  }
0x51: {  	[tilespmem:s6], [sflag:$0x1] =	stream.indirect.gather [hbm4b:s4+s5], $0x80, s16, s5, $0xb8;
	[tilespmem:$0x8800] =	vst v63  }
0x52: {  	_ =	swait.ge [sflag:s10], $0x4000  }
0x53: {  	[sflag:s10] =	ssyncset.done $0x0  }
0x54: {  	s17 =	rddreg [dreg:$0xa];
	[sflag:s10] =	ssyncadd.s32 $0xFFFFC000  }
0x55: {  	[hbm4b:s17+s2] =	stream.linear.scatter [tilespmem:s7], [sflag:$0x3], $0x4000, $0x38;
	[tilespmem:$0x8800] =	vst v63  }
0x56: {  	_ =	swait.ge [sflag:s3], $0x4000  }
0x57: {  	[sflag:s3] =	ssyncset.done $0x0  }
0x58: {  	s17 =	simm.s32 $0x480;
	[sflag:s3] =	ssyncadd.s32 $0xFFFFC000  }
0x59: {  	[tilespmem:s7], [sflag:$0x2] =	stream.indirect.gather [hbm4b:s4+s5], $0x80, s17, s5, $0xb8;
	[tilespmem:$0x8800] =	vst v63  }
0x5a: {  	_ =	swait.ge [sflag:s8], $0x4000  }
0x5b: {  	[sflag:s8] =	ssyncset.done $0x0  }
0x5c: {  	s18 =	rddreg [dreg:$0xb];
	[sflag:s8] =	ssyncadd.s32 $0xFFFFC000  }
0x5d: {  	[hbm4b:s18+s2] =	stream.linear.scatter [tilespmem:s6], [sflag:$0x3], $0x4000, $0x38;
	[tilespmem:$0x8800] =	vst v63  }
0x5e: {  	_ =	swait.ge [sflag:s3], $0x4000  }
0x5f: {  	[sflag:s3] =	ssyncset.done $0x0  }
0x60: {  	s18 =	simm.s32 $0x500;
	[sflag:s3] =	ssyncadd.s32 $0xFFFFC000  }
0x61: {  	[tilespmem:s6], [sflag:$0x1] =	stream.indirect.gather [hbm4b:s4+s5], $0x80, s18, s5, $0xb8;
	[tilespmem:$0x8800] =	vst v63  }
0x62: {  	_ =	swait.ge [sflag:s10], $0x4000  }
0x63: {  	[sflag:s10] =	ssyncset.done $0x0  }
0x64: {  	s19 =	sadd.s32 $0x35A00, s31;
	[sflag:s10] =	ssyncadd.s32 $0xFFFFC000  }
0x65: {  	[hbm4b:s19+s2] =	stream.linear.scatter [tilespmem:s7], [sflag:$0x3], $0x4000, $0x38;
	[tilespmem:$0x8800] =	vst v63  }
0x66: {  	_ =	swait.ge [sflag:s3], $0x4000  }
0x67: {  	[sflag:s3] =	ssyncset.done $0x0  }
0x68: {  	s20 =	simm.s32 $0x580;
	[sflag:s3] =	ssyncadd.s32 $0xFFFFC000  }
0x69: {  	[tilespmem:s7], [sflag:$0x2] =	stream.indirect.gather [hbm4b:s4+s5], $0x80, s20, s5, $0xb8;
	[tilespmem:$0x8800] =	vst v63  }
0x6a: {  	_ =	swait.ge [sflag:s8], $0x4000  }
0x6b: {  	[sflag:s8] =	ssyncset.done $0x0  }
0x6c: {  	s21 =	sadd.s32 $0x36200, s31;
	[sflag:s8] =	ssyncadd.s32 $0xFFFFC000  }
0x6d: {  	[hbm4b:s21+s2] =	stream.linear.scatter [tilespmem:s6], [sflag:$0x3], $0x4000, $0x38;
	[tilespmem:$0x8800] =	vst v63  }
0x6e: {  	_ =	swait.ge [sflag:s3], $0x4000  }
0x6f: {  	[sflag:s3] =	ssyncset.done $0x0  }
0x70: {  	s22 =	simm.s32 $0x600;
	[sflag:s3] =	ssyncadd.s32 $0xFFFFC000  }
0x71: {  	[tilespmem:s6], [sflag:$0x1] =	stream.indirect.gather [hbm4b:s4+s5], $0x80, s22, s5, $0xb8;
	[tilespmem:$0x8800] =	vst v63  }
0x72: {  	_ =	swait.ge [sflag:s10], $0x4000  }
0x73: {  	[sflag:s10] =	ssyncset.done $0x0  }
0x74: {  	s23 =	sadd.s32 $0x36A00, s31;
	[sflag:s10] =	ssyncadd.s32 $0xFFFFC000  }
0x75: {  	[hbm4b:s23+s2] =	stream.linear.scatter [tilespmem:s7], [sflag:$0x3], $0x4000, $0x38;
	[tilespmem:$0x8800] =	vst v63  }
0x76: {  	_ =	swait.ge [sflag:s3], $0x4000  }
0x77: {  	[sflag:s3] =	ssyncset.done $0x0  }
0x78: {  	s24 =	simm.s32 $0x680;
	[sflag:s3] =	ssyncadd.s32 $0xFFFFC000  }
0x79: {  	[tilespmem:s7], [sflag:$0x2] =	stream.indirect.gather [hbm4b:s4+s5], $0x80, s24, s5, $0xb8;
	[tilespmem:$0x8800] =	vst v63  }
0x7a: {  	_ =	swait.ge [sflag:s8], $0x4000  }
0x7b: {  	[sflag:s8] =	ssyncset.done $0x0  }
0x7c: {  	s25 =	sadd.s32 $0x37200, s31;
	[sflag:s8] =	ssyncadd.s32 $0xFFFFC000  }
0x7d: {  	[hbm4b:s25+s2] =	stream.linear.scatter [tilespmem:s6], [sflag:$0x3], $0x4000, $0x38;
	[tilespmem:$0x8800] =	vst v63  }
0x7e: {  	_ =	swait.ge [sflag:s3], $0x4000  }
0x7f: {  	[sflag:s3] =	ssyncset.done $0x0  }
0x80: {  	s26 =	simm.s32 $0x700;
	[sflag:s3] =	ssyncadd.s32 $0xFFFFC000  }
0x81: {  	[tilespmem:s6], [sflag:$0x1] =	stream.indirect.gather [hbm4b:s4+s5], $0x80, s26, s5, $0xb8;
	[tilespmem:$0x8800] =	vst v63  }
0x82: {  	_ =	swait.ge [sflag:s10], $0x4000  }
0x83: {  	[sflag:s10] =	ssyncset.done $0x0  }
0x84: {  	s28 =	sadd.s32 $0x37A00, s31;
	[sflag:s10] =	ssyncadd.s32 $0xFFFFC000  }
0x85: {  	[hbm4b:s28+s2] =	stream.linear.scatter [tilespmem:s7], [sflag:$0x3], $0x4000, $0x38;
	[tilespmem:$0x8800] =	vst v63  }
0x86: {  	_ =	swait.ge [sflag:s3], $0x4000  }
0x87: {  	[sflag:s3] =	ssyncset.done $0x0  }
0x88: {  	s29 =	simm.s32 $0x780;
	[sflag:s3] =	ssyncadd.s32 $0xFFFFC000  }
0x89: {  	[tilespmem:s7], [sflag:$0x2] =	stream.indirect.gather [hbm4b:s4+s5], $0x80, s29, s5, $0xb8;
	[tilespmem:$0x8800] =	vst v63  }
0x8a: {  	_ =	swait.ge [sflag:s8], $0x4000  }
0x8b: {  	s1 =	ssub.s32 $0x2, s1;
	[sflag:s8] =	ssyncset.done $0x0  }
0x8c: {  	s0 =	sshrl.u32 s1, $0x1;
	s30 =	sadd.s32 $0x38200, s31;
	[sflag:s8] =	ssyncadd.s32 $0xFFFFC000  }
0x8d: {  	[hbm4b:s30+s2] =	stream.linear.scatter [tilespmem:s6], [sflag:$0x3], $0x4000, $0x38;
	[tilespmem:$0x8800] =	vst v63  }
0x8e: {  	s0 =	ssub.s32 s1, s0;
	_ =	swait.ge [sflag:s3], $0x4000  }
0x8f: {  	s0 =	smax.u32 s0, $0x1;
	[sflag:s3] =	ssyncset.done $0x0  }
0x90: {  	p0 =	sne.s32 s0, $0x1;
	[sflag:s3] =	ssyncadd.s32 $0xFFFFC000  }
.Ltmp0:
0x91: {  	_ =	swait.ge [sflag:s10], $0x4000;
	(pc) =	sbr.rel @!p0 .LBB2_2-.Ltmp0, $4  }
0x92: {  	[sflag:s10] =	ssyncset.done $0x0  }
0x93: {  	s31 =	sadd.s32 $0x38A00, s31;
	[sflag:s10] =	ssyncadd.s32 $0xFFFFC000  }
0x94: {  	[hbm4b:s31+s2] =	stream.linear.scatter [tilespmem:s7], [sflag:$0x3], $0x4000, $0x38;
	[tilespmem:$0x8800] =	vst v63  }
0x95: {  	s1 =	sadd.s32 $0xFFFFFFFF, s0;
	_ =	swait.ge [sflag:s3], $0x4000  }
.LBB2_1:
0x96: {  	[sflag:s3] =	ssyncset.done $0x0  }
0x97: {  	s0 =	rddreg [dreg:$0x2];
	[sflag:s3] =	ssyncadd.s32 $0xFFFFC000  }
0x98: {  	[tilespmem:s2], [sflag:$0x3] =	stream.linear.gather [hbm4b:s0+s2], $0x800, $0x38;
	[tilespmem:$0x8800] =	vst v63  }
0x99: {  	_ =	swait.ge [sflag:s3], $0x800  }
0x9a: {  	[sflag:s3] =	ssyncset.done $0x0  }
0x9b: {  	[sflag:s3] =	ssyncadd.s32 $0xFFFFF800  }
0x9c: {  	[tilespmem:s6], [sflag:$0x1] =	stream.indirect.gather [hbm4b:s4+s5], $0x80, s2, s5, $0xb8;
	[tilespmem:$0x8800] =	vst v63  }
0x9d: {  	_ = 	snop  }
0x9e: {  	[tilespmem:s7], [sflag:$0x2] =	stream.indirect.gather [hbm4b:s4+s5], $0x80, s5, s5, $0xb8;
	[tilespmem:$0x8800] =	vst v63  }
0x9f: {  	_ =	swait.ge [sflag:s8], $0x4000  }
0xa0: {  	[sflag:s8] =	ssyncset.done $0x0  }
0xa1: {  	s0 =	rddreg [dreg:$0x3];
	[sflag:s8] =	ssyncadd.s32 $0xFFFFC000  }
0xa2: {  	[hbm4b:s0+s2] =	stream.linear.scatter [tilespmem:s6], [sflag:$0x3], $0x4000, $0x38;
	[tilespmem:$0x8800] =	vst v63  }
0xa3: {  	_ =	swait.ge [sflag:s3], $0x4000  }
0xa4: {  	[sflag:s3] =	ssyncset.done $0x0  }
0xa5: {  	[sflag:s3] =	ssyncadd.s32 $0xFFFFC000  }
0xa6: {  	[tilespmem:s6], [sflag:$0x1] =	stream.indirect.gather [hbm4b:s4+s5], $0x80, s9, s5, $0xb8;
	[tilespmem:$0x8800] =	vst v63  }
0xa7: {  	_ =	swait.ge [sflag:s10], $0x4000  }
0xa8: {  	[sflag:s10] =	ssyncset.done $0x0  }
0xa9: {  	s0 =	rddreg [dreg:$0x4];
	[sflag:s10] =	ssyncadd.s32 $0xFFFFC000  }
0xaa: {  	[hbm4b:s0+s2] =	stream.linear.scatter [tilespmem:s7], [sflag:$0x3], $0x4000, $0x38;
	[tilespmem:$0x8800] =	vst v63  }
0xab: {  	_ =	swait.ge [sflag:s3], $0x4000  }
0xac: {  	[sflag:s3] =	ssyncset.done $0x0  }
0xad: {  	[sflag:s3] =	ssyncadd.s32 $0xFFFFC000  }
0xae: {  	[tilespmem:s7], [sflag:$0x2] =	stream.indirect.gather [hbm4b:s4+s5], $0x80, s11, s5, $0xb8;
	[tilespmem:$0x8800] =	vst v63  }
0xaf: {  	_ =	swait.ge [sflag:s8], $0x4000  }
0xb0: {  	[sflag:s8] =	ssyncset.done $0x0  }
0xb1: {  	s0 =	rddreg [dreg:$0x5];
	[sflag:s8] =	ssyncadd.s32 $0xFFFFC000  }
0xb2: {  	[hbm4b:s0+s2] =	stream.linear.scatter [tilespmem:s6], [sflag:$0x3], $0x4000, $0x38;
	[tilespmem:$0x8800] =	vst v63  }
0xb3: {  	_ =	swait.ge [sflag:s3], $0x4000  }
0xb4: {  	[sflag:s3] =	ssyncset.done $0x0  }
0xb5: {  	[sflag:s3] =	ssyncadd.s32 $0xFFFFC000  }
0xb6: {  	[tilespmem:s6], [sflag:$0x1] =	stream.indirect.gather [hbm4b:s4+s5], $0x80, s12, s5, $0xb8;
	[tilespmem:$0x8800] =	vst v63  }
0xb7: {  	_ =	swait.ge [sflag:s10], $0x4000  }
0xb8: {  	[sflag:s10] =	ssyncset.done $0x0  }
0xb9: {  	s0 =	rddreg [dreg:$0x6];
	[sflag:s10] =	ssyncadd.s32 $0xFFFFC000  }
0xba: {  	[hbm4b:s0+s2] =	stream.linear.scatter [tilespmem:s7], [sflag:$0x3], $0x4000, $0x38;
	[tilespmem:$0x8800] =	vst v63  }
0xbb: {  	_ =	swait.ge [sflag:s3], $0x4000  }
0xbc: {  	[sflag:s3] =	ssyncset.done $0x0  }
0xbd: {  	[sflag:s3] =	ssyncadd.s32 $0xFFFFC000  }
0xbe: {  	[tilespmem:s7], [sflag:$0x2] =	stream.indirect.gather [hbm4b:s4+s5], $0x80, s13, s5, $0xb8;
	[tilespmem:$0x8800] =	vst v63  }
0xbf: {  	_ =	swait.ge [sflag:s8], $0x4000  }
0xc0: {  	[sflag:s8] =	ssyncset.done $0x0  }
0xc1: {  	s0 =	rddreg [dreg:$0x7];
	[sflag:s8] =	ssyncadd.s32 $0xFFFFC000  }
0xc2: {  	[hbm4b:s0+s2] =	stream.linear.scatter [tilespmem:s6], [sflag:$0x3], $0x4000, $0x38;
	[tilespmem:$0x8800] =	vst v63  }
0xc3: {  	_ =	swait.ge [sflag:s3], $0x4000  }
0xc4: {  	[sflag:s3] =	ssyncset.done $0x0  }
0xc5: {  	[sflag:s3] =	ssyncadd.s32 $0xFFFFC000  }
0xc6: {  	[tilespmem:s6], [sflag:$0x1] =	stream.indirect.gather [hbm4b:s4+s5], $0x80, s14, s5, $0xb8;
	[tilespmem:$0x8800] =	vst v63  }
0xc7: {  	_ =	swait.ge [sflag:s10], $0x4000  }
0xc8: {  	[sflag:s10] =	ssyncset.done $0x0  }
0xc9: {  	s0 =	rddreg [dreg:$0x8];
	[sflag:s10] =	ssyncadd.s32 $0xFFFFC000  }
0xca: {  	[hbm4b:s0+s2] =	stream.linear.scatter [tilespmem:s7], [sflag:$0x3], $0x4000, $0x38;
	[tilespmem:$0x8800] =	vst v63  }
0xcb: {  	_ =	swait.ge [sflag:s3], $0x4000  }
0xcc: {  	[sflag:s3] =	ssyncset.done $0x0  }
0xcd: {  	[sflag:s3] =	ssyncadd.s32 $0xFFFFC000  }
0xce: {  	[tilespmem:s7], [sflag:$0x2] =	stream.indirect.gather [hbm4b:s4+s5], $0x80, s15, s5, $0xb8;
	[tilespmem:$0x8800] =	vst v63  }
0xcf: {  	_ =	swait.ge [sflag:s8], $0x4000  }
0xd0: {  	[sflag:s8] =	ssyncset.done $0x0  }
0xd1: {  	s0 =	rddreg [dreg:$0x9];
	[sflag:s8] =	ssyncadd.s32 $0xFFFFC000  }
0xd2: {  	[hbm4b:s0+s2] =	stream.linear.scatter [tilespmem:s6], [sflag:$0x3], $0x4000, $0x38;
	[tilespmem:$0x8800] =	vst v63  }
0xd3: {  	_ =	swait.ge [sflag:s3], $0x4000  }
0xd4: {  	[sflag:s3] =	ssyncset.done $0x0  }
0xd5: {  	[sflag:s3] =	ssyncadd.s32 $0xFFFFC000  }
0xd6: {  	[tilespmem:s6], [sflag:$0x1] =	stream.indirect.gather [hbm4b:s4+s5], $0x80, s16, s5, $0xb8;
	[tilespmem:$0x8800] =	vst v63  }
0xd7: {  	_ =	swait.ge [sflag:s10], $0x4000  }
0xd8: {  	[sflag:s10] =	ssyncset.done $0x0  }
0xd9: {  	s0 =	rddreg [dreg:$0xa];
	[sflag:s10] =	ssyncadd.s32 $0xFFFFC000  }
0xda: {  	[hbm4b:s0+s2] =	stream.linear.scatter [tilespmem:s7], [sflag:$0x3], $0x4000, $0x38;
	[tilespmem:$0x8800] =	vst v63  }
0xdb: {  	_ =	swait.ge [sflag:s3], $0x4000  }
0xdc: {  	[sflag:s3] =	ssyncset.done $0x0  }
0xdd: {  	[sflag:s3] =	ssyncadd.s32 $0xFFFFC000  }
0xde: {  	[tilespmem:s7], [sflag:$0x2] =	stream.indirect.gather [hbm4b:s4+s5], $0x80, s17, s5, $0xb8;
	[tilespmem:$0x8800] =	vst v63  }
0xdf: {  	_ =	swait.ge [sflag:s8], $0x4000  }
0xe0: {  	[sflag:s8] =	ssyncset.done $0x0  }
0xe1: {  	s0 =	rddreg [dreg:$0xb];
	[sflag:s8] =	ssyncadd.s32 $0xFFFFC000  }
0xe2: {  	[hbm4b:s0+s2] =	stream.linear.scatter [tilespmem:s6], [sflag:$0x3], $0x4000, $0x38;
	[tilespmem:$0x8800] =	vst v63  }
0xe3: {  	_ =	swait.ge [sflag:s3], $0x4000  }
0xe4: {  	[sflag:s3] =	ssyncset.done $0x0  }
0xe5: {  	[sflag:s3] =	ssyncadd.s32 $0xFFFFC000  }
0xe6: {  	[tilespmem:s6], [sflag:$0x1] =	stream.indirect.gather [hbm4b:s4+s5], $0x80, s18, s5, $0xb8;
	[tilespmem:$0x8800] =	vst v63  }
0xe7: {  	_ =	swait.ge [sflag:s10], $0x4000  }
0xe8: {  	[sflag:s10] =	ssyncset.done $0x0  }
0xe9: {  	[sflag:s10] =	ssyncadd.s32 $0xFFFFC000  }
0xea: {  	[hbm4b:s19+s2] =	stream.linear.scatter [tilespmem:s7], [sflag:$0x3], $0x4000, $0x38;
	[tilespmem:$0x8800] =	vst v63  }
0xeb: {  	_ =	swait.ge [sflag:s3], $0x4000  }
0xec: {  	[sflag:s3] =	ssyncset.done $0x0  }
0xed: {  	[sflag:s3] =	ssyncadd.s32 $0xFFFFC000  }
0xee: {  	[tilespmem:s7], [sflag:$0x2] =	stream.indirect.gather [hbm4b:s4+s5], $0x80, s20, s5, $0xb8;
	[tilespmem:$0x8800] =	vst v63  }
0xef: {  	_ =	swait.ge [sflag:s8], $0x4000  }
0xf0: {  	[sflag:s8] =	ssyncset.done $0x0  }
0xf1: {  	[sflag:s8] =	ssyncadd.s32 $0xFFFFC000  }
0xf2: {  	[hbm4b:s21+s2] =	stream.linear.scatter [tilespmem:s6], [sflag:$0x3], $0x4000, $0x38;
	[tilespmem:$0x8800] =	vst v63  }
0xf3: {  	_ =	swait.ge [sflag:s3], $0x4000  }
0xf4: {  	[sflag:s3] =	ssyncset.done $0x0  }
0xf5: {  	[sflag:s3] =	ssyncadd.s32 $0xFFFFC000  }
0xf6: {  	[tilespmem:s6], [sflag:$0x1] =	stream.indirect.gather [hbm4b:s4+s5], $0x80, s22, s5, $0xb8;
	[tilespmem:$0x8800] =	vst v63  }
0xf7: {  	_ =	swait.ge [sflag:s10], $0x4000  }
0xf8: {  	[sflag:s10] =	ssyncset.done $0x0  }
0xf9: {  	[sflag:s10] =	ssyncadd.s32 $0xFFFFC000  }
0xfa: {  	[hbm4b:s23+s2] =	stream.linear.scatter [tilespmem:s7], [sflag:$0x3], $0x4000, $0x38;
	[tilespmem:$0x8800] =	vst v63  }
0xfb: {  	_ =	swait.ge [sflag:s3], $0x4000  }
0xfc: {  	[sflag:s3] =	ssyncset.done $0x0  }
0xfd: {  	[sflag:s3] =	ssyncadd.s32 $0xFFFFC000  }
0xfe: {  	[tilespmem:s7], [sflag:$0x2] =	stream.indirect.gather [hbm4b:s4+s5], $0x80, s24, s5, $0xb8;
	[tilespmem:$0x8800] =	vst v63  }
0xff: {  	_ =	swait.ge [sflag:s8], $0x4000  }
0x100: {  	[sflag:s8] =	ssyncset.done $0x0  }
0x101: {  	[sflag:s8] =	ssyncadd.s32 $0xFFFFC000  }
0x102: {  	[hbm4b:s25+s2] =	stream.linear.scatter [tilespmem:s6], [sflag:$0x3], $0x4000, $0x38;
	[tilespmem:$0x8800] =	vst v63  }
0x103: {  	_ =	swait.ge [sflag:s3], $0x4000  }
0x104: {  	[sflag:s3] =	ssyncset.done $0x0  }
0x105: {  	[sflag:s3] =	ssyncadd.s32 $0xFFFFC000  }
0x106: {  	[tilespmem:s6], [sflag:$0x1] =	stream.indirect.gather [hbm4b:s4+s5], $0x80, s26, s5, $0xb8;
	[tilespmem:$0x8800] =	vst v63  }
0x107: {  	_ =	swait.ge [sflag:s10], $0x4000  }
0x108: {  	[sflag:s10] =	ssyncset.done $0x0  }
0x109: {  	[sflag:s10] =	ssyncadd.s32 $0xFFFFC000  }
0x10a: {  	[hbm4b:s28+s2] =	stream.linear.scatter [tilespmem:s7], [sflag:$0x3], $0x4000, $0x38;
	[tilespmem:$0x8800] =	vst v63  }
0x10b: {  	_ =	swait.ge [sflag:s3], $0x4000  }
0x10c: {  	[sflag:s3] =	ssyncset.done $0x0  }
0x10d: {  	[sflag:s3] =	ssyncadd.s32 $0xFFFFC000  }
0x10e: {  	[tilespmem:s7], [sflag:$0x2] =	stream.indirect.gather [hbm4b:s4+s5], $0x80, s29, s5, $0xb8;
	[tilespmem:$0x8800] =	vst v63  }
0x10f: {  	_ =	swait.ge [sflag:s8], $0x4000  }
0x110: {  	[sflag:s8] =	ssyncset.done $0x0  }
0x111: {  	[sflag:s8] =	ssyncadd.s32 $0xFFFFC000  }
0x112: {  	[hbm4b:s30+s2] =	stream.linear.scatter [tilespmem:s6], [sflag:$0x3], $0x4000, $0x38;
	[tilespmem:$0x8800] =	vst v63  }
0x113: {  	_ =	swait.ge [sflag:s3], $0x4000  }
0x114: {  	[sflag:s3] =	ssyncset.done $0x0  }
0x115: {  	p0 =	sne.s32 s1, $0x1;
	[sflag:s3] =	ssyncadd.s32 $0xFFFFC000  }
.Ltmp1:
0x116: {  	_ =	swait.ge [sflag:s10], $0x4000;
	(pc) =	sbr.rel @p0 .LBB2_1-.Ltmp1, $4  }
0x117: {  	[sflag:s10] =	ssyncset.done $0x0  }
0x118: {  	[sflag:s10] =	ssyncadd.s32 $0xFFFFC000  }
0x119: {  	[hbm4b:s31+s2] =	stream.linear.scatter [tilespmem:s7], [sflag:$0x3], $0x4000, $0x38;
	[tilespmem:$0x8800] =	vst v63  }
0x11a: {  	s1 =	sadd.s32 $0xFFFFFFFF, s1;
	_ =	swait.ge [sflag:s3], $0x4000  }
.LBB2_2:
0x11b: {  	[sflag:s3] =	ssyncset.done $0x0  }
0x11c: {  	[sflag:s3] =	ssyncadd.s32 $0xFFFFC000  }
0x11d: {  	_ =	sfence.sel $0x180000  }
0x11e: {  	[bflag:$0x0] =	sbarrier.arrive $0xFFFF  }
0x11f: {  	_ =	strace $0x9000004D  }
0x120: {  	s0 =	stileid.u32;
	[bflag:$0x2] =	sbarrier.arrive $0xFFFF  }
0x121: {  	p0 =	sne.s32 s0, $0x0;
	s0 =	rddreg [dreg:$0x1]  }
0x122: {  	s0 =	sadd.s32 @!p0 $0x100000, s0  }
0x123: {  	[sflag:s0] =	ssyncadd.tile.s32 @!p0 $0x1;
	_ =	shalt  }
.Lfunc_end2:
_tile_overlayer_lowered:
.L_overlay_start_2:
0x124: {  	(tag) =	ssettag $0x2  }
0x125: {  	s0 =	rddreg [dreg:$0x0];
	s2 =	stileid.u32  }
0x126: {  	s1 =	rddreg [dreg:$0x1];
	p0 =	sne.s32 s2, $0x0  }
0x127: {  	s3 =	rddreg [dreg:$0x2];
	[bflag:$0x3] =	sbarrier.arrive $0xFFFF;
	s2 =	simm.s32 @!p0 $0x1C03  }
0x128: {  	[timem:s3], [sflag:s2] =	dma.local @!p0 [hbm:s0], s1  }
0x129: {  	s0 =	simm.s32 @!p0 $0x3  }
0x12a: {  	_ =	swait.ge @!p0 [sflag:s0], s1  }
0x12b: {  	s1 =	ssub.s32 @!p0 $0x0, s1;
	[sflag:s0] =	ssyncset.done @!p0 $0x0  }
0x12c: {  	[sflag:s0] =	ssyncadd.s32 @!p0 s1  }
0x12d: {  	[bflag:$0x3] =	sbarrier.arrive $0xFFFF  }
0x12e: {  	_ =	shalt  }

// kernel: kernel.26.cloned.1.call-start
scs
__scs_entry_jumppad:
0x0: {  	(pc) =	sbr.rel $0x88, $3  }
0x1: {  	(tag) =	ssettag $0x0;
	lr =	simm.s32 $0x1  }
0x2: {  	[smem:$0x3F7B] =	sst lr;
	_ =	strace $0xD0000000  }
0x3: {  	_ = 	snop  }
0x4: {  	_ = 	snop  }
0x5: {  	_ = 	snop  }
0x6: {  	_ = 	snop  }
0x7: {  	_ = 	snop  }
__scs_overlays_trampoline_lowered:
0x8: {  	[smem:$0x3F8A] =	sst s0  }
0x9: {  	[smem:$0x3F8B] =	sst s1  }
0xa: {  	[smem:$0x3F8C] =	sst s2  }
0xb: {  	[smem:$0x3F8D] =	sst s3  }
0xc: {  	[smem:$0x3F8E] =	sst s4  }
0xd: {  	[smem:$0x3F8F] =	sst s5  }
0xe: {  	[smem:$0x3F90] =	sst s6  }
0xf: {  	[smem:$0x3F91] =	sst s7  }
0x10: {  	[smem:$0x3F92] =	sst s8  }
0x11: {  	[smem:$0x3F93] =	sst s9;
	s0 =	simm.s32 @!p0 $0x0  }
0x12: {  	s1 =	sld [smem:$0x3F79];
	s0 =	simm.s32 @p0 $0x1  }
0x13: {  	[smem:$0x3F94] =	sst s0;
	s0 =	simm.s32 @!p1 $0x0  }
0x14: {  	s2 =	sld [smem:$0x3F78];
	s0 =	simm.s32 @p1 $0x1  }
0x15: {  	[smem:$0x3F95] =	sst s0;
	s0 =	simm.s32 @!p2 $0x0  }
0x16: {  	s3 =	sld [smem:$0x3FDB];
	s0 =	simm.s32 @p2 $0x1  }
0x17: {  	s4 =	simm.s32 $0x1BF5;
	[smem:$0x3F97] =	sst s0  }
0x18: {  	s0 =	sld [smem:$0x3F7A];
	_ =	swait.ge [sflag:s4], $0x0  }
0x19: {  	s7 =	sld [smem:$0x3F7B]  }
0x1a: {  	s8 =	sadd.s32 $0xFFFFE003, lr  }
0x1b: {  	s9 =	sadd.s32 $0xFFFFFEF7, lr;
	s5 =	simm.s32 $0xFFFFFFFF;
	p2 =	slt.u32 s8, $0xFFFFF086  }
0x1c: {  	p1 =	slt.u32 s9, $0xF7A;
	s5 =	simm.s32 @!p2 $0x0  }
0x1d: {  	s5 =	simm.s32 @p1 $0x1;
	p0 =	seq.s32 s7, s2  }
0x1e: {  	s7 =	smul.u32 @!p0 $0xF7A, s2;
	p2 =	seq.s32 @!p0 s5, $0x0  }
0x1f: {  	s9 =	smul.u32 $0xF7A, s1;
	s8 =	simm.s32 @!p0 $0x1BF5;
	p2 =	por !p2, p0  }
0x20: {  	[sflag:s8] =	ssyncset.s32 @!p0 $0xFFFFF086;
	s6 =	sadd.s32 @!p0 s3, s7;
	s7 =	simm.s32 @!p0 $0x108  }
0x21: {  	s3 =	sadd.s32 s3, s9;
	s6 =	sadd.s32 @!p0 $0x88, s6;
	s7 =	simm.s32 @p2 $0x1082  }
0x22: {  	[simem:s7], [sflag:s8] =	dma.local @!p0 [hbm:s6], $0xF7A  }
0x23: {  	s9 =	sor.u32 $0xD0000000, s2;
	s6 =	simm.s32 $0x108;
	_ =	swait.ge @!p0 [sflag:s8], $0x0  }
0x24: {  	s3 =	sadd.s32 $0x88, s3;
	s6 =	simm.s32 @!p1 $0x1082;
	[sflag:s4] =	ssyncset.s32 $0xFFFFF086  }
0x25: {  	[simem:s6], [sflag:s4] =	dma.local [hbm:s3], $0xF7A  }
0x26: {  	[smem:$0x3F7B] =	sst s1;
	(tag) =	ssettag s2;
	_ =	strace s9  }
0x27: {  	s1 =	sld [smem:$0x3F8B]  }
0x28: {  	s2 =	sld [smem:$0x3F8C]  }
0x29: {  	s4 =	sld [smem:$0x3F8E]  }
0x2a: {  	p0 =	seq.s32 s5, $0x0;
	s5 =	sld [smem:$0x3F8F]  }
0x2b: {  	s6 =	sld [smem:$0x3F90]  }
0x2c: {  	s7 =	sld [smem:$0x3F91]  }
0x2d: {  	s3 =	simm.s32 $0x108;
	s8 =	sld [smem:$0x3F92]  }
0x2e: {  	s3 =	simm.s32 @!p0 $0x1082;
	s9 =	sld [smem:$0x3F93]  }
0x2f: {  	lr =	sadd.s32 s0, s3;
	s0 =	sld [smem:$0x3F8A]  }
0x30: {  	s3 =	sld [smem:$0x3F8D]  }
0x31: {  	[smem:$0x3F96] =	sst s10  }
0x32: {  	s10 =	sld [smem:$0x3F94];
	_ =	sdelay $0x3  }
0x33: {  	p0 =	seq.s32 s10, $0x1;
	s10 =	sld [smem:$0x3F96];
	_ =	sdelay $0x3  }
0x34: {  	[smem:$0x3F96] =	sst s10  }
0x35: {  	s10 =	sld [smem:$0x3F95];
	_ =	sdelay $0x3  }
0x36: {  	p1 =	seq.s32 s10, $0x1;
	s10 =	sld [smem:$0x3F96];
	_ =	sdelay $0x3  }
0x37: {  	[smem:$0x3F96] =	sst s10  }
0x38: {  	s10 =	sld [smem:$0x3F97]  }
0x39: {  	_ = 	snop;
	(pc) =	sbr.ind lr, $3  }
0x3a: {  	_ = 	snop  }
0x3b: {  	_ = 	snop  }
0x3c: {  	p2 =	seq.s32 s10, $0x1;
	s10 =	sld [smem:$0x3F96]  }
0x3d: {  	_ =	shalt  }
0x3e: {  	_ =	shalt  }
0x3f: {  	_ =	shalt  }
0x40: {  	_ =	shalt  }
0x41: {  	_ =	shalt  }
0x42: {  	_ =	shalt  }
0x43: {  	_ =	shalt  }
0x44: {  	_ =	shalt  }
0x45: {  	_ =	shalt  }
0x46: {  	_ =	shalt  }
0x47: {  	_ =	shalt  }
0x48: {  	_ =	shalt  }
0x49: {  	_ =	shalt  }
0x4a: {  	_ =	shalt  }
0x4b: {  	_ =	shalt  }
0x4c: {  	_ =	shalt  }
0x4d: {  	_ =	shalt  }
0x4e: {  	_ =	shalt  }
0x4f: {  	_ =	shalt  }
0x50: {  	_ =	shalt  }
0x51: {  	_ =	shalt  }
0x52: {  	_ =	shalt  }
0x53: {  	_ =	shalt  }
0x54: {  	_ =	shalt  }
0x55: {  	_ =	shalt  }
0x56: {  	_ =	shalt  }
0x57: {  	_ =	shalt  }
0x58: {  	_ =	shalt  }
0x59: {  	_ =	shalt  }
0x5a: {  	_ =	shalt  }
0x5b: {  	_ =	shalt  }
0x5c: {  	_ =	shalt  }
0x5d: {  	_ =	shalt  }
0x5e: {  	_ =	shalt  }
0x5f: {  	_ =	shalt  }
0x60: {  	_ =	shalt  }
0x61: {  	_ =	shalt  }
0x62: {  	_ =	shalt  }
0x63: {  	_ =	shalt  }
0x64: {  	_ =	shalt  }
0x65: {  	_ =	shalt  }
0x66: {  	_ =	shalt  }
0x67: {  	_ =	shalt  }
0x68: {  	_ =	shalt  }
0x69: {  	_ =	shalt  }
0x6a: {  	_ =	shalt  }
0x6b: {  	_ =	shalt  }
0x6c: {  	_ =	shalt  }
0x6d: {  	_ =	shalt  }
0x6e: {  	_ =	shalt  }
0x6f: {  	_ =	shalt  }
0x70: {  	_ =	shalt  }
0x71: {  	_ =	shalt  }
0x72: {  	_ =	shalt  }
0x73: {  	_ =	shalt  }
0x74: {  	_ =	shalt  }
0x75: {  	_ =	shalt  }
0x76: {  	_ =	shalt  }
0x77: {  	_ =	shalt  }
0x78: {  	_ =	shalt  }
0x79: {  	_ =	shalt  }
0x7a: {  	_ =	shalt  }
0x7b: {  	_ =	shalt  }
0x7c: {  	_ =	shalt  }
0x7d: {  	_ =	shalt  }
0x7e: {  	_ =	shalt  }
0x7f: {  	_ =	shalt  }
0x80: {  	_ =	shalt  }
0x81: {  	_ =	shalt  }
0x82: {  	_ =	shalt  }
0x83: {  	_ =	shalt  }
0x84: {  	_ =	shalt  }
0x85: {  	_ =	shalt  }
0x86: {  	_ =	shalt  }
0x87: {  	_ =	shalt  }
.Lfunc_end0:
.L_simem_size_0:
called_computation.3_lowered:
.L_overlay_start_0:
0x88: {  	s2 =	sld [smem:$0x3FD9]  }
0x89: {  	s3 =	sld [smem:$0x3FFE];
	_ =	sdelay $0x1  }
0x8a: {  	s1 =	srdreg.scid  }
0x8b: {  	s0 =	sand.u32 $0x1, s1  }
0x8c: {  	s15 =	sshll.u32 s0, $0xA;
	s2 =	sadd.s32 s3, s2  }
0x8d: {  	s2 =	sadd.s32 s2, s15  }
0x8e: {  	[smem:$0x3FA2] =	sst s2  }
0x8f: {  	_ = 	snop  }
0x90: {  	s2 =	sld [smem:$0x3FD0];
	_ =	sdelay $0x2  }
0x91: {  	s4 =	simm.s32 $0xB;
	s16 =	simm.s32 $0x10  }
0x92: {  	[smem:s16], [sflag:s4] =	dma.local [hbm:s2], $0x1  }
0x93: {  	_ =	swait.eq [sflag:s4], $0x1  }
0x94: {  	[sflag:s4] =	ssyncset.done $0x0  }
0x95: {  	s17 =	sld [smem:$0x11];
	[sflag:s4] =	ssyncadd.s32 $0xFFFFFFFF  }
0x96: {  	s18 =	sld [smem:$0x12];
	(tm) =	ssettm $0x1  }
0x97: {  	s19 =	sld [smem:$0x3FFB];
	_ =	sdelay $0x3  }
0x98: {  	_ =	strace s19  }
0x99: {  	s2 =	sld [smem:$0x3FFC];
	_ =	sdelay $0x3  }
0x9a: {  	_ =	strace s2  }
0x9b: {  	s2 =	sld [smem:$0x3FFD];
	_ =	sdelay $0x3  }
0x9c: {  	_ =	strace s2  }
0x9d: {  	_ =	strace $0x8FFFFFFF  }
0x9e: {  	s20 =	sld [smem:$0x3FDB];
	_ =	sdelay $0x1  }
0x9f: {  	s5 =	simm.s32 $_scs_section_size  }
0xa0: {  	s6 =	simm.s32 $_size__tile_overlayer_lowered;
	s7 =	simm.s32 $_tile_overlayer_lowered  }
0xa1: {  	s8 =	simm.s32 $0x1BFF;
	s21 =	sshll.u32 s7, $0x1;
	s5 =	sadd.s32 s5, s20  }
0xa2: {  	s22 =	simm.s32 $0x0;
	s6 =	sshll.u32 s6, $0x1;
	s7 =	sadd.s32 s21, s5  }
0xa3: {  	[timem:s22], [sflag:s8] =	dma.local [hbm:s7], s6  }
0xa4: {  	_ =	swait.ge [sflag:s8], s6  }
0xa5: {  	s6 =	ssub.s32 $0x0, s6;
	[sflag:s8] =	ssyncset.done $0x0  }
0xa6: {  	[sflag:s8] =	ssyncadd.s32 s6;
	_ =	sdelay $0x1  }
0xa7: {  	s23 =	simm.s32 $0x1B8B  }
0xa8: {  	_ =	swait.ge [sflag:s23], $0x1  }
0xa9: {  	[sflag:s23] =	ssyncset.done $0x0  }
0xaa: {  	[sflag:s23] =	ssyncadd.s32 $0xFFFFFFFF  }
0xab: {  	s6 =	sld [smem:$0x0]  }
0xac: {  	s7 =	sand.u32 $0xFFFFFFFE, s1  }
0xad: {  	p0 =	sne.s32 s1, s7  }
0xae: {  	s7 =	sshll.u32 @p0 s7, $0xE  }
0xaf: {  	s7 =	sadd.s32 @p0 $0x11B8D, s7;
	s8 =	sshll.u32 @p0 s6, $0x11  }
0xb0: {  	s7 =	sor.u32 @p0 s8, s7  }
0xb1: {  	[sflag:s7] =	ssyncadd.remote.s32 @p0 $0x1;
	_ =	sdelay $0x1  }
0xb2: {  	s7 =	simm.s32 @p0 $0x1B8D  }
0xb3: {  	_ =	swait.eq @p0 [sflag:s7], $0x1  }
0xb4: {  	[sflag:s7] =	ssyncadd.s32 @p0 $0xFFFFFFFF  }
0xb5: {  	s8 =	sshll.u32 @!p0 s1, $0xE  }
0xb6: {  	s8 =	sor.u32 @!p0 $0x4000, s8;
	s7 =	simm.s32 @!p0 $0x1B8D  }
0xb7: {  	s6 =	sshll.u32 @!p0 s6, $0x11;
	s8 =	sadd.s32 @!p0 $0x11B8D, s8;
	_ =	swait.eq @!p0 [sflag:s7], $0x1  }
0xb8: {  	s6 =	sor.u32 @!p0 s6, s8;
	[sflag:s7] =	ssyncadd.s32 @!p0 $0xFFFFFFFF  }
0xb9: {  	s25 =	simm.s32 $0x1B8E;
	s24 =	sld [smem:$0x3FFE];
	[sflag:s6] =	ssyncadd.remote.s32 @!p0 $0x1  }
0xba: {  	s26 =	simm.s32 $execute0_lowered;
	[smem:$0x3FD2] =	sst s25  }
0xbb: {  	s7 =	sshll.u32 s26, $0x1;
	_ =	strace $0x8000004F;
	[dreg:$0x1] =	wrdreg $0xFFFFFFFF  }
0xbc: {  	s28 =	simm.s32 $_size_execute0_lowered;
	s5 =	sadd.s32 s5, s7;
	[dreg:$0x0] =	wrdreg $0x0  }
0xbd: {  	s7 =	sshll.u32 s28, $0x1;
	[dreg:$0x2] =	wrdreg s5  }
0xbe: {  	[dreg:$0x3] =	wrdreg s7  }
0xbf: {  	[dreg:$0x4] =	wrdreg $0xC0  }
0xc0: {  	_ =	task [dreg:s22], $0x5FFFF  }
0xc1: {  	[dreg:$0x1] =	wrdreg $0xFFFFFFFF  }
0xc2: {  	[dreg:$0x0] =	wrdreg $0x60  }
0xc3: {  	[dreg:$0x2] =	wrdreg s18  }
0xc4: {  	[dreg:$0x3] =	wrdreg s17  }
0xc5: {  	[dreg:$0x4] =	wrdreg s24  }
0xc6: {  	[dreg:$0x5] =	wrdreg $0xA  }
0xc7: {  	_ =	task.clear_ibuf [dreg:s22], $0x6FFFF;
	_ =	strace $0x9000004F  }
0xc8: {  	s29 =	simm.s32 $0xA;
	_ =	strace $0x80000051  }
0xc9: {  	_ =	swait.ge [sflag:s29], $0x1  }
0xca: {  	[sflag:s29] =	ssyncadd.s32 $0xFFFFFFFF  }
0xcb: {  	_ =	strace $0x90000051  }
0xcc: {  	_ =	sfence  }
0xcd: {  	s30 =	sld [smem:$0x0];
	_ =	sdelay $0x2  }
0xce: {  	s31 =	sshll.u32 s1, $0xD;
	s1 =	sshrl.u32 s1, $0x2  }
0xcf: {  	s4 =	sand.u32 $0x4000, s31;
	s1 =	sadd.s32 s1, s30  }
0xd0: {  	s0 =	sor.u32 s4, s0;
	s1 =	sshll.u32 s1, $0x11  }
0xd1: {  	s0 =	sor.u32 s1, s0  }
0xd2: {  	s0 =	sadd.s32 $0x8F2B, s0  }
0xd3: {  	[sflag:s0] =	ssyncadd.remote.s32 $0x1  }
0xd4: {  	_ =	sfence.sel $0xFFFF  }
0xd5: {  	[dreg:$0x0] =	wrdreg $0xFFFFFFFF;
	(pc) =	sbr.abs _section_cstart, $3  }
0xd6: {  	[dreg:$0x1] =	wrdreg $0xFFFFFFFF  }
0xd7: {  	_ =	task.clear_ibuf [dreg:s22], $0x2FFFF;
	_ =	strace $0x9FFFFFFF  }
0xd8: {  	(tm) =	ssettm $0x7FFFFFFF  }
0xd9: {  	_ =	shalt  }
tec
execute0_lowered:
.L_overlay_start_1:
0x0: {  	(tag) =	ssettag $0x1  }
0x1: {  	s4 =	rddreg [dreg:$0x0]  }
0x2: {  	s7 =	rddreg [dreg:$0x1]  }
0x3: {  	s3 =	rddreg [dreg:$0x2]  }
0x4: {  	s0 =	rddreg [dreg:$0x3]  }
0x5: {  	s2 =	simm.s32 $0x0;
	s5 =	srdreg.scid;
	s1 =	stileid.u32  }
0x6: {  	s15 =	simm.s32 $0x500;
	s16 =	simm.s32 $0x600;
	s17 =	simm.s32 $0x780  }
0x7: {  	s18 =	simm.s32 $0xD80;
	s19 =	simm.s32 $0x0;
	[smem:$0x7FF] =	sst s2  }
0x8: {  	s5 =	sand.u32 $0x1, s5;
	s6 =	sshll.u32 s1, $0x1;
	s8 =	sshrl.u32 s1, $0x1  }
0x9: {  	s6 =	sor.u32 s5, s6;
	s5 =	ssub.s32 $0x2, s5;
	s11 =	smul.u32 $0x300, s8  }
0xa: {  	_ =	strace $0x80000050;
	s31 =	smul.u32 $0x60, s8;
	s12 =	sshll.u32 s8, $0x6  }
0xb: {  	s14 =	sshll.u32 s8, $0x8;
	s9 =	sshll.u32 s6, $0x6;
	s10 =	sshrl.u32 s5, $0x1  }
0xc: {  	s30 =	sshll.u32 s6, $0x4;
	s13 =	smul.u32 $0xC0, s6;
	v2 =	vmov s14;
	s14 =	simm.s32 $0x400  }
0xd: {  	s9 =	sadd.s32 s9, s3;
	s10 =	ssub.s32 s5, s10;
	s11 =	sshrl.u32 s11, $0x3  }
0xe: {  	v0 =	vlaneseq.u32;
	s3 =	ssub.s32 s30, s12;
	s12 =	simm.s32 $0x200;
	s11 =	sadd.s32 s4, s11  }
0xf: {  	v1 =	vmul.u32 $0x3, v0;
	s4 =	sadd.s32 s4, s31;
	s7 =	sadd.s32 s7, s13;
	s8 =	sadd.s32 $0x28600, s9  }
0x10: {  	v3 =	vimm.s32 $0x0;
	s9 =	smax.u32 s10, $0x1;
	s10 =	simm.s32 $0x1;
	s13 =	simm.s32 $0x300  }
0x11: {  	v6 =	vor.u32 $0x10, v0;
	v4 =	vadd.s32 $0x1, v1;
	v5 =	vadd.s32 $0x2, v1;
	s5 =	sadd.s32 $0x20, s11;
	s6 =	sadd.s32 $0x40, s11;
	s11 =	simm.s32 $0x100  }
.LBB2_1:
0x12: {  	[tilespmem:s2], [sflag:$0x1] =	stream.linear.gather [hbm4b:s4+s2], $0x100, $0x38;
	[tilespmem:$0xF80] =	vst v63  }
0x13: {  	_ =	swait.ge [sflag:s10], $0x100  }
0x14: {  	[sflag:s10] =	ssyncset.done $0x0  }
0x15: {  	[sflag:s10] =	ssyncadd.s32 $0xFFFFFF00  }
0x16: {  	[tilespmem:s11], [sflag:$0x1] =	stream.linear.gather [hbm4b:s5+s2], $0x100, $0x38;
	[tilespmem:$0xF80] =	vst v63  }
0x17: {  	_ =	swait.ge [sflag:s10], $0x100  }
0x18: {  	[sflag:s10] =	ssyncset.done $0x0  }
0x19: {  	[sflag:s10] =	ssyncadd.s32 $0xFFFFFF00  }
0x1a: {  	[tilespmem:s12], [sflag:$0x1] =	stream.linear.gather [hbm4b:s6+s2], $0x100, $0x38;
	[tilespmem:$0xF80] =	vst v63  }
0x1b: {  	_ =	swait.ge [sflag:s10], $0x100  }
0x1c: {  	[sflag:s10] =	ssyncset.done $0x0  }
0x1d: {  	s21 =	simm.s32 $0x0;
	[sflag:s10] =	ssyncadd.s32 $0xFFFFFF00  }
0x1e: {  	v7 =	vld [tilespmem:s21+$0x0]  }
0x1f: {  	v8 =	vld [tilespmem:s21+$0x100]  }
0x20: {  	v11 =	vld [tilespmem:s21+$0x200];
	_ =	sdelay $0x3  }
0x21: {  	s20 =	simm.s32 $0x10;
	v10 =	vmul.f32 v7, v7;
	v12 =	vmul.f32 v8, v8;
	v13 =	vshrl.u32 v7, $0x10  }
0x22: {  	v9 =	vld [tilespmem:s20+$0x0];
	v14 =	vshrl.u32 v8, $0x10;
	v15 =	vmul.f32 v11, v11;
	v16 =	vshrl.u32 v11, $0x10  }
0x23: {  	v13 =	vand.u32 $0x1, v13;
	v14 =	vand.u32 $0x1, v14;
	v12 =	vadd.f32 v12, v10;
	v10 =	vld [tilespmem:s20+$0x100]  }
0x24: {  	v13 =	vadd.s32 v13, v7;
	v8 =	vadd.s32 v14, v8;
	v14 =	vand.u32 $0x1, v16  }
0x25: {  	v7 =	vld [tilespmem:s20+$0x200];
	v13 =	vadd.s32 $0x7FFF, v13;
	v11 =	vadd.s32 v14, v11  }
0x26: {  	v8 =	vadd.s32 $0x7FFF, v8;
	v12 =	vadd.f32 v15, v12;
	v13 =	vand.u32 $0xFFFF0000, v13  }
0x27: {  	v14 =	vshrl.u32 v9, $0x10;
	v11 =	vadd.s32 $0x7FFF, v11;
	v16 =	vand.u32 $0xFFFF0000, v8;
	[tilespmem:s21+$0x400] =	vst v13  }
0x28: {  	s22 =	simm.s32 $0x20;
	[tilespmem:s21+$0x300] =	vst v12;
	v12 =	vmul.f32 v9, v9;
	v13 =	vshrl.u32 v10, $0x10;
	v15 =	vmul.f32 v10, v10  }
0x29: {  	s23 =	simm.s32 $0xC0;
	v14 =	vand.u32 $0x1, v14;
	v11 =	vand.u32 $0xFFFF0000, v11;
	v8 =	vld [tilespmem:s22+$0x0];
	[tilespmem:s21+$0x500] =	vst v16;
	v13 =	vand.u32 $0x1, v13  }
.LBB2_2:
0x2a: {  	p0 =	sne.s32 s23, $0x3C0;
	v16 =	vld [tilespmem:s22+$0x100];
	v12 =	vadd.f32 v15, v12;
	v15 =	vmul.f32 v7, v7;
	v17 =	vshrl.u32 v7, $0x10;
	[tilespmem:s21+$0x600] =	vst v11;
	s21 =	smov.u32 s20;
	s20 =	smov.u32 s22  }
0x2b: {  	v9 =	vadd.s32 v14, v9;
	v10 =	vadd.s32 v13, v10;
	v11 =	vand.u32 $0x1, v17  }
.Ltmp0:
0x2c: {  	v18 =	vadd.s32 $0x7FFF, v9;
	v12 =	vadd.f32 v15, v12;
	v11 =	vadd.s32 v11, v7;
	v7 =	vld [tilespmem:s20+$0x200];
	(pc) =	sbr.rel @p0 .LBB2_2-.Ltmp0, $4  }
0x2d: {  	v13 =	vand.u32 $0xFFFF0000, v18;
	v15 =	vadd.s32 $0x7FFF, v10;
	v19 =	vadd.s32 $0x7FFF, v11  }
0x2e: {  	v17 =	vand.u32 $0xFFFF0000, v15;
	v14 =	vshrl.u32 v8, $0x10;
	[tilespmem:s21+$0x300] =	vst v12;
	v11 =	vand.u32 $0xFFFF0000, v19;
	v9 =	vmovc v8  }
0x2f: {  	s22 =	sshra.s32 s23, $0x2;
	v12 =	vmul.f32 v8, v9;
	v15 =	vmul.f32 v16, v16;
	v18 =	vshrl.u32 v16, $0x10;
	[tilespmem:s21+$0x400] =	vst v13;
	v10 =	vmovc v16  }
0x30: {  	s23 =	sadd.s32 $0x40, s23;
	v14 =	vand.u32 $0x1, v14;
	v8 =	vld [tilespmem:s22+$0x0];
	v13 =	vand.u32 $0x1, v18;
	[tilespmem:s21+$0x500] =	vst v17  }
0x31: {  	v16 =	vld [tilespmem:s22+$0x100];
	v12 =	vadd.f32 v15, v12;
	[tilespmem:s21+$0x600] =	vst v11;
	v51 =	vmul.f32 v7, v7  }
0x32: {  	v52 =	vshrl.u32 v7, $0x10;
	v9 =	vadd.s32 v14, v9;
	v10 =	vadd.s32 v13, v10;
	v53 =	vld [tilespmem:s22+$0x200]  }
0x33: {  	v54 =	vand.u32 $0x1, v52;
	v9 =	vadd.s32 $0x7FFF, v9;
	v10 =	vadd.s32 $0x7FFF, v10  }
0x34: {  	v11 =	vadd.f32 v51, v12;
	v7 =	vadd.s32 v54, v7;
	v9 =	vand.u32 $0xFFFF0000, v9  }
0x35: {  	v10 =	vand.u32 $0xFFFF0000, v10;
	v7 =	vadd.s32 $0x7FFF, v7;
	v55 =	vmul.f32 v8, v8  }
0x36: {  	v57 =	vshrl.u32 v8, $0x10;
	v7 =	vand.u32 $0xFFFF0000, v7;
	v56 =	vmul.f32 v16, v16  }
0x37: {  	[tilespmem:s20+$0x400] =	vst v9;
	v58 =	vshrl.u32 v16, $0x10;
	v60 =	vand.u32 $0x1, v57;
	v59 =	vmul.f32 v53, v53  }
0x38: {  	[tilespmem:s20+$0x300] =	vst v11;
	v11 =	vand.u32 $0x1, v58;
	v61 =	vshrl.u32 v53, $0x10;
	v8 =	vadd.s32 v60, v8  }
0x39: {  	[tilespmem:s20+$0x600] =	vst v7;
	v12 =	vadd.f32 v56, v55;
	v7 =	vadd.s32 v11, v16;
	v8 =	vadd.s32 $0x7FFF, v8  }
0x3a: {  	[tilespmem:s20+$0x500] =	vst v10;
	v10 =	vand.u32 $0x1, v61;
	v8 =	vand.u32 $0xFFFF0000, v8;
	v7 =	vadd.s32 $0x7FFF, v7  }
0x3b: {  	v10 =	vadd.s32 v10, v53;
	v62 =	vadd.f32 v59, v12;
	v7 =	vand.u32 $0xFFFF0000, v7;
	[tilespmem:s22+$0x400] =	vst v8  }
0x3c: {  	v63 =	vadd.s32 $0x7FFF, v10;
	[tilespmem:s22+$0x500] =	vst v7  }
0x3d: {  	v8 =	vand.u32 $0xFFFF0000, v63;
	[tilespmem:s22+$0x300] =	vst v62  }
0x3e: {  	s21 =	simm.s32 $0x0;
	s20 =	simm.s32 $0x0;
	[tilespmem:s22+$0x600] =	vst v8  }
.LBB2_4:
0x3f: {  	s22 =	sadd.s32 s3, s21  }
0x40: {  	v13 =	vmov s22;
	_ =	sdelay $0x4  }
0x41: {  	v7 =	vld.idx.msk [tilespmem:v13+s20+$0x0], $0xffff  }
0x42: {  	v8 =	vld.idx.msk [tilespmem:v13+s11+$0x0], $0xffff  }
0x43: {  	v9 =	vld.idx.msk [tilespmem:v13+s12+$0x0], $0xffff  }
0x44: {  	v10 =	vld.idx.msk [tilespmem:v13+s13+$0x0], $0xffff  }
0x45: {  	s23 =	simm.s32 $0x320;
	v11 =	vld.idx.msk [tilespmem:v13+s14+$0x0], $0xffff  }
0x46: {  	s24 =	simm.s32 $0x420;
	s25 =	simm.s32 $0x520;
	s26 =	simm.s32 $0x0;
	v12 =	vld.idx.msk [tilespmem:v13+s15+$0x0], $0xffff  }
0x47: {  	s29 =	simm.s32 $0x0;
	s28 =	simm.s32 $0x0;
	s22 =	simm.s32 $0x620;
	v13 =	vld.idx.msk [tilespmem:v13+s16+$0x0], $0xffff  }
.LBB2_5:
0x48: {  	v14 =	vld [tilespmem:s24+$0xFFFFFFE0]  }
0x49: {  	v15 =	vld [tilespmem:s25+$0xFFFFFFE0];
	_ =	sdelay $0x1  }
0x4a: {  	v16 =	vld [tilespmem:s22+$0xFFFFFFE0];
	_ =	sdelay $0x2  }
0x4b: {  	v14 =	vmul.f32 v14, v11;
	v15 =	vmul.f32 v15, v12  }
0x4c: {  	v17 =	vld [tilespmem:s23+$0xFFFFFFE0]  }
0x4d: {  	v14 =	vadd.f32 v15, v14;
	v15 =	vmul.f32 v16, v13;
	_ =	sdelay $0x1  }
0x4e: {  	v14 =	vadd.f32 v15, v14;
	_ =	sdelay $0x1  }
0x4f: {  	v15 =	vadd.f32 v17, v10;
	v14 =	vadd.f32 v14, v14;
	_ =	sdelay $0x1  }
0x50: {  	v14 =	vsub.f32 v15, v14;
	_ =	sdelay $0x1  }
0x51: {  	vm0 =	vlt.f32 v14, $4.900000100e-01;
	v14 =	vor.u32 s26, v0  }
0x52: {  	[tilespmem:s29+$0x700] =	vst.msk vm0, v14;
	v14 =	vsel vm0, $0x1, v3  }
0x53: {  	(xrf0) =	vadd.scan.msk.s32 $0xffff, v14;
	v14 =	vld [tilespmem:s24+$0xFFFFFFF0]  }
0x54: {  	v15 =	vld [tilespmem:s25+$0xFFFFFFF0];
	_ =	sdelay $0x1  }
0x55: {  	v57 =	vld [tilespmem:s22+$0xFFFFFFF0];
	_ =	sdelay $0x2  }
0x56: {  	v14 =	vmul.f32 v14, v11;
	v15 =	vmul.f32 v15, v12;
	v58, _, _ =	vpop (xrf0)  }
0x57: {  	v59 =	vld [tilespmem:s23+$0xFFFFFFF0];
	(v2sf) =	vpush v58, $0xF  }
0x58: {  	v14 =	vadd.f32 v15, v14;
	v15 =	vmul.f32 v57, v13;
	_ =	sdelay $0x1  }
0x59: {  	v14 =	vadd.f32 v15, v14;
	_ =	sdelay $0x1  }
0x5a: {  	v15 =	vadd.f32 v59, v10;
	v14 =	vadd.f32 v14, v14;
	_ =	sdelay $0x1  }
0x5b: {  	v14 =	vsub.f32 v15, v14;
	_ =	sdelay $0x1  }
0x5c: {  	vm13 =	vlt.f32 v14, $4.900000100e-01  }
0x5d: {  	v14 =	vsel vm13, $0x1, v3  }
0x5e: {  	(xrf0) =	vadd.scan.msk.s32 $0xffff, v14;
	_ =	sdelay $0x1  }
0x5f: {  	s31 =	sadd.s32 $0x10, s26  }
0x60: {  	v14 =	vor.u32 s31, v0  }
0x61: {  	s30 =	spop (v2sf)  }
0x62: {  	s29 =	sadd.s32 s29, s30  }
0x63: {  	[tilespmem:s29+$0x700] =	vst.msk vm13, v14;
	v14, _, _ =	vpop (xrf0)  }
0x64: {  	(v2sf) =	vpush v14, $0xF;
	v14 =	vld [tilespmem:s24+$0x0]  }
0x65: {  	v15 =	vld [tilespmem:s25+$0x0];
	_ =	sdelay $0x1  }
0x66: {  	v60 =	vld [tilespmem:s22+$0x0];
	_ =	sdelay $0x2  }
0x67: {  	v14 =	vmul.f32 v14, v11;
	v15 =	vmul.f32 v15, v12  }
0x68: {  	v61 =	vld [tilespmem:s23+$0x0]  }
0x69: {  	v14 =	vadd.f32 v15, v14;
	v15 =	vmul.f32 v60, v13;
	_ =	sdelay $0x1  }
0x6a: {  	v14 =	vadd.f32 v15, v14;
	_ =	sdelay $0x1  }
0x6b: {  	v15 =	vadd.f32 v61, v10;
	v14 =	vadd.f32 v14, v14;
	_ =	sdelay $0x1  }
0x6c: {  	v14 =	vsub.f32 v15, v14  }
0x6d: {  	s31 =	sadd.s32 $0x20, s26;
	s30 =	spop (v2sf)  }
0x6e: {  	vm14 =	vlt.f32 v14, $4.900000100e-01;
	v14 =	vor.u32 s31, v0;
	s29 =	sadd.s32 s29, s30  }
0x6f: {  	[tilespmem:s29+$0x700] =	vst.msk vm14, v14  }
0x70: {  	v14 =	vld [tilespmem:s24+$0x10]  }
0x71: {  	v15 =	vld [tilespmem:s25+$0x10];
	_ =	sdelay $0x1  }
0x72: {  	v62 =	vld [tilespmem:s22+$0x10];
	_ =	sdelay $0x2  }
0x73: {  	v14 =	vmul.f32 v14, v11;
	v15 =	vmul.f32 v15, v12  }
0x74: {  	v63 =	vld [tilespmem:s23+$0x10]  }
0x75: {  	v14 =	vadd.f32 v15, v14;
	v15 =	vmul.f32 v62, v13;
	_ =	sdelay $0x1  }
0x76: {  	v14 =	vadd.f32 v15, v14;
	_ =	sdelay $0x1  }
0x77: {  	v15 =	vadd.f32 v63, v10;
	v14 =	vadd.f32 v14, v14;
	_ =	sdelay $0x1  }
0x78: {  	v14 =	vsub.f32 v15, v14;
	_ =	sdelay $0x1  }
0x79: {  	v15 =	vsel vm14, $0x1, v3;
	vm15 =	vlt.f32 v14, $4.900000100e-01  }
0x7a: {  	(xrf0) =	vadd.scan.msk.s32 $0xffff, v15;
	v14 =	vsel vm15, $0x1, v3  }
0x7b: {  	(xrf0) =	vadd.scan.msk.s32 $0xffff, v14;
	_ =	sdelay $0x4  }
0x7c: {  	v14, _, _ =	vpop (xrf0)  }
0x7d: {  	(v2sf) =	vpush v14, $0xF;
	v14, _, _ =	vpop (xrf0)  }
0x7e: {  	(v2sf) =	vpush v14, $0xF;
	_ =	sdelay $0xd  }
0x7f: {  	s31 =	spop (v2sf)  }
0x80: {  	s30 =	sadd.s32 s29, s31;
	s29 =	spop (v2sf)  }
0x81: {  	p0 =	sgt.u32 s28, $0xB;
	s29 =	sadd.s32 s30, s29  }
0x82: {  	p1 =	slt.s32 @!p0 s29, $0x20  }
0x83: {  	p0 =	por p0, !p1  }
.Ltmp1:
0x84: {  	_ = 	snop;
	(pc) =	sbr.rel @!p0 .LBB2_5-.Ltmp1, $4  }
0x85: {  	_ = 	snop  }
0x86: {  	s31 =	sadd.s32 $0x30, s26  }
0x87: {  	s28 =	sadd.s32 $0x4, s28;
	s22 =	sadd.s32 $0x40, s22;
	s23 =	sadd.s32 $0x40, s23;
	v14 =	vor.u32 s31, v0  }
0x88: {  	s24 =	sadd.s32 $0x40, s24;
	s25 =	sadd.s32 $0x40, s25;
	s26 =	sadd.s32 $0x40, s26;
	[tilespmem:s30+$0x700] =	vst.msk vm15, v14  }
0x89: {  	v10 =	vld [tilespmem:$0x700];
	_ =	sdelay $0x4  }
0x8a: {  	v11 =	vmov s29;
	v12 =	vbroadcast v10, $0x0  }
0x8b: {  	vm0 =	vgt.s32 v11, v0  }
0x8c: {  	v10 =	vsel vm0, v10, v12  }
0x8d: {  	s22 =	sshll.u32 s21, $0x5  }
0x8e: {  	v13 =	vmov s22  }
0x8f: {  	v13 =	vmul.u32 $0x3, v13;
	_ =	sdelay $0x1  }
0x90: {  	v13 =	vbroadcast v13, $0x0;
	v14 =	vld.idx.msk [tilespmem:v10+s2+$0x0], $0xffff  }
0x91: {  	v15 =	vld.idx.msk [tilespmem:v10+s11+$0x0], $0xffff  }
0x92: {  	v17 =	vadd.s32 v1, v13;
	v16 =	vld.idx.msk [tilespmem:v10+s12+$0x0], $0xffff  }
0x93: {  	v18 =	vadd.s32 v4, v13  }
0x94: {  	v13 =	vadd.s32 v5, v13  }
0x95: {  	v14 =	vsub.f32 v14, v7  }
0x96: {  	v15 =	vsub.f32 v15, v8  }
0x97: {  	v59 =	vsub.f32 v16, v9;
	[tilespmem:v17+s17+$0x0] =	vst.idx.msk $0xffff, v14  }
0x98: {  	[tilespmem:v18+s17+$0x0] =	vst.idx.msk $0xffff, v15  }
0x99: {  	v10 =	vadd.s32 v2, v10;
	[tilespmem:v13+s17+$0x0] =	vst.idx.msk $0xffff, v59  }
0x9a: {  	[tilespmem:s22+$0xD80] =	vst v10  }
0x9b: {  	v10 =	vld [tilespmem:$0x710];
	_ =	sdelay $0x3  }
0x9c: {  	vm15 =	vgt.s32 v11, v6  }
0x9d: {  	v10 =	vsel vm15, v10, v12  }
0x9e: {  	s23 =	sor.u32 $0x10, s22  }
0x9f: {  	v60 =	vmov s23  }
0xa0: {  	v11 =	vmul.u32 $0x3, v60;
	_ =	sdelay $0x1  }
0xa1: {  	v11 =	vbroadcast v11, $0x0;
	v12 =	vld.idx.msk [tilespmem:v10+s2+$0x0], $0xffff  }
0xa2: {  	v13 =	vld.idx.msk [tilespmem:v10+s11+$0x0], $0xffff  }
0xa3: {  	v61 =	vadd.s32 v1, v11;
	v14 =	vld.idx.msk [tilespmem:v10+s12+$0x0], $0xffff  }
0xa4: {  	v62 =	vadd.s32 v4, v11  }
0xa5: {  	s21 =	sadd.s32 $0x1, s21;
	v11 =	vadd.s32 v5, v11  }
0xa6: {  	p0 =	sne.s32 s21, $0x10;
	v7 =	vsub.f32 v12, v7  }
.Ltmp2:
0xa7: {  	v8 =	vsub.f32 v13, v8;
	(pc) =	sbr.rel @p0 .LBB2_4-.Ltmp2, $4  }
0xa8: {  	v63 =	vsub.f32 v14, v9;
	[tilespmem:v61+s17+$0x0] =	vst.idx.msk $0xffff, v7  }
0xa9: {  	[tilespmem:v62+s17+$0x0] =	vst.idx.msk $0xffff, v8  }
0xaa: {  	v7 =	vadd.s32 v2, v10;
	[tilespmem:v11+s17+$0x0] =	vst.idx.msk $0xffff, v63  }
0xab: {  	[tilespmem:s22+$0xD90] =	vst v7  }
0xac: {  	[hbm4b:s7+s2] =	stream.linear.scatter [tilespmem:s17], [sflag:$0x1], $0x600, $0x38;
	[tilespmem:$0xF80] =	vst v63  }
0xad: {  	s19 =	sadd.s32 $0x1, s19;
	_ =	swait.ge [sflag:s10], $0x600  }
0xae: {  	p0 =	sne.s32 s19, s9;
	[sflag:s10] =	ssyncset.done $0x0  }
.Ltmp3:
0xaf: {  	[sflag:s10] =	ssyncadd.s32 $0xFFFFFA00;
	(pc) =	sbr.rel @p0 .LBB2_1-.Ltmp3, $4  }
0xb0: {  	[hbm4b:s8+s2] =	stream.linear.scatter [tilespmem:s18], [sflag:$0x1], $0x200, $0x38;
	[tilespmem:$0xF80] =	vst v63  }
0xb1: {  	_ =	swait.ge [sflag:s10], $0x200  }
0xb2: {  	[sflag:s10] =	ssyncset.done $0x0  }
0xb3: {  	[sflag:s10] =	ssyncadd.s32 $0xFFFFFE00  }
0xb4: {  	_ =	sfence.sel $0x180000  }
0xb5: {  	[bflag:$0x0] =	sbarrier.arrive $0xFFFF  }
0xb6: {  	p0 =	sne.s32 s1, $0x0;
	_ =	strace $0x90000050  }
0xb7: {  	s0 =	sadd.s32 @!p0 $0x100000, s0;
	[bflag:$0x2] =	sbarrier.arrive $0xFFFF  }
0xb8: {  	[sflag:s0] =	ssyncadd.tile.s32 @!p0 $0x1;
	_ =	shalt  }
.Lfunc_end2:
_tile_overlayer_lowered:
.L_overlay_start_2:
0xb9: {  	(tag) =	ssettag $0x2  }
0xba: {  	s0 =	rddreg [dreg:$0x0];
	s2 =	stileid.u32  }
0xbb: {  	s1 =	rddreg [dreg:$0x1];
	p0 =	sne.s32 s2, $0x0  }
0xbc: {  	s3 =	rddreg [dreg:$0x2];
	[bflag:$0x3] =	sbarrier.arrive $0xFFFF;
	s2 =	simm.s32 @!p0 $0x1C01  }
0xbd: {  	[timem:s3], [sflag:s2] =	dma.local @!p0 [hbm:s0], s1  }
0xbe: {  	s0 =	simm.s32 @!p0 $0x1  }
0xbf: {  	_ =	swait.ge @!p0 [sflag:s0], s1  }
0xc0: {  	s1 =	ssub.s32 @!p0 $0x0, s1;
	[sflag:s0] =	ssyncset.done @!p0 $0x0  }
0xc1: {  	[sflag:s0] =	ssyncadd.s32 @!p0 s1  }
0xc2: {  	[bflag:$0x3] =	sbarrier.arrive $0xFFFF  }
0xc3: {  	_ =	shalt  }

// kernel: kernel.29.cloned.1.call-start
scs
__scs_entry_jumppad:
0x0: {  	(pc) =	sbr.rel $0x88, $3  }
0x1: {  	(tag) =	ssettag $0x0;
	lr =	simm.s32 $0x1  }
0x2: {  	[smem:$0x3F7B] =	sst lr;
	_ =	strace $0xD0000000  }
0x3: {  	_ = 	snop  }
0x4: {  	_ = 	snop  }
0x5: {  	_ = 	snop  }
0x6: {  	_ = 	snop  }
0x7: {  	_ = 	snop  }
__scs_overlays_trampoline_lowered:
0x8: {  	[smem:$0x3F8A] =	sst s0  }
0x9: {  	[smem:$0x3F8B] =	sst s1  }
0xa: {  	[smem:$0x3F8C] =	sst s2  }
0xb: {  	[smem:$0x3F8D] =	sst s3  }
0xc: {  	[smem:$0x3F8E] =	sst s4  }
0xd: {  	[smem:$0x3F8F] =	sst s5  }
0xe: {  	[smem:$0x3F90] =	sst s6  }
0xf: {  	[smem:$0x3F91] =	sst s7  }
0x10: {  	[smem:$0x3F92] =	sst s8  }
0x11: {  	[smem:$0x3F93] =	sst s9;
	s0 =	simm.s32 @!p0 $0x0  }
0x12: {  	s1 =	sld [smem:$0x3F79];
	s0 =	simm.s32 @p0 $0x1  }
0x13: {  	[smem:$0x3F94] =	sst s0;
	s0 =	simm.s32 @!p1 $0x0  }
0x14: {  	s2 =	sld [smem:$0x3F78];
	s0 =	simm.s32 @p1 $0x1  }
0x15: {  	[smem:$0x3F95] =	sst s0;
	s0 =	simm.s32 @!p2 $0x0  }
0x16: {  	s3 =	sld [smem:$0x3FDB];
	s0 =	simm.s32 @p2 $0x1  }
0x17: {  	s4 =	simm.s32 $0x1BF5;
	[smem:$0x3F97] =	sst s0  }
0x18: {  	s0 =	sld [smem:$0x3F7A];
	_ =	swait.ge [sflag:s4], $0x0  }
0x19: {  	s7 =	sld [smem:$0x3F7B]  }
0x1a: {  	s8 =	sadd.s32 $0xFFFFE003, lr  }
0x1b: {  	s9 =	sadd.s32 $0xFFFFFEF7, lr;
	s5 =	simm.s32 $0xFFFFFFFF;
	p2 =	slt.u32 s8, $0xFFFFF086  }
0x1c: {  	p1 =	slt.u32 s9, $0xF7A;
	s5 =	simm.s32 @!p2 $0x0  }
0x1d: {  	s5 =	simm.s32 @p1 $0x1;
	p0 =	seq.s32 s7, s2  }
0x1e: {  	s7 =	smul.u32 @!p0 $0xF7A, s2;
	p2 =	seq.s32 @!p0 s5, $0x0  }
0x1f: {  	s9 =	smul.u32 $0xF7A, s1;
	s8 =	simm.s32 @!p0 $0x1BF5;
	p2 =	por !p2, p0  }
0x20: {  	[sflag:s8] =	ssyncset.s32 @!p0 $0xFFFFF086;
	s6 =	sadd.s32 @!p0 s3, s7;
	s7 =	simm.s32 @!p0 $0x108  }
0x21: {  	s3 =	sadd.s32 s3, s9;
	s6 =	sadd.s32 @!p0 $0x88, s6;
	s7 =	simm.s32 @p2 $0x1082  }
0x22: {  	[simem:s7], [sflag:s8] =	dma.local @!p0 [hbm:s6], $0xF7A  }
0x23: {  	s9 =	sor.u32 $0xD0000000, s2;
	s6 =	simm.s32 $0x108;
	_ =	swait.ge @!p0 [sflag:s8], $0x0  }
0x24: {  	s3 =	sadd.s32 $0x88, s3;
	s6 =	simm.s32 @!p1 $0x1082;
	[sflag:s4] =	ssyncset.s32 $0xFFFFF086  }
0x25: {  	[simem:s6], [sflag:s4] =	dma.local [hbm:s3], $0xF7A  }
0x26: {  	[smem:$0x3F7B] =	sst s1;
	(tag) =	ssettag s2;
	_ =	strace s9  }
0x27: {  	s1 =	sld [smem:$0x3F8B]  }
0x28: {  	s2 =	sld [smem:$0x3F8C]  }
0x29: {  	s4 =	sld [smem:$0x3F8E]  }
0x2a: {  	p0 =	seq.s32 s5, $0x0;
	s5 =	sld [smem:$0x3F8F]  }
0x2b: {  	s6 =	sld [smem:$0x3F90]  }
0x2c: {  	s7 =	sld [smem:$0x3F91]  }
0x2d: {  	s3 =	simm.s32 $0x108;
	s8 =	sld [smem:$0x3F92]  }
0x2e: {  	s3 =	simm.s32 @!p0 $0x1082;
	s9 =	sld [smem:$0x3F93]  }
0x2f: {  	lr =	sadd.s32 s0, s3;
	s0 =	sld [smem:$0x3F8A]  }
0x30: {  	s3 =	sld [smem:$0x3F8D]  }
0x31: {  	[smem:$0x3F96] =	sst s10  }
0x32: {  	s10 =	sld [smem:$0x3F94];
	_ =	sdelay $0x3  }
0x33: {  	p0 =	seq.s32 s10, $0x1;
	s10 =	sld [smem:$0x3F96];
	_ =	sdelay $0x3  }
0x34: {  	[smem:$0x3F96] =	sst s10  }
0x35: {  	s10 =	sld [smem:$0x3F95];
	_ =	sdelay $0x3  }
0x36: {  	p1 =	seq.s32 s10, $0x1;
	s10 =	sld [smem:$0x3F96];
	_ =	sdelay $0x3  }
0x37: {  	[smem:$0x3F96] =	sst s10  }
0x38: {  	s10 =	sld [smem:$0x3F97]  }
0x39: {  	_ = 	snop;
	(pc) =	sbr.ind lr, $3  }
0x3a: {  	_ = 	snop  }
0x3b: {  	_ = 	snop  }
0x3c: {  	p2 =	seq.s32 s10, $0x1;
	s10 =	sld [smem:$0x3F96]  }
0x3d: {  	_ =	shalt  }
0x3e: {  	_ =	shalt  }
0x3f: {  	_ =	shalt  }
0x40: {  	_ =	shalt  }
0x41: {  	_ =	shalt  }
0x42: {  	_ =	shalt  }
0x43: {  	_ =	shalt  }
0x44: {  	_ =	shalt  }
0x45: {  	_ =	shalt  }
0x46: {  	_ =	shalt  }
0x47: {  	_ =	shalt  }
0x48: {  	_ =	shalt  }
0x49: {  	_ =	shalt  }
0x4a: {  	_ =	shalt  }
0x4b: {  	_ =	shalt  }
0x4c: {  	_ =	shalt  }
0x4d: {  	_ =	shalt  }
0x4e: {  	_ =	shalt  }
0x4f: {  	_ =	shalt  }
0x50: {  	_ =	shalt  }
0x51: {  	_ =	shalt  }
0x52: {  	_ =	shalt  }
0x53: {  	_ =	shalt  }
0x54: {  	_ =	shalt  }
0x55: {  	_ =	shalt  }
0x56: {  	_ =	shalt  }
0x57: {  	_ =	shalt  }
0x58: {  	_ =	shalt  }
0x59: {  	_ =	shalt  }
0x5a: {  	_ =	shalt  }
0x5b: {  	_ =	shalt  }
0x5c: {  	_ =	shalt  }
0x5d: {  	_ =	shalt  }
0x5e: {  	_ =	shalt  }
0x5f: {  	_ =	shalt  }
0x60: {  	_ =	shalt  }
0x61: {  	_ =	shalt  }
0x62: {  	_ =	shalt  }
0x63: {  	_ =	shalt  }
0x64: {  	_ =	shalt  }
0x65: {  	_ =	shalt  }
0x66: {  	_ =	shalt  }
0x67: {  	_ =	shalt  }
0x68: {  	_ =	shalt  }
0x69: {  	_ =	shalt  }
0x6a: {  	_ =	shalt  }
0x6b: {  	_ =	shalt  }
0x6c: {  	_ =	shalt  }
0x6d: {  	_ =	shalt  }
0x6e: {  	_ =	shalt  }
0x6f: {  	_ =	shalt  }
0x70: {  	_ =	shalt  }
0x71: {  	_ =	shalt  }
0x72: {  	_ =	shalt  }
0x73: {  	_ =	shalt  }
0x74: {  	_ =	shalt  }
0x75: {  	_ =	shalt  }
0x76: {  	_ =	shalt  }
0x77: {  	_ =	shalt  }
0x78: {  	_ =	shalt  }
0x79: {  	_ =	shalt  }
0x7a: {  	_ =	shalt  }
0x7b: {  	_ =	shalt  }
0x7c: {  	_ =	shalt  }
0x7d: {  	_ =	shalt  }
0x7e: {  	_ =	shalt  }
0x7f: {  	_ =	shalt  }
0x80: {  	_ =	shalt  }
0x81: {  	_ =	shalt  }
0x82: {  	_ =	shalt  }
0x83: {  	_ =	shalt  }
0x84: {  	_ =	shalt  }
0x85: {  	_ =	shalt  }
0x86: {  	_ =	shalt  }
0x87: {  	_ =	shalt  }
.Lfunc_end0:
.L_simem_size_0:
called_computation.4_lowered:
.L_overlay_start_0:
0x88: {  	s2 =	sld [smem:$0x3FD9]  }
0x89: {  	s3 =	sld [smem:$0x3FFE];
	_ =	sdelay $0x1  }
0x8a: {  	s1 =	srdreg.scid  }
0x8b: {  	s0 =	sand.u32 $0x1, s1  }
0x8c: {  	s16 =	sshll.u32 s0, $0xA;
	s2 =	sadd.s32 s3, s2  }
0x8d: {  	s2 =	sadd.s32 s2, s16  }
0x8e: {  	[smem:$0x3FA2] =	sst s2  }
0x8f: {  	_ = 	snop  }
0x90: {  	(tm) =	ssettm $0x1  }
0x91: {  	s17 =	sld [smem:$0x3FFB];
	_ =	sdelay $0x3  }
0x92: {  	_ =	strace s17  }
0x93: {  	s2 =	sld [smem:$0x3FFC];
	_ =	sdelay $0x3  }
0x94: {  	_ =	strace s2  }
0x95: {  	s2 =	sld [smem:$0x3FFD];
	_ =	sdelay $0x3  }
0x96: {  	_ =	strace s2  }
0x97: {  	_ =	strace $0x8FFFFFFF  }
0x98: {  	s18 =	sld [smem:$0x3FDB];
	_ =	sdelay $0x1  }
0x99: {  	s19 =	simm.s32 $_scs_section_size  }
0x9a: {  	s4 =	simm.s32 $_size__tile_overlayer_lowered;
	s5 =	simm.s32 $_tile_overlayer_lowered  }
0x9b: {  	s22 =	simm.s32 $0x1BFF;
	s21 =	sshll.u32 s5, $0x1;
	s2 =	sadd.s32 s19, s18  }
0x9c: {  	s6 =	simm.s32 $0x0;
	s20 =	sshll.u32 s4, $0x1;
	s4 =	sadd.s32 s21, s2  }
0x9d: {  	[timem:s6], [sflag:s22] =	dma.local [hbm:s4], s20  }
0x9e: {  	_ =	swait.ge [sflag:s22], s20  }
0x9f: {  	s3 =	ssub.s32 $0x0, s20;
	[sflag:s22] =	ssyncset.done $0x0  }
0xa0: {  	[sflag:s22] =	ssyncadd.s32 s3;
	_ =	sdelay $0x1  }
0xa1: {  	s23 =	simm.s32 $0x1B8B  }
0xa2: {  	_ =	swait.ge [sflag:s23], $0x1  }
0xa3: {  	[sflag:s23] =	ssyncset.done $0x0  }
0xa4: {  	s25 =	simm.s32 $0x1B8E;
	s24 =	sld [smem:$0x3FFE];
	[sflag:s23] =	ssyncadd.s32 $0xFFFFFFFF  }
0xa5: {  	s26 =	simm.s32 $execute0_lowered;
	[smem:$0x3FD2] =	sst s25  }
0xa6: {  	s4 =	sshll.u32 s26, $0x1;
	_ =	strace $0x80000052;
	[dreg:$0x1] =	wrdreg $0xFFFFFFFF  }
0xa7: {  	s28 =	simm.s32 $_size_execute0_lowered;
	s2 =	sadd.s32 s2, s4;
	[dreg:$0x0] =	wrdreg $0x0  }
0xa8: {  	s4 =	sshll.u32 s28, $0x1;
	[dreg:$0x2] =	wrdreg s2  }
0xa9: {  	[dreg:$0x3] =	wrdreg s4  }
0xaa: {  	[dreg:$0x4] =	wrdreg $0xC0  }
0xab: {  	_ =	task [dreg:s6], $0x5FFFF  }
0xac: {  	[dreg:$0x1] =	wrdreg $0xFFFFFFFF  }
0xad: {  	[dreg:$0x0] =	wrdreg $0x60  }
0xae: {  	[dreg:$0x2] =	wrdreg s24  }
0xaf: {  	[dreg:$0x3] =	wrdreg $0x9  }
0xb0: {  	_ =	task.clear_ibuf [dreg:s6], $0x4FFFF;
	_ =	strace $0x90000052  }
0xb1: {  	s29 =	simm.s32 $0x9;
	_ =	strace $0x80000054  }
0xb2: {  	_ =	swait.ge [sflag:s29], $0x1  }
0xb3: {  	[sflag:s29] =	ssyncadd.s32 $0xFFFFFFFF  }
0xb4: {  	_ =	strace $0x90000054  }
0xb5: {  	_ =	sfence  }
0xb6: {  	s30 =	sld [smem:$0x0];
	_ =	sdelay $0x2  }
0xb7: {  	s31 =	sshll.u32 s1, $0xD;
	s1 =	sshrl.u32 s1, $0x2  }
0xb8: {  	s3 =	sand.u32 $0x4000, s31;
	s1 =	sadd.s32 s1, s30  }
0xb9: {  	s0 =	sor.u32 s3, s0;
	s1 =	sshll.u32 s1, $0x11  }
0xba: {  	s0 =	sor.u32 s1, s0  }
0xbb: {  	s0 =	sadd.s32 $0x8F2B, s0  }
0xbc: {  	[sflag:s0] =	ssyncadd.remote.s32 $0x1  }
0xbd: {  	_ =	sfence.sel $0xFFFF  }
0xbe: {  	[dreg:$0x0] =	wrdreg $0xFFFFFFFF;
	(pc) =	sbr.abs _section_cstart, $3  }
0xbf: {  	[dreg:$0x1] =	wrdreg $0xFFFFFFFF  }
0xc0: {  	_ =	task.clear_ibuf [dreg:s6], $0x2FFFF;
	_ =	strace $0x9FFFFFFF  }
0xc1: {  	(tm) =	ssettm $0x7FFFFFFF  }
tec
execute0_lowered:
.L_overlay_start_1:
0x0: {  	(tag) =	ssettag $0x1  }
0x1: {  	s0 =	srdreg.scid;
	s1 =	stileid.u32  }
0x2: {  	s3 =	rddreg [dreg:$0x0];
	s13 =	simm.s32 $0x2;
	s15 =	simm.s32 $0xA00  }
0x3: {  	s16 =	simm.s32 $0x1200;
	s17 =	simm.s32 $0x1A00;
	s18 =	simm.s32 $0x2200  }
0x4: {  	s19 =	simm.s32 $0x2A00;
	s20 =	simm.s32 $0x3200;
	s21 =	simm.s32 $0x3A00  }
0x5: {  	s23 =	simm.s32 $0x4200;
	s28 =	simm.s32 $0x6200;
	s29 =	simm.s32 $0x6A00  }
0x6: {  	s30 =	simm.s32 $0x7200;
	s31 =	simm.s32 $0x7A00;
	s22 =	simm.s32 $0x9200  }
0x7: {  	s7 =	simm.s32 $0x9A00;
	s8 =	simm.s32 $0xA200;
	s0 =	sand.u32 $0x1, s0  }
0x8: {  	s9 =	simm.s32 $0xAA00;
	s1 =	sshll.u32 s1, $0xA;
	s2 =	sshll.u32 s0, $0x9  }
0x9: {  	s10 =	simm.s32 $0xB200;
	s11 =	simm.s32 $0xBA00;
	s1 =	sor.u32 s2, s1  }
0xa: {  	s0 =	ssub.s32 $0x2, s0;
	s2 =	simm.s32 $0x0;
	s4 =	sshrl.u32 s1, $0x3  }
0xb: {  	s5 =	sshrl.u32 s0, $0x1;
	s1 =	sshll.u32 s1, $0x5;
	s4 =	sadd.s32 s4, s3  }
0xc: {  	[smem:$0x7FF] =	sst s2;
	s1 =	sadd.s32 s1, s3;
	s4 =	sadd.s32 $0x28600, s4  }
0xd: {  	_ =	strace $0x80000053;
	s24 =	sadd.s32 $0x28E00, s1;
	[dreg:$0x2] =	wrdreg s4  }
0xe: {  	s0 =	ssub.s32 s0, s5;
	s25 =	sadd.s32 $0x29E00, s1;
	[dreg:$0x3] =	wrdreg s24  }
0xf: {  	s5 =	simm.s32 $0x3;
	s26 =	sadd.s32 $0x2AE00, s1;
	[dreg:$0x4] =	wrdreg s25  }
0x10: {  	v2 =	vlaneseq.u32;
	s3 =	sadd.s32 $0x8600, s3;
	s1 =	sadd.s32 $0x2BE00, s1;
	[dreg:$0x5] =	wrdreg s26  }
0x11: {  	vm0 =	vmmov $0xffff;
	v1 =	vshrl.u32 v2, $0x3;
	[dreg:$0x6] =	wrdreg s1;
	s4 =	smax.u32 s0, $0x1;
	s1 =	simm.s32 $0x1  }
0x12: {  	v0 =	vand.u32 $0x7, v2;
	v2 =	vor.u32 $0x8, v2;
	v1 =	vmul.u32 $0x8, v1;
	s24 =	simm.s32 $0x4A00;
	s25 =	simm.s32 $0x5200;
	s26 =	simm.s32 $0x5A00  }
.LBB2_1:
0x13: {  	s14 =	rddreg [dreg:$0x2]  }
0x14: {  	[tilespmem:s2], [sflag:$0x3] =	stream.linear.gather [hbm4b:s14+s2], $0x200, $0x38;
	[tilespmem:$0x10200] =	vst v63  }
0x15: {  	_ =	swait.ge [sflag:s5], $0x200  }
0x16: {  	[sflag:s5] =	ssyncset.done $0x0  }
0x17: {  	[sflag:s5] =	ssyncadd.s32 $0xFFFFFE00  }
0x18: {  	v3 =	vld [tilespmem:$0x0];
	_ =	sdelay $0x4  }
0x19: {  	v4 =	vshll.u32 v3, $0x1  }
0x1a: {  	v3 =	vand.u32 $0x7, v3;
	v4 =	vand.u32 $0xFFFFFFF0, v4  }
0x1b: {  	v3 =	vor.u32 v3, v4  }
0x1c: {  	v4 =	vperm.xlane v3, v0;
	_ =	sdelay $0x1  }
0x1d: {  	v3 =	vperm.xlane v3, v2;
	v4 =	vadd.s32 v1, v4;
	_ =	sdelay $0x1  }
0x1e: {  	v3 =	vadd.s32 v1, v3;
	_ =	sdelay $0x1  }
0x1f: {  	s0 =	simm.s32 $0x200  }
0x20: {  	[tilespmem:s0], [sflag:$0x1] =	stream.indirect_vreg.gather [hbm4b:s3+s2], $0x80, v4, vm0, $0xb8;
	[tilespmem:$0x10200] =	vst v63  }
0x21: {  	_ = 	snop  }
0x22: {  	[tilespmem:s15], [sflag:$0x1] =	stream.indirect_vreg.gather [hbm4b:s3+s2], $0x80, v3, vm0, $0xb8;
	[tilespmem:$0x10200] =	vst v63  }
0x23: {  	v3 =	vld [tilespmem:$0x10];
	_ =	sdelay $0x4  }
0x24: {  	v33 =	vshll.u32 v3, $0x1  }
0x25: {  	v3 =	vand.u32 $0x7, v3;
	v4 =	vand.u32 $0xFFFFFFF0, v33  }
0x26: {  	v3 =	vor.u32 v3, v4  }
0x27: {  	v4 =	vperm.xlane v3, v0;
	_ =	sdelay $0x1  }
0x28: {  	v3 =	vperm.xlane v3, v2;
	v4 =	vadd.s32 v1, v4;
	_ =	sdelay $0x1  }
0x29: {  	v3 =	vadd.s32 v1, v3;
	_ =	sdelay $0x2  }
0x2a: {  	[tilespmem:s16], [sflag:$0x1] =	stream.indirect_vreg.gather [hbm4b:s3+s2], $0x80, v4, vm0, $0xb8;
	[tilespmem:$0x10200] =	vst v63  }
0x2b: {  	_ = 	snop  }
0x2c: {  	[tilespmem:s17], [sflag:$0x1] =	stream.indirect_vreg.gather [hbm4b:s3+s2], $0x80, v3, vm0, $0xb8;
	[tilespmem:$0x10200] =	vst v63  }
0x2d: {  	v3 =	vld [tilespmem:$0x20];
	_ =	sdelay $0x4  }
0x2e: {  	v34 =	vshll.u32 v3, $0x1  }
0x2f: {  	v3 =	vand.u32 $0x7, v3;
	v4 =	vand.u32 $0xFFFFFFF0, v34  }
0x30: {  	v3 =	vor.u32 v3, v4  }
0x31: {  	v4 =	vperm.xlane v3, v0;
	_ =	sdelay $0x1  }
0x32: {  	v3 =	vperm.xlane v3, v2;
	v4 =	vadd.s32 v1, v4;
	_ =	sdelay $0x1  }
0x33: {  	v3 =	vadd.s32 v1, v3;
	_ =	sdelay $0x2  }
0x34: {  	[tilespmem:s18], [sflag:$0x1] =	stream.indirect_vreg.gather [hbm4b:s3+s2], $0x80, v4, vm0, $0xb8;
	[tilespmem:$0x10200] =	vst v63  }
0x35: {  	_ = 	snop  }
0x36: {  	[tilespmem:s19], [sflag:$0x1] =	stream.indirect_vreg.gather [hbm4b:s3+s2], $0x80, v3, vm0, $0xb8;
	[tilespmem:$0x10200] =	vst v63  }
0x37: {  	v3 =	vld [tilespmem:$0x30];
	_ =	sdelay $0x4  }
0x38: {  	v35 =	vshll.u32 v3, $0x1  }
0x39: {  	v3 =	vand.u32 $0x7, v3;
	v4 =	vand.u32 $0xFFFFFFF0, v35  }
0x3a: {  	v3 =	vor.u32 v3, v4  }
0x3b: {  	v4 =	vperm.xlane v3, v0;
	_ =	sdelay $0x1  }
0x3c: {  	v3 =	vperm.xlane v3, v2;
	v4 =	vadd.s32 v1, v4;
	_ =	sdelay $0x1  }
0x3d: {  	v3 =	vadd.s32 v1, v3;
	_ =	sdelay $0x2  }
0x3e: {  	[tilespmem:s20], [sflag:$0x1] =	stream.indirect_vreg.gather [hbm4b:s3+s2], $0x80, v4, vm0, $0xb8;
	[tilespmem:$0x10200] =	vst v63  }
0x3f: {  	_ = 	snop  }
0x40: {  	[tilespmem:s21], [sflag:$0x1] =	stream.indirect_vreg.gather [hbm4b:s3+s2], $0x80, v3, vm0, $0xb8;
	[tilespmem:$0x10200] =	vst v63  }
0x41: {  	v3 =	vld [tilespmem:$0x40];
	_ =	sdelay $0x4  }
0x42: {  	v36 =	vshll.u32 v3, $0x1  }
0x43: {  	v3 =	vand.u32 $0x7, v3;
	v4 =	vand.u32 $0xFFFFFFF0, v36  }
0x44: {  	v3 =	vor.u32 v3, v4  }
0x45: {  	v4 =	vperm.xlane v3, v0;
	_ =	sdelay $0x1  }
0x46: {  	v3 =	vperm.xlane v3, v2;
	v4 =	vadd.s32 v1, v4;
	_ =	sdelay $0x1  }
0x47: {  	v3 =	vadd.s32 v1, v3;
	_ =	sdelay $0x2  }
0x48: {  	[tilespmem:s23], [sflag:$0x1] =	stream.indirect_vreg.gather [hbm4b:s3+s2], $0x80, v4, vm0, $0xb8;
	[tilespmem:$0x10200] =	vst v63  }
0x49: {  	_ = 	snop  }
0x4a: {  	[tilespmem:s24], [sflag:$0x1] =	stream.indirect_vreg.gather [hbm4b:s3+s2], $0x80, v3, vm0, $0xb8;
	[tilespmem:$0x10200] =	vst v63  }
0x4b: {  	v3 =	vld [tilespmem:$0x50];
	_ =	sdelay $0x4  }
0x4c: {  	v37 =	vshll.u32 v3, $0x1  }
0x4d: {  	v3 =	vand.u32 $0x7, v3;
	v4 =	vand.u32 $0xFFFFFFF0, v37  }
0x4e: {  	v3 =	vor.u32 v3, v4  }
0x4f: {  	v4 =	vperm.xlane v3, v0;
	_ =	sdelay $0x1  }
0x50: {  	v3 =	vperm.xlane v3, v2;
	v4 =	vadd.s32 v1, v4;
	_ =	sdelay $0x1  }
0x51: {  	v3 =	vadd.s32 v1, v3;
	_ =	sdelay $0x2  }
0x52: {  	[tilespmem:s25], [sflag:$0x1] =	stream.indirect_vreg.gather [hbm4b:s3+s2], $0x80, v4, vm0, $0xb8;
	[tilespmem:$0x10200] =	vst v63  }
0x53: {  	_ = 	snop  }
0x54: {  	[tilespmem:s26], [sflag:$0x1] =	stream.indirect_vreg.gather [hbm4b:s3+s2], $0x80, v3, vm0, $0xb8;
	[tilespmem:$0x10200] =	vst v63  }
0x55: {  	v3 =	vld [tilespmem:$0x60];
	_ =	sdelay $0x4  }
0x56: {  	v38 =	vshll.u32 v3, $0x1  }
0x57: {  	v3 =	vand.u32 $0x7, v3;
	v4 =	vand.u32 $0xFFFFFFF0, v38  }
0x58: {  	v3 =	vor.u32 v3, v4  }
0x59: {  	v4 =	vperm.xlane v3, v0;
	_ =	sdelay $0x1  }
0x5a: {  	v3 =	vperm.xlane v3, v2;
	v4 =	vadd.s32 v1, v4;
	_ =	sdelay $0x1  }
0x5b: {  	v3 =	vadd.s32 v1, v3;
	_ =	sdelay $0x2  }
0x5c: {  	[tilespmem:s28], [sflag:$0x1] =	stream.indirect_vreg.gather [hbm4b:s3+s2], $0x80, v4, vm0, $0xb8;
	[tilespmem:$0x10200] =	vst v63  }
0x5d: {  	_ = 	snop  }
0x5e: {  	[tilespmem:s29], [sflag:$0x1] =	stream.indirect_vreg.gather [hbm4b:s3+s2], $0x80, v3, vm0, $0xb8;
	[tilespmem:$0x10200] =	vst v63  }
0x5f: {  	v3 =	vld [tilespmem:$0x70];
	_ =	sdelay $0x4  }
0x60: {  	v39 =	vshll.u32 v3, $0x1  }
0x61: {  	v3 =	vand.u32 $0x7, v3;
	v4 =	vand.u32 $0xFFFFFFF0, v39  }
0x62: {  	v3 =	vor.u32 v3, v4  }
0x63: {  	v4 =	vperm.xlane v3, v0;
	_ =	sdelay $0x1  }
0x64: {  	v3 =	vperm.xlane v3, v2;
	v4 =	vadd.s32 v1, v4;
	_ =	sdelay $0x1  }
0x65: {  	v3 =	vadd.s32 v1, v3;
	_ =	sdelay $0x2  }
0x66: {  	[tilespmem:s30], [sflag:$0x1] =	stream.indirect_vreg.gather [hbm4b:s3+s2], $0x80, v4, vm0, $0xb8;
	[tilespmem:$0x10200] =	vst v63  }
0x67: {  	_ = 	snop  }
0x68: {  	[tilespmem:s31], [sflag:$0x1] =	stream.indirect_vreg.gather [hbm4b:s3+s2], $0x80, v3, vm0, $0xb8;
	[tilespmem:$0x10200] =	vst v63  }
0x69: {  	v3 =	vld [tilespmem:$0x80];
	_ =	sdelay $0x4  }
0x6a: {  	v40 =	vshll.u32 v3, $0x1  }
0x6b: {  	v3 =	vand.u32 $0x7, v3;
	v4 =	vand.u32 $0xFFFFFFF0, v40  }
0x6c: {  	v3 =	vor.u32 v3, v4  }
0x6d: {  	v4 =	vperm.xlane v3, v0;
	_ =	sdelay $0x1  }
0x6e: {  	v3 =	vperm.xlane v3, v2;
	v4 =	vadd.s32 v1, v4;
	_ =	sdelay $0x1  }
0x6f: {  	v3 =	vadd.s32 v1, v3;
	_ =	sdelay $0x1  }
0x70: {  	s0 =	simm.s32 $0x8200  }
0x71: {  	[tilespmem:s0], [sflag:$0x2] =	stream.indirect_vreg.gather [hbm4b:s3+s2], $0x80, v4, vm0, $0xb8;
	[tilespmem:$0x10200] =	vst v63  }
0x72: {  	s6 =	simm.s32 $0x8A00  }
0x73: {  	[tilespmem:s6], [sflag:$0x2] =	stream.indirect_vreg.gather [hbm4b:s3+s2], $0x80, v3, vm0, $0xb8;
	[tilespmem:$0x10200] =	vst v63  }
0x74: {  	v3 =	vld [tilespmem:$0x90];
	_ =	sdelay $0x4  }
0x75: {  	v41 =	vshll.u32 v3, $0x1  }
0x76: {  	v3 =	vand.u32 $0x7, v3;
	v4 =	vand.u32 $0xFFFFFFF0, v41  }
0x77: {  	v3 =	vor.u32 v3, v4  }
0x78: {  	v4 =	vperm.xlane v3, v0;
	_ =	sdelay $0x1  }
0x79: {  	v3 =	vperm.xlane v3, v2;
	v4 =	vadd.s32 v1, v4;
	_ =	sdelay $0x1  }
0x7a: {  	v3 =	vadd.s32 v1, v3;
	_ =	sdelay $0x2  }
0x7b: {  	[tilespmem:s22], [sflag:$0x2] =	stream.indirect_vreg.gather [hbm4b:s3+s2], $0x80, v4, vm0, $0xb8;
	[tilespmem:$0x10200] =	vst v63  }
0x7c: {  	_ = 	snop  }
0x7d: {  	[tilespmem:s7], [sflag:$0x2] =	stream.indirect_vreg.gather [hbm4b:s3+s2], $0x80, v3, vm0, $0xb8;
	[tilespmem:$0x10200] =	vst v63  }
0x7e: {  	v3 =	vld [tilespmem:$0xA0];
	_ =	sdelay $0x4  }
0x7f: {  	v42 =	vshll.u32 v3, $0x1  }
0x80: {  	v3 =	vand.u32 $0x7, v3;
	v4 =	vand.u32 $0xFFFFFFF0, v42  }
0x81: {  	v3 =	vor.u32 v3, v4  }
0x82: {  	v4 =	vperm.xlane v3, v0;
	_ =	sdelay $0x1  }
0x83: {  	v3 =	vperm.xlane v3, v2;
	v4 =	vadd.s32 v1, v4;
	_ =	sdelay $0x1  }
0x84: {  	v3 =	vadd.s32 v1, v3;
	_ =	sdelay $0x2  }
0x85: {  	[tilespmem:s8], [sflag:$0x2] =	stream.indirect_vreg.gather [hbm4b:s3+s2], $0x80, v4, vm0, $0xb8;
	[tilespmem:$0x10200] =	vst v63  }
0x86: {  	_ = 	snop  }
0x87: {  	[tilespmem:s9], [sflag:$0x2] =	stream.indirect_vreg.gather [hbm4b:s3+s2], $0x80, v3, vm0, $0xb8;
	[tilespmem:$0x10200] =	vst v63  }
0x88: {  	v3 =	vld [tilespmem:$0xB0];
	_ =	sdelay $0x4  }
0x89: {  	v43 =	vshll.u32 v3, $0x1  }
0x8a: {  	v3 =	vand.u32 $0x7, v3;
	v4 =	vand.u32 $0xFFFFFFF0, v43  }
0x8b: {  	v3 =	vor.u32 v3, v4  }
0x8c: {  	v4 =	vperm.xlane v3, v0;
	_ =	sdelay $0x1  }
0x8d: {  	v3 =	vperm.xlane v3, v2;
	v4 =	vadd.s32 v1, v4;
	_ =	sdelay $0x1  }
0x8e: {  	v3 =	vadd.s32 v1, v3;
	_ =	sdelay $0x2  }
0x8f: {  	[tilespmem:s10], [sflag:$0x2] =	stream.indirect_vreg.gather [hbm4b:s3+s2], $0x80, v4, vm0, $0xb8;
	[tilespmem:$0x10200] =	vst v63  }
0x90: {  	_ = 	snop  }
0x91: {  	[tilespmem:s11], [sflag:$0x2] =	stream.indirect_vreg.gather [hbm4b:s3+s2], $0x80, v3, vm0, $0xb8;
	[tilespmem:$0x10200] =	vst v63  }
0x92: {  	v3 =	vld [tilespmem:$0xC0];
	_ =	sdelay $0x4  }
0x93: {  	v44 =	vshll.u32 v3, $0x1  }
0x94: {  	v3 =	vand.u32 $0x7, v3;
	v4 =	vand.u32 $0xFFFFFFF0, v44  }
0x95: {  	v3 =	vor.u32 v3, v4  }
0x96: {  	v4 =	vperm.xlane v3, v0;
	_ =	sdelay $0x1  }
0x97: {  	v3 =	vperm.xlane v3, v2;
	v4 =	vadd.s32 v1, v4;
	_ =	sdelay $0x1  }
0x98: {  	v3 =	vadd.s32 v1, v3;
	_ =	sdelay $0x1  }
0x99: {  	s6 =	simm.s32 $0xC200  }
0x9a: {  	[tilespmem:s6], [sflag:$0x2] =	stream.indirect_vreg.gather [hbm4b:s3+s2], $0x80, v4, vm0, $0xb8;
	[tilespmem:$0x10200] =	vst v63  }
0x9b: {  	s12 =	simm.s32 $0xCA00  }
0x9c: {  	[tilespmem:s12], [sflag:$0x2] =	stream.indirect_vreg.gather [hbm4b:s3+s2], $0x80, v3, vm0, $0xb8;
	[tilespmem:$0x10200] =	vst v63  }
0x9d: {  	v3 =	vld [tilespmem:$0xD0];
	_ =	sdelay $0x4  }
0x9e: {  	v45 =	vshll.u32 v3, $0x1  }
0x9f: {  	v3 =	vand.u32 $0x7, v3;
	v4 =	vand.u32 $0xFFFFFFF0, v45  }
0xa0: {  	v3 =	vor.u32 v3, v4  }
0xa1: {  	v4 =	vperm.xlane v3, v0;
	_ =	sdelay $0x1  }
0xa2: {  	v3 =	vperm.xlane v3, v2;
	v4 =	vadd.s32 v1, v4;
	_ =	sdelay $0x1  }
0xa3: {  	v3 =	vadd.s32 v1, v3;
	_ =	sdelay $0x1  }
0xa4: {  	s14 =	simm.s32 $0xD200  }
0xa5: {  	[tilespmem:s14], [sflag:$0x2] =	stream.indirect_vreg.gather [hbm4b:s3+s2], $0x80, v4, vm0, $0xb8;
	[tilespmem:$0x10200] =	vst v63  }
0xa6: {  	s14 =	simm.s32 $0xDA00  }
0xa7: {  	[tilespmem:s14], [sflag:$0x2] =	stream.indirect_vreg.gather [hbm4b:s3+s2], $0x80, v3, vm0, $0xb8;
	[tilespmem:$0x10200] =	vst v63  }
0xa8: {  	v3 =	vld [tilespmem:$0xE0];
	_ =	sdelay $0x4  }
0xa9: {  	v46 =	vshll.u32 v3, $0x1  }
0xaa: {  	v3 =	vand.u32 $0x7, v3;
	v4 =	vand.u32 $0xFFFFFFF0, v46  }
0xab: {  	v3 =	vor.u32 v3, v4  }
0xac: {  	v4 =	vperm.xlane v3, v0;
	_ =	sdelay $0x1  }
0xad: {  	v3 =	vperm.xlane v3, v2;
	v4 =	vadd.s32 v1, v4;
	_ =	sdelay $0x1  }
0xae: {  	v3 =	vadd.s32 v1, v3;
	_ =	sdelay $0x1  }
0xaf: {  	s14 =	simm.s32 $0xE200  }
0xb0: {  	[tilespmem:s14], [sflag:$0x2] =	stream.indirect_vreg.gather [hbm4b:s3+s2], $0x80, v4, vm0, $0xb8;
	[tilespmem:$0x10200] =	vst v63  }
0xb1: {  	s14 =	simm.s32 $0xEA00  }
0xb2: {  	[tilespmem:s14], [sflag:$0x2] =	stream.indirect_vreg.gather [hbm4b:s3+s2], $0x80, v3, vm0, $0xb8;
	[tilespmem:$0x10200] =	vst v63  }
0xb3: {  	v3 =	vld [tilespmem:$0xF0];
	_ =	sdelay $0x4  }
0xb4: {  	v47 =	vshll.u32 v3, $0x1  }
0xb5: {  	v3 =	vand.u32 $0x7, v3;
	v4 =	vand.u32 $0xFFFFFFF0, v47  }
0xb6: {  	v3 =	vor.u32 v3, v4  }
0xb7: {  	v4 =	vperm.xlane v3, v0;
	_ =	sdelay $0x1  }
0xb8: {  	v3 =	vperm.xlane v3, v2;
	v4 =	vadd.s32 v1, v4;
	_ =	sdelay $0x1  }
0xb9: {  	v3 =	vadd.s32 v1, v3;
	_ =	sdelay $0x1  }
0xba: {  	s14 =	simm.s32 $0xF200  }
0xbb: {  	[tilespmem:s14], [sflag:$0x2] =	stream.indirect_vreg.gather [hbm4b:s3+s2], $0x80, v4, vm0, $0xb8;
	[tilespmem:$0x10200] =	vst v63  }
0xbc: {  	s14 =	simm.s32 $0xFA00  }
0xbd: {  	[tilespmem:s14], [sflag:$0x2] =	stream.indirect_vreg.gather [hbm4b:s3+s2], $0x80, v3, vm0, $0xb8;
	[tilespmem:$0x10200] =	vst v63  }
0xbe: {  	_ =	swait.ge [sflag:s1], $0x8000  }
0xbf: {  	[sflag:s1] =	ssyncset.done $0x0  }
0xc0: {  	s12 =	simm.s32 $0x200;
	s14 =	rddreg [dreg:$0x3];
	[sflag:s1] =	ssyncadd.s32 $0xFFFF8000  }
0xc1: {  	[hbm4b:s14+s2] =	stream.linear.scatter [tilespmem:s12], [sflag:$0x3], $0x8000, $0x38;
	[tilespmem:$0x10200] =	vst v63  }
0xc2: {  	_ =	swait.ge [sflag:s5], $0x8000  }
0xc3: {  	[sflag:s5] =	ssyncset.done $0x0  }
0xc4: {  	[sflag:s5] =	ssyncadd.s32 $0xFFFF8000  }
0xc5: {  	v3 =	vld [tilespmem:$0x100];
	_ =	sdelay $0x4  }
0xc6: {  	v48 =	vshll.u32 v3, $0x1  }
0xc7: {  	v3 =	vand.u32 $0x7, v3;
	v4 =	vand.u32 $0xFFFFFFF0, v48  }
0xc8: {  	v3 =	vor.u32 v3, v4  }
0xc9: {  	v4 =	vperm.xlane v3, v0;
	_ =	sdelay $0x1  }
0xca: {  	v3 =	vperm.xlane v3, v2;
	v4 =	vadd.s32 v1, v4;
	_ =	sdelay $0x1  }
0xcb: {  	v3 =	vadd.s32 v1, v3;
	_ =	sdelay $0x2  }
0xcc: {  	[tilespmem:s12], [sflag:$0x1] =	stream.indirect_vreg.gather [hbm4b:s3+s2], $0x80, v4, vm0, $0xb8;
	[tilespmem:$0x10200] =	vst v63  }
0xcd: {  	_ = 	snop  }
0xce: {  	[tilespmem:s15], [sflag:$0x1] =	stream.indirect_vreg.gather [hbm4b:s3+s2], $0x80, v3, vm0, $0xb8;
	[tilespmem:$0x10200] =	vst v63  }
0xcf: {  	v3 =	vld [tilespmem:$0x110];
	_ =	sdelay $0x4  }
0xd0: {  	v49 =	vshll.u32 v3, $0x1  }
0xd1: {  	v3 =	vand.u32 $0x7, v3;
	v4 =	vand.u32 $0xFFFFFFF0, v49  }
0xd2: {  	v3 =	vor.u32 v3, v4  }
0xd3: {  	v4 =	vperm.xlane v3, v0;
	_ =	sdelay $0x1  }
0xd4: {  	v3 =	vperm.xlane v3, v2;
	v4 =	vadd.s32 v1, v4;
	_ =	sdelay $0x1  }
0xd5: {  	v3 =	vadd.s32 v1, v3;
	_ =	sdelay $0x2  }
0xd6: {  	[tilespmem:s16], [sflag:$0x1] =	stream.indirect_vreg.gather [hbm4b:s3+s2], $0x80, v4, vm0, $0xb8;
	[tilespmem:$0x10200] =	vst v63  }
0xd7: {  	_ = 	snop  }
0xd8: {  	[tilespmem:s17], [sflag:$0x1] =	stream.indirect_vreg.gather [hbm4b:s3+s2], $0x80, v3, vm0, $0xb8;
	[tilespmem:$0x10200] =	vst v63  }
0xd9: {  	v3 =	vld [tilespmem:$0x120];
	_ =	sdelay $0x4  }
0xda: {  	v50 =	vshll.u32 v3, $0x1  }
0xdb: {  	v3 =	vand.u32 $0x7, v3;
	v4 =	vand.u32 $0xFFFFFFF0, v50  }
0xdc: {  	v3 =	vor.u32 v3, v4  }
0xdd: {  	v4 =	vperm.xlane v3, v0;
	_ =	sdelay $0x1  }
0xde: {  	v3 =	vperm.xlane v3, v2;
	v4 =	vadd.s32 v1, v4;
	_ =	sdelay $0x1  }
0xdf: {  	v3 =	vadd.s32 v1, v3;
	_ =	sdelay $0x2  }
0xe0: {  	[tilespmem:s18], [sflag:$0x1] =	stream.indirect_vreg.gather [hbm4b:s3+s2], $0x80, v4, vm0, $0xb8;
	[tilespmem:$0x10200] =	vst v63  }
0xe1: {  	_ = 	snop  }
0xe2: {  	[tilespmem:s19], [sflag:$0x1] =	stream.indirect_vreg.gather [hbm4b:s3+s2], $0x80, v3, vm0, $0xb8;
	[tilespmem:$0x10200] =	vst v63  }
0xe3: {  	v3 =	vld [tilespmem:$0x130];
	_ =	sdelay $0x4  }
0xe4: {  	v51 =	vshll.u32 v3, $0x1  }
0xe5: {  	v3 =	vand.u32 $0x7, v3;
	v4 =	vand.u32 $0xFFFFFFF0, v51  }
0xe6: {  	v3 =	vor.u32 v3, v4  }
0xe7: {  	v4 =	vperm.xlane v3, v0;
	_ =	sdelay $0x1  }
0xe8: {  	v3 =	vperm.xlane v3, v2;
	v4 =	vadd.s32 v1, v4;
	_ =	sdelay $0x1  }
0xe9: {  	v3 =	vadd.s32 v1, v3;
	_ =	sdelay $0x2  }
0xea: {  	[tilespmem:s20], [sflag:$0x1] =	stream.indirect_vreg.gather [hbm4b:s3+s2], $0x80, v4, vm0, $0xb8;
	[tilespmem:$0x10200] =	vst v63  }
0xeb: {  	_ = 	snop  }
0xec: {  	[tilespmem:s21], [sflag:$0x1] =	stream.indirect_vreg.gather [hbm4b:s3+s2], $0x80, v3, vm0, $0xb8;
	[tilespmem:$0x10200] =	vst v63  }
0xed: {  	v3 =	vld [tilespmem:$0x140];
	_ =	sdelay $0x4  }
0xee: {  	v52 =	vshll.u32 v3, $0x1  }
0xef: {  	v3 =	vand.u32 $0x7, v3;
	v4 =	vand.u32 $0xFFFFFFF0, v52  }
0xf0: {  	v3 =	vor.u32 v3, v4  }
0xf1: {  	v4 =	vperm.xlane v3, v0;
	_ =	sdelay $0x1  }
0xf2: {  	v3 =	vperm.xlane v3, v2;
	v4 =	vadd.s32 v1, v4;
	_ =	sdelay $0x1  }
0xf3: {  	v3 =	vadd.s32 v1, v3;
	_ =	sdelay $0x2  }
0xf4: {  	[tilespmem:s23], [sflag:$0x1] =	stream.indirect_vreg.gather [hbm4b:s3+s2], $0x80, v4, vm0, $0xb8;
	[tilespmem:$0x10200] =	vst v63  }
0xf5: {  	_ = 	snop  }
0xf6: {  	[tilespmem:s24], [sflag:$0x1] =	stream.indirect_vreg.gather [hbm4b:s3+s2], $0x80, v3, vm0, $0xb8;
	[tilespmem:$0x10200] =	vst v63  }
0xf7: {  	v3 =	vld [tilespmem:$0x150];
	_ =	sdelay $0x4  }
0xf8: {  	v53 =	vshll.u32 v3, $0x1  }
0xf9: {  	v3 =	vand.u32 $0x7, v3;
	v4 =	vand.u32 $0xFFFFFFF0, v53  }
0xfa: {  	v3 =	vor.u32 v3, v4  }
0xfb: {  	v4 =	vperm.xlane v3, v0;
	_ =	sdelay $0x1  }
0xfc: {  	v3 =	vperm.xlane v3, v2;
	v4 =	vadd.s32 v1, v4;
	_ =	sdelay $0x1  }
0xfd: {  	v3 =	vadd.s32 v1, v3;
	_ =	sdelay $0x2  }
0xfe: {  	[tilespmem:s25], [sflag:$0x1] =	stream.indirect_vreg.gather [hbm4b:s3+s2], $0x80, v4, vm0, $0xb8;
	[tilespmem:$0x10200] =	vst v63  }
0xff: {  	_ = 	snop  }
0x100: {  	[tilespmem:s26], [sflag:$0x1] =	stream.indirect_vreg.gather [hbm4b:s3+s2], $0x80, v3, vm0, $0xb8;
	[tilespmem:$0x10200] =	vst v63  }
0x101: {  	v3 =	vld [tilespmem:$0x160];
	_ =	sdelay $0x4  }
0x102: {  	v54 =	vshll.u32 v3, $0x1  }
0x103: {  	v3 =	vand.u32 $0x7, v3;
	v4 =	vand.u32 $0xFFFFFFF0, v54  }
0x104: {  	v3 =	vor.u32 v3, v4  }
0x105: {  	v4 =	vperm.xlane v3, v0;
	_ =	sdelay $0x1  }
0x106: {  	v3 =	vperm.xlane v3, v2;
	v4 =	vadd.s32 v1, v4;
	_ =	sdelay $0x1  }
0x107: {  	v3 =	vadd.s32 v1, v3;
	_ =	sdelay $0x2  }
0x108: {  	[tilespmem:s28], [sflag:$0x1] =	stream.indirect_vreg.gather [hbm4b:s3+s2], $0x80, v4, vm0, $0xb8;
	[tilespmem:$0x10200] =	vst v63  }
0x109: {  	_ = 	snop  }
0x10a: {  	[tilespmem:s29], [sflag:$0x1] =	stream.indirect_vreg.gather [hbm4b:s3+s2], $0x80, v3, vm0, $0xb8;
	[tilespmem:$0x10200] =	vst v63  }
0x10b: {  	v3 =	vld [tilespmem:$0x170];
	_ =	sdelay $0x4  }
0x10c: {  	v55 =	vshll.u32 v3, $0x1  }
0x10d: {  	v3 =	vand.u32 $0x7, v3;
	v4 =	vand.u32 $0xFFFFFFF0, v55  }
0x10e: {  	v3 =	vor.u32 v3, v4  }
0x10f: {  	v4 =	vperm.xlane v3, v0;
	_ =	sdelay $0x1  }
0x110: {  	v3 =	vperm.xlane v3, v2;
	v4 =	vadd.s32 v1, v4;
	_ =	sdelay $0x1  }
0x111: {  	v3 =	vadd.s32 v1, v3;
	_ =	sdelay $0x2  }
0x112: {  	[tilespmem:s30], [sflag:$0x1] =	stream.indirect_vreg.gather [hbm4b:s3+s2], $0x80, v4, vm0, $0xb8;
	[tilespmem:$0x10200] =	vst v63  }
0x113: {  	_ = 	snop  }
0x114: {  	[tilespmem:s31], [sflag:$0x1] =	stream.indirect_vreg.gather [hbm4b:s3+s2], $0x80, v3, vm0, $0xb8;
	[tilespmem:$0x10200] =	vst v63  }
0x115: {  	_ =	swait.ge [sflag:s13], $0x8000  }
0x116: {  	[sflag:s13] =	ssyncset.done $0x0  }
0x117: {  	s12 =	rddreg [dreg:$0x4];
	[sflag:s13] =	ssyncadd.s32 $0xFFFF8000  }
0x118: {  	[hbm4b:s12+s2] =	stream.linear.scatter [tilespmem:s0], [sflag:$0x3], $0x8000, $0x38;
	[tilespmem:$0x10200] =	vst v63  }
0x119: {  	_ =	swait.ge [sflag:s5], $0x8000  }
0x11a: {  	[sflag:s5] =	ssyncset.done $0x0  }
0x11b: {  	[sflag:s5] =	ssyncadd.s32 $0xFFFF8000  }
0x11c: {  	v3 =	vld [tilespmem:$0x180];
	_ =	sdelay $0x4  }
0x11d: {  	v56 =	vshll.u32 v3, $0x1  }
0x11e: {  	v3 =	vand.u32 $0x7, v3;
	v4 =	vand.u32 $0xFFFFFFF0, v56  }
0x11f: {  	v3 =	vor.u32 v3, v4  }
0x120: {  	v4 =	vperm.xlane v3, v0;
	_ =	sdelay $0x1  }
0x121: {  	v3 =	vperm.xlane v3, v2;
	v4 =	vadd.s32 v1, v4;
	_ =	sdelay $0x1  }
0x122: {  	v3 =	vadd.s32 v1, v3;
	_ =	sdelay $0x2  }
0x123: {  	[tilespmem:s0], [sflag:$0x2] =	stream.indirect_vreg.gather [hbm4b:s3+s2], $0x80, v4, vm0, $0xb8;
	[tilespmem:$0x10200] =	vst v63  }
0x124: {  	s14 =	simm.s32 $0x8A00  }
0x125: {  	[tilespmem:s14], [sflag:$0x2] =	stream.indirect_vreg.gather [hbm4b:s3+s2], $0x80, v3, vm0, $0xb8;
	[tilespmem:$0x10200] =	vst v63  }
0x126: {  	v3 =	vld [tilespmem:$0x190];
	_ =	sdelay $0x4  }
0x127: {  	v57 =	vshll.u32 v3, $0x1  }
0x128: {  	v3 =	vand.u32 $0x7, v3;
	v4 =	vand.u32 $0xFFFFFFF0, v57  }
0x129: {  	v3 =	vor.u32 v3, v4  }
0x12a: {  	v4 =	vperm.xlane v3, v0;
	_ =	sdelay $0x1  }
0x12b: {  	v3 =	vperm.xlane v3, v2;
	v4 =	vadd.s32 v1, v4;
	_ =	sdelay $0x1  }
0x12c: {  	v3 =	vadd.s32 v1, v3;
	_ =	sdelay $0x2  }
0x12d: {  	[tilespmem:s22], [sflag:$0x2] =	stream.indirect_vreg.gather [hbm4b:s3+s2], $0x80, v4, vm0, $0xb8;
	[tilespmem:$0x10200] =	vst v63  }
0x12e: {  	_ = 	snop  }
0x12f: {  	[tilespmem:s7], [sflag:$0x2] =	stream.indirect_vreg.gather [hbm4b:s3+s2], $0x80, v3, vm0, $0xb8;
	[tilespmem:$0x10200] =	vst v63  }
0x130: {  	v3 =	vld [tilespmem:$0x1A0];
	_ =	sdelay $0x4  }
0x131: {  	v58 =	vshll.u32 v3, $0x1  }
0x132: {  	v3 =	vand.u32 $0x7, v3;
	v4 =	vand.u32 $0xFFFFFFF0, v58  }
0x133: {  	v3 =	vor.u32 v3, v4  }
0x134: {  	v4 =	vperm.xlane v3, v0;
	_ =	sdelay $0x1  }
0x135: {  	v3 =	vperm.xlane v3, v2;
	v4 =	vadd.s32 v1, v4;
	_ =	sdelay $0x1  }
0x136: {  	v3 =	vadd.s32 v1, v3;
	_ =	sdelay $0x2  }
0x137: {  	[tilespmem:s8], [sflag:$0x2] =	stream.indirect_vreg.gather [hbm4b:s3+s2], $0x80, v4, vm0, $0xb8;
	[tilespmem:$0x10200] =	vst v63  }
0x138: {  	_ = 	snop  }
0x139: {  	[tilespmem:s9], [sflag:$0x2] =	stream.indirect_vreg.gather [hbm4b:s3+s2], $0x80, v3, vm0, $0xb8;
	[tilespmem:$0x10200] =	vst v63  }
0x13a: {  	v3 =	vld [tilespmem:$0x1B0];
	_ =	sdelay $0x4  }
0x13b: {  	v59 =	vshll.u32 v3, $0x1  }
0x13c: {  	v3 =	vand.u32 $0x7, v3;
	v4 =	vand.u32 $0xFFFFFFF0, v59  }
0x13d: {  	v3 =	vor.u32 v3, v4  }
0x13e: {  	v4 =	vperm.xlane v3, v0;
	_ =	sdelay $0x1  }
0x13f: {  	v3 =	vperm.xlane v3, v2;
	v4 =	vadd.s32 v1, v4;
	_ =	sdelay $0x1  }
0x140: {  	v3 =	vadd.s32 v1, v3;
	_ =	sdelay $0x2  }
0x141: {  	[tilespmem:s10], [sflag:$0x2] =	stream.indirect_vreg.gather [hbm4b:s3+s2], $0x80, v4, vm0, $0xb8;
	[tilespmem:$0x10200] =	vst v63  }
0x142: {  	_ = 	snop  }
0x143: {  	[tilespmem:s11], [sflag:$0x2] =	stream.indirect_vreg.gather [hbm4b:s3+s2], $0x80, v3, vm0, $0xb8;
	[tilespmem:$0x10200] =	vst v63  }
0x144: {  	v3 =	vld [tilespmem:$0x1C0];
	_ =	sdelay $0x4  }
0x145: {  	v60 =	vshll.u32 v3, $0x1  }
0x146: {  	v3 =	vand.u32 $0x7, v3;
	v4 =	vand.u32 $0xFFFFFFF0, v60  }
0x147: {  	v3 =	vor.u32 v3, v4  }
0x148: {  	v4 =	vperm.xlane v3, v0;
	_ =	sdelay $0x1  }
0x149: {  	v3 =	vperm.xlane v3, v2;
	v4 =	vadd.s32 v1, v4;
	_ =	sdelay $0x1  }
0x14a: {  	v3 =	vadd.s32 v1, v3;
	_ =	sdelay $0x2  }
0x14b: {  	[tilespmem:s6], [sflag:$0x2] =	stream.indirect_vreg.gather [hbm4b:s3+s2], $0x80, v4, vm0, $0xb8;
	[tilespmem:$0x10200] =	vst v63  }
0x14c: {  	s14 =	simm.s32 $0xCA00  }
0x14d: {  	[tilespmem:s14], [sflag:$0x2] =	stream.indirect_vreg.gather [hbm4b:s3+s2], $0x80, v3, vm0, $0xb8;
	[tilespmem:$0x10200] =	vst v63  }
0x14e: {  	v3 =	vld [tilespmem:$0x1D0];
	_ =	sdelay $0x4  }
0x14f: {  	v61 =	vshll.u32 v3, $0x1  }
0x150: {  	v3 =	vand.u32 $0x7, v3;
	v4 =	vand.u32 $0xFFFFFFF0, v61  }
0x151: {  	v3 =	vor.u32 v3, v4  }
0x152: {  	v4 =	vperm.xlane v3, v0;
	_ =	sdelay $0x1  }
0x153: {  	v3 =	vperm.xlane v3, v2;
	v4 =	vadd.s32 v1, v4;
	_ =	sdelay $0x1  }
0x154: {  	v3 =	vadd.s32 v1, v3;
	_ =	sdelay $0x1  }
0x155: {  	s12 =	simm.s32 $0xD200  }
0x156: {  	[tilespmem:s12], [sflag:$0x2] =	stream.indirect_vreg.gather [hbm4b:s3+s2], $0x80, v4, vm0, $0xb8;
	[tilespmem:$0x10200] =	vst v63  }
0x157: {  	s14 =	simm.s32 $0xDA00  }
0x158: {  	[tilespmem:s14], [sflag:$0x2] =	stream.indirect_vreg.gather [hbm4b:s3+s2], $0x80, v3, vm0, $0xb8;
	[tilespmem:$0x10200] =	vst v63  }
0x159: {  	v3 =	vld [tilespmem:$0x1E0];
	_ =	sdelay $0x4  }
0x15a: {  	v62 =	vshll.u32 v3, $0x1  }
0x15b: {  	v3 =	vand.u32 $0x7, v3;
	v4 =	vand.u32 $0xFFFFFFF0, v62  }
0x15c: {  	v3 =	vor.u32 v3, v4  }
0x15d: {  	v4 =	vperm.xlane v3, v0;
	_ =	sdelay $0x1  }
0x15e: {  	v3 =	vperm.xlane v3, v2;
	v4 =	vadd.s32 v1, v4;
	_ =	sdelay $0x1  }
0x15f: {  	v3 =	vadd.s32 v1, v3;
	_ =	sdelay $0x1  }
0x160: {  	s12 =	simm.s32 $0xE200  }
0x161: {  	[tilespmem:s12], [sflag:$0x2] =	stream.indirect_vreg.gather [hbm4b:s3+s2], $0x80, v4, vm0, $0xb8;
	[tilespmem:$0x10200] =	vst v63  }
0x162: {  	s14 =	simm.s32 $0xEA00  }
0x163: {  	[tilespmem:s14], [sflag:$0x2] =	stream.indirect_vreg.gather [hbm4b:s3+s2], $0x80, v3, vm0, $0xb8;
	[tilespmem:$0x10200] =	vst v63  }
0x164: {  	v3 =	vld [tilespmem:$0x1F0];
	_ =	sdelay $0x4  }
0x165: {  	v63 =	vshll.u32 v3, $0x1  }
0x166: {  	v3 =	vand.u32 $0x7, v3;
	v4 =	vand.u32 $0xFFFFFFF0, v63  }
0x167: {  	v3 =	vor.u32 v3, v4  }
0x168: {  	v4 =	vperm.xlane v3, v0;
	_ =	sdelay $0x1  }
0x169: {  	v3 =	vperm.xlane v3, v2;
	v4 =	vadd.s32 v1, v4;
	_ =	sdelay $0x1  }
0x16a: {  	v3 =	vadd.s32 v1, v3;
	_ =	sdelay $0x1  }
0x16b: {  	s12 =	simm.s32 $0xF200  }
0x16c: {  	[tilespmem:s12], [sflag:$0x2] =	stream.indirect_vreg.gather [hbm4b:s3+s2], $0x80, v4, vm0, $0xb8;
	[tilespmem:$0x10200] =	vst v63  }
0x16d: {  	s14 =	simm.s32 $0xFA00  }
0x16e: {  	[tilespmem:s14], [sflag:$0x2] =	stream.indirect_vreg.gather [hbm4b:s3+s2], $0x80, v3, vm0, $0xb8;
	[tilespmem:$0x10200] =	vst v63  }
0x16f: {  	_ =	swait.ge [sflag:s1], $0x8000  }
0x170: {  	[sflag:s1] =	ssyncset.done $0x0  }
0x171: {  	s12 =	simm.s32 $0x200;
	s6 =	rddreg [dreg:$0x5];
	[sflag:s1] =	ssyncadd.s32 $0xFFFF8000  }
0x172: {  	[hbm4b:s6+s2] =	stream.linear.scatter [tilespmem:s12], [sflag:$0x3], $0x8000, $0x38;
	[tilespmem:$0x10200] =	vst v63  }
0x173: {  	_ =	swait.ge [sflag:s5], $0x8000  }
0x174: {  	[sflag:s5] =	ssyncset.done $0x0  }
0x175: {  	[sflag:s5] =	ssyncadd.s32 $0xFFFF8000  }
0x176: {  	_ =	swait.ge [sflag:s13], $0x8000  }
0x177: {  	p0 =	sne.s32 s4, $0x1;
	[sflag:s13] =	ssyncset.done $0x0  }
.Ltmp0:
0x178: {  	s12 =	rddreg [dreg:$0x6];
	[sflag:s13] =	ssyncadd.s32 $0xFFFF8000;
	(pc) =	sbr.rel @p0 .LBB2_1-.Ltmp0, $4  }
0x179: {  	[hbm4b:s12+s2] =	stream.linear.scatter [tilespmem:s0], [sflag:$0x3], $0x8000, $0x38;
	[tilespmem:$0x10200] =	vst v63  }
0x17a: {  	_ =	swait.ge [sflag:s5], $0x8000  }
0x17b: {  	[sflag:s5] =	ssyncset.done $0x0  }
0x17c: {  	s4 =	sadd.s32 $0xFFFFFFFF, s4;
	[sflag:s5] =	ssyncadd.s32 $0xFFFF8000  }
0x17d: {  	_ =	sfence.sel $0x180000  }
0x17e: {  	[bflag:$0x0] =	sbarrier.arrive $0xFFFF  }
0x17f: {  	_ =	strace $0x90000053  }
0x180: {  	s0 =	stileid.u32;
	[bflag:$0x2] =	sbarrier.arrive $0xFFFF  }
0x181: {  	p0 =	sne.s32 s0, $0x0;
	s0 =	rddreg [dreg:$0x1]  }
0x182: {  	s0 =	sadd.s32 @!p0 $0x100000, s0  }
0x183: {  	[sflag:s0] =	ssyncadd.tile.s32 @!p0 $0x1;
	_ =	shalt  }
.Lfunc_end2:
_tile_overlayer_lowered:
.L_overlay_start_2:
0x184: {  	(tag) =	ssettag $0x2  }
0x185: {  	s0 =	rddreg [dreg:$0x0];
	s2 =	stileid.u32  }
0x186: {  	s1 =	rddreg [dreg:$0x1];
	p0 =	sne.s32 s2, $0x0  }
0x187: {  	s3 =	rddreg [dreg:$0x2];
	[bflag:$0x3] =	sbarrier.arrive $0xFFFF;
	s2 =	simm.s32 @!p0 $0x1C03  }
0x188: {  	[timem:s3], [sflag:s2] =	dma.local @!p0 [hbm:s0], s1  }
0x189: {  	s0 =	simm.s32 @!p0 $0x3  }
0x18a: {  	_ =	swait.ge @!p0 [sflag:s0], s1  }
0x18b: {  	s1 =	ssub.s32 @!p0 $0x0, s1;
	[sflag:s0] =	ssyncset.done @!p0 $0x0  }
0x18c: {  	[sflag:s0] =	ssyncadd.s32 @!p0 s1  }
0x18d: {  	[bflag:$0x3] =	sbarrier.arrive $0xFFFF  }
0x18e: {  	_ =	shalt  }

</sc_bundles>
